<compile_context>
chip_gen: v7x
topology: tpu7x:2x2x1
jax: 0.10.2.dev20260603
libtpu: 0.0.44.dev20260713+nightly
codegen_flags: <defaults>
</compile_context>

<pallas_src>
import functools

import jax
import jax.numpy as jnp
from jax import lax
from jax.experimental import pallas as pl
from jax.experimental.pallas import tpu as pltpu
from jax.experimental.pallas import tpu_sc as plsc

NUM_GENES = 10000
NUM_CLASS = 32
BATCH_SIZE = 10
N = NUM_GENES * BATCH_SIZE
E = 1600000
K = 5000

N_PAD = 100096
SLICE = N_PAD // 16
EROWS = E // 128
ROWS_W = 390
CHR = 13
CH = CHR * 128
ITER = ROWS_W // CHR
TAIL_ROWS = EROWS - 32 * ROWS_W

INT_MIN = -2**31



def _zero_fill(buf, n):
    zero = jnp.zeros((16,), jnp.float32)

    def body(i, _):
        buf[pl.ds(i * 16, 16)] = zero
        return 0

    lax.fori_loop(0, n // 16, body, 0)


def _copy_out(c, s, acc_sh, bounce_v, out0_hbm, out1_hbm):
    pltpu.sync_copy(acc_sh.at[pl.ds(s * SLICE, SLICE)], bounce_v)

    @pl.when(c == 0)
    def _():
        pltpu.sync_copy(bounce_v, out0_hbm.at[pl.ds(s * SLICE, SLICE)])

    @pl.when(c == 1)
    def _():
        pltpu.sync_copy(bounce_v, out1_hbm.at[pl.ds(s * SLICE, SLICE)])


def _sc_hist(dst_hbm, out0_hbm, out1_hbm, idx0_v, idx1_v, tidx_v, ones_v,
             bounce_v, acc_sh, sem0, sem1):
    c = lax.axis_index("c")
    s = lax.axis_index("s")
    wid = s * 2 + c
    base = wid * ROWS_W * 128

    one = jnp.ones((16,), jnp.float32)

    def fill(i, _):
        ones_v[pl.ds(i * 16, 16)] = one
        return 0

    lax.fori_loop(0, CH // 16, fill, 0)

    _zero_fill(bounce_v, SLICE)
    pltpu.sync_copy(bounce_v, acc_sh.at[pl.ds(s * SLICE, SLICE)])
    plsc.subcore_barrier()

    idx = [idx0_v, idx1_v]
    sems = [sem0, sem1]
    loads = [None] * ITER
    for i in range(2):
        loads[i] = pltpu.async_copy(
            dst_hbm.at[pl.ds(base + i * CH, CH)], idx[i], sems[i])
    for i in range(ITER):
        b = i % 2
        loads[i].wait()
        pltpu.sync_copy(ones_v, acc_sh.at[idx[b]], add=True)
        if i + 2 < ITER:
            loads[i + 2] = pltpu.async_copy(
                dst_hbm.at[pl.ds(base + (i + 2) * CH, CH)], idx[b], sems[b])

    @pl.when(wid < TAIL_ROWS)
    def _():
        t0 = (32 * ROWS_W + wid) * 128
        pltpu.sync_copy(dst_hbm.at[pl.ds(t0, 128)], tidx_v)
        pltpu.sync_copy(ones_v.at[pl.ds(0, 128)], acc_sh.at[tidx_v],
                        add=True)

    plsc.subcore_barrier()
    _copy_out(c, s, acc_sh, bounce_v, out0_hbm, out1_hbm)


def _sc_msg(src_hbm, dst_hbm, g_hbm, out0_hbm, out1_hbm,
            sidx0_v, sidx1_v, sidx2_v, didx0_v, didx1_v, didx2_v,
            vals0_v, vals1_v, vals2_v,
            tsidx_v, tdidx_v, tvals_v, g_v, bounce_v, acc_sh,
            sems0, sems1, sems2, semd0, semd1, semd2,
            semc0, semc1, semc2):
    c = lax.axis_index("c")
    s = lax.axis_index("s")
    wid = s * 2 + c
    base = wid * ROWS_W * 128

    _zero_fill(bounce_v, SLICE)
    pltpu.sync_copy(bounce_v, acc_sh.at[pl.ds(s * SLICE, SLICE)])
    pltpu.sync_copy(g_hbm, g_v)
    plsc.subcore_barrier()

    sidx = [sidx0_v, sidx1_v, sidx2_v]
    didx = [didx0_v, didx1_v, didx2_v]
    vals = [vals0_v, vals1_v, vals2_v]
    sems = [sems0, sems1, sems2]
    semd = [semd0, semd1, semd2]
    semc = [semc0, semc1, semc2]
    sload = [None] * ITER
    dload = [None] * ITER
    scat = [None] * ITER

    def gather_chunk(src_idx, dst_vals, n):
        def body(k, _):
            i16 = src_idx[pl.ds(k * 16, 16)]
            dst_vals[pl.ds(k * 16, 16)] = plsc.load_gather(g_v, [i16])
            return 0

        lax.fori_loop(0, n // 16, body, 0)

    def fire(i):
        b = i % 3
        sload[i] = pltpu.async_copy(
            src_hbm.at[pl.ds(base + i * CH, CH)], sidx[b], sems[b])
        dload[i] = pltpu.async_copy(
            dst_hbm.at[pl.ds(base + i * CH, CH)], didx[b], semd[b])

    fire(0)
    fire(1)
    for i in range(ITER):
        b = i % 3
        sload[i].wait()
        gather_chunk(sidx[b], vals[b], CH)
        dload[i].wait()
        scat[i] = pltpu.async_copy(vals[b], acc_sh.at[didx[b]], semc[b],
                                   add=True)
        if i >= 1:
            scat[i - 1].wait()
        if i + 2 < ITER:
            fire(i + 2)
    scat[ITER - 1].wait()

    @pl.when(wid < TAIL_ROWS)
    def _():
        t0 = (32 * ROWS_W + wid) * 128
        pltpu.sync_copy(src_hbm.at[pl.ds(t0, 128)], tsidx_v)
        pltpu.sync_copy(dst_hbm.at[pl.ds(t0, 128)], tdidx_v)
        gather_chunk(tsidx_v, tvals_v, 128)
        pltpu.sync_copy(tvals_v, acc_sh.at[tdidx_v], add=True)

    plsc.subcore_barrier()
    _copy_out(c, s, acc_sh, bounce_v, out0_hbm, out1_hbm)


def _deg_call():
    mesh = plsc.VectorSubcoreMesh(core_axis_name="c", subcore_axis_name="s")
    return functools.partial(
        pl.kernel, _sc_hist, mesh=mesh,
        out_type=[jax.ShapeDtypeStruct((N_PAD,), jnp.float32),
                  jax.ShapeDtypeStruct((N_PAD,), jnp.float32)],
        scratch_types=[
            pltpu.VMEM((CH,), jnp.int32),
            pltpu.VMEM((CH,), jnp.int32),
            pltpu.VMEM((128,), jnp.int32),
            pltpu.VMEM((CH,), jnp.float32),
            pltpu.VMEM((SLICE,), jnp.float32),
            pltpu.VMEM_SHARED((N_PAD,), jnp.float32),
            pltpu.SemaphoreType.DMA,
            pltpu.SemaphoreType.DMA,
        ],
    )()


def _msg_call():
    mesh = plsc.VectorSubcoreMesh(core_axis_name="c", subcore_axis_name="s")
    return functools.partial(
        pl.kernel, _sc_msg, mesh=mesh,
        compiler_params=pltpu.CompilerParams(needs_layout_passes=False),
        out_type=[jax.ShapeDtypeStruct((N_PAD,), jnp.float32),
                  jax.ShapeDtypeStruct((N_PAD,), jnp.float32)],
        scratch_types=(
            [pltpu.VMEM((CH,), jnp.int32)] * 6 +
            [pltpu.VMEM((CH,), jnp.float32)] * 3 +
            [pltpu.VMEM((128,), jnp.int32),
             pltpu.VMEM((128,), jnp.int32),
             pltpu.VMEM((128,), jnp.float32),
             pltpu.VMEM((N,), jnp.float32),
             pltpu.VMEM((SLICE,), jnp.float32),
             pltpu.VMEM_SHARED((N_PAD,), jnp.float32)] +
            [pltpu.SemaphoreType.DMA] * 9
        ),
    )()



ROWS_F = NUM_GENES // 4


def _tc_hw(x_ref, emb_ref, pw_ref, bias_ref, ws_ref, hw_ref):
    z = x_ref[0] * emb_ref[...]
    hw4 = jax.lax.dot(z, pw_ref[...],
                      preferred_element_type=jnp.float32)
    hw_ref[0] = hw4 + bias_ref[...] * ws_ref[0, 0]


def _tc_mix(hw_ref, d0_ref, d1_ref, dis_ref, g_ref):
    deg = 1.0 + d0_ref[:, 0, :] + d1_ref[:, 0, :]
    dis = lax.rsqrt(deg)
    dis_ref[:, 0, :] = dis
    g_ref[:, 0, :] = hw_ref[:, 0, :] * dis


def _tc_score(dis_ref, g_ref, t0_ref, t1_ref, gcnb_ref, bias_ref, wgt_ref,
              wb_ref):
    t = t0_ref[:, 0, :] + t1_ref[:, 0, :]
    score = dis_ref[:, 0, :] * (t + g_ref[:, 0, :]) + gcnb_ref[0, 0]
    bits = lax.bitcast_convert_type(score, jnp.int32)
    skey = bits ^ ((bits >> 31) & jnp.int32(0x7FFFFFFF))

    int_min = jnp.int32(INT_MIN)
    thr_u = jnp.zeros((BATCH_SIZE, 1), jnp.int32)
    for b in range(31, -1, -1):
        bit = int_min if b == 31 else jnp.int32(1 << b)
        cand = thr_u | bit
        cand_s = cand ^ int_min
        cnt = jnp.sum((skey >= cand_s).astype(jnp.int32), axis=1,
                      keepdims=True)
        thr_u = jnp.where(cnt >= K, cand, thr_u)
    thr_s = thr_u ^ int_min

    wgt = jnp.where(skey >= thr_s, jnp.tanh(score), 0.0)
    wgt_ref[...] = wgt
    wb_ref[...] = jnp.sum(wgt * bias_ref[...], axis=1, keepdims=True)


def _tc_pool(x_ref, emb_ref, wgt_ref, wb_ref, r_ref, q_ref, linw_ref,
             linb_ref, out_ref):
    wexp = jax.lax.dot(wgt_ref[0], r_ref[...],
                       preferred_element_type=jnp.float32)
    z = x_ref[0] * emb_ref[...] * wexp
    colsum = jnp.sum(z, axis=0, keepdims=True)
    pooled = (jax.lax.dot(colsum, q_ref[...],
                          preferred_element_type=jnp.float32)
              + wb_ref[0, 0]) * jnp.float32(1.0 / K)
    row = jnp.sum(linw_ref[...] * pooled, axis=1)
    out_ref[0, 0, :] = row + linb_ref[0]


def _hw_call(x2, emb2, pw, bias4, ws):
    return pl.pallas_call(
        _tc_hw,
        grid=(BATCH_SIZE,),
        in_specs=[
            pl.BlockSpec((1, ROWS_F, 128), lambda b: (b, 0, 0)),
            pl.BlockSpec((ROWS_F, 128), lambda b: (0, 0)),
            pl.BlockSpec((128, 4), lambda b: (0, 0)),
            pl.BlockSpec((ROWS_F, 4), lambda b: (0, 0)),
            pl.BlockSpec((1, 1), lambda b: (0, 0)),
        ],
        out_specs=pl.BlockSpec((1, ROWS_F, 4), lambda b: (b, 0, 0)),
        out_shape=jax.ShapeDtypeStruct((BATCH_SIZE, ROWS_F, 4), jnp.float32),
    )(x2, emb2, pw, bias4, ws)


def _mix_call(hw3, d03, d13):
    return pl.pallas_call(
        _tc_mix,
        out_shape=[
            jax.ShapeDtypeStruct((BATCH_SIZE, 1, NUM_GENES), jnp.float32),
            jax.ShapeDtypeStruct((BATCH_SIZE, 1, NUM_GENES), jnp.float32),
        ],
    )(hw3, d03, d13)


def _score_call(dis3, g3, t03, t13, gcnb, bias_r):
    return pl.pallas_call(
        _tc_score,
        out_shape=[
            jax.ShapeDtypeStruct((BATCH_SIZE, NUM_GENES), jnp.float32),
            jax.ShapeDtypeStruct((BATCH_SIZE, 1), jnp.float32),
        ],
    )(dis3, g3, t03, t13, gcnb, bias_r)


def _pool_call(x2, emb2, wgt4, wb3, rsel, qsel, linw, linb):
    return pl.pallas_call(
        _tc_pool,
        grid=(BATCH_SIZE,),
        in_specs=[
            pl.BlockSpec((1, ROWS_F, 128), lambda b: (b, 0, 0)),
            pl.BlockSpec((ROWS_F, 128), lambda b: (0, 0)),
            pl.BlockSpec((1, ROWS_F, 4), lambda b: (b, 0, 0)),
            pl.BlockSpec((1, 1, 1), lambda b: (b, 0, 0)),
            pl.BlockSpec((4, 128), lambda b: (0, 0)),
            pl.BlockSpec((128, NUM_CLASS), lambda b: (0, 0)),
            pl.BlockSpec((NUM_CLASS, NUM_CLASS), lambda b: (0, 0)),
            pl.BlockSpec((1, NUM_CLASS), lambda b: (0, 0)),
        ],
        out_specs=pl.BlockSpec((1, 1, NUM_CLASS), lambda b: (b, 0, 0)),
        out_shape=jax.ShapeDtypeStruct((BATCH_SIZE, 1, NUM_CLASS),
                                       jnp.float32),
    )(x2, emb2, wgt4, wb3, rsel, qsel, linw, linb)


def _slice3(a):
    return a[:N].reshape(BATCH_SIZE, 1, NUM_GENES)



def kernel(x, exp_emb_table, exp_bias_table, gcn_w, gcn_b, lin_w, lin_b,
           edge_index, batch):
    dst = jax.lax.optimization_barrier(edge_index[1])
    src = edge_index[0]
    x2 = x.reshape(BATCH_SIZE, ROWS_F, 128)
    emb2 = exp_emb_table.reshape(ROWS_F, 128)
    bias4 = exp_bias_table.reshape(ROWS_F, 4)
    wv = gcn_w.reshape(NUM_CLASS)
    pw = (jnp.tile(wv, 4)[:, None] *
          ((jnp.arange(128) // 32)[:, None] == jnp.arange(4)[None, :]))
    ws = jnp.sum(wv).reshape(1, 1)

    deg0, deg1 = _deg_call()(dst)
    hw4 = _hw_call(x2, emb2, pw, bias4, ws)
    hw3 = hw4.reshape(BATCH_SIZE, 1, NUM_GENES)

    dis3, g3 = _mix_call(hw3, _slice3(deg0), _slice3(deg1))

    t0, t1 = _msg_call()(src, dst, g3.reshape(N))

    wgt, wb = _score_call(dis3, g3, _slice3(t0), _slice3(t1),
                          gcn_b.reshape(1, 1),
                          exp_bias_table.reshape(1, NUM_GENES))
    lanes = jnp.arange(128)
    rsel = ((lanes // 32)[None, :] == jnp.arange(4)[:, None]).astype(
        jnp.float32)
    qsel = ((lanes % 32)[:, None] == jnp.arange(NUM_CLASS)[None, :]).astype(
        jnp.float32)
    out = _pool_call(x2, emb2, wgt.reshape(BATCH_SIZE, ROWS_F, 4),
                     wb.reshape(BATCH_SIZE, 1, 1), rsel, qsel, lin_w,
                     lin_b.reshape(1, NUM_CLASS))
    return out.reshape(BATCH_SIZE, NUM_CLASS)

# --- scband reference (transcript-rebuilt; emitter-appended) ---
"""Pipeline reference for scband-simple-gcn-sagpool-35656818491449 (READ-ONLY COPY).

The authoritative reference and input builder live on the scoring server;
editing this copy changes nothing except your own understanding.
"""

import jax, jax.numpy as jnp
import numpy as np

NUM_GENES = 10000
NUM_CLASS = 32
BATCH_SIZE = 10
N = NUM_GENES * BATCH_SIZE
E = 1600000
RATIO = 0.5

def setup_inputs(seed: int = 0):
    key = jax.random.key(seed)
    ks = jax.random.split(key, 8)
    x = jax.random.normal(ks[0], (N, NUM_CLASS), dtype=jnp.float32)
    edge_index = jax.random.randint(ks[1], (2, E), 0, N, dtype=jnp.int32)
    batch = jnp.repeat(jnp.arange(BATCH_SIZE, dtype=jnp.int32), NUM_GENES)
    exp_emb_table = jax.random.normal(ks[2], (NUM_GENES, NUM_CLASS), dtype=jnp.float32)
    exp_bias_table = jax.random.normal(ks[3], (NUM_GENES, 1), dtype=jnp.float32)
    gcn_w = jax.random.normal(ks[4], (NUM_CLASS, 1), dtype=jnp.float32) / np.sqrt(NUM_CLASS)
    gcn_b = jnp.zeros((1,), dtype=jnp.float32)
    lin_w = jax.random.normal(ks[5], (NUM_CLASS, NUM_CLASS), dtype=jnp.float32) / np.sqrt(NUM_CLASS)
    lin_b = jnp.zeros((NUM_CLASS,), dtype=jnp.float32)
    return {"x": x, "exp_emb_table": exp_emb_table, "exp_bias_table": exp_bias_table,
            "gcn_w": gcn_w, "gcn_b": gcn_b, "lin_w": lin_w, "lin_b": lin_b,
            "edge_index": edge_index, "batch": batch}

def reference(x, exp_emb_table, exp_bias_table, gcn_w, gcn_b, lin_w, lin_b, edge_index, batch):
    # node_index = range(num_genes) tiled batch_size times (as in torch forward)
    node_index = jnp.tile(jnp.arange(NUM_GENES), BATCH_SIZE)
    # exp_emb = Embedding(node_index) * x + exp_bias(node_index)
    h = jnp.take(exp_emb_table, node_index, axis=0) * x + jnp.take(exp_bias_table, node_index, axis=0)
    # --- SAGPool: score = GCNConv(num_class -> 1)(h, edge_index) ---
    src = edge_index[0]
    dst = edge_index[1]
    loop = jnp.arange(N)
    src_f = jnp.concatenate([src, loop])
    dst_f = jnp.concatenate([dst, loop])
    deg = jnp.zeros((N,), jnp.float32).at[dst_f].add(1.0)
    dis = jnp.where(deg > 0, jax.lax.rsqrt(jnp.maximum(deg, 1e-12)), 0.0)
    norm = dis[src_f] * dis[dst_f]
    hw = h @ gcn_w  # [N, 1]
    msg = jnp.take(hw, src_f, axis=0) * norm[:, None]
    score = (jnp.zeros((N, 1), jnp.float32).at[dst_f].add(msg) + gcn_b).squeeze(-1)
    # --- topk per graph (ratio=0.5); graphs are contiguous blocks of NUM_GENES nodes ---
    k = int(np.ceil(RATIO * NUM_GENES))
    score_r = score.reshape(BATCH_SIZE, NUM_GENES)
    topv, topi = jax.lax.top_k(score_r, k)
    perm = (topi + (jnp.arange(BATCH_SIZE) * NUM_GENES)[:, None]).reshape(-1)
    xp = jnp.take(h, perm, axis=0) * jnp.tanh(jnp.take(score, perm, axis=0))[:, None]
    bp = jnp.take(batch, perm, axis=0)
    # (edge_index is filtered by SAGPool but discarded by the outer forward)
    # --- gap: global mean pool per graph ---
    sums = jax.ops.segment_sum(xp, bp, num_segments=BATCH_SIZE)
    cnt = jax.ops.segment_sum(jnp.ones((xp.shape[0],), jnp.float32), bp, num_segments=BATCH_SIZE)
    pooled = sums / jnp.maximum(cnt, 1.0)[:, None]
    # lin1
    out = pooled @ lin_w.T + lin_b
    return out

if __name__ == "__main__":
    import jax
    _d = setup_inputs()
    print(jax.jit(kernel)(*tuple(_d.values())))

</pallas_src>

<mosaic_0001>
#map = affine_map<(d0, d1) -> (0)>
module attributes {stable_mosaic.version = 14 : i64} {
  func.func @_sc_msg(%arg0: i32, %arg1: i32, %arg2: memref<1600000xi32, #tpu.memory_space<hbm>>, %arg3: memref<1600000xi32, #tpu.memory_space<hbm>>, %arg4: memref<100000xf32, #tpu.memory_space<hbm>>, %arg5: memref<100096xf32, #tpu.memory_space<hbm>>, %arg6: memref<100096xf32, #tpu.memory_space<hbm>>, %arg7: memref<1664xi32, #tpu.memory_space<vmem>>, %arg8: memref<1664xi32, #tpu.memory_space<vmem>>, %arg9: memref<1664xi32, #tpu.memory_space<vmem>>, %arg10: memref<1664xi32, #tpu.memory_space<vmem>>, %arg11: memref<1664xi32, #tpu.memory_space<vmem>>, %arg12: memref<1664xi32, #tpu.memory_space<vmem>>, %arg13: memref<1664xf32, #tpu.memory_space<vmem>>, %arg14: memref<1664xf32, #tpu.memory_space<vmem>>, %arg15: memref<1664xf32, #tpu.memory_space<vmem>>, %arg16: memref<128xi32, #tpu.memory_space<vmem>>, %arg17: memref<128xi32, #tpu.memory_space<vmem>>, %arg18: memref<128xf32, #tpu.memory_space<vmem>>, %arg19: memref<100000xf32, #tpu.memory_space<vmem>>, %arg20: memref<6256xf32, #tpu.memory_space<vmem>>, %arg21: memref<100096xf32, #tpu.memory_space<vmem_shared>>, %arg22: memref<!tpu.dma_semaphore, #tpu.memory_space<semaphore_mem>>, %arg23: memref<!tpu.dma_semaphore, #tpu.memory_space<semaphore_mem>>, %arg24: memref<!tpu.dma_semaphore, #tpu.memory_space<semaphore_mem>>, %arg25: memref<!tpu.dma_semaphore, #tpu.memory_space<semaphore_mem>>, %arg26: memref<!tpu.dma_semaphore, #tpu.memory_space<semaphore_mem>>, %arg27: memref<!tpu.dma_semaphore, #tpu.memory_space<semaphore_mem>>, %arg28: memref<!tpu.dma_semaphore, #tpu.memory_space<semaphore_mem>>, %arg29: memref<!tpu.dma_semaphore, #tpu.memory_space<semaphore_mem>>, %arg30: memref<!tpu.dma_semaphore, #tpu.memory_space<semaphore_mem>>) attributes {dimension_semantics = [#tpu.dimension_semantics<core_parallel>, #tpu.dimension_semantics<subcore_parallel>], iteration_bounds = array<i64: 2, 16>, scalar_prefetch = 0 : i64, scratch_operands = 24 : i64, tpu.core_type = #tpu.core_type<sc_vector_subcore>, window_params = [{transform_indices = #map}, {transform_indices = #map}, {transform_indices = #map}, {transform_indices = #map}, {transform_indices = #map}]} {
    %mul3A = arith.constant 2 : i32
    %mul3A_0 = arith.muli %arg1, %mul3A : i32
    %add3A = arith.addi %mul3A_0, %arg0 : i32
    %mul3A_1 = arith.constant 390 : i32
    %mul3A_2 = arith.muli %add3A, %mul3A_1 : i32
    %mul3A_3 = arith.constant 128 : i32
    %mul3A_4 = arith.muli %mul3A_2, %mul3A_3 : i32
    %broadcast_in_dim3A = arith.constant 0.000000e+00 : f32
    %broadcast_in_dim3A_5 = vector.broadcast %broadcast_in_dim3A : f32 to vector<16xf32>
    %scan3A = arith.constant 0 : i32
    %scan3A_6 = arith.constant 0 : i32
    %scan3A_7 = arith.constant 391 : i32
    %scan3A_8 = arith.addi %scan3A_6, %scan3A_7 : i32
    %scan3A_9 = arith.constant 1 : i32
    %scan3A_10 = scf.for %scan3A_716 = %scan3A_6 to %scan3A_8 step %scan3A_9 iter_args(%scan3A_717 = %scan3A) -> (i32)  : i32 {
      %mul3A_718 = arith.constant 16 : i32
      %mul3A_719 = arith.muli %scan3A_716, %mul3A_718 : i32
      %swap3A = arith.index_cast %mul3A_719 : i32 to index
      %swap3A_720 = tpu.vector_load %arg20[%swap3A] {strides = array<i32>} : memref<6256xf32, #tpu.memory_space<vmem>>, vector<16xf32>,
      %swap3A_721 = vector.shape_cast %swap3A_720 : vector<16xf32> to vector<16xf32>
      %swap3A_722 = vector.shape_cast %broadcast_in_dim3A_5 : vector<16xf32> to vector<16xf32>
      tpu.vector_store %arg20[%swap3A], %swap3A_722 {strides = array<i32>} : memref<6256xf32, #tpu.memory_space<vmem>>, vector<16xf32>,
      %scan3A_723 = arith.constant 0 : i32
      scf.yield %scan3A_723 : i32
    }
    %scan3A_11 = arith.constant 391 : i32
    %mul3A_12 = arith.constant 6256 : i32
    %mul3A_13 = arith.muli %arg1, %mul3A_12 : i32
    "tpu.region"() ({
      %run_scoped3A = tpu.sem_alloc : memref<!tpu.dma_semaphore, #tpu.memory_space<semaphore_mem>>
      %dma_start3A_716 = tpu.memref_slice %arg21[%mul3A_13] : memref<100096xf32, #tpu.memory_space<vmem_shared>> -> memref<6256xf32, #tpu.memory_space<vmem_shared>>
      %dma_start3A_717 = tpu.memref_slice %arg21[%mul3A_13] : memref<100096xf32, #tpu.memory_space<vmem_shared>> -> memref<6256xf32, #tpu.memory_space<vmem_shared>>
      tpu.enqueue_dma source(%arg20 : memref<6256xf32, #tpu.memory_space<vmem>>) target(%dma_start3A_717 : memref<6256xf32, #tpu.memory_space<vmem_shared>>) target_semaphore(%run_scoped3A : memref<!tpu.dma_semaphore, #tpu.memory_space<semaphore_mem>>)
      %dma_wait3A_718 = tpu.memref_slice %arg21[%mul3A_13] : memref<100096xf32, #tpu.memory_space<vmem_shared>> -> memref<6256xf32, #tpu.memory_space<vmem_shared>>
      %dma_wait3A_719 = tpu.memref_slice %arg21[%mul3A_13] : memref<100096xf32, #tpu.memory_space<vmem_shared>> -> memref<6256xf32, #tpu.memory_space<vmem_shared>>
      tpu.wait_dma2 semaphore(%run_scoped3A : memref<!tpu.dma_semaphore, #tpu.memory_space<semaphore_mem>>) src(%arg20 : memref<6256xf32, #tpu.memory_space<vmem>>) dst(%dma_wait3A_719 : memref<6256xf32, #tpu.memory_space<vmem_shared>>)
      tpu.yield
    }) : () -> ()
    "tpu.region"() ({
      %run_scoped3A = tpu.sem_alloc : memref<!tpu.dma_semaphore, #tpu.memory_space<semaphore_mem>>
      tpu.enqueue_dma source(%arg4 : memref<100000xf32, #tpu.memory_space<hbm>>) target(%arg19 : memref<100000xf32, #tpu.memory_space<vmem>>) target_semaphore(%run_scoped3A : memref<!tpu.dma_semaphore, #tpu.memory_space<semaphore_mem>>)
      tpu.wait_dma2 semaphore(%run_scoped3A : memref<!tpu.dma_semaphore, #tpu.memory_space<semaphore_mem>>) src(%arg4 : memref<100000xf32, #tpu.memory_space<hbm>>) dst(%arg19 : memref<100000xf32, #tpu.memory_space<vmem>>)
      tpu.yield
    }) : () -> ()
    %barrier3A = arith.constant 0 : index
    tpu.barrier barrier_id(%barrier3A)
    %add3A_14 = arith.constant 0 : i32
    %add3A_15 = arith.addi %mul3A_4, %add3A_14 : i32
    %dma_start3A = tpu.memref_slice %arg2[%add3A_15] : memref<1600000xi32, #tpu.memory_space<hbm>> -> memref<1664xi32, #tpu.memory_space<hbm>>
    %dma_start3A_16 = tpu.memref_slice %arg2[%add3A_15] : memref<1600000xi32, #tpu.memory_space<hbm>> -> memref<1664xi32, #tpu.memory_space<hbm>>
    tpu.enqueue_dma source(%dma_start3A_16 : memref<1664xi32, #tpu.memory_space<hbm>>) target(%arg7 : memref<1664xi32, #tpu.memory_space<vmem>>) target_semaphore(%arg22 : memref<!tpu.dma_semaphore, #tpu.memory_space<semaphore_mem>>)
    %add3A_17 = arith.constant 0 : i32
    %add3A_18 = arith.addi %mul3A_4, %add3A_17 : i32
    %dma_start3A_19 = tpu.memref_slice %arg3[%add3A_18] : memref<1600000xi32, #tpu.memory_space<hbm>> -> memref<1664xi32, #tpu.memory_space<hbm>>
    %dma_start3A_20 = tpu.memref_slice %arg3[%add3A_18] : memref<1600000xi32, #tpu.memory_space<hbm>> -> memref<1664xi32, #tpu.memory_space<hbm>>
    tpu.enqueue_dma source(%dma_start3A_20 : memref<1664xi32, #tpu.memory_space<hbm>>) target(%arg10 : memref<1664xi32, #tpu.memory_space<vmem>>) target_semaphore(%arg25 : memref<!tpu.dma_semaphore, #tpu.memory_space<semaphore_mem>>)
    %add3A_21 = arith.constant 1664 : i32
    %add3A_22 = arith.addi %mul3A_4, %add3A_21 : i32
    %dma_start3A_23 = tpu.memref_slice %arg2[%add3A_22] : memref<1600000xi32, #tpu.memory_space<hbm>> -> memref<1664xi32, #tpu.memory_space<hbm>>
    %dma_start3A_24 = tpu.memref_slice %arg2[%add3A_22] : memref<1600000xi32, #tpu.memory_space<hbm>> -> memref<1664xi32, #tpu.memory_space<hbm>>
    tpu.enqueue_dma source(%dma_start3A_24 : memref<1664xi32, #tpu.memory_space<hbm>>) target(%arg8 : memref<1664xi32, #tpu.memory_space<vmem>>) target_semaphore(%arg23 : memref<!tpu.dma_semaphore, #tpu.memory_space<semaphore_mem>>)
    %add3A_25 = arith.constant 1664 : i32
    %add3A_26 = arith.addi %mul3A_4, %add3A_25 : i32
    %dma_start3A_27 = tpu.memref_slice %arg3[%add3A_26] : memref<1600000xi32, #tpu.memory_space<hbm>> -> memref<1664xi32, #tpu.memory_space<hbm>>
    %dma_start3A_28 = tpu.memref_slice %arg3[%add3A_26] : memref<1600000xi32, #tpu.memory_space<hbm>> -> memref<1664xi32, #tpu.memory_space<hbm>>
    tpu.enqueue_dma source(%dma_start3A_28 : memref<1664xi32, #tpu.memory_space<hbm>>) target(%arg11 : memref<1664xi32, #tpu.memory_space<vmem>>) target_semaphore(%arg26 : memref<!tpu.dma_semaphore, #tpu.memory_space<semaphore_mem>>)
    %dma_wait3A = tpu.memref_slice %arg2[%add3A_15] : memref<1600000xi32, #tpu.memory_space<hbm>> -> memref<1664xi32, #tpu.memory_space<hbm>>
    %dma_wait3A_29 = tpu.memref_slice %arg2[%add3A_15] : memref<1600000xi32, #tpu.memory_space<hbm>> -> memref<1664xi32, #tpu.memory_space<hbm>>
    tpu.wait_dma2 semaphore(%arg22 : memref<!tpu.dma_semaphore, #tpu.memory_space<semaphore_mem>>) src(%dma_wait3A_29 : memref<1664xi32, #tpu.memory_space<hbm>>) dst(%arg7 : memref<1664xi32, #tpu.memory_space<vmem>>)
    %scan3A_30 = arith.constant 0 : i32
    %scan3A_31 = arith.constant 0 : i32
    %scan3A_32 = arith.constant 104 : i32
    %scan3A_33 = arith.addi %scan3A_31, %scan3A_32 : i32
    %scan3A_34 = arith.constant 1 : i32
    %scan3A_35 = scf.for %scan3A_716 = %scan3A_31 to %scan3A_33 step %scan3A_34 iter_args(%scan3A_717 = %scan3A_30) -> (i32)  : i32 {
      %mul3A_718 = arith.constant 16 : i32
      %mul3A_719 = arith.muli %scan3A_716, %mul3A_718 : i32
      %get3A = arith.index_cast %mul3A_719 : i32 to index
      %get3A_720 = tpu.vector_load %arg7[%get3A] {strides = array<i32>} : memref<1664xi32, #tpu.memory_space<vmem>>, vector<16xi32>,
      %gather3A = tpu.vector_load_idx %arg19[%get3A_720] : memref<100000xf32, #tpu.memory_space<vmem>>[vector<16xi32>], vector<16xf32>,
      %mul3A_721 = arith.constant 16 : i32
      %mul3A_722 = arith.muli %scan3A_716, %mul3A_721 : i32
      %swap3A = arith.index_cast %mul3A_722 : i32 to index
      %swap3A_723 = tpu.vector_load %arg13[%swap3A] {strides = array<i32>} : memref<1664xf32, #tpu.memory_space<vmem>>, vector<16xf32>,
      %swap3A_724 = vector.shape_cast %swap3A_723 : vector<16xf32> to vector<16xf32>
      %swap3A_725 = vector.shape_cast %gather3A : vector<16xf32> to vector<16xf32>
      tpu.vector_store %arg13[%swap3A], %swap3A_725 {strides = array<i32>} : memref<1664xf32, #tpu.memory_space<vmem>>, vector<16xf32>,
      %scan3A_726 = arith.constant 0 : i32
      scf.yield %scan3A_726 : i32
    }
    %scan3A_36 = arith.constant 104 : i32
    %dma_wait3A_37 = tpu.memref_slice %arg3[%add3A_18] : memref<1600000xi32, #tpu.memory_space<hbm>> -> memref<1664xi32, #tpu.memory_space<hbm>>
    %dma_wait3A_38 = tpu.memref_slice %arg3[%add3A_18] : memref<1600000xi32, #tpu.memory_space<hbm>> -> memref<1664xi32, #tpu.memory_space<hbm>>
    tpu.wait_dma2 semaphore(%arg25 : memref<!tpu.dma_semaphore, #tpu.memory_space<semaphore_mem>>) src(%dma_wait3A_38 : memref<1664xi32, #tpu.memory_space<hbm>>) dst(%arg10 : memref<1664xi32, #tpu.memory_space<vmem>>)
    %dma_start3A_39 = arith.constant 0 : i32
    %dma_start3A_40 = tpu.memref_slice %arg21[%dma_start3A_39] : memref<100096xf32, #tpu.memory_space<vmem_shared>> -> memref<100096xf32, #tpu.memory_space<vmem_shared>>
    tpu.enqueue_indirect_dma source(%arg13 : memref<1664xf32, #tpu.memory_space<vmem>>) target(%dma_start3A_40 : memref<100096xf32, #tpu.memory_space<vmem_shared>>) offsets(%arg10 : memref<1664xi32, #tpu.memory_space<vmem>>) semaphore(%arg28 : memref<!tpu.dma_semaphore, #tpu.memory_space<semaphore_mem>>) {add = true}
    %add3A_41 = arith.constant 3328 : i32
    %add3A_42 = arith.addi %mul3A_4, %add3A_41 : i32
    %dma_start3A_43 = tpu.memref_slice %arg2[%add3A_42] : memref<1600000xi32, #tpu.memory_space<hbm>> -> memref<1664xi32, #tpu.memory_space<hbm>>
    %dma_start3A_44 = tpu.memref_slice %arg2[%add3A_42] : memref<1600000xi32, #tpu.memory_space<hbm>> -> memref<1664xi32, #tpu.memory_space<hbm>>
    tpu.enqueue_dma source(%dma_start3A_44 : memref<1664xi32, #tpu.memory_space<hbm>>) target(%arg9 : memref<1664xi32, #tpu.memory_space<vmem>>) target_semaphore(%arg24 : memref<!tpu.dma_semaphore, #tpu.memory_space<semaphore_mem>>)
    %add3A_45 = arith.constant 3328 : i32
    %add3A_46 = arith.addi %mul3A_4, %add3A_45 : i32
    %dma_start3A_47 = tpu.memref_slice %arg3[%add3A_46] : memref<1600000xi32, #tpu.memory_space<hbm>> -> memref<1664xi32, #tpu.memory_space<hbm>>
    %dma_start3A_48 = tpu.memref_slice %arg3[%add3A_46] : memref<1600000xi32, #tpu.memory_space<hbm>> -> memref<1664xi32, #tpu.memory_space<hbm>>
    tpu.enqueue_dma source(%dma_start3A_48 : memref<1664xi32, #tpu.memory_space<hbm>>) target(%arg12 : memref<1664xi32, #tpu.memory_space<vmem>>) target_semaphore(%arg27 : memref<!tpu.dma_semaphore, #tpu.memory_space<semaphore_mem>>)
    %dma_wait3A_49 = tpu.memref_slice %arg2[%add3A_22] : memref<1600000xi32, #tpu.memory_space<hbm>> -> memref<1664xi32, #tpu.memory_space<hbm>>
    %dma_wait3A_50 = tpu.memref_slice %arg2[%add3A_22] : memref<1600000xi32, #tpu.memory_space<hbm>> -> memref<1664xi32, #tpu.memory_space<hbm>>
    tpu.wait_dma2 semaphore(%arg23 : memref<!tpu.dma_semaphore, #tpu.memory_space<semaphore_mem>>) src(%dma_wait3A_50 : memref<1664xi32, #tpu.memory_space<hbm>>) dst(%arg8 : memref<1664xi32, #tpu.memory_space<vmem>>)
    %scan3A_51 = arith.constant 0 : i32
    %scan3A_52 = arith.constant 0 : i32
    %scan3A_53 = arith.constant 104 : i32
    %scan3A_54 = arith.addi %scan3A_52, %scan3A_53 : i32
    %scan3A_55 = arith.constant 1 : i32
    %scan3A_56 = scf.for %scan3A_716 = %scan3A_52 to %scan3A_54 step %scan3A_55 iter_args(%scan3A_717 = %scan3A_51) -> (i32)  : i32 {
      %mul3A_718 = arith.constant 16 : i32
      %mul3A_719 = arith.muli %scan3A_716, %mul3A_718 : i32
      %get3A = arith.index_cast %mul3A_719 : i32 to index
      %get3A_720 = tpu.vector_load %arg8[%get3A] {strides = array<i32>} : memref<1664xi32, #tpu.memory_space<vmem>>, vector<16xi32>,
      %gather3A = tpu.vector_load_idx %arg19[%get3A_720] : memref<100000xf32, #tpu.memory_space<vmem>>[vector<16xi32>], vector<16xf32>,
      %mul3A_721 = arith.constant 16 : i32
      %mul3A_722 = arith.muli %scan3A_716, %mul3A_721 : i32
      %swap3A = arith.index_cast %mul3A_722 : i32 to index
      %swap3A_723 = tpu.vector_load %arg14[%swap3A] {strides = array<i32>} : memref<1664xf32, #tpu.memory_space<vmem>>, vector<16xf32>,
      %swap3A_724 = vector.shape_cast %swap3A_723 : vector<16xf32> to vector<16xf32>
      %swap3A_725 = vector.shape_cast %gather3A : vector<16xf32> to vector<16xf32>
      tpu.vector_store %arg14[%swap3A], %swap3A_725 {strides = array<i32>} : memref<1664xf32, #tpu.memory_space<vmem>>, vector<16xf32>,
      %scan3A_726 = arith.constant 0 : i32
      scf.yield %scan3A_726 : i32
    }
    %scan3A_57 = arith.constant 104 : i32
    %dma_wait3A_58 = tpu.memref_slice %arg3[%add3A_26] : memref<1600000xi32, #tpu.memory_space<hbm>> -> memref<1664xi32, #tpu.memory_space<hbm>>
    %dma_wait3A_59 = tpu.memref_slice %arg3[%add3A_26] : memref<1600000xi32, #tpu.memory_space<hbm>> -> memref<1664xi32, #tpu.memory_space<hbm>>
    tpu.wait_dma2 semaphore(%arg26 : memref<!tpu.dma_semaphore, #tpu.memory_space<semaphore_mem>>) src(%dma_wait3A_59 : memref<1664xi32, #tpu.memory_space<hbm>>) dst(%arg11 : memref<1664xi32, #tpu.memory_space<vmem>>)
    %dma_start3A_60 = arith.constant 0 : i32
    %dma_start3A_61 = tpu.memref_slice %arg21[%dma_start3A_60] : memref<100096xf32, #tpu.memory_space<vmem_shared>> -> memref<100096xf32, #tpu.memory_space<vmem_shared>>
    tpu.enqueue_indirect_dma source(%arg14 : memref<1664xf32, #tpu.memory_space<vmem>>) target(%dma_start3A_61 : memref<100096xf32, #tpu.memory_space<vmem_shared>>) offsets(%arg11 : memref<1664xi32, #tpu.memory_space<vmem>>) semaphore(%arg29 : memref<!tpu.dma_semaphore, #tpu.memory_space<semaphore_mem>>) {add = true}
    %dma_wait3A_62 = arith.constant 0 : i32
    %dma_wait3A_63 = tpu.memref_slice %arg21[%dma_wait3A_62] : memref<100096xf32, #tpu.memory_space<vmem_shared>> -> memref<100096xf32, #tpu.memory_space<vmem_shared>>
    tpu.wait_indirect_dma semaphore(%arg28 : memref<!tpu.dma_semaphore, #tpu.memory_space<semaphore_mem>>) src(%arg13 : memref<1664xf32, #tpu.memory_space<vmem>>) dst(%dma_wait3A_63 : memref<100096xf32, #tpu.memory_space<vmem_shared>>)
    %add3A_64 = arith.constant 4992 : i32
    %add3A_65 = arith.addi %mul3A_4, %add3A_64 : i32
    %dma_start3A_66 = tpu.memref_slice %arg2[%add3A_65] : memref<1600000xi32, #tpu.memory_space<hbm>> -> memref<1664xi32, #tpu.memory_space<hbm>>
    %dma_start3A_67 = tpu.memref_slice %arg2[%add3A_65] : memref<1600000xi32, #tpu.memory_space<hbm>> -> memref<1664xi32, #tpu.memory_space<hbm>>
    tpu.enqueue_dma source(%dma_start3A_67 : memref<1664xi32, #tpu.memory_space<hbm>>) target(%arg7 : memref<1664xi32, #tpu.memory_space<vmem>>) target_semaphore(%arg22 : memref<!tpu.dma_semaphore, #tpu.memory_space<semaphore_mem>>)
    %add3A_68 = arith.constant 4992 : i32
    %add3A_69 = arith.addi %mul3A_4, %add3A_68 : i32
    %dma_start3A_70 = tpu.memref_slice %arg3[%add3A_69] : memref<1600000xi32, #tpu.memory_space<hbm>> -> memref<1664xi32, #tpu.memory_space<hbm>>
    %dma_start3A_71 = tpu.memref_slice %arg3[%add3A_69] : memref<1600000xi32, #tpu.memory_space<hbm>> -> memref<1664xi32, #tpu.memory_space<hbm>>
    tpu.enqueue_dma source(%dma_start3A_71 : memref<1664xi32, #tpu.memory_space<hbm>>) target(%arg10 : memref<1664xi32, #tpu.memory_space<vmem>>) target_semaphore(%arg25 : memref<!tpu.dma_semaphore, #tpu.memory_space<semaphore_mem>>)
    %dma_wait3A_72 = tpu.memref_slice %arg2[%add3A_42] : memref<1600000xi32, #tpu.memory_space<hbm>> -> memref<1664xi32, #tpu.memory_space<hbm>>
    %dma_wait3A_73 = tpu.memref_slice %arg2[%add3A_42] : memref<1600000xi32, #tpu.memory_space<hbm>> -> memref<1664xi32, #tpu.memory_space<hbm>>
    tpu.wait_dma2 semaphore(%arg24 : memref<!tpu.dma_semaphore, #tpu.memory_space<semaphore_mem>>) src(%dma_wait3A_73 : memref<1664xi32, #tpu.memory_space<hbm>>) dst(%arg9 : memref<1664xi32, #tpu.memory_space<vmem>>)
    %scan3A_74 = arith.constant 0 : i32
    %scan3A_75 = arith.constant 0 : i32
    %scan3A_76 = arith.constant 104 : i32
    %scan3A_77 = arith.addi %scan3A_75, %scan3A_76 : i32
    %scan3A_78 = arith.constant 1 : i32
    %scan3A_79 = scf.for %scan3A_716 = %scan3A_75 to %scan3A_77 step %scan3A_78 iter_args(%scan3A_717 = %scan3A_74) -> (i32)  : i32 {
      %mul3A_718 = arith.constant 16 : i32
      %mul3A_719 = arith.muli %scan3A_716, %mul3A_718 : i32
      %get3A = arith.index_cast %mul3A_719 : i32 to index
      %get3A_720 = tpu.vector_load %arg9[%get3A] {strides = array<i32>} : memref<1664xi32, #tpu.memory_space<vmem>>, vector<16xi32>,
      %gather3A = tpu.vector_load_idx %arg19[%get3A_720] : memref<100000xf32, #tpu.memory_space<vmem>>[vector<16xi32>], vector<16xf32>,
      %mul3A_721 = arith.constant 16 : i32
      %mul3A_722 = arith.muli %scan3A_716, %mul3A_721 : i32
      %swap3A = arith.index_cast %mul3A_722 : i32 to index
      %swap3A_723 = tpu.vector_load %arg15[%swap3A] {strides = array<i32>} : memref<1664xf32, #tpu.memory_space<vmem>>, vector<16xf32>,
      %swap3A_724 = vector.shape_cast %swap3A_723 : vector<16xf32> to vector<16xf32>
      %swap3A_725 = vector.shape_cast %gather3A : vector<16xf32> to vector<16xf32>
      tpu.vector_store %arg15[%swap3A], %swap3A_725 {strides = array<i32>} : memref<1664xf32, #tpu.memory_space<vmem>>, vector<16xf32>,
      %scan3A_726 = arith.constant 0 : i32
      scf.yield %scan3A_726 : i32
    }
    %scan3A_80 = arith.constant 104 : i32
    %dma_wait3A_81 = tpu.memref_slice %arg3[%add3A_46] : memref<1600000xi32, #tpu.memory_space<hbm>> -> memref<1664xi32, #tpu.memory_space<hbm>>
    %dma_wait3A_82 = tpu.memref_slice %arg3[%add3A_46] : memref<1600000xi32, #tpu.memory_space<hbm>> -> memref<1664xi32, #tpu.memory_space<hbm>>
    tpu.wait_dma2 semaphore(%arg27 : memref<!tpu.dma_semaphore, #tpu.memory_space<semaphore_mem>>) src(%dma_wait3A_82 : memref<1664xi32, #tpu.memory_space<hbm>>) dst(%arg12 : memref<1664xi32, #tpu.memory_space<vmem>>)
    %dma_start3A_83 = arith.constant 0 : i32
    %dma_start3A_84 = tpu.memref_slice %arg21[%dma_start3A_83] : memref<100096xf32, #tpu.memory_space<vmem_shared>> -> memref<100096xf32, #tpu.memory_space<vmem_shared>>
    tpu.enqueue_indirect_dma source(%arg15 : memref<1664xf32, #tpu.memory_space<vmem>>) target(%dma_start3A_84 : memref<100096xf32, #tpu.memory_space<vmem_shared>>) offsets(%arg12 : memref<1664xi32, #tpu.memory_space<vmem>>) semaphore(%arg30 : memref<!tpu.dma_semaphore, #tpu.memory_space<semaphore_mem>>) {add = true}
    %dma_wait3A_85 = arith.constant 0 : i32
    %dma_wait3A_86 = tpu.memref_slice %arg21[%dma_wait3A_85] : memref<100096xf32, #tpu.memory_space<vmem_shared>> -> memref<100096xf32, #tpu.memory_space<vmem_shared>>
    tpu.wait_indirect_dma semaphore(%arg29 : memref<!tpu.dma_semaphore, #tpu.memory_space<semaphore_mem>>) src(%arg14 : memref<1664xf32, #tpu.memory_space<vmem>>) dst(%dma_wait3A_86 : memref<100096xf32, #tpu.memory_space<vmem_shared>>)
    %add3A_87 = arith.constant 6656 : i32
    %add3A_88 = arith.addi %mul3A_4, %add3A_87 : i32
    %dma_start3A_89 = tpu.memref_slice %arg2[%add3A_88] : memref<1600000xi32, #tpu.memory_space<hbm>> -> memref<1664xi32, #tpu.memory_space<hbm>>
    %dma_start3A_90 = tpu.memref_slice %arg2[%add3A_88] : memref<1600000xi32, #tpu.memory_space<hbm>> -> memref<1664xi32, #tpu.memory_space<hbm>>
    tpu.enqueue_dma source(%dma_start3A_90 : memref<1664xi32, #tpu.memory_space<hbm>>) target(%arg8 : memref<1664xi32, #tpu.memory_space<vmem>>) target_semaphore(%arg23 : memref<!tpu.dma_semaphore, #tpu.memory_space<semaphore_mem>>)
    %add3A_91 = arith.constant 6656 : i32
    %add3A_92 = arith.addi %mul3A_4, %add3A_91 : i32
    %dma_start3A_93 = tpu.memref_slice %arg3[%add3A_92] : memref<1600000xi32, #tpu.memory_space<hbm>> -> memref<1664xi32, #tpu.memory_space<hbm>>
    %dma_start3A_94 = tpu.memref_slice %arg3[%add3A_92] : memref<1600000xi32, #tpu.memory_space<hbm>> -> memref<1664xi32, #tpu.memory_space<hbm>>
    tpu.enqueue_dma source(%dma_start3A_94 : memref<1664xi32, #tpu.memory_space<hbm>>) target(%arg11 : memref<1664xi32, #tpu.memory_space<vmem>>) target_semaphore(%arg26 : memref<!tpu.dma_semaphore, #tpu.memory_space<semaphore_mem>>)
    %dma_wait3A_95 = tpu.memref_slice %arg2[%add3A_65] : memref<1600000xi32, #tpu.memory_space<hbm>> -> memref<1664xi32, #tpu.memory_space<hbm>>
    %dma_wait3A_96 = tpu.memref_slice %arg2[%add3A_65] : memref<1600000xi32, #tpu.memory_space<hbm>> -> memref<1664xi32, #tpu.memory_space<hbm>>
    tpu.wait_dma2 semaphore(%arg22 : memref<!tpu.dma_semaphore, #tpu.memory_space<semaphore_mem>>) src(%dma_wait3A_96 : memref<1664xi32, #tpu.memory_space<hbm>>) dst(%arg7 : memref<1664xi32, #tpu.memory_space<vmem>>)
    %scan3A_97 = arith.constant 0 : i32
    %scan3A_98 = arith.constant 0 : i32
    %scan3A_99 = arith.constant 104 : i32
    %scan3A_100 = arith.addi %scan3A_98, %scan3A_99 : i32
    %scan3A_101 = arith.constant 1 : i32
    %scan3A_102 = scf.for %scan3A_716 = %scan3A_98 to %scan3A_100 step %scan3A_101 iter_args(%scan3A_717 = %scan3A_97) -> (i32)  : i32 {
      %mul3A_718 = arith.constant 16 : i32
      %mul3A_719 = arith.muli %scan3A_716, %mul3A_718 : i32
      %get3A = arith.index_cast %mul3A_719 : i32 to index
      %get3A_720 = tpu.vector_load %arg7[%get3A] {strides = array<i32>} : memref<1664xi32, #tpu.memory_space<vmem>>, vector<16xi32>,
      %gather3A = tpu.vector_load_idx %arg19[%get3A_720] : memref<100000xf32, #tpu.memory_space<vmem>>[vector<16xi32>], vector<16xf32>,
      %mul3A_721 = arith.constant 16 : i32
      %mul3A_722 = arith.muli %scan3A_716, %mul3A_721 : i32
      %swap3A = arith.index_cast %mul3A_722 : i32 to index
      %swap3A_723 = tpu.vector_load %arg13[%swap3A] {strides = array<i32>} : memref<1664xf32, #tpu.memory_space<vmem>>, vector<16xf32>,
      %swap3A_724 = vector.shape_cast %swap3A_723 : vector<16xf32> to vector<16xf32>
      %swap3A_725 = vector.shape_cast %gather3A : vector<16xf32> to vector<16xf32>
      tpu.vector_store %arg13[%swap3A], %swap3A_725 {strides = array<i32>} : memref<1664xf32, #tpu.memory_space<vmem>>, vector<16xf32>,
      %scan3A_726 = arith.constant 0 : i32
      scf.yield %scan3A_726 : i32
    }
    %scan3A_103 = arith.constant 104 : i32
    %dma_wait3A_104 = tpu.memref_slice %arg3[%add3A_69] : memref<1600000xi32, #tpu.memory_space<hbm>> -> memref<1664xi32, #tpu.memory_space<hbm>>
    %dma_wait3A_105 = tpu.memref_slice %arg3[%add3A_69] : memref<1600000xi32, #tpu.memory_space<hbm>> -> memref<1664xi32, #tpu.memory_space<hbm>>
    tpu.wait_dma2 semaphore(%arg25 : memref<!tpu.dma_semaphore, #tpu.memory_space<semaphore_mem>>) src(%dma_wait3A_105 : memref<1664xi32, #tpu.memory_space<hbm>>) dst(%arg10 : memref<1664xi32, #tpu.memory_space<vmem>>)
    %dma_start3A_106 = arith.constant 0 : i32
    %dma_start3A_107 = tpu.memref_slice %arg21[%dma_start3A_106] : memref<100096xf32, #tpu.memory_space<vmem_shared>> -> memref<100096xf32, #tpu.memory_space<vmem_shared>>
    tpu.enqueue_indirect_dma source(%arg13 : memref<1664xf32, #tpu.memory_space<vmem>>) target(%dma_start3A_107 : memref<100096xf32, #tpu.memory_space<vmem_shared>>) offsets(%arg10 : memref<1664xi32, #tpu.memory_space<vmem>>) semaphore(%arg28 : memref<!tpu.dma_semaphore, #tpu.memory_space<semaphore_mem>>) {add = true}
    %dma_wait3A_108 = arith.constant 0 : i32
    %dma_wait3A_109 = tpu.memref_slice %arg21[%dma_wait3A_108] : memref<100096xf32, #tpu.memory_space<vmem_shared>> -> memref<100096xf32, #tpu.memory_space<vmem_shared>>
    tpu.wait_indirect_dma semaphore(%arg30 : memref<!tpu.dma_semaphore, #tpu.memory_space<semaphore_mem>>) src(%arg15 : memref<1664xf32, #tpu.memory_space<vmem>>) dst(%dma_wait3A_109 : memref<100096xf32, #tpu.memory_space<vmem_shared>>)
    %add3A_110 = arith.constant 8320 : i32
    %add3A_111 = arith.addi %mul3A_4, %add3A_110 : i32
    %dma_start3A_112 = tpu.memref_slice %arg2[%add3A_111] : memref<1600000xi32, #tpu.memory_space<hbm>> -> memref<1664xi32, #tpu.memory_space<hbm>>
    %dma_start3A_113 = tpu.memref_slice %arg2[%add3A_111] : memref<1600000xi32, #tpu.memory_space<hbm>> -> memref<1664xi32, #tpu.memory_space<hbm>>
    tpu.enqueue_dma source(%dma_start3A_113 : memref<1664xi32, #tpu.memory_space<hbm>>) target(%arg9 : memref<1664xi32, #tpu.memory_space<vmem>>) target_semaphore(%arg24 : memref<!tpu.dma_semaphore, #tpu.memory_space<semaphore_mem>>)
    %add3A_114 = arith.constant 8320 : i32
    %add3A_115 = arith.addi %mul3A_4, %add3A_114 : i32
    %dma_start3A_116 = tpu.memref_slice %arg3[%add3A_115] : memref<1600000xi32, #tpu.memory_space<hbm>> -> memref<1664xi32, #tpu.memory_space<hbm>>
    %dma_start3A_117 = tpu.memref_slice %arg3[%add3A_115] : memref<1600000xi32, #tpu.memory_space<hbm>> -> memref<1664xi32, #tpu.memory_space<hbm>>
    tpu.enqueue_dma source(%dma_start3A_117 : memref<1664xi32, #tpu.memory_space<hbm>>) target(%arg12 : memref<1664xi32, #tpu.memory_space<vmem>>) target_semaphore(%arg27 : memref<!tpu.dma_semaphore, #tpu.memory_space<semaphore_mem>>)
    %dma_wait3A_118 = tpu.memref_slice %arg2[%add3A_88] : memref<1600000xi32, #tpu.memory_space<hbm>> -> memref<1664xi32, #tpu.memory_space<hbm>>
    %dma_wait3A_119 = tpu.memref_slice %arg2[%add3A_88] : memref<1600000xi32, #tpu.memory_space<hbm>> -> memref<1664xi32, #tpu.memory_space<hbm>>
    tpu.wait_dma2 semaphore(%arg23 : memref<!tpu.dma_semaphore, #tpu.memory_space<semaphore_mem>>) src(%dma_wait3A_119 : memref<1664xi32, #tpu.memory_space<hbm>>) dst(%arg8 : memref<1664xi32, #tpu.memory_space<vmem>>)
    %scan3A_120 = arith.constant 0 : i32
    %scan3A_121 = arith.constant 0 : i32
    %scan3A_122 = arith.constant 104 : i32
    %scan3A_123 = arith.addi %scan3A_121, %scan3A_122 : i32
    %scan3A_124 = arith.constant 1 : i32
    %scan3A_125 = scf.for %scan3A_716 = %scan3A_121 to %scan3A_123 step %scan3A_124 iter_args(%scan3A_717 = %scan3A_120) -> (i32)  : i32 {
      %mul3A_718 = arith.constant 16 : i32
      %mul3A_719 = arith.muli %scan3A_716, %mul3A_718 : i32
      %get3A = arith.index_cast %mul3A_719 : i32 to index
      %get3A_720 = tpu.vector_load %arg8[%get3A] {strides = array<i32>} : memref<1664xi32, #tpu.memory_space<vmem>>, vector<16xi32>,
      %gather3A = tpu.vector_load_idx %arg19[%get3A_720] : memref<100000xf32, #tpu.memory_space<vmem>>[vector<16xi32>], vector<16xf32>,
      %mul3A_721 = arith.constant 16 : i32
      %mul3A_722 = arith.muli %scan3A_716, %mul3A_721 : i32
      %swap3A = arith.index_cast %mul3A_722 : i32 to index
      %swap3A_723 = tpu.vector_load %arg14[%swap3A] {strides = array<i32>} : memref<1664xf32, #tpu.memory_space<vmem>>, vector<16xf32>,
      %swap3A_724 = vector.shape_cast %swap3A_723 : vector<16xf32> to vector<16xf32>
      %swap3A_725 = vector.shape_cast %gather3A : vector<16xf32> to vector<16xf32>
      tpu.vector_store %arg14[%swap3A], %swap3A_725 {strides = array<i32>} : memref<1664xf32, #tpu.memory_space<vmem>>, vector<16xf32>,
      %scan3A_726 = arith.constant 0 : i32
      scf.yield %scan3A_726 : i32
    }
    %scan3A_126 = arith.constant 104 : i32
    %dma_wait3A_127 = tpu.memref_slice %arg3[%add3A_92] : memref<1600000xi32, #tpu.memory_space<hbm>> -> memref<1664xi32, #tpu.memory_space<hbm>>
    %dma_wait3A_128 = tpu.memref_slice %arg3[%add3A_92] : memref<1600000xi32, #tpu.memory_space<hbm>> -> memref<1664xi32, #tpu.memory_space<hbm>>
    tpu.wait_dma2 semaphore(%arg26 : memref<!tpu.dma_semaphore, #tpu.memory_space<semaphore_mem>>) src(%dma_wait3A_128 : memref<1664xi32, #tpu.memory_space<hbm>>) dst(%arg11 : memref<1664xi32, #tpu.memory_space<vmem>>)
    %dma_start3A_129 = arith.constant 0 : i32
    %dma_start3A_130 = tpu.memref_slice %arg21[%dma_start3A_129] : memref<100096xf32, #tpu.memory_space<vmem_shared>> -> memref<100096xf32, #tpu.memory_space<vmem_shared>>
    tpu.enqueue_indirect_dma source(%arg14 : memref<1664xf32, #tpu.memory_space<vmem>>) target(%dma_start3A_130 : memref<100096xf32, #tpu.memory_space<vmem_shared>>) offsets(%arg11 : memref<1664xi32, #tpu.memory_space<vmem>>) semaphore(%arg29 : memref<!tpu.dma_semaphore, #tpu.memory_space<semaphore_mem>>) {add = true}
    %dma_wait3A_131 = arith.constant 0 : i32
    %dma_wait3A_132 = tpu.memref_slice %arg21[%dma_wait3A_131] : memref<100096xf32, #tpu.memory_space<vmem_shared>> -> memref<100096xf32, #tpu.memory_space<vmem_shared>>
    tpu.wait_indirect_dma semaphore(%arg28 : memref<!tpu.dma_semaphore, #tpu.memory_space<semaphore_mem>>) src(%arg13 : memref<1664xf32, #tpu.memory_space<vmem>>) dst(%dma_wait3A_132 : memref<100096xf32, #tpu.memory_space<vmem_shared>>)
    %add3A_133 = arith.constant 9984 : i32
    %add3A_134 = arith.addi %mul3A_4, %add3A_133 : i32
    %dma_start3A_135 = tpu.memref_slice %arg2[%add3A_134] : memref<1600000xi32, #tpu.memory_space<hbm>> -> memref<1664xi32, #tpu.memory_space<hbm>>
    %dma_start3A_136 = tpu.memref_slice %arg2[%add3A_134] : memref<1600000xi32, #tpu.memory_space<hbm>> -> memref<1664xi32, #tpu.memory_space<hbm>>
    tpu.enqueue_dma source(%dma_start3A_136 : memref<1664xi32, #tpu.memory_space<hbm>>) target(%arg7 : memref<1664xi32, #tpu.memory_space<vmem>>) target_semaphore(%arg22 : memref<!tpu.dma_semaphore, #tpu.memory_space<semaphore_mem>>)
    %add3A_137 = arith.constant 9984 : i32
    %add3A_138 = arith.addi %mul3A_4, %add3A_137 : i32
    %dma_start3A_139 = tpu.memref_slice %arg3[%add3A_138] : memref<1600000xi32, #tpu.memory_space<hbm>> -> memref<1664xi32, #tpu.memory_space<hbm>>
    %dma_start3A_140 = tpu.memref_slice %arg3[%add3A_138] : memref<1600000xi32, #tpu.memory_space<hbm>> -> memref<1664xi32, #tpu.memory_space<hbm>>
    tpu.enqueue_dma source(%dma_start3A_140 : memref<1664xi32, #tpu.memory_space<hbm>>) target(%arg10 : memref<1664xi32, #tpu.memory_space<vmem>>) target_semaphore(%arg25 : memref<!tpu.dma_semaphore, #tpu.memory_space<semaphore_mem>>)
    %dma_wait3A_141 = tpu.memref_slice %arg2[%add3A_111] : memref<1600000xi32, #tpu.memory_space<hbm>> -> memref<1664xi32, #tpu.memory_space<hbm>>
    %dma_wait3A_142 = tpu.memref_slice %arg2[%add3A_111] : memref<1600000xi32, #tpu.memory_space<hbm>> -> memref<1664xi32, #tpu.memory_space<hbm>>
    tpu.wait_dma2 semaphore(%arg24 : memref<!tpu.dma_semaphore, #tpu.memory_space<semaphore_mem>>) src(%dma_wait3A_142 : memref<1664xi32, #tpu.memory_space<hbm>>) dst(%arg9 : memref<1664xi32, #tpu.memory_space<vmem>>)
    %scan3A_143 = arith.constant 0 : i32
    %scan3A_144 = arith.constant 0 : i32
    %scan3A_145 = arith.constant 104 : i32
    %scan3A_146 = arith.addi %scan3A_144, %scan3A_145 : i32
    %scan3A_147 = arith.constant 1 : i32
    %scan3A_148 = scf.for %scan3A_716 = %scan3A_144 to %scan3A_146 step %scan3A_147 iter_args(%scan3A_717 = %scan3A_143) -> (i32)  : i32 {
      %mul3A_718 = arith.constant 16 : i32
      %mul3A_719 = arith.muli %scan3A_716, %mul3A_718 : i32
      %get3A = arith.index_cast %mul3A_719 : i32 to index
      %get3A_720 = tpu.vector_load %arg9[%get3A] {strides = array<i32>} : memref<1664xi32, #tpu.memory_space<vmem>>, vector<16xi32>,
      %gather3A = tpu.vector_load_idx %arg19[%get3A_720] : memref<100000xf32, #tpu.memory_space<vmem>>[vector<16xi32>], vector<16xf32>,
      %mul3A_721 = arith.constant 16 : i32
      %mul3A_722 = arith.muli %scan3A_716, %mul3A_721 : i32
      %swap3A = arith.index_cast %mul3A_722 : i32 to index
      %swap3A_723 = tpu.vector_load %arg15[%swap3A] {strides = array<i32>} : memref<1664xf32, #tpu.memory_space<vmem>>, vector<16xf32>,
      %swap3A_724 = vector.shape_cast %swap3A_723 : vector<16xf32> to vector<16xf32>
      %swap3A_725 = vector.shape_cast %gather3A : vector<16xf32> to vector<16xf32>
      tpu.vector_store %arg15[%swap3A], %swap3A_725 {strides = array<i32>} : memref<1664xf32, #tpu.memory_space<vmem>>, vector<16xf32>,
      %scan3A_726 = arith.constant 0 : i32
      scf.yield %scan3A_726 : i32
    }
    %scan3A_149 = arith.constant 104 : i32
    %dma_wait3A_150 = tpu.memref_slice %arg3[%add3A_115] : memref<1600000xi32, #tpu.memory_space<hbm>> -> memref<1664xi32, #tpu.memory_space<hbm>>
    %dma_wait3A_151 = tpu.memref_slice %arg3[%add3A_115] : memref<1600000xi32, #tpu.memory_space<hbm>> -> memref<1664xi32, #tpu.memory_space<hbm>>
    tpu.wait_dma2 semaphore(%arg27 : memref<!tpu.dma_semaphore, #tpu.memory_space<semaphore_mem>>) src(%dma_wait3A_151 : memref<1664xi32, #tpu.memory_space<hbm>>) dst(%arg12 : memref<1664xi32, #tpu.memory_space<vmem>>)
    %dma_start3A_152 = arith.constant 0 : i32
    %dma_start3A_153 = tpu.memref_slice %arg21[%dma_start3A_152] : memref<100096xf32, #tpu.memory_space<vmem_shared>> -> memref<100096xf32, #tpu.memory_space<vmem_shared>>
    tpu.enqueue_indirect_dma source(%arg15 : memref<1664xf32, #tpu.memory_space<vmem>>) target(%dma_start3A_153 : memref<100096xf32, #tpu.memory_space<vmem_shared>>) offsets(%arg12 : memref<1664xi32, #tpu.memory_space<vmem>>) semaphore(%arg30 : memref<!tpu.dma_semaphore, #tpu.memory_space<semaphore_mem>>) {add = true}
    %dma_wait3A_154 = arith.constant 0 : i32
    %dma_wait3A_155 = tpu.memref_slice %arg21[%dma_wait3A_154] : memref<100096xf32, #tpu.memory_space<vmem_shared>> -> memref<100096xf32, #tpu.memory_space<vmem_shared>>
    tpu.wait_indirect_dma semaphore(%arg29 : memref<!tpu.dma_semaphore, #tpu.memory_space<semaphore_mem>>) src(%arg14 : memref<1664xf32, #tpu.memory_space<vmem>>) dst(%dma_wait3A_155 : memref<100096xf32, #tpu.memory_space<vmem_shared>>)
    %add3A_156 = arith.constant 11648 : i32
    %add3A_157 = arith.addi %mul3A_4, %add3A_156 : i32
    %dma_start3A_158 = tpu.memref_slice %arg2[%add3A_157] : memref<1600000xi32, #tpu.memory_space<hbm>> -> memref<1664xi32, #tpu.memory_space<hbm>>
    %dma_start3A_159 = tpu.memref_slice %arg2[%add3A_157] : memref<1600000xi32, #tpu.memory_space<hbm>> -> memref<1664xi32, #tpu.memory_space<hbm>>
    tpu.enqueue_dma source(%dma_start3A_159 : memref<1664xi32, #tpu.memory_space<hbm>>) target(%arg8 : memref<1664xi32, #tpu.memory_space<vmem>>) target_semaphore(%arg23 : memref<!tpu.dma_semaphore, #tpu.memory_space<semaphore_mem>>)
    %add3A_160 = arith.constant 11648 : i32
    %add3A_161 = arith.addi %mul3A_4, %add3A_160 : i32
    %dma_start3A_162 = tpu.memref_slice %arg3[%add3A_161] : memref<1600000xi32, #tpu.memory_space<hbm>> -> memref<1664xi32, #tpu.memory_space<hbm>>
    %dma_start3A_163 = tpu.memref_slice %arg3[%add3A_161] : memref<1600000xi32, #tpu.memory_space<hbm>> -> memref<1664xi32, #tpu.memory_space<hbm>>
    tpu.enqueue_dma source(%dma_start3A_163 : memref<1664xi32, #tpu.memory_space<hbm>>) target(%arg11 : memref<1664xi32, #tpu.memory_space<vmem>>) target_semaphore(%arg26 : memref<!tpu.dma_semaphore, #tpu.memory_space<semaphore_mem>>)
    %dma_wait3A_164 = tpu.memref_slice %arg2[%add3A_134] : memref<1600000xi32, #tpu.memory_space<hbm>> -> memref<1664xi32, #tpu.memory_space<hbm>>
    %dma_wait3A_165 = tpu.memref_slice %arg2[%add3A_134] : memref<1600000xi32, #tpu.memory_space<hbm>> -> memref<1664xi32, #tpu.memory_space<hbm>>
    tpu.wait_dma2 semaphore(%arg22 : memref<!tpu.dma_semaphore, #tpu.memory_space<semaphore_mem>>) src(%dma_wait3A_165 : memref<1664xi32, #tpu.memory_space<hbm>>) dst(%arg7 : memref<1664xi32, #tpu.memory_space<vmem>>)
    %scan3A_166 = arith.constant 0 : i32
    %scan3A_167 = arith.constant 0 : i32
    %scan3A_168 = arith.constant 104 : i32
    %scan3A_169 = arith.addi %scan3A_167, %scan3A_168 : i32
    %scan3A_170 = arith.constant 1 : i32
    %scan3A_171 = scf.for %scan3A_716 = %scan3A_167 to %scan3A_169 step %scan3A_170 iter_args(%scan3A_717 = %scan3A_166) -> (i32)  : i32 {
      %mul3A_718 = arith.constant 16 : i32
      %mul3A_719 = arith.muli %scan3A_716, %mul3A_718 : i32
      %get3A = arith.index_cast %mul3A_719 : i32 to index
      %get3A_720 = tpu.vector_load %arg7[%get3A] {strides = array<i32>} : memref<1664xi32, #tpu.memory_space<vmem>>, vector<16xi32>,
      %gather3A = tpu.vector_load_idx %arg19[%get3A_720] : memref<100000xf32, #tpu.memory_space<vmem>>[vector<16xi32>], vector<16xf32>,
      %mul3A_721 = arith.constant 16 : i32
      %mul3A_722 = arith.muli %scan3A_716, %mul3A_721 : i32
      %swap3A = arith.index_cast %mul3A_722 : i32 to index
      %swap3A_723 = tpu.vector_load %arg13[%swap3A] {strides = array<i32>} : memref<1664xf32, #tpu.memory_space<vmem>>, vector<16xf32>,
      %swap3A_724 = vector.shape_cast %swap3A_723 : vector<16xf32> to vector<16xf32>
      %swap3A_725 = vector.shape_cast %gather3A : vector<16xf32> to vector<16xf32>
      tpu.vector_store %arg13[%swap3A], %swap3A_725 {strides = array<i32>} : memref<1664xf32, #tpu.memory_space<vmem>>, vector<16xf32>,
      %scan3A_726 = arith.constant 0 : i32
      scf.yield %scan3A_726 : i32
    }
    %scan3A_172 = arith.constant 104 : i32
    %dma_wait3A_173 = tpu.memref_slice %arg3[%add3A_138] : memref<1600000xi32, #tpu.memory_space<hbm>> -> memref<1664xi32, #tpu.memory_space<hbm>>
    %dma_wait3A_174 = tpu.memref_slice %arg3[%add3A_138] : memref<1600000xi32, #tpu.memory_space<hbm>> -> memref<1664xi32, #tpu.memory_space<hbm>>
    tpu.wait_dma2 semaphore(%arg25 : memref<!tpu.dma_semaphore, #tpu.memory_space<semaphore_mem>>) src(%dma_wait3A_174 : memref<1664xi32, #tpu.memory_space<hbm>>) dst(%arg10 : memref<1664xi32, #tpu.memory_space<vmem>>)
    %dma_start3A_175 = arith.constant 0 : i32
    %dma_start3A_176 = tpu.memref_slice %arg21[%dma_start3A_175] : memref<100096xf32, #tpu.memory_space<vmem_shared>> -> memref<100096xf32, #tpu.memory_space<vmem_shared>>
    tpu.enqueue_indirect_dma source(%arg13 : memref<1664xf32, #tpu.memory_space<vmem>>) target(%dma_start3A_176 : memref<100096xf32, #tpu.memory_space<vmem_shared>>) offsets(%arg10 : memref<1664xi32, #tpu.memory_space<vmem>>) semaphore(%arg28 : memref<!tpu.dma_semaphore, #tpu.memory_space<semaphore_mem>>) {add = true}
    %dma_wait3A_177 = arith.constant 0 : i32
    %dma_wait3A_178 = tpu.memref_slice %arg21[%dma_wait3A_177] : memref<100096xf32, #tpu.memory_space<vmem_shared>> -> memref<100096xf32, #tpu.memory_space<vmem_shared>>
    tpu.wait_indirect_dma semaphore(%arg30 : memref<!tpu.dma_semaphore, #tpu.memory_space<semaphore_mem>>) src(%arg15 : memref<1664xf32, #tpu.memory_space<vmem>>) dst(%dma_wait3A_178 : memref<100096xf32, #tpu.memory_space<vmem_shared>>)
    %add3A_179 = arith.constant 13312 : i32
    %add3A_180 = arith.addi %mul3A_4, %add3A_179 : i32
    %dma_start3A_181 = tpu.memref_slice %arg2[%add3A_180] : memref<1600000xi32, #tpu.memory_space<hbm>> -> memref<1664xi32, #tpu.memory_space<hbm>>
    %dma_start3A_182 = tpu.memref_slice %arg2[%add3A_180] : memref<1600000xi32, #tpu.memory_space<hbm>> -> memref<1664xi32, #tpu.memory_space<hbm>>
    tpu.enqueue_dma source(%dma_start3A_182 : memref<1664xi32, #tpu.memory_space<hbm>>) target(%arg9 : memref<1664xi32, #tpu.memory_space<vmem>>) target_semaphore(%arg24 : memref<!tpu.dma_semaphore, #tpu.memory_space<semaphore_mem>>)
    %add3A_183 = arith.constant 13312 : i32
    %add3A_184 = arith.addi %mul3A_4, %add3A_183 : i32
    %dma_start3A_185 = tpu.memref_slice %arg3[%add3A_184] : memref<1600000xi32, #tpu.memory_space<hbm>> -> memref<1664xi32, #tpu.memory_space<hbm>>
    %dma_start3A_186 = tpu.memref_slice %arg3[%add3A_184] : memref<1600000xi32, #tpu.memory_space<hbm>> -> memref<1664xi32, #tpu.memory_space<hbm>>
    tpu.enqueue_dma source(%dma_start3A_186 : memref<1664xi32, #tpu.memory_space<hbm>>) target(%arg12 : memref<1664xi32, #tpu.memory_space<vmem>>) target_semaphore(%arg27 : memref<!tpu.dma_semaphore, #tpu.memory_space<semaphore_mem>>)
    %dma_wait3A_187 = tpu.memref_slice %arg2[%add3A_157] : memref<1600000xi32, #tpu.memory_space<hbm>> -> memref<1664xi32, #tpu.memory_space<hbm>>
    %dma_wait3A_188 = tpu.memref_slice %arg2[%add3A_157] : memref<1600000xi32, #tpu.memory_space<hbm>> -> memref<1664xi32, #tpu.memory_space<hbm>>
    tpu.wait_dma2 semaphore(%arg23 : memref<!tpu.dma_semaphore, #tpu.memory_space<semaphore_mem>>) src(%dma_wait3A_188 : memref<1664xi32, #tpu.memory_space<hbm>>) dst(%arg8 : memref<1664xi32, #tpu.memory_space<vmem>>)
    %scan3A_189 = arith.constant 0 : i32
    %scan3A_190 = arith.constant 0 : i32
    %scan3A_191 = arith.constant 104 : i32
    %scan3A_192 = arith.addi %scan3A_190, %scan3A_191 : i32
    %scan3A_193 = arith.constant 1 : i32
    %scan3A_194 = scf.for %scan3A_716 = %scan3A_190 to %scan3A_192 step %scan3A_193 iter_args(%scan3A_717 = %scan3A_189) -> (i32)  : i32 {
      %mul3A_718 = arith.constant 16 : i32
      %mul3A_719 = arith.muli %scan3A_716, %mul3A_718 : i32
      %get3A = arith.index_cast %mul3A_719 : i32 to index
      %get3A_720 = tpu.vector_load %arg8[%get3A] {strides = array<i32>} : memref<1664xi32, #tpu.memory_space<vmem>>, vector<16xi32>,
      %gather3A = tpu.vector_load_idx %arg19[%get3A_720] : memref<100000xf32, #tpu.memory_space<vmem>>[vector<16xi32>], vector<16xf32>,
      %mul3A_721 = arith.constant 16 : i32
      %mul3A_722 = arith.muli %scan3A_716, %mul3A_721 : i32
      %swap3A = arith.index_cast %mul3A_722 : i32 to index
      %swap3A_723 = tpu.vector_load %arg14[%swap3A] {strides = array<i32>} : memref<1664xf32, #tpu.memory_space<vmem>>, vector<16xf32>,
      %swap3A_724 = vector.shape_cast %swap3A_723 : vector<16xf32> to vector<16xf32>
      %swap3A_725 = vector.shape_cast %gather3A : vector<16xf32> to vector<16xf32>
      tpu.vector_store %arg14[%swap3A], %swap3A_725 {strides = array<i32>} : memref<1664xf32, #tpu.memory_space<vmem>>, vector<16xf32>,
      %scan3A_726 = arith.constant 0 : i32
      scf.yield %scan3A_726 : i32
    }
    %scan3A_195 = arith.constant 104 : i32
    %dma_wait3A_196 = tpu.memref_slice %arg3[%add3A_161] : memref<1600000xi32, #tpu.memory_space<hbm>> -> memref<1664xi32, #tpu.memory_space<hbm>>
    %dma_wait3A_197 = tpu.memref_slice %arg3[%add3A_161] : memref<1600000xi32, #tpu.memory_space<hbm>> -> memref<1664xi32, #tpu.memory_space<hbm>>
    tpu.wait_dma2 semaphore(%arg26 : memref<!tpu.dma_semaphore, #tpu.memory_space<semaphore_mem>>) src(%dma_wait3A_197 : memref<1664xi32, #tpu.memory_space<hbm>>) dst(%arg11 : memref<1664xi32, #tpu.memory_space<vmem>>)
    %dma_start3A_198 = arith.constant 0 : i32
    %dma_start3A_199 = tpu.memref_slice %arg21[%dma_start3A_198] : memref<100096xf32, #tpu.memory_space<vmem_shared>> -> memref<100096xf32, #tpu.memory_space<vmem_shared>>
    tpu.enqueue_indirect_dma source(%arg14 : memref<1664xf32, #tpu.memory_space<vmem>>) target(%dma_start3A_199 : memref<100096xf32, #tpu.memory_space<vmem_shared>>) offsets(%arg11 : memref<1664xi32, #tpu.memory_space<vmem>>) semaphore(%arg29 : memref<!tpu.dma_semaphore, #tpu.memory_space<semaphore_mem>>) {add = true}
    %dma_wait3A_200 = arith.constant 0 : i32
    %dma_wait3A_201 = tpu.memref_slice %arg21[%dma_wait3A_200] : memref<100096xf32, #tpu.memory_space<vmem_shared>> -> memref<100096xf32, #tpu.memory_space<vmem_shared>>
    tpu.wait_indirect_dma semaphore(%arg28 : memref<!tpu.dma_semaphore, #tpu.memory_space<semaphore_mem>>) src(%arg13 : memref<1664xf32, #tpu.memory_space<vmem>>) dst(%dma_wait3A_201 : memref<100096xf32, #tpu.memory_space<vmem_shared>>)
    %add3A_202 = arith.constant 14976 : i32
    %add3A_203 = arith.addi %mul3A_4, %add3A_202 : i32
    %dma_start3A_204 = tpu.memref_slice %arg2[%add3A_203] : memref<1600000xi32, #tpu.memory_space<hbm>> -> memref<1664xi32, #tpu.memory_space<hbm>>
    %dma_start3A_205 = tpu.memref_slice %arg2[%add3A_203] : memref<1600000xi32, #tpu.memory_space<hbm>> -> memref<1664xi32, #tpu.memory_space<hbm>>
    tpu.enqueue_dma source(%dma_start3A_205 : memref<1664xi32, #tpu.memory_space<hbm>>) target(%arg7 : memref<1664xi32, #tpu.memory_space<vmem>>) target_semaphore(%arg22 : memref<!tpu.dma_semaphore, #tpu.memory_space<semaphore_mem>>)
    %add3A_206 = arith.constant 14976 : i32
    %add3A_207 = arith.addi %mul3A_4, %add3A_206 : i32
    %dma_start3A_208 = tpu.memref_slice %arg3[%add3A_207] : memref<1600000xi32, #tpu.memory_space<hbm>> -> memref<1664xi32, #tpu.memory_space<hbm>>
    %dma_start3A_209 = tpu.memref_slice %arg3[%add3A_207] : memref<1600000xi32, #tpu.memory_space<hbm>> -> memref<1664xi32, #tpu.memory_space<hbm>>
    tpu.enqueue_dma source(%dma_start3A_209 : memref<1664xi32, #tpu.memory_space<hbm>>) target(%arg10 : memref<1664xi32, #tpu.memory_space<vmem>>) target_semaphore(%arg25 : memref<!tpu.dma_semaphore, #tpu.memory_space<semaphore_mem>>)
    %dma_wait3A_210 = tpu.memref_slice %arg2[%add3A_180] : memref<1600000xi32, #tpu.memory_space<hbm>> -> memref<1664xi32, #tpu.memory_space<hbm>>
    %dma_wait3A_211 = tpu.memref_slice %arg2[%add3A_180] : memref<1600000xi32, #tpu.memory_space<hbm>> -> memref<1664xi32, #tpu.memory_space<hbm>>
    tpu.wait_dma2 semaphore(%arg24 : memref<!tpu.dma_semaphore, #tpu.memory_space<semaphore_mem>>) src(%dma_wait3A_211 : memref<1664xi32, #tpu.memory_space<hbm>>) dst(%arg9 : memref<1664xi32, #tpu.memory_space<vmem>>)
    %scan3A_212 = arith.constant 0 : i32
    %scan3A_213 = arith.constant 0 : i32
    %scan3A_214 = arith.constant 104 : i32
    %scan3A_215 = arith.addi %scan3A_213, %scan3A_214 : i32
    %scan3A_216 = arith.constant 1 : i32
    %scan3A_217 = scf.for %scan3A_716 = %scan3A_213 to %scan3A_215 step %scan3A_216 iter_args(%scan3A_717 = %scan3A_212) -> (i32)  : i32 {
      %mul3A_718 = arith.constant 16 : i32
      %mul3A_719 = arith.muli %scan3A_716, %mul3A_718 : i32
      %get3A = arith.index_cast %mul3A_719 : i32 to index
      %get3A_720 = tpu.vector_load %arg9[%get3A] {strides = array<i32>} : memref<1664xi32, #tpu.memory_space<vmem>>, vector<16xi32>,
      %gather3A = tpu.vector_load_idx %arg19[%get3A_720] : memref<100000xf32, #tpu.memory_space<vmem>>[vector<16xi32>], vector<16xf32>,
      %mul3A_721 = arith.constant 16 : i32
      %mul3A_722 = arith.muli %scan3A_716, %mul3A_721 : i32
      %swap3A = arith.index_cast %mul3A_722 : i32 to index
      %swap3A_723 = tpu.vector_load %arg15[%swap3A] {strides = array<i32>} : memref<1664xf32, #tpu.memory_space<vmem>>, vector<16xf32>,
      %swap3A_724 = vector.shape_cast %swap3A_723 : vector<16xf32> to vector<16xf32>
      %swap3A_725 = vector.shape_cast %gather3A : vector<16xf32> to vector<16xf32>
      tpu.vector_store %arg15[%swap3A], %swap3A_725 {strides = array<i32>} : memref<1664xf32, #tpu.memory_space<vmem>>, vector<16xf32>,
      %scan3A_726 = arith.constant 0 : i32
      scf.yield %scan3A_726 : i32
    }
    %scan3A_218 = arith.constant 104 : i32
    %dma_wait3A_219 = tpu.memref_slice %arg3[%add3A_184] : memref<1600000xi32, #tpu.memory_space<hbm>> -> memref<1664xi32, #tpu.memory_space<hbm>>
    %dma_wait3A_220 = tpu.memref_slice %arg3[%add3A_184] : memref<1600000xi32, #tpu.memory_space<hbm>> -> memref<1664xi32, #tpu.memory_space<hbm>>
    tpu.wait_dma2 semaphore(%arg27 : memref<!tpu.dma_semaphore, #tpu.memory_space<semaphore_mem>>) src(%dma_wait3A_220 : memref<1664xi32, #tpu.memory_space<hbm>>) dst(%arg12 : memref<1664xi32, #tpu.memory_space<vmem>>)
    %dma_start3A_221 = arith.constant 0 : i32
    %dma_start3A_222 = tpu.memref_slice %arg21[%dma_start3A_221] : memref<100096xf32, #tpu.memory_space<vmem_shared>> -> memref<100096xf32, #tpu.memory_space<vmem_shared>>
    tpu.enqueue_indirect_dma source(%arg15 : memref<1664xf32, #tpu.memory_space<vmem>>) target(%dma_start3A_222 : memref<100096xf32, #tpu.memory_space<vmem_shared>>) offsets(%arg12 : memref<1664xi32, #tpu.memory_space<vmem>>) semaphore(%arg30 : memref<!tpu.dma_semaphore, #tpu.memory_space<semaphore_mem>>) {add = true}
    %dma_wait3A_223 = arith.constant 0 : i32
    %dma_wait3A_224 = tpu.memref_slice %arg21[%dma_wait3A_223] : memref<100096xf32, #tpu.memory_space<vmem_shared>> -> memref<100096xf32, #tpu.memory_space<vmem_shared>>
    tpu.wait_indirect_dma semaphore(%arg29 : memref<!tpu.dma_semaphore, #tpu.memory_space<semaphore_mem>>) src(%arg14 : memref<1664xf32, #tpu.memory_space<vmem>>) dst(%dma_wait3A_224 : memref<100096xf32, #tpu.memory_space<vmem_shared>>)
    %add3A_225 = arith.constant 16640 : i32
    %add3A_226 = arith.addi %mul3A_4, %add3A_225 : i32
    %dma_start3A_227 = tpu.memref_slice %arg2[%add3A_226] : memref<1600000xi32, #tpu.memory_space<hbm>> -> memref<1664xi32, #tpu.memory_space<hbm>>
    %dma_start3A_228 = tpu.memref_slice %arg2[%add3A_226] : memref<1600000xi32, #tpu.memory_space<hbm>> -> memref<1664xi32, #tpu.memory_space<hbm>>
    tpu.enqueue_dma source(%dma_start3A_228 : memref<1664xi32, #tpu.memory_space<hbm>>) target(%arg8 : memref<1664xi32, #tpu.memory_space<vmem>>) target_semaphore(%arg23 : memref<!tpu.dma_semaphore, #tpu.memory_space<semaphore_mem>>)
    %add3A_229 = arith.constant 16640 : i32
    %add3A_230 = arith.addi %mul3A_4, %add3A_229 : i32
    %dma_start3A_231 = tpu.memref_slice %arg3[%add3A_230] : memref<1600000xi32, #tpu.memory_space<hbm>> -> memref<1664xi32, #tpu.memory_space<hbm>>
    %dma_start3A_232 = tpu.memref_slice %arg3[%add3A_230] : memref<1600000xi32, #tpu.memory_space<hbm>> -> memref<1664xi32, #tpu.memory_space<hbm>>
    tpu.enqueue_dma source(%dma_start3A_232 : memref<1664xi32, #tpu.memory_space<hbm>>) target(%arg11 : memref<1664xi32, #tpu.memory_space<vmem>>) target_semaphore(%arg26 : memref<!tpu.dma_semaphore, #tpu.memory_space<semaphore_mem>>)
    %dma_wait3A_233 = tpu.memref_slice %arg2[%add3A_203] : memref<1600000xi32, #tpu.memory_space<hbm>> -> memref<1664xi32, #tpu.memory_space<hbm>>
    %dma_wait3A_234 = tpu.memref_slice %arg2[%add3A_203] : memref<1600000xi32, #tpu.memory_space<hbm>> -> memref<1664xi32, #tpu.memory_space<hbm>>
    tpu.wait_dma2 semaphore(%arg22 : memref<!tpu.dma_semaphore, #tpu.memory_space<semaphore_mem>>) src(%dma_wait3A_234 : memref<1664xi32, #tpu.memory_space<hbm>>) dst(%arg7 : memref<1664xi32, #tpu.memory_space<vmem>>)
    %scan3A_235 = arith.constant 0 : i32
    %scan3A_236 = arith.constant 0 : i32
    %scan3A_237 = arith.constant 104 : i32
    %scan3A_238 = arith.addi %scan3A_236, %scan3A_237 : i32
    %scan3A_239 = arith.constant 1 : i32
    %scan3A_240 = scf.for %scan3A_716 = %scan3A_236 to %scan3A_238 step %scan3A_239 iter_args(%scan3A_717 = %scan3A_235) -> (i32)  : i32 {
      %mul3A_718 = arith.constant 16 : i32
      %mul3A_719 = arith.muli %scan3A_716, %mul3A_718 : i32
      %get3A = arith.index_cast %mul3A_719 : i32 to index
      %get3A_720 = tpu.vector_load %arg7[%get3A] {strides = array<i32>} : memref<1664xi32, #tpu.memory_space<vmem>>, vector<16xi32>,
      %gather3A = tpu.vector_load_idx %arg19[%get3A_720] : memref<100000xf32, #tpu.memory_space<vmem>>[vector<16xi32>], vector<16xf32>,
      %mul3A_721 = arith.constant 16 : i32
      %mul3A_722 = arith.muli %scan3A_716, %mul3A_721 : i32
      %swap3A = arith.index_cast %mul3A_722 : i32 to index
      %swap3A_723 = tpu.vector_load %arg13[%swap3A] {strides = array<i32>} : memref<1664xf32, #tpu.memory_space<vmem>>, vector<16xf32>,
      %swap3A_724 = vector.shape_cast %swap3A_723 : vector<16xf32> to vector<16xf32>
      %swap3A_725 = vector.shape_cast %gather3A : vector<16xf32> to vector<16xf32>
      tpu.vector_store %arg13[%swap3A], %swap3A_725 {strides = array<i32>} : memref<1664xf32, #tpu.memory_space<vmem>>, vector<16xf32>,
      %scan3A_726 = arith.constant 0 : i32
      scf.yield %scan3A_726 : i32
    }
    %scan3A_241 = arith.constant 104 : i32
    %dma_wait3A_242 = tpu.memref_slice %arg3[%add3A_207] : memref<1600000xi32, #tpu.memory_space<hbm>> -> memref<1664xi32, #tpu.memory_space<hbm>>
    %dma_wait3A_243 = tpu.memref_slice %arg3[%add3A_207] : memref<1600000xi32, #tpu.memory_space<hbm>> -> memref<1664xi32, #tpu.memory_space<hbm>>
    tpu.wait_dma2 semaphore(%arg25 : memref<!tpu.dma_semaphore, #tpu.memory_space<semaphore_mem>>) src(%dma_wait3A_243 : memref<1664xi32, #tpu.memory_space<hbm>>) dst(%arg10 : memref<1664xi32, #tpu.memory_space<vmem>>)
    %dma_start3A_244 = arith.constant 0 : i32
    %dma_start3A_245 = tpu.memref_slice %arg21[%dma_start3A_244] : memref<100096xf32, #tpu.memory_space<vmem_shared>> -> memref<100096xf32, #tpu.memory_space<vmem_shared>>
    tpu.enqueue_indirect_dma source(%arg13 : memref<1664xf32, #tpu.memory_space<vmem>>) target(%dma_start3A_245 : memref<100096xf32, #tpu.memory_space<vmem_shared>>) offsets(%arg10 : memref<1664xi32, #tpu.memory_space<vmem>>) semaphore(%arg28 : memref<!tpu.dma_semaphore, #tpu.memory_space<semaphore_mem>>) {add = true}
    %dma_wait3A_246 = arith.constant 0 : i32
    %dma_wait3A_247 = tpu.memref_slice %arg21[%dma_wait3A_246] : memref<100096xf32, #tpu.memory_space<vmem_shared>> -> memref<100096xf32, #tpu.memory_space<vmem_shared>>
    tpu.wait_indirect_dma semaphore(%arg30 : memref<!tpu.dma_semaphore, #tpu.memory_space<semaphore_mem>>) src(%arg15 : memref<1664xf32, #tpu.memory_space<vmem>>) dst(%dma_wait3A_247 : memref<100096xf32, #tpu.memory_space<vmem_shared>>)
    %add3A_248 = arith.constant 18304 : i32
    %add3A_249 = arith.addi %mul3A_4, %add3A_248 : i32
    %dma_start3A_250 = tpu.memref_slice %arg2[%add3A_249] : memref<1600000xi32, #tpu.memory_space<hbm>> -> memref<1664xi32, #tpu.memory_space<hbm>>
    %dma_start3A_251 = tpu.memref_slice %arg2[%add3A_249] : memref<1600000xi32, #tpu.memory_space<hbm>> -> memref<1664xi32, #tpu.memory_space<hbm>>
    tpu.enqueue_dma source(%dma_start3A_251 : memref<1664xi32, #tpu.memory_space<hbm>>) target(%arg9 : memref<1664xi32, #tpu.memory_space<vmem>>) target_semaphore(%arg24 : memref<!tpu.dma_semaphore, #tpu.memory_space<semaphore_mem>>)
    %add3A_252 = arith.constant 18304 : i32
    %add3A_253 = arith.addi %mul3A_4, %add3A_252 : i32
    %dma_start3A_254 = tpu.memref_slice %arg3[%add3A_253] : memref<1600000xi32, #tpu.memory_space<hbm>> -> memref<1664xi32, #tpu.memory_space<hbm>>
    %dma_start3A_255 = tpu.memref_slice %arg3[%add3A_253] : memref<1600000xi32, #tpu.memory_space<hbm>> -> memref<1664xi32, #tpu.memory_space<hbm>>
    tpu.enqueue_dma source(%dma_start3A_255 : memref<1664xi32, #tpu.memory_space<hbm>>) target(%arg12 : memref<1664xi32, #tpu.memory_space<vmem>>) target_semaphore(%arg27 : memref<!tpu.dma_semaphore, #tpu.memory_space<semaphore_mem>>)
    %dma_wait3A_256 = tpu.memref_slice %arg2[%add3A_226] : memref<1600000xi32, #tpu.memory_space<hbm>> -> memref<1664xi32, #tpu.memory_space<hbm>>
    %dma_wait3A_257 = tpu.memref_slice %arg2[%add3A_226] : memref<1600000xi32, #tpu.memory_space<hbm>> -> memref<1664xi32, #tpu.memory_space<hbm>>
    tpu.wait_dma2 semaphore(%arg23 : memref<!tpu.dma_semaphore, #tpu.memory_space<semaphore_mem>>) src(%dma_wait3A_257 : memref<1664xi32, #tpu.memory_space<hbm>>) dst(%arg8 : memref<1664xi32, #tpu.memory_space<vmem>>)
    %scan3A_258 = arith.constant 0 : i32
    %scan3A_259 = arith.constant 0 : i32
    %scan3A_260 = arith.constant 104 : i32
    %scan3A_261 = arith.addi %scan3A_259, %scan3A_260 : i32
    %scan3A_262 = arith.constant 1 : i32
    %scan3A_263 = scf.for %scan3A_716 = %scan3A_259 to %scan3A_261 step %scan3A_262 iter_args(%scan3A_717 = %scan3A_258) -> (i32)  : i32 {
      %mul3A_718 = arith.constant 16 : i32
      %mul3A_719 = arith.muli %scan3A_716, %mul3A_718 : i32
      %get3A = arith.index_cast %mul3A_719 : i32 to index
      %get3A_720 = tpu.vector_load %arg8[%get3A] {strides = array<i32>} : memref<1664xi32, #tpu.memory_space<vmem>>, vector<16xi32>,
      %gather3A = tpu.vector_load_idx %arg19[%get3A_720] : memref<100000xf32, #tpu.memory_space<vmem>>[vector<16xi32>], vector<16xf32>,
      %mul3A_721 = arith.constant 16 : i32
      %mul3A_722 = arith.muli %scan3A_716, %mul3A_721 : i32
      %swap3A = arith.index_cast %mul3A_722 : i32 to index
      %swap3A_723 = tpu.vector_load %arg14[%swap3A] {strides = array<i32>} : memref<1664xf32, #tpu.memory_space<vmem>>, vector<16xf32>,
      %swap3A_724 = vector.shape_cast %swap3A_723 : vector<16xf32> to vector<16xf32>
      %swap3A_725 = vector.shape_cast %gather3A : vector<16xf32> to vector<16xf32>
      tpu.vector_store %arg14[%swap3A], %swap3A_725 {strides = array<i32>} : memref<1664xf32, #tpu.memory_space<vmem>>, vector<16xf32>,
      %scan3A_726 = arith.constant 0 : i32
      scf.yield %scan3A_726 : i32
    }
    %scan3A_264 = arith.constant 104 : i32
    %dma_wait3A_265 = tpu.memref_slice %arg3[%add3A_230] : memref<1600000xi32, #tpu.memory_space<hbm>> -> memref<1664xi32, #tpu.memory_space<hbm>>
    %dma_wait3A_266 = tpu.memref_slice %arg3[%add3A_230] : memref<1600000xi32, #tpu.memory_space<hbm>> -> memref<1664xi32, #tpu.memory_space<hbm>>
    tpu.wait_dma2 semaphore(%arg26 : memref<!tpu.dma_semaphore, #tpu.memory_space<semaphore_mem>>) src(%dma_wait3A_266 : memref<1664xi32, #tpu.memory_space<hbm>>) dst(%arg11 : memref<1664xi32, #tpu.memory_space<vmem>>)
    %dma_start3A_267 = arith.constant 0 : i32
    %dma_start3A_268 = tpu.memref_slice %arg21[%dma_start3A_267] : memref<100096xf32, #tpu.memory_space<vmem_shared>> -> memref<100096xf32, #tpu.memory_space<vmem_shared>>
    tpu.enqueue_indirect_dma source(%arg14 : memref<1664xf32, #tpu.memory_space<vmem>>) target(%dma_start3A_268 : memref<100096xf32, #tpu.memory_space<vmem_shared>>) offsets(%arg11 : memref<1664xi32, #tpu.memory_space<vmem>>) semaphore(%arg29 : memref<!tpu.dma_semaphore, #tpu.memory_space<semaphore_mem>>) {add = true}
    %dma_wait3A_269 = arith.constant 0 : i32
    %dma_wait3A_270 = tpu.memref_slice %arg21[%dma_wait3A_269] : memref<100096xf32, #tpu.memory_space<vmem_shared>> -> memref<100096xf32, #tpu.memory_space<vmem_shared>>
    tpu.wait_indirect_dma semaphore(%arg28 : memref<!tpu.dma_semaphore, #tpu.memory_space<semaphore_mem>>) src(%arg13 : memref<1664xf32, #tpu.memory_space<vmem>>) dst(%dma_wait3A_270 : memref<100096xf32, #tpu.memory_space<vmem_shared>>)
    %add3A_271 = arith.constant 19968 : i32
    %add3A_272 = arith.addi %mul3A_4, %add3A_271 : i32
    %dma_start3A_273 = tpu.memref_slice %arg2[%add3A_272] : memref<1600000xi32, #tpu.memory_space<hbm>> -> memref<1664xi32, #tpu.memory_space<hbm>>
    %dma_start3A_274 = tpu.memref_slice %arg2[%add3A_272] : memref<1600000xi32, #tpu.memory_space<hbm>> -> memref<1664xi32, #tpu.memory_space<hbm>>
    tpu.enqueue_dma source(%dma_start3A_274 : memref<1664xi32, #tpu.memory_space<hbm>>) target(%arg7 : memref<1664xi32, #tpu.memory_space<vmem>>) target_semaphore(%arg22 : memref<!tpu.dma_semaphore, #tpu.memory_space<semaphore_mem>>)
    %add3A_275 = arith.constant 19968 : i32
    %add3A_276 = arith.addi %mul3A_4, %add3A_275 : i32
    %dma_start3A_277 = tpu.memref_slice %arg3[%add3A_276] : memref<1600000xi32, #tpu.memory_space<hbm>> -> memref<1664xi32, #tpu.memory_space<hbm>>
    %dma_start3A_278 = tpu.memref_slice %arg3[%add3A_276] : memref<1600000xi32, #tpu.memory_space<hbm>> -> memref<1664xi32, #tpu.memory_space<hbm>>
    tpu.enqueue_dma source(%dma_start3A_278 : memref<1664xi32, #tpu.memory_space<hbm>>) target(%arg10 : memref<1664xi32, #tpu.memory_space<vmem>>) target_semaphore(%arg25 : memref<!tpu.dma_semaphore, #tpu.memory_space<semaphore_mem>>)
    %dma_wait3A_279 = tpu.memref_slice %arg2[%add3A_249] : memref<1600000xi32, #tpu.memory_space<hbm>> -> memref<1664xi32, #tpu.memory_space<hbm>>
    %dma_wait3A_280 = tpu.memref_slice %arg2[%add3A_249] : memref<1600000xi32, #tpu.memory_space<hbm>> -> memref<1664xi32, #tpu.memory_space<hbm>>
    tpu.wait_dma2 semaphore(%arg24 : memref<!tpu.dma_semaphore, #tpu.memory_space<semaphore_mem>>) src(%dma_wait3A_280 : memref<1664xi32, #tpu.memory_space<hbm>>) dst(%arg9 : memref<1664xi32, #tpu.memory_space<vmem>>)
    %scan3A_281 = arith.constant 0 : i32
    %scan3A_282 = arith.constant 0 : i32
    %scan3A_283 = arith.constant 104 : i32
    %scan3A_284 = arith.addi %scan3A_282, %scan3A_283 : i32
    %scan3A_285 = arith.constant 1 : i32
    %scan3A_286 = scf.for %scan3A_716 = %scan3A_282 to %scan3A_284 step %scan3A_285 iter_args(%scan3A_717 = %scan3A_281) -> (i32)  : i32 {
      %mul3A_718 = arith.constant 16 : i32
      %mul3A_719 = arith.muli %scan3A_716, %mul3A_718 : i32
      %get3A = arith.index_cast %mul3A_719 : i32 to index
      %get3A_720 = tpu.vector_load %arg9[%get3A] {strides = array<i32>} : memref<1664xi32, #tpu.memory_space<vmem>>, vector<16xi32>,
      %gather3A = tpu.vector_load_idx %arg19[%get3A_720] : memref<100000xf32, #tpu.memory_space<vmem>>[vector<16xi32>], vector<16xf32>,
      %mul3A_721 = arith.constant 16 : i32
      %mul3A_722 = arith.muli %scan3A_716, %mul3A_721 : i32
      %swap3A = arith.index_cast %mul3A_722 : i32 to index
      %swap3A_723 = tpu.vector_load %arg15[%swap3A] {strides = array<i32>} : memref<1664xf32, #tpu.memory_space<vmem>>, vector<16xf32>,
      %swap3A_724 = vector.shape_cast %swap3A_723 : vector<16xf32> to vector<16xf32>
      %swap3A_725 = vector.shape_cast %gather3A : vector<16xf32> to vector<16xf32>
      tpu.vector_store %arg15[%swap3A], %swap3A_725 {strides = array<i32>} : memref<1664xf32, #tpu.memory_space<vmem>>, vector<16xf32>,
      %scan3A_726 = arith.constant 0 : i32
      scf.yield %scan3A_726 : i32
    }
    %scan3A_287 = arith.constant 104 : i32
    %dma_wait3A_288 = tpu.memref_slice %arg3[%add3A_253] : memref<1600000xi32, #tpu.memory_space<hbm>> -> memref<1664xi32, #tpu.memory_space<hbm>>
    %dma_wait3A_289 = tpu.memref_slice %arg3[%add3A_253] : memref<1600000xi32, #tpu.memory_space<hbm>> -> memref<1664xi32, #tpu.memory_space<hbm>>
    tpu.wait_dma2 semaphore(%arg27 : memref<!tpu.dma_semaphore, #tpu.memory_space<semaphore_mem>>) src(%dma_wait3A_289 : memref<1664xi32, #tpu.memory_space<hbm>>) dst(%arg12 : memref<1664xi32, #tpu.memory_space<vmem>>)
    %dma_start3A_290 = arith.constant 0 : i32
    %dma_start3A_291 = tpu.memref_slice %arg21[%dma_start3A_290] : memref<100096xf32, #tpu.memory_space<vmem_shared>> -> memref<100096xf32, #tpu.memory_space<vmem_shared>>
    tpu.enqueue_indirect_dma source(%arg15 : memref<1664xf32, #tpu.memory_space<vmem>>) target(%dma_start3A_291 : memref<100096xf32, #tpu.memory_space<vmem_shared>>) offsets(%arg12 : memref<1664xi32, #tpu.memory_space<vmem>>) semaphore(%arg30 : memref<!tpu.dma_semaphore, #tpu.memory_space<semaphore_mem>>) {add = true}
    %dma_wait3A_292 = arith.constant 0 : i32
    %dma_wait3A_293 = tpu.memref_slice %arg21[%dma_wait3A_292] : memref<100096xf32, #tpu.memory_space<vmem_shared>> -> memref<100096xf32, #tpu.memory_space<vmem_shared>>
    tpu.wait_indirect_dma semaphore(%arg29 : memref<!tpu.dma_semaphore, #tpu.memory_space<semaphore_mem>>) src(%arg14 : memref<1664xf32, #tpu.memory_space<vmem>>) dst(%dma_wait3A_293 : memref<100096xf32, #tpu.memory_space<vmem_shared>>)
    %add3A_294 = arith.constant 21632 : i32
    %add3A_295 = arith.addi %mul3A_4, %add3A_294 : i32
    %dma_start3A_296 = tpu.memref_slice %arg2[%add3A_295] : memref<1600000xi32, #tpu.memory_space<hbm>> -> memref<1664xi32, #tpu.memory_space<hbm>>
    %dma_start3A_297 = tpu.memref_slice %arg2[%add3A_295] : memref<1600000xi32, #tpu.memory_space<hbm>> -> memref<1664xi32, #tpu.memory_space<hbm>>
    tpu.enqueue_dma source(%dma_start3A_297 : memref<1664xi32, #tpu.memory_space<hbm>>) target(%arg8 : memref<1664xi32, #tpu.memory_space<vmem>>) target_semaphore(%arg23 : memref<!tpu.dma_semaphore, #tpu.memory_space<semaphore_mem>>)
    %add3A_298 = arith.constant 21632 : i32
    %add3A_299 = arith.addi %mul3A_4, %add3A_298 : i32
    %dma_start3A_300 = tpu.memref_slice %arg3[%add3A_299] : memref<1600000xi32, #tpu.memory_space<hbm>> -> memref<1664xi32, #tpu.memory_space<hbm>>
    %dma_start3A_301 = tpu.memref_slice %arg3[%add3A_299] : memref<1600000xi32, #tpu.memory_space<hbm>> -> memref<1664xi32, #tpu.memory_space<hbm>>
    tpu.enqueue_dma source(%dma_start3A_301 : memref<1664xi32, #tpu.memory_space<hbm>>) target(%arg11 : memref<1664xi32, #tpu.memory_space<vmem>>) target_semaphore(%arg26 : memref<!tpu.dma_semaphore, #tpu.memory_space<semaphore_mem>>)
    %dma_wait3A_302 = tpu.memref_slice %arg2[%add3A_272] : memref<1600000xi32, #tpu.memory_space<hbm>> -> memref<1664xi32, #tpu.memory_space<hbm>>
    %dma_wait3A_303 = tpu.memref_slice %arg2[%add3A_272] : memref<1600000xi32, #tpu.memory_space<hbm>> -> memref<1664xi32, #tpu.memory_space<hbm>>
    tpu.wait_dma2 semaphore(%arg22 : memref<!tpu.dma_semaphore, #tpu.memory_space<semaphore_mem>>) src(%dma_wait3A_303 : memref<1664xi32, #tpu.memory_space<hbm>>) dst(%arg7 : memref<1664xi32, #tpu.memory_space<vmem>>)
    %scan3A_304 = arith.constant 0 : i32
    %scan3A_305 = arith.constant 0 : i32
    %scan3A_306 = arith.constant 104 : i32
    %scan3A_307 = arith.addi %scan3A_305, %scan3A_306 : i32
    %scan3A_308 = arith.constant 1 : i32
    %scan3A_309 = scf.for %scan3A_716 = %scan3A_305 to %scan3A_307 step %scan3A_308 iter_args(%scan3A_717 = %scan3A_304) -> (i32)  : i32 {
      %mul3A_718 = arith.constant 16 : i32
      %mul3A_719 = arith.muli %scan3A_716, %mul3A_718 : i32
      %get3A = arith.index_cast %mul3A_719 : i32 to index
      %get3A_720 = tpu.vector_load %arg7[%get3A] {strides = array<i32>} : memref<1664xi32, #tpu.memory_space<vmem>>, vector<16xi32>,
      %gather3A = tpu.vector_load_idx %arg19[%get3A_720] : memref<100000xf32, #tpu.memory_space<vmem>>[vector<16xi32>], vector<16xf32>,
      %mul3A_721 = arith.constant 16 : i32
      %mul3A_722 = arith.muli %scan3A_716, %mul3A_721 : i32
      %swap3A = arith.index_cast %mul3A_722 : i32 to index
      %swap3A_723 = tpu.vector_load %arg13[%swap3A] {strides = array<i32>} : memref<1664xf32, #tpu.memory_space<vmem>>, vector<16xf32>,
      %swap3A_724 = vector.shape_cast %swap3A_723 : vector<16xf32> to vector<16xf32>
      %swap3A_725 = vector.shape_cast %gather3A : vector<16xf32> to vector<16xf32>
      tpu.vector_store %arg13[%swap3A], %swap3A_725 {strides = array<i32>} : memref<1664xf32, #tpu.memory_space<vmem>>, vector<16xf32>,
      %scan3A_726 = arith.constant 0 : i32
      scf.yield %scan3A_726 : i32
    }
    %scan3A_310 = arith.constant 104 : i32
    %dma_wait3A_311 = tpu.memref_slice %arg3[%add3A_276] : memref<1600000xi32, #tpu.memory_space<hbm>> -> memref<1664xi32, #tpu.memory_space<hbm>>
    %dma_wait3A_312 = tpu.memref_slice %arg3[%add3A_276] : memref<1600000xi32, #tpu.memory_space<hbm>> -> memref<1664xi32, #tpu.memory_space<hbm>>
    tpu.wait_dma2 semaphore(%arg25 : memref<!tpu.dma_semaphore, #tpu.memory_space<semaphore_mem>>) src(%dma_wait3A_312 : memref<1664xi32, #tpu.memory_space<hbm>>) dst(%arg10 : memref<1664xi32, #tpu.memory_space<vmem>>)
    %dma_start3A_313 = arith.constant 0 : i32
    %dma_start3A_314 = tpu.memref_slice %arg21[%dma_start3A_313] : memref<100096xf32, #tpu.memory_space<vmem_shared>> -> memref<100096xf32, #tpu.memory_space<vmem_shared>>
    tpu.enqueue_indirect_dma source(%arg13 : memref<1664xf32, #tpu.memory_space<vmem>>) target(%dma_start3A_314 : memref<100096xf32, #tpu.memory_space<vmem_shared>>) offsets(%arg10 : memref<1664xi32, #tpu.memory_space<vmem>>) semaphore(%arg28 : memref<!tpu.dma_semaphore, #tpu.memory_space<semaphore_mem>>) {add = true}
    %dma_wait3A_315 = arith.constant 0 : i32
    %dma_wait3A_316 = tpu.memref_slice %arg21[%dma_wait3A_315] : memref<100096xf32, #tpu.memory_space<vmem_shared>> -> memref<100096xf32, #tpu.memory_space<vmem_shared>>
    tpu.wait_indirect_dma semaphore(%arg30 : memref<!tpu.dma_semaphore, #tpu.memory_space<semaphore_mem>>) src(%arg15 : memref<1664xf32, #tpu.memory_space<vmem>>) dst(%dma_wait3A_316 : memref<100096xf32, #tpu.memory_space<vmem_shared>>)
    %add3A_317 = arith.constant 23296 : i32
    %add3A_318 = arith.addi %mul3A_4, %add3A_317 : i32
    %dma_start3A_319 = tpu.memref_slice %arg2[%add3A_318] : memref<1600000xi32, #tpu.memory_space<hbm>> -> memref<1664xi32, #tpu.memory_space<hbm>>
    %dma_start3A_320 = tpu.memref_slice %arg2[%add3A_318] : memref<1600000xi32, #tpu.memory_space<hbm>> -> memref<1664xi32, #tpu.memory_space<hbm>>
    tpu.enqueue_dma source(%dma_start3A_320 : memref<1664xi32, #tpu.memory_space<hbm>>) target(%arg9 : memref<1664xi32, #tpu.memory_space<vmem>>) target_semaphore(%arg24 : memref<!tpu.dma_semaphore, #tpu.memory_space<semaphore_mem>>)
    %add3A_321 = arith.constant 23296 : i32
    %add3A_322 = arith.addi %mul3A_4, %add3A_321 : i32
    %dma_start3A_323 = tpu.memref_slice %arg3[%add3A_322] : memref<1600000xi32, #tpu.memory_space<hbm>> -> memref<1664xi32, #tpu.memory_space<hbm>>
    %dma_start3A_324 = tpu.memref_slice %arg3[%add3A_322] : memref<1600000xi32, #tpu.memory_space<hbm>> -> memref<1664xi32, #tpu.memory_space<hbm>>
    tpu.enqueue_dma source(%dma_start3A_324 : memref<1664xi32, #tpu.memory_space<hbm>>) target(%arg12 : memref<1664xi32, #tpu.memory_space<vmem>>) target_semaphore(%arg27 : memref<!tpu.dma_semaphore, #tpu.memory_space<semaphore_mem>>)
    %dma_wait3A_325 = tpu.memref_slice %arg2[%add3A_295] : memref<1600000xi32, #tpu.memory_space<hbm>> -> memref<1664xi32, #tpu.memory_space<hbm>>
    %dma_wait3A_326 = tpu.memref_slice %arg2[%add3A_295] : memref<1600000xi32, #tpu.memory_space<hbm>> -> memref<1664xi32, #tpu.memory_space<hbm>>
    tpu.wait_dma2 semaphore(%arg23 : memref<!tpu.dma_semaphore, #tpu.memory_space<semaphore_mem>>) src(%dma_wait3A_326 : memref<1664xi32, #tpu.memory_space<hbm>>) dst(%arg8 : memref<1664xi32, #tpu.memory_space<vmem>>)
    %scan3A_327 = arith.constant 0 : i32
    %scan3A_328 = arith.constant 0 : i32
    %scan3A_329 = arith.constant 104 : i32
    %scan3A_330 = arith.addi %scan3A_328, %scan3A_329 : i32
    %scan3A_331 = arith.constant 1 : i32
    %scan3A_332 = scf.for %scan3A_716 = %scan3A_328 to %scan3A_330 step %scan3A_331 iter_args(%scan3A_717 = %scan3A_327) -> (i32)  : i32 {
      %mul3A_718 = arith.constant 16 : i32
      %mul3A_719 = arith.muli %scan3A_716, %mul3A_718 : i32
      %get3A = arith.index_cast %mul3A_719 : i32 to index
      %get3A_720 = tpu.vector_load %arg8[%get3A] {strides = array<i32>} : memref<1664xi32, #tpu.memory_space<vmem>>, vector<16xi32>,
      %gather3A = tpu.vector_load_idx %arg19[%get3A_720] : memref<100000xf32, #tpu.memory_space<vmem>>[vector<16xi32>], vector<16xf32>,
      %mul3A_721 = arith.constant 16 : i32
      %mul3A_722 = arith.muli %scan3A_716, %mul3A_721 : i32
      %swap3A = arith.index_cast %mul3A_722 : i32 to index
      %swap3A_723 = tpu.vector_load %arg14[%swap3A] {strides = array<i32>} : memref<1664xf32, #tpu.memory_space<vmem>>, vector<16xf32>,
      %swap3A_724 = vector.shape_cast %swap3A_723 : vector<16xf32> to vector<16xf32>
      %swap3A_725 = vector.shape_cast %gather3A : vector<16xf32> to vector<16xf32>
      tpu.vector_store %arg14[%swap3A], %swap3A_725 {strides = array<i32>} : memref<1664xf32, #tpu.memory_space<vmem>>, vector<16xf32>,
      %scan3A_726 = arith.constant 0 : i32
      scf.yield %scan3A_726 : i32
    }
    %scan3A_333 = arith.constant 104 : i32
    %dma_wait3A_334 = tpu.memref_slice %arg3[%add3A_299] : memref<1600000xi32, #tpu.memory_space<hbm>> -> memref<1664xi32, #tpu.memory_space<hbm>>
    %dma_wait3A_335 = tpu.memref_slice %arg3[%add3A_299] : memref<1600000xi32, #tpu.memory_space<hbm>> -> memref<1664xi32, #tpu.memory_space<hbm>>
    tpu.wait_dma2 semaphore(%arg26 : memref<!tpu.dma_semaphore, #tpu.memory_space<semaphore_mem>>) src(%dma_wait3A_335 : memref<1664xi32, #tpu.memory_space<hbm>>) dst(%arg11 : memref<1664xi32, #tpu.memory_space<vmem>>)
    %dma_start3A_336 = arith.constant 0 : i32
    %dma_start3A_337 = tpu.memref_slice %arg21[%dma_start3A_336] : memref<100096xf32, #tpu.memory_space<vmem_shared>> -> memref<100096xf32, #tpu.memory_space<vmem_shared>>
    tpu.enqueue_indirect_dma source(%arg14 : memref<1664xf32, #tpu.memory_space<vmem>>) target(%dma_start3A_337 : memref<100096xf32, #tpu.memory_space<vmem_shared>>) offsets(%arg11 : memref<1664xi32, #tpu.memory_space<vmem>>) semaphore(%arg29 : memref<!tpu.dma_semaphore, #tpu.memory_space<semaphore_mem>>) {add = true}
    %dma_wait3A_338 = arith.constant 0 : i32
    %dma_wait3A_339 = tpu.memref_slice %arg21[%dma_wait3A_338] : memref<100096xf32, #tpu.memory_space<vmem_shared>> -> memref<100096xf32, #tpu.memory_space<vmem_shared>>
    tpu.wait_indirect_dma semaphore(%arg28 : memref<!tpu.dma_semaphore, #tpu.memory_space<semaphore_mem>>) src(%arg13 : memref<1664xf32, #tpu.memory_space<vmem>>) dst(%dma_wait3A_339 : memref<100096xf32, #tpu.memory_space<vmem_shared>>)
    %add3A_340 = arith.constant 24960 : i32
    %add3A_341 = arith.addi %mul3A_4, %add3A_340 : i32
    %dma_start3A_342 = tpu.memref_slice %arg2[%add3A_341] : memref<1600000xi32, #tpu.memory_space<hbm>> -> memref<1664xi32, #tpu.memory_space<hbm>>
    %dma_start3A_343 = tpu.memref_slice %arg2[%add3A_341] : memref<1600000xi32, #tpu.memory_space<hbm>> -> memref<1664xi32, #tpu.memory_space<hbm>>
    tpu.enqueue_dma source(%dma_start3A_343 : memref<1664xi32, #tpu.memory_space<hbm>>) target(%arg7 : memref<1664xi32, #tpu.memory_space<vmem>>) target_semaphore(%arg22 : memref<!tpu.dma_semaphore, #tpu.memory_space<semaphore_mem>>)
    %add3A_344 = arith.constant 24960 : i32
    %add3A_345 = arith.addi %mul3A_4, %add3A_344 : i32
    %dma_start3A_346 = tpu.memref_slice %arg3[%add3A_345] : memref<1600000xi32, #tpu.memory_space<hbm>> -> memref<1664xi32, #tpu.memory_space<hbm>>
    %dma_start3A_347 = tpu.memref_slice %arg3[%add3A_345] : memref<1600000xi32, #tpu.memory_space<hbm>> -> memref<1664xi32, #tpu.memory_space<hbm>>
    tpu.enqueue_dma source(%dma_start3A_347 : memref<1664xi32, #tpu.memory_space<hbm>>) target(%arg10 : memref<1664xi32, #tpu.memory_space<vmem>>) target_semaphore(%arg25 : memref<!tpu.dma_semaphore, #tpu.memory_space<semaphore_mem>>)
    %dma_wait3A_348 = tpu.memref_slice %arg2[%add3A_318] : memref<1600000xi32, #tpu.memory_space<hbm>> -> memref<1664xi32, #tpu.memory_space<hbm>>
    %dma_wait3A_349 = tpu.memref_slice %arg2[%add3A_318] : memref<1600000xi32, #tpu.memory_space<hbm>> -> memref<1664xi32, #tpu.memory_space<hbm>>
    tpu.wait_dma2 semaphore(%arg24 : memref<!tpu.dma_semaphore, #tpu.memory_space<semaphore_mem>>) src(%dma_wait3A_349 : memref<1664xi32, #tpu.memory_space<hbm>>) dst(%arg9 : memref<1664xi32, #tpu.memory_space<vmem>>)
    %scan3A_350 = arith.constant 0 : i32
    %scan3A_351 = arith.constant 0 : i32
    %scan3A_352 = arith.constant 104 : i32
    %scan3A_353 = arith.addi %scan3A_351, %scan3A_352 : i32
    %scan3A_354 = arith.constant 1 : i32
    %scan3A_355 = scf.for %scan3A_716 = %scan3A_351 to %scan3A_353 step %scan3A_354 iter_args(%scan3A_717 = %scan3A_350) -> (i32)  : i32 {
      %mul3A_718 = arith.constant 16 : i32
      %mul3A_719 = arith.muli %scan3A_716, %mul3A_718 : i32
      %get3A = arith.index_cast %mul3A_719 : i32 to index
      %get3A_720 = tpu.vector_load %arg9[%get3A] {strides = array<i32>} : memref<1664xi32, #tpu.memory_space<vmem>>, vector<16xi32>,
      %gather3A = tpu.vector_load_idx %arg19[%get3A_720] : memref<100000xf32, #tpu.memory_space<vmem>>[vector<16xi32>], vector<16xf32>,
      %mul3A_721 = arith.constant 16 : i32
      %mul3A_722 = arith.muli %scan3A_716, %mul3A_721 : i32
      %swap3A = arith.index_cast %mul3A_722 : i32 to index
      %swap3A_723 = tpu.vector_load %arg15[%swap3A] {strides = array<i32>} : memref<1664xf32, #tpu.memory_space<vmem>>, vector<16xf32>,
      %swap3A_724 = vector.shape_cast %swap3A_723 : vector<16xf32> to vector<16xf32>
      %swap3A_725 = vector.shape_cast %gather3A : vector<16xf32> to vector<16xf32>
      tpu.vector_store %arg15[%swap3A], %swap3A_725 {strides = array<i32>} : memref<1664xf32, #tpu.memory_space<vmem>>, vector<16xf32>,
      %scan3A_726 = arith.constant 0 : i32
      scf.yield %scan3A_726 : i32
    }
    %scan3A_356 = arith.constant 104 : i32
    %dma_wait3A_357 = tpu.memref_slice %arg3[%add3A_322] : memref<1600000xi32, #tpu.memory_space<hbm>> -> memref<1664xi32, #tpu.memory_space<hbm>>
    %dma_wait3A_358 = tpu.memref_slice %arg3[%add3A_322] : memref<1600000xi32, #tpu.memory_space<hbm>> -> memref<1664xi32, #tpu.memory_space<hbm>>
    tpu.wait_dma2 semaphore(%arg27 : memref<!tpu.dma_semaphore, #tpu.memory_space<semaphore_mem>>) src(%dma_wait3A_358 : memref<1664xi32, #tpu.memory_space<hbm>>) dst(%arg12 : memref<1664xi32, #tpu.memory_space<vmem>>)
    %dma_start3A_359 = arith.constant 0 : i32
    %dma_start3A_360 = tpu.memref_slice %arg21[%dma_start3A_359] : memref<100096xf32, #tpu.memory_space<vmem_shared>> -> memref<100096xf32, #tpu.memory_space<vmem_shared>>
    tpu.enqueue_indirect_dma source(%arg15 : memref<1664xf32, #tpu.memory_space<vmem>>) target(%dma_start3A_360 : memref<100096xf32, #tpu.memory_space<vmem_shared>>) offsets(%arg12 : memref<1664xi32, #tpu.memory_space<vmem>>) semaphore(%arg30 : memref<!tpu.dma_semaphore, #tpu.memory_space<semaphore_mem>>) {add = true}
    %dma_wait3A_361 = arith.constant 0 : i32
    %dma_wait3A_362 = tpu.memref_slice %arg21[%dma_wait3A_361] : memref<100096xf32, #tpu.memory_space<vmem_shared>> -> memref<100096xf32, #tpu.memory_space<vmem_shared>>
    tpu.wait_indirect_dma semaphore(%arg29 : memref<!tpu.dma_semaphore, #tpu.memory_space<semaphore_mem>>) src(%arg14 : memref<1664xf32, #tpu.memory_space<vmem>>) dst(%dma_wait3A_362 : memref<100096xf32, #tpu.memory_space<vmem_shared>>)
    %add3A_363 = arith.constant 26624 : i32
    %add3A_364 = arith.addi %mul3A_4, %add3A_363 : i32
    %dma_start3A_365 = tpu.memref_slice %arg2[%add3A_364] : memref<1600000xi32, #tpu.memory_space<hbm>> -> memref<1664xi32, #tpu.memory_space<hbm>>
    %dma_start3A_366 = tpu.memref_slice %arg2[%add3A_364] : memref<1600000xi32, #tpu.memory_space<hbm>> -> memref<1664xi32, #tpu.memory_space<hbm>>
    tpu.enqueue_dma source(%dma_start3A_366 : memref<1664xi32, #tpu.memory_space<hbm>>) target(%arg8 : memref<1664xi32, #tpu.memory_space<vmem>>) target_semaphore(%arg23 : memref<!tpu.dma_semaphore, #tpu.memory_space<semaphore_mem>>)
    %add3A_367 = arith.constant 26624 : i32
    %add3A_368 = arith.addi %mul3A_4, %add3A_367 : i32
    %dma_start3A_369 = tpu.memref_slice %arg3[%add3A_368] : memref<1600000xi32, #tpu.memory_space<hbm>> -> memref<1664xi32, #tpu.memory_space<hbm>>
    %dma_start3A_370 = tpu.memref_slice %arg3[%add3A_368] : memref<1600000xi32, #tpu.memory_space<hbm>> -> memref<1664xi32, #tpu.memory_space<hbm>>
    tpu.enqueue_dma source(%dma_start3A_370 : memref<1664xi32, #tpu.memory_space<hbm>>) target(%arg11 : memref<1664xi32, #tpu.memory_space<vmem>>) target_semaphore(%arg26 : memref<!tpu.dma_semaphore, #tpu.memory_space<semaphore_mem>>)
    %dma_wait3A_371 = tpu.memref_slice %arg2[%add3A_341] : memref<1600000xi32, #tpu.memory_space<hbm>> -> memref<1664xi32, #tpu.memory_space<hbm>>
    %dma_wait3A_372 = tpu.memref_slice %arg2[%add3A_341] : memref<1600000xi32, #tpu.memory_space<hbm>> -> memref<1664xi32, #tpu.memory_space<hbm>>
    tpu.wait_dma2 semaphore(%arg22 : memref<!tpu.dma_semaphore, #tpu.memory_space<semaphore_mem>>) src(%dma_wait3A_372 : memref<1664xi32, #tpu.memory_space<hbm>>) dst(%arg7 : memref<1664xi32, #tpu.memory_space<vmem>>)
    %scan3A_373 = arith.constant 0 : i32
    %scan3A_374 = arith.constant 0 : i32
    %scan3A_375 = arith.constant 104 : i32
    %scan3A_376 = arith.addi %scan3A_374, %scan3A_375 : i32
    %scan3A_377 = arith.constant 1 : i32
    %scan3A_378 = scf.for %scan3A_716 = %scan3A_374 to %scan3A_376 step %scan3A_377 iter_args(%scan3A_717 = %scan3A_373) -> (i32)  : i32 {
      %mul3A_718 = arith.constant 16 : i32
      %mul3A_719 = arith.muli %scan3A_716, %mul3A_718 : i32
      %get3A = arith.index_cast %mul3A_719 : i32 to index
      %get3A_720 = tpu.vector_load %arg7[%get3A] {strides = array<i32>} : memref<1664xi32, #tpu.memory_space<vmem>>, vector<16xi32>,
      %gather3A = tpu.vector_load_idx %arg19[%get3A_720] : memref<100000xf32, #tpu.memory_space<vmem>>[vector<16xi32>], vector<16xf32>,
      %mul3A_721 = arith.constant 16 : i32
      %mul3A_722 = arith.muli %scan3A_716, %mul3A_721 : i32
      %swap3A = arith.index_cast %mul3A_722 : i32 to index
      %swap3A_723 = tpu.vector_load %arg13[%swap3A] {strides = array<i32>} : memref<1664xf32, #tpu.memory_space<vmem>>, vector<16xf32>,
      %swap3A_724 = vector.shape_cast %swap3A_723 : vector<16xf32> to vector<16xf32>
      %swap3A_725 = vector.shape_cast %gather3A : vector<16xf32> to vector<16xf32>
      tpu.vector_store %arg13[%swap3A], %swap3A_725 {strides = array<i32>} : memref<1664xf32, #tpu.memory_space<vmem>>, vector<16xf32>,
      %scan3A_726 = arith.constant 0 : i32
      scf.yield %scan3A_726 : i32
    }
    %scan3A_379 = arith.constant 104 : i32
    %dma_wait3A_380 = tpu.memref_slice %arg3[%add3A_345] : memref<1600000xi32, #tpu.memory_space<hbm>> -> memref<1664xi32, #tpu.memory_space<hbm>>
    %dma_wait3A_381 = tpu.memref_slice %arg3[%add3A_345] : memref<1600000xi32, #tpu.memory_space<hbm>> -> memref<1664xi32, #tpu.memory_space<hbm>>
    tpu.wait_dma2 semaphore(%arg25 : memref<!tpu.dma_semaphore, #tpu.memory_space<semaphore_mem>>) src(%dma_wait3A_381 : memref<1664xi32, #tpu.memory_space<hbm>>) dst(%arg10 : memref<1664xi32, #tpu.memory_space<vmem>>)
    %dma_start3A_382 = arith.constant 0 : i32
    %dma_start3A_383 = tpu.memref_slice %arg21[%dma_start3A_382] : memref<100096xf32, #tpu.memory_space<vmem_shared>> -> memref<100096xf32, #tpu.memory_space<vmem_shared>>
    tpu.enqueue_indirect_dma source(%arg13 : memref<1664xf32, #tpu.memory_space<vmem>>) target(%dma_start3A_383 : memref<100096xf32, #tpu.memory_space<vmem_shared>>) offsets(%arg10 : memref<1664xi32, #tpu.memory_space<vmem>>) semaphore(%arg28 : memref<!tpu.dma_semaphore, #tpu.memory_space<semaphore_mem>>) {add = true}
    %dma_wait3A_384 = arith.constant 0 : i32
    %dma_wait3A_385 = tpu.memref_slice %arg21[%dma_wait3A_384] : memref<100096xf32, #tpu.memory_space<vmem_shared>> -> memref<100096xf32, #tpu.memory_space<vmem_shared>>
    tpu.wait_indirect_dma semaphore(%arg30 : memref<!tpu.dma_semaphore, #tpu.memory_space<semaphore_mem>>) src(%arg15 : memref<1664xf32, #tpu.memory_space<vmem>>) dst(%dma_wait3A_385 : memref<100096xf32, #tpu.memory_space<vmem_shared>>)
    %add3A_386 = arith.constant 28288 : i32
    %add3A_387 = arith.addi %mul3A_4, %add3A_386 : i32
    %dma_start3A_388 = tpu.memref_slice %arg2[%add3A_387] : memref<1600000xi32, #tpu.memory_space<hbm>> -> memref<1664xi32, #tpu.memory_space<hbm>>
    %dma_start3A_389 = tpu.memref_slice %arg2[%add3A_387] : memref<1600000xi32, #tpu.memory_space<hbm>> -> memref<1664xi32, #tpu.memory_space<hbm>>
    tpu.enqueue_dma source(%dma_start3A_389 : memref<1664xi32, #tpu.memory_space<hbm>>) target(%arg9 : memref<1664xi32, #tpu.memory_space<vmem>>) target_semaphore(%arg24 : memref<!tpu.dma_semaphore, #tpu.memory_space<semaphore_mem>>)
    %add3A_390 = arith.constant 28288 : i32
    %add3A_391 = arith.addi %mul3A_4, %add3A_390 : i32
    %dma_start3A_392 = tpu.memref_slice %arg3[%add3A_391] : memref<1600000xi32, #tpu.memory_space<hbm>> -> memref<1664xi32, #tpu.memory_space<hbm>>
    %dma_start3A_393 = tpu.memref_slice %arg3[%add3A_391] : memref<1600000xi32, #tpu.memory_space<hbm>> -> memref<1664xi32, #tpu.memory_space<hbm>>
    tpu.enqueue_dma source(%dma_start3A_393 : memref<1664xi32, #tpu.memory_space<hbm>>) target(%arg12 : memref<1664xi32, #tpu.memory_space<vmem>>) target_semaphore(%arg27 : memref<!tpu.dma_semaphore, #tpu.memory_space<semaphore_mem>>)
    %dma_wait3A_394 = tpu.memref_slice %arg2[%add3A_364] : memref<1600000xi32, #tpu.memory_space<hbm>> -> memref<1664xi32, #tpu.memory_space<hbm>>
    %dma_wait3A_395 = tpu.memref_slice %arg2[%add3A_364] : memref<1600000xi32, #tpu.memory_space<hbm>> -> memref<1664xi32, #tpu.memory_space<hbm>>
    tpu.wait_dma2 semaphore(%arg23 : memref<!tpu.dma_semaphore, #tpu.memory_space<semaphore_mem>>) src(%dma_wait3A_395 : memref<1664xi32, #tpu.memory_space<hbm>>) dst(%arg8 : memref<1664xi32, #tpu.memory_space<vmem>>)
    %scan3A_396 = arith.constant 0 : i32
    %scan3A_397 = arith.constant 0 : i32
    %scan3A_398 = arith.constant 104 : i32
    %scan3A_399 = arith.addi %scan3A_397, %scan3A_398 : i32
    %scan3A_400 = arith.constant 1 : i32
    %scan3A_401 = scf.for %scan3A_716 = %scan3A_397 to %scan3A_399 step %scan3A_400 iter_args(%scan3A_717 = %scan3A_396) -> (i32)  : i32 {
      %mul3A_718 = arith.constant 16 : i32
      %mul3A_719 = arith.muli %scan3A_716, %mul3A_718 : i32
      %get3A = arith.index_cast %mul3A_719 : i32 to index
      %get3A_720 = tpu.vector_load %arg8[%get3A] {strides = array<i32>} : memref<1664xi32, #tpu.memory_space<vmem>>, vector<16xi32>,
      %gather3A = tpu.vector_load_idx %arg19[%get3A_720] : memref<100000xf32, #tpu.memory_space<vmem>>[vector<16xi32>], vector<16xf32>,
      %mul3A_721 = arith.constant 16 : i32
      %mul3A_722 = arith.muli %scan3A_716, %mul3A_721 : i32
      %swap3A = arith.index_cast %mul3A_722 : i32 to index
      %swap3A_723 = tpu.vector_load %arg14[%swap3A] {strides = array<i32>} : memref<1664xf32, #tpu.memory_space<vmem>>, vector<16xf32>,
      %swap3A_724 = vector.shape_cast %swap3A_723 : vector<16xf32> to vector<16xf32>
      %swap3A_725 = vector.shape_cast %gather3A : vector<16xf32> to vector<16xf32>
      tpu.vector_store %arg14[%swap3A], %swap3A_725 {strides = array<i32>} : memref<1664xf32, #tpu.memory_space<vmem>>, vector<16xf32>,
      %scan3A_726 = arith.constant 0 : i32
      scf.yield %scan3A_726 : i32
    }
    %scan3A_402 = arith.constant 104 : i32
    %dma_wait3A_403 = tpu.memref_slice %arg3[%add3A_368] : memref<1600000xi32, #tpu.memory_space<hbm>> -> memref<1664xi32, #tpu.memory_space<hbm>>
    %dma_wait3A_404 = tpu.memref_slice %arg3[%add3A_368] : memref<1600000xi32, #tpu.memory_space<hbm>> -> memref<1664xi32, #tpu.memory_space<hbm>>
    tpu.wait_dma2 semaphore(%arg26 : memref<!tpu.dma_semaphore, #tpu.memory_space<semaphore_mem>>) src(%dma_wait3A_404 : memref<1664xi32, #tpu.memory_space<hbm>>) dst(%arg11 : memref<1664xi32, #tpu.memory_space<vmem>>)
    %dma_start3A_405 = arith.constant 0 : i32
    %dma_start3A_406 = tpu.memref_slice %arg21[%dma_start3A_405] : memref<100096xf32, #tpu.memory_space<vmem_shared>> -> memref<100096xf32, #tpu.memory_space<vmem_shared>>
    tpu.enqueue_indirect_dma source(%arg14 : memref<1664xf32, #tpu.memory_space<vmem>>) target(%dma_start3A_406 : memref<100096xf32, #tpu.memory_space<vmem_shared>>) offsets(%arg11 : memref<1664xi32, #tpu.memory_space<vmem>>) semaphore(%arg29 : memref<!tpu.dma_semaphore, #tpu.memory_space<semaphore_mem>>) {add = true}
    %dma_wait3A_407 = arith.constant 0 : i32
    %dma_wait3A_408 = tpu.memref_slice %arg21[%dma_wait3A_407] : memref<100096xf32, #tpu.memory_space<vmem_shared>> -> memref<100096xf32, #tpu.memory_space<vmem_shared>>
    tpu.wait_indirect_dma semaphore(%arg28 : memref<!tpu.dma_semaphore, #tpu.memory_space<semaphore_mem>>) src(%arg13 : memref<1664xf32, #tpu.memory_space<vmem>>) dst(%dma_wait3A_408 : memref<100096xf32, #tpu.memory_space<vmem_shared>>)
    %add3A_409 = arith.constant 29952 : i32
    %add3A_410 = arith.addi %mul3A_4, %add3A_409 : i32
    %dma_start3A_411 = tpu.memref_slice %arg2[%add3A_410] : memref<1600000xi32, #tpu.memory_space<hbm>> -> memref<1664xi32, #tpu.memory_space<hbm>>
    %dma_start3A_412 = tpu.memref_slice %arg2[%add3A_410] : memref<1600000xi32, #tpu.memory_space<hbm>> -> memref<1664xi32, #tpu.memory_space<hbm>>
    tpu.enqueue_dma source(%dma_start3A_412 : memref<1664xi32, #tpu.memory_space<hbm>>) target(%arg7 : memref<1664xi32, #tpu.memory_space<vmem>>) target_semaphore(%arg22 : memref<!tpu.dma_semaphore, #tpu.memory_space<semaphore_mem>>)
    %add3A_413 = arith.constant 29952 : i32
    %add3A_414 = arith.addi %mul3A_4, %add3A_413 : i32
    %dma_start3A_415 = tpu.memref_slice %arg3[%add3A_414] : memref<1600000xi32, #tpu.memory_space<hbm>> -> memref<1664xi32, #tpu.memory_space<hbm>>
    %dma_start3A_416 = tpu.memref_slice %arg3[%add3A_414] : memref<1600000xi32, #tpu.memory_space<hbm>> -> memref<1664xi32, #tpu.memory_space<hbm>>
    tpu.enqueue_dma source(%dma_start3A_416 : memref<1664xi32, #tpu.memory_space<hbm>>) target(%arg10 : memref<1664xi32, #tpu.memory_space<vmem>>) target_semaphore(%arg25 : memref<!tpu.dma_semaphore, #tpu.memory_space<semaphore_mem>>)
    %dma_wait3A_417 = tpu.memref_slice %arg2[%add3A_387] : memref<1600000xi32, #tpu.memory_space<hbm>> -> memref<1664xi32, #tpu.memory_space<hbm>>
    %dma_wait3A_418 = tpu.memref_slice %arg2[%add3A_387] : memref<1600000xi32, #tpu.memory_space<hbm>> -> memref<1664xi32, #tpu.memory_space<hbm>>
    tpu.wait_dma2 semaphore(%arg24 : memref<!tpu.dma_semaphore, #tpu.memory_space<semaphore_mem>>) src(%dma_wait3A_418 : memref<1664xi32, #tpu.memory_space<hbm>>) dst(%arg9 : memref<1664xi32, #tpu.memory_space<vmem>>)
    %scan3A_419 = arith.constant 0 : i32
    %scan3A_420 = arith.constant 0 : i32
    %scan3A_421 = arith.constant 104 : i32
    %scan3A_422 = arith.addi %scan3A_420, %scan3A_421 : i32
    %scan3A_423 = arith.constant 1 : i32
    %scan3A_424 = scf.for %scan3A_716 = %scan3A_420 to %scan3A_422 step %scan3A_423 iter_args(%scan3A_717 = %scan3A_419) -> (i32)  : i32 {
      %mul3A_718 = arith.constant 16 : i32
      %mul3A_719 = arith.muli %scan3A_716, %mul3A_718 : i32
      %get3A = arith.index_cast %mul3A_719 : i32 to index
      %get3A_720 = tpu.vector_load %arg9[%get3A] {strides = array<i32>} : memref<1664xi32, #tpu.memory_space<vmem>>, vector<16xi32>,
      %gather3A = tpu.vector_load_idx %arg19[%get3A_720] : memref<100000xf32, #tpu.memory_space<vmem>>[vector<16xi32>], vector<16xf32>,
      %mul3A_721 = arith.constant 16 : i32
      %mul3A_722 = arith.muli %scan3A_716, %mul3A_721 : i32
      %swap3A = arith.index_cast %mul3A_722 : i32 to index
      %swap3A_723 = tpu.vector_load %arg15[%swap3A] {strides = array<i32>} : memref<1664xf32, #tpu.memory_space<vmem>>, vector<16xf32>,
      %swap3A_724 = vector.shape_cast %swap3A_723 : vector<16xf32> to vector<16xf32>
      %swap3A_725 = vector.shape_cast %gather3A : vector<16xf32> to vector<16xf32>
      tpu.vector_store %arg15[%swap3A], %swap3A_725 {strides = array<i32>} : memref<1664xf32, #tpu.memory_space<vmem>>, vector<16xf32>,
      %scan3A_726 = arith.constant 0 : i32
      scf.yield %scan3A_726 : i32
    }
    %scan3A_425 = arith.constant 104 : i32
    %dma_wait3A_426 = tpu.memref_slice %arg3[%add3A_391] : memref<1600000xi32, #tpu.memory_space<hbm>> -> memref<1664xi32, #tpu.memory_space<hbm>>
    %dma_wait3A_427 = tpu.memref_slice %arg3[%add3A_391] : memref<1600000xi32, #tpu.memory_space<hbm>> -> memref<1664xi32, #tpu.memory_space<hbm>>
    tpu.wait_dma2 semaphore(%arg27 : memref<!tpu.dma_semaphore, #tpu.memory_space<semaphore_mem>>) src(%dma_wait3A_427 : memref<1664xi32, #tpu.memory_space<hbm>>) dst(%arg12 : memref<1664xi32, #tpu.memory_space<vmem>>)
    %dma_start3A_428 = arith.constant 0 : i32
    %dma_start3A_429 = tpu.memref_slice %arg21[%dma_start3A_428] : memref<100096xf32, #tpu.memory_space<vmem_shared>> -> memref<100096xf32, #tpu.memory_space<vmem_shared>>
    tpu.enqueue_indirect_dma source(%arg15 : memref<1664xf32, #tpu.memory_space<vmem>>) target(%dma_start3A_429 : memref<100096xf32, #tpu.memory_space<vmem_shared>>) offsets(%arg12 : memref<1664xi32, #tpu.memory_space<vmem>>) semaphore(%arg30 : memref<!tpu.dma_semaphore, #tpu.memory_space<semaphore_mem>>) {add = true}
    %dma_wait3A_430 = arith.constant 0 : i32
    %dma_wait3A_431 = tpu.memref_slice %arg21[%dma_wait3A_430] : memref<100096xf32, #tpu.memory_space<vmem_shared>> -> memref<100096xf32, #tpu.memory_space<vmem_shared>>
    tpu.wait_indirect_dma semaphore(%arg29 : memref<!tpu.dma_semaphore, #tpu.memory_space<semaphore_mem>>) src(%arg14 : memref<1664xf32, #tpu.memory_space<vmem>>) dst(%dma_wait3A_431 : memref<100096xf32, #tpu.memory_space<vmem_shared>>)
    %add3A_432 = arith.constant 31616 : i32
    %add3A_433 = arith.addi %mul3A_4, %add3A_432 : i32
    %dma_start3A_434 = tpu.memref_slice %arg2[%add3A_433] : memref<1600000xi32, #tpu.memory_space<hbm>> -> memref<1664xi32, #tpu.memory_space<hbm>>
    %dma_start3A_435 = tpu.memref_slice %arg2[%add3A_433] : memref<1600000xi32, #tpu.memory_space<hbm>> -> memref<1664xi32, #tpu.memory_space<hbm>>
    tpu.enqueue_dma source(%dma_start3A_435 : memref<1664xi32, #tpu.memory_space<hbm>>) target(%arg8 : memref<1664xi32, #tpu.memory_space<vmem>>) target_semaphore(%arg23 : memref<!tpu.dma_semaphore, #tpu.memory_space<semaphore_mem>>)
    %add3A_436 = arith.constant 31616 : i32
    %add3A_437 = arith.addi %mul3A_4, %add3A_436 : i32
    %dma_start3A_438 = tpu.memref_slice %arg3[%add3A_437] : memref<1600000xi32, #tpu.memory_space<hbm>> -> memref<1664xi32, #tpu.memory_space<hbm>>
    %dma_start3A_439 = tpu.memref_slice %arg3[%add3A_437] : memref<1600000xi32, #tpu.memory_space<hbm>> -> memref<1664xi32, #tpu.memory_space<hbm>>
    tpu.enqueue_dma source(%dma_start3A_439 : memref<1664xi32, #tpu.memory_space<hbm>>) target(%arg11 : memref<1664xi32, #tpu.memory_space<vmem>>) target_semaphore(%arg26 : memref<!tpu.dma_semaphore, #tpu.memory_space<semaphore_mem>>)
    %dma_wait3A_440 = tpu.memref_slice %arg2[%add3A_410] : memref<1600000xi32, #tpu.memory_space<hbm>> -> memref<1664xi32, #tpu.memory_space<hbm>>
    %dma_wait3A_441 = tpu.memref_slice %arg2[%add3A_410] : memref<1600000xi32, #tpu.memory_space<hbm>> -> memref<1664xi32, #tpu.memory_space<hbm>>
    tpu.wait_dma2 semaphore(%arg22 : memref<!tpu.dma_semaphore, #tpu.memory_space<semaphore_mem>>) src(%dma_wait3A_441 : memref<1664xi32, #tpu.memory_space<hbm>>) dst(%arg7 : memref<1664xi32, #tpu.memory_space<vmem>>)
    %scan3A_442 = arith.constant 0 : i32
    %scan3A_443 = arith.constant 0 : i32
    %scan3A_444 = arith.constant 104 : i32
    %scan3A_445 = arith.addi %scan3A_443, %scan3A_444 : i32
    %scan3A_446 = arith.constant 1 : i32
    %scan3A_447 = scf.for %scan3A_716 = %scan3A_443 to %scan3A_445 step %scan3A_446 iter_args(%scan3A_717 = %scan3A_442) -> (i32)  : i32 {
      %mul3A_718 = arith.constant 16 : i32
      %mul3A_719 = arith.muli %scan3A_716, %mul3A_718 : i32
      %get3A = arith.index_cast %mul3A_719 : i32 to index
      %get3A_720 = tpu.vector_load %arg7[%get3A] {strides = array<i32>} : memref<1664xi32, #tpu.memory_space<vmem>>, vector<16xi32>,
      %gather3A = tpu.vector_load_idx %arg19[%get3A_720] : memref<100000xf32, #tpu.memory_space<vmem>>[vector<16xi32>], vector<16xf32>,
      %mul3A_721 = arith.constant 16 : i32
      %mul3A_722 = arith.muli %scan3A_716, %mul3A_721 : i32
      %swap3A = arith.index_cast %mul3A_722 : i32 to index
      %swap3A_723 = tpu.vector_load %arg13[%swap3A] {strides = array<i32>} : memref<1664xf32, #tpu.memory_space<vmem>>, vector<16xf32>,
      %swap3A_724 = vector.shape_cast %swap3A_723 : vector<16xf32> to vector<16xf32>
      %swap3A_725 = vector.shape_cast %gather3A : vector<16xf32> to vector<16xf32>
      tpu.vector_store %arg13[%swap3A], %swap3A_725 {strides = array<i32>} : memref<1664xf32, #tpu.memory_space<vmem>>, vector<16xf32>,
      %scan3A_726 = arith.constant 0 : i32
      scf.yield %scan3A_726 : i32
    }
    %scan3A_448 = arith.constant 104 : i32
    %dma_wait3A_449 = tpu.memref_slice %arg3[%add3A_414] : memref<1600000xi32, #tpu.memory_space<hbm>> -> memref<1664xi32, #tpu.memory_space<hbm>>
    %dma_wait3A_450 = tpu.memref_slice %arg3[%add3A_414] : memref<1600000xi32, #tpu.memory_space<hbm>> -> memref<1664xi32, #tpu.memory_space<hbm>>
    tpu.wait_dma2 semaphore(%arg25 : memref<!tpu.dma_semaphore, #tpu.memory_space<semaphore_mem>>) src(%dma_wait3A_450 : memref<1664xi32, #tpu.memory_space<hbm>>) dst(%arg10 : memref<1664xi32, #tpu.memory_space<vmem>>)
    %dma_start3A_451 = arith.constant 0 : i32
    %dma_start3A_452 = tpu.memref_slice %arg21[%dma_start3A_451] : memref<100096xf32, #tpu.memory_space<vmem_shared>> -> memref<100096xf32, #tpu.memory_space<vmem_shared>>
    tpu.enqueue_indirect_dma source(%arg13 : memref<1664xf32, #tpu.memory_space<vmem>>) target(%dma_start3A_452 : memref<100096xf32, #tpu.memory_space<vmem_shared>>) offsets(%arg10 : memref<1664xi32, #tpu.memory_space<vmem>>) semaphore(%arg28 : memref<!tpu.dma_semaphore, #tpu.memory_space<semaphore_mem>>) {add = true}
    %dma_wait3A_453 = arith.constant 0 : i32
    %dma_wait3A_454 = tpu.memref_slice %arg21[%dma_wait3A_453] : memref<100096xf32, #tpu.memory_space<vmem_shared>> -> memref<100096xf32, #tpu.memory_space<vmem_shared>>
    tpu.wait_indirect_dma semaphore(%arg30 : memref<!tpu.dma_semaphore, #tpu.memory_space<semaphore_mem>>) src(%arg15 : memref<1664xf32, #tpu.memory_space<vmem>>) dst(%dma_wait3A_454 : memref<100096xf32, #tpu.memory_space<vmem_shared>>)
    %add3A_455 = arith.constant 33280 : i32
    %add3A_456 = arith.addi %mul3A_4, %add3A_455 : i32
    %dma_start3A_457 = tpu.memref_slice %arg2[%add3A_456] : memref<1600000xi32, #tpu.memory_space<hbm>> -> memref<1664xi32, #tpu.memory_space<hbm>>
    %dma_start3A_458 = tpu.memref_slice %arg2[%add3A_456] : memref<1600000xi32, #tpu.memory_space<hbm>> -> memref<1664xi32, #tpu.memory_space<hbm>>
    tpu.enqueue_dma source(%dma_start3A_458 : memref<1664xi32, #tpu.memory_space<hbm>>) target(%arg9 : memref<1664xi32, #tpu.memory_space<vmem>>) target_semaphore(%arg24 : memref<!tpu.dma_semaphore, #tpu.memory_space<semaphore_mem>>)
    %add3A_459 = arith.constant 33280 : i32
    %add3A_460 = arith.addi %mul3A_4, %add3A_459 : i32
    %dma_start3A_461 = tpu.memref_slice %arg3[%add3A_460] : memref<1600000xi32, #tpu.memory_space<hbm>> -> memref<1664xi32, #tpu.memory_space<hbm>>
    %dma_start3A_462 = tpu.memref_slice %arg3[%add3A_460] : memref<1600000xi32, #tpu.memory_space<hbm>> -> memref<1664xi32, #tpu.memory_space<hbm>>
    tpu.enqueue_dma source(%dma_start3A_462 : memref<1664xi32, #tpu.memory_space<hbm>>) target(%arg12 : memref<1664xi32, #tpu.memory_space<vmem>>) target_semaphore(%arg27 : memref<!tpu.dma_semaphore, #tpu.memory_space<semaphore_mem>>)
    %dma_wait3A_463 = tpu.memref_slice %arg2[%add3A_433] : memref<1600000xi32, #tpu.memory_space<hbm>> -> memref<1664xi32, #tpu.memory_space<hbm>>
    %dma_wait3A_464 = tpu.memref_slice %arg2[%add3A_433] : memref<1600000xi32, #tpu.memory_space<hbm>> -> memref<1664xi32, #tpu.memory_space<hbm>>
    tpu.wait_dma2 semaphore(%arg23 : memref<!tpu.dma_semaphore, #tpu.memory_space<semaphore_mem>>) src(%dma_wait3A_464 : memref<1664xi32, #tpu.memory_space<hbm>>) dst(%arg8 : memref<1664xi32, #tpu.memory_space<vmem>>)
    %scan3A_465 = arith.constant 0 : i32
    %scan3A_466 = arith.constant 0 : i32
    %scan3A_467 = arith.constant 104 : i32
    %scan3A_468 = arith.addi %scan3A_466, %scan3A_467 : i32
    %scan3A_469 = arith.constant 1 : i32
    %scan3A_470 = scf.for %scan3A_716 = %scan3A_466 to %scan3A_468 step %scan3A_469 iter_args(%scan3A_717 = %scan3A_465) -> (i32)  : i32 {
      %mul3A_718 = arith.constant 16 : i32
      %mul3A_719 = arith.muli %scan3A_716, %mul3A_718 : i32
      %get3A = arith.index_cast %mul3A_719 : i32 to index
      %get3A_720 = tpu.vector_load %arg8[%get3A] {strides = array<i32>} : memref<1664xi32, #tpu.memory_space<vmem>>, vector<16xi32>,
      %gather3A = tpu.vector_load_idx %arg19[%get3A_720] : memref<100000xf32, #tpu.memory_space<vmem>>[vector<16xi32>], vector<16xf32>,
      %mul3A_721 = arith.constant 16 : i32
      %mul3A_722 = arith.muli %scan3A_716, %mul3A_721 : i32
      %swap3A = arith.index_cast %mul3A_722 : i32 to index
      %swap3A_723 = tpu.vector_load %arg14[%swap3A] {strides = array<i32>} : memref<1664xf32, #tpu.memory_space<vmem>>, vector<16xf32>,
      %swap3A_724 = vector.shape_cast %swap3A_723 : vector<16xf32> to vector<16xf32>
      %swap3A_725 = vector.shape_cast %gather3A : vector<16xf32> to vector<16xf32>
      tpu.vector_store %arg14[%swap3A], %swap3A_725 {strides = array<i32>} : memref<1664xf32, #tpu.memory_space<vmem>>, vector<16xf32>,
      %scan3A_726 = arith.constant 0 : i32
      scf.yield %scan3A_726 : i32
    }
    %scan3A_471 = arith.constant 104 : i32
    %dma_wait3A_472 = tpu.memref_slice %arg3[%add3A_437] : memref<1600000xi32, #tpu.memory_space<hbm>> -> memref<1664xi32, #tpu.memory_space<hbm>>
    %dma_wait3A_473 = tpu.memref_slice %arg3[%add3A_437] : memref<1600000xi32, #tpu.memory_space<hbm>> -> memref<1664xi32, #tpu.memory_space<hbm>>
    tpu.wait_dma2 semaphore(%arg26 : memref<!tpu.dma_semaphore, #tpu.memory_space<semaphore_mem>>) src(%dma_wait3A_473 : memref<1664xi32, #tpu.memory_space<hbm>>) dst(%arg11 : memref<1664xi32, #tpu.memory_space<vmem>>)
    %dma_start3A_474 = arith.constant 0 : i32
    %dma_start3A_475 = tpu.memref_slice %arg21[%dma_start3A_474] : memref<100096xf32, #tpu.memory_space<vmem_shared>> -> memref<100096xf32, #tpu.memory_space<vmem_shared>>
    tpu.enqueue_indirect_dma source(%arg14 : memref<1664xf32, #tpu.memory_space<vmem>>) target(%dma_start3A_475 : memref<100096xf32, #tpu.memory_space<vmem_shared>>) offsets(%arg11 : memref<1664xi32, #tpu.memory_space<vmem>>) semaphore(%arg29 : memref<!tpu.dma_semaphore, #tpu.memory_space<semaphore_mem>>) {add = true}
    %dma_wait3A_476 = arith.constant 0 : i32
    %dma_wait3A_477 = tpu.memref_slice %arg21[%dma_wait3A_476] : memref<100096xf32, #tpu.memory_space<vmem_shared>> -> memref<100096xf32, #tpu.memory_space<vmem_shared>>
    tpu.wait_indirect_dma semaphore(%arg28 : memref<!tpu.dma_semaphore, #tpu.memory_space<semaphore_mem>>) src(%arg13 : memref<1664xf32, #tpu.memory_space<vmem>>) dst(%dma_wait3A_477 : memref<100096xf32, #tpu.memory_space<vmem_shared>>)
    %add3A_478 = arith.constant 34944 : i32
    %add3A_479 = arith.addi %mul3A_4, %add3A_478 : i32
    %dma_start3A_480 = tpu.memref_slice %arg2[%add3A_479] : memref<1600000xi32, #tpu.memory_space<hbm>> -> memref<1664xi32, #tpu.memory_space<hbm>>
    %dma_start3A_481 = tpu.memref_slice %arg2[%add3A_479] : memref<1600000xi32, #tpu.memory_space<hbm>> -> memref<1664xi32, #tpu.memory_space<hbm>>
    tpu.enqueue_dma source(%dma_start3A_481 : memref<1664xi32, #tpu.memory_space<hbm>>) target(%arg7 : memref<1664xi32, #tpu.memory_space<vmem>>) target_semaphore(%arg22 : memref<!tpu.dma_semaphore, #tpu.memory_space<semaphore_mem>>)
    %add3A_482 = arith.constant 34944 : i32
    %add3A_483 = arith.addi %mul3A_4, %add3A_482 : i32
    %dma_start3A_484 = tpu.memref_slice %arg3[%add3A_483] : memref<1600000xi32, #tpu.memory_space<hbm>> -> memref<1664xi32, #tpu.memory_space<hbm>>
    %dma_start3A_485 = tpu.memref_slice %arg3[%add3A_483] : memref<1600000xi32, #tpu.memory_space<hbm>> -> memref<1664xi32, #tpu.memory_space<hbm>>
    tpu.enqueue_dma source(%dma_start3A_485 : memref<1664xi32, #tpu.memory_space<hbm>>) target(%arg10 : memref<1664xi32, #tpu.memory_space<vmem>>) target_semaphore(%arg25 : memref<!tpu.dma_semaphore, #tpu.memory_space<semaphore_mem>>)
    %dma_wait3A_486 = tpu.memref_slice %arg2[%add3A_456] : memref<1600000xi32, #tpu.memory_space<hbm>> -> memref<1664xi32, #tpu.memory_space<hbm>>
    %dma_wait3A_487 = tpu.memref_slice %arg2[%add3A_456] : memref<1600000xi32, #tpu.memory_space<hbm>> -> memref<1664xi32, #tpu.memory_space<hbm>>
    tpu.wait_dma2 semaphore(%arg24 : memref<!tpu.dma_semaphore, #tpu.memory_space<semaphore_mem>>) src(%dma_wait3A_487 : memref<1664xi32, #tpu.memory_space<hbm>>) dst(%arg9 : memref<1664xi32, #tpu.memory_space<vmem>>)
    %scan3A_488 = arith.constant 0 : i32
    %scan3A_489 = arith.constant 0 : i32
    %scan3A_490 = arith.constant 104 : i32
    %scan3A_491 = arith.addi %scan3A_489, %scan3A_490 : i32
    %scan3A_492 = arith.constant 1 : i32
    %scan3A_493 = scf.for %scan3A_716 = %scan3A_489 to %scan3A_491 step %scan3A_492 iter_args(%scan3A_717 = %scan3A_488) -> (i32)  : i32 {
      %mul3A_718 = arith.constant 16 : i32
      %mul3A_719 = arith.muli %scan3A_716, %mul3A_718 : i32
      %get3A = arith.index_cast %mul3A_719 : i32 to index
      %get3A_720 = tpu.vector_load %arg9[%get3A] {strides = array<i32>} : memref<1664xi32, #tpu.memory_space<vmem>>, vector<16xi32>,
      %gather3A = tpu.vector_load_idx %arg19[%get3A_720] : memref<100000xf32, #tpu.memory_space<vmem>>[vector<16xi32>], vector<16xf32>,
      %mul3A_721 = arith.constant 16 : i32
      %mul3A_722 = arith.muli %scan3A_716, %mul3A_721 : i32
      %swap3A = arith.index_cast %mul3A_722 : i32 to index
      %swap3A_723 = tpu.vector_load %arg15[%swap3A] {strides = array<i32>} : memref<1664xf32, #tpu.memory_space<vmem>>, vector<16xf32>,
      %swap3A_724 = vector.shape_cast %swap3A_723 : vector<16xf32> to vector<16xf32>
      %swap3A_725 = vector.shape_cast %gather3A : vector<16xf32> to vector<16xf32>
      tpu.vector_store %arg15[%swap3A], %swap3A_725 {strides = array<i32>} : memref<1664xf32, #tpu.memory_space<vmem>>, vector<16xf32>,
      %scan3A_726 = arith.constant 0 : i32
      scf.yield %scan3A_726 : i32
    }
    %scan3A_494 = arith.constant 104 : i32
    %dma_wait3A_495 = tpu.memref_slice %arg3[%add3A_460] : memref<1600000xi32, #tpu.memory_space<hbm>> -> memref<1664xi32, #tpu.memory_space<hbm>>
    %dma_wait3A_496 = tpu.memref_slice %arg3[%add3A_460] : memref<1600000xi32, #tpu.memory_space<hbm>> -> memref<1664xi32, #tpu.memory_space<hbm>>
    tpu.wait_dma2 semaphore(%arg27 : memref<!tpu.dma_semaphore, #tpu.memory_space<semaphore_mem>>) src(%dma_wait3A_496 : memref<1664xi32, #tpu.memory_space<hbm>>) dst(%arg12 : memref<1664xi32, #tpu.memory_space<vmem>>)
    %dma_start3A_497 = arith.constant 0 : i32
    %dma_start3A_498 = tpu.memref_slice %arg21[%dma_start3A_497] : memref<100096xf32, #tpu.memory_space<vmem_shared>> -> memref<100096xf32, #tpu.memory_space<vmem_shared>>
    tpu.enqueue_indirect_dma source(%arg15 : memref<1664xf32, #tpu.memory_space<vmem>>) target(%dma_start3A_498 : memref<100096xf32, #tpu.memory_space<vmem_shared>>) offsets(%arg12 : memref<1664xi32, #tpu.memory_space<vmem>>) semaphore(%arg30 : memref<!tpu.dma_semaphore, #tpu.memory_space<semaphore_mem>>) {add = true}
    %dma_wait3A_499 = arith.constant 0 : i32
    %dma_wait3A_500 = tpu.memref_slice %arg21[%dma_wait3A_499] : memref<100096xf32, #tpu.memory_space<vmem_shared>> -> memref<100096xf32, #tpu.memory_space<vmem_shared>>
    tpu.wait_indirect_dma semaphore(%arg29 : memref<!tpu.dma_semaphore, #tpu.memory_space<semaphore_mem>>) src(%arg14 : memref<1664xf32, #tpu.memory_space<vmem>>) dst(%dma_wait3A_500 : memref<100096xf32, #tpu.memory_space<vmem_shared>>)
    %add3A_501 = arith.constant 36608 : i32
    %add3A_502 = arith.addi %mul3A_4, %add3A_501 : i32
    %dma_start3A_503 = tpu.memref_slice %arg2[%add3A_502] : memref<1600000xi32, #tpu.memory_space<hbm>> -> memref<1664xi32, #tpu.memory_space<hbm>>
    %dma_start3A_504 = tpu.memref_slice %arg2[%add3A_502] : memref<1600000xi32, #tpu.memory_space<hbm>> -> memref<1664xi32, #tpu.memory_space<hbm>>
    tpu.enqueue_dma source(%dma_start3A_504 : memref<1664xi32, #tpu.memory_space<hbm>>) target(%arg8 : memref<1664xi32, #tpu.memory_space<vmem>>) target_semaphore(%arg23 : memref<!tpu.dma_semaphore, #tpu.memory_space<semaphore_mem>>)
    %add3A_505 = arith.constant 36608 : i32
    %add3A_506 = arith.addi %mul3A_4, %add3A_505 : i32
    %dma_start3A_507 = tpu.memref_slice %arg3[%add3A_506] : memref<1600000xi32, #tpu.memory_space<hbm>> -> memref<1664xi32, #tpu.memory_space<hbm>>
    %dma_start3A_508 = tpu.memref_slice %arg3[%add3A_506] : memref<1600000xi32, #tpu.memory_space<hbm>> -> memref<1664xi32, #tpu.memory_space<hbm>>
    tpu.enqueue_dma source(%dma_start3A_508 : memref<1664xi32, #tpu.memory_space<hbm>>) target(%arg11 : memref<1664xi32, #tpu.memory_space<vmem>>) target_semaphore(%arg26 : memref<!tpu.dma_semaphore, #tpu.memory_space<semaphore_mem>>)
    %dma_wait3A_509 = tpu.memref_slice %arg2[%add3A_479] : memref<1600000xi32, #tpu.memory_space<hbm>> -> memref<1664xi32, #tpu.memory_space<hbm>>
    %dma_wait3A_510 = tpu.memref_slice %arg2[%add3A_479] : memref<1600000xi32, #tpu.memory_space<hbm>> -> memref<1664xi32, #tpu.memory_space<hbm>>
    tpu.wait_dma2 semaphore(%arg22 : memref<!tpu.dma_semaphore, #tpu.memory_space<semaphore_mem>>) src(%dma_wait3A_510 : memref<1664xi32, #tpu.memory_space<hbm>>) dst(%arg7 : memref<1664xi32, #tpu.memory_space<vmem>>)
    %scan3A_511 = arith.constant 0 : i32
    %scan3A_512 = arith.constant 0 : i32
    %scan3A_513 = arith.constant 104 : i32
    %scan3A_514 = arith.addi %scan3A_512, %scan3A_513 : i32
    %scan3A_515 = arith.constant 1 : i32
    %scan3A_516 = scf.for %scan3A_716 = %scan3A_512 to %scan3A_514 step %scan3A_515 iter_args(%scan3A_717 = %scan3A_511) -> (i32)  : i32 {
      %mul3A_718 = arith.constant 16 : i32
      %mul3A_719 = arith.muli %scan3A_716, %mul3A_718 : i32
      %get3A = arith.index_cast %mul3A_719 : i32 to index
      %get3A_720 = tpu.vector_load %arg7[%get3A] {strides = array<i32>} : memref<1664xi32, #tpu.memory_space<vmem>>, vector<16xi32>,
      %gather3A = tpu.vector_load_idx %arg19[%get3A_720] : memref<100000xf32, #tpu.memory_space<vmem>>[vector<16xi32>], vector<16xf32>,
      %mul3A_721 = arith.constant 16 : i32
      %mul3A_722 = arith.muli %scan3A_716, %mul3A_721 : i32
      %swap3A = arith.index_cast %mul3A_722 : i32 to index
      %swap3A_723 = tpu.vector_load %arg13[%swap3A] {strides = array<i32>} : memref<1664xf32, #tpu.memory_space<vmem>>, vector<16xf32>,
      %swap3A_724 = vector.shape_cast %swap3A_723 : vector<16xf32> to vector<16xf32>
      %swap3A_725 = vector.shape_cast %gather3A : vector<16xf32> to vector<16xf32>
      tpu.vector_store %arg13[%swap3A], %swap3A_725 {strides = array<i32>} : memref<1664xf32, #tpu.memory_space<vmem>>, vector<16xf32>,
      %scan3A_726 = arith.constant 0 : i32
      scf.yield %scan3A_726 : i32
    }
    %scan3A_517 = arith.constant 104 : i32
    %dma_wait3A_518 = tpu.memref_slice %arg3[%add3A_483] : memref<1600000xi32, #tpu.memory_space<hbm>> -> memref<1664xi32, #tpu.memory_space<hbm>>
    %dma_wait3A_519 = tpu.memref_slice %arg3[%add3A_483] : memref<1600000xi32, #tpu.memory_space<hbm>> -> memref<1664xi32, #tpu.memory_space<hbm>>
    tpu.wait_dma2 semaphore(%arg25 : memref<!tpu.dma_semaphore, #tpu.memory_space<semaphore_mem>>) src(%dma_wait3A_519 : memref<1664xi32, #tpu.memory_space<hbm>>) dst(%arg10 : memref<1664xi32, #tpu.memory_space<vmem>>)
    %dma_start3A_520 = arith.constant 0 : i32
    %dma_start3A_521 = tpu.memref_slice %arg21[%dma_start3A_520] : memref<100096xf32, #tpu.memory_space<vmem_shared>> -> memref<100096xf32, #tpu.memory_space<vmem_shared>>
    tpu.enqueue_indirect_dma source(%arg13 : memref<1664xf32, #tpu.memory_space<vmem>>) target(%dma_start3A_521 : memref<100096xf32, #tpu.memory_space<vmem_shared>>) offsets(%arg10 : memref<1664xi32, #tpu.memory_space<vmem>>) semaphore(%arg28 : memref<!tpu.dma_semaphore, #tpu.memory_space<semaphore_mem>>) {add = true}
    %dma_wait3A_522 = arith.constant 0 : i32
    %dma_wait3A_523 = tpu.memref_slice %arg21[%dma_wait3A_522] : memref<100096xf32, #tpu.memory_space<vmem_shared>> -> memref<100096xf32, #tpu.memory_space<vmem_shared>>
    tpu.wait_indirect_dma semaphore(%arg30 : memref<!tpu.dma_semaphore, #tpu.memory_space<semaphore_mem>>) src(%arg15 : memref<1664xf32, #tpu.memory_space<vmem>>) dst(%dma_wait3A_523 : memref<100096xf32, #tpu.memory_space<vmem_shared>>)
    %add3A_524 = arith.constant 38272 : i32
    %add3A_525 = arith.addi %mul3A_4, %add3A_524 : i32
    %dma_start3A_526 = tpu.memref_slice %arg2[%add3A_525] : memref<1600000xi32, #tpu.memory_space<hbm>> -> memref<1664xi32, #tpu.memory_space<hbm>>
    %dma_start3A_527 = tpu.memref_slice %arg2[%add3A_525] : memref<1600000xi32, #tpu.memory_space<hbm>> -> memref<1664xi32, #tpu.memory_space<hbm>>
    tpu.enqueue_dma source(%dma_start3A_527 : memref<1664xi32, #tpu.memory_space<hbm>>) target(%arg9 : memref<1664xi32, #tpu.memory_space<vmem>>) target_semaphore(%arg24 : memref<!tpu.dma_semaphore, #tpu.memory_space<semaphore_mem>>)
    %add3A_528 = arith.constant 38272 : i32
    %add3A_529 = arith.addi %mul3A_4, %add3A_528 : i32
    %dma_start3A_530 = tpu.memref_slice %arg3[%add3A_529] : memref<1600000xi32, #tpu.memory_space<hbm>> -> memref<1664xi32, #tpu.memory_space<hbm>>
    %dma_start3A_531 = tpu.memref_slice %arg3[%add3A_529] : memref<1600000xi32, #tpu.memory_space<hbm>> -> memref<1664xi32, #tpu.memory_space<hbm>>
    tpu.enqueue_dma source(%dma_start3A_531 : memref<1664xi32, #tpu.memory_space<hbm>>) target(%arg12 : memref<1664xi32, #tpu.memory_space<vmem>>) target_semaphore(%arg27 : memref<!tpu.dma_semaphore, #tpu.memory_space<semaphore_mem>>)
    %dma_wait3A_532 = tpu.memref_slice %arg2[%add3A_502] : memref<1600000xi32, #tpu.memory_space<hbm>> -> memref<1664xi32, #tpu.memory_space<hbm>>
    %dma_wait3A_533 = tpu.memref_slice %arg2[%add3A_502] : memref<1600000xi32, #tpu.memory_space<hbm>> -> memref<1664xi32, #tpu.memory_space<hbm>>
    tpu.wait_dma2 semaphore(%arg23 : memref<!tpu.dma_semaphore, #tpu.memory_space<semaphore_mem>>) src(%dma_wait3A_533 : memref<1664xi32, #tpu.memory_space<hbm>>) dst(%arg8 : memref<1664xi32, #tpu.memory_space<vmem>>)
    %scan3A_534 = arith.constant 0 : i32
    %scan3A_535 = arith.constant 0 : i32
    %scan3A_536 = arith.constant 104 : i32
    %scan3A_537 = arith.addi %scan3A_535, %scan3A_536 : i32
    %scan3A_538 = arith.constant 1 : i32
    %scan3A_539 = scf.for %scan3A_716 = %scan3A_535 to %scan3A_537 step %scan3A_538 iter_args(%scan3A_717 = %scan3A_534) -> (i32)  : i32 {
      %mul3A_718 = arith.constant 16 : i32
      %mul3A_719 = arith.muli %scan3A_716, %mul3A_718 : i32
      %get3A = arith.index_cast %mul3A_719 : i32 to index
      %get3A_720 = tpu.vector_load %arg8[%get3A] {strides = array<i32>} : memref<1664xi32, #tpu.memory_space<vmem>>, vector<16xi32>,
      %gather3A = tpu.vector_load_idx %arg19[%get3A_720] : memref<100000xf32, #tpu.memory_space<vmem>>[vector<16xi32>], vector<16xf32>,
      %mul3A_721 = arith.constant 16 : i32
      %mul3A_722 = arith.muli %scan3A_716, %mul3A_721 : i32
      %swap3A = arith.index_cast %mul3A_722 : i32 to index
      %swap3A_723 = tpu.vector_load %arg14[%swap3A] {strides = array<i32>} : memref<1664xf32, #tpu.memory_space<vmem>>, vector<16xf32>,
      %swap3A_724 = vector.shape_cast %swap3A_723 : vector<16xf32> to vector<16xf32>
      %swap3A_725 = vector.shape_cast %gather3A : vector<16xf32> to vector<16xf32>
      tpu.vector_store %arg14[%swap3A], %swap3A_725 {strides = array<i32>} : memref<1664xf32, #tpu.memory_space<vmem>>, vector<16xf32>,
      %scan3A_726 = arith.constant 0 : i32
      scf.yield %scan3A_726 : i32
    }
    %scan3A_540 = arith.constant 104 : i32
    %dma_wait3A_541 = tpu.memref_slice %arg3[%add3A_506] : memref<1600000xi32, #tpu.memory_space<hbm>> -> memref<1664xi32, #tpu.memory_space<hbm>>
    %dma_wait3A_542 = tpu.memref_slice %arg3[%add3A_506] : memref<1600000xi32, #tpu.memory_space<hbm>> -> memref<1664xi32, #tpu.memory_space<hbm>>
    tpu.wait_dma2 semaphore(%arg26 : memref<!tpu.dma_semaphore, #tpu.memory_space<semaphore_mem>>) src(%dma_wait3A_542 : memref<1664xi32, #tpu.memory_space<hbm>>) dst(%arg11 : memref<1664xi32, #tpu.memory_space<vmem>>)
    %dma_start3A_543 = arith.constant 0 : i32
    %dma_start3A_544 = tpu.memref_slice %arg21[%dma_start3A_543] : memref<100096xf32, #tpu.memory_space<vmem_shared>> -> memref<100096xf32, #tpu.memory_space<vmem_shared>>
    tpu.enqueue_indirect_dma source(%arg14 : memref<1664xf32, #tpu.memory_space<vmem>>) target(%dma_start3A_544 : memref<100096xf32, #tpu.memory_space<vmem_shared>>) offsets(%arg11 : memref<1664xi32, #tpu.memory_space<vmem>>) semaphore(%arg29 : memref<!tpu.dma_semaphore, #tpu.memory_space<semaphore_mem>>) {add = true}
    %dma_wait3A_545 = arith.constant 0 : i32
    %dma_wait3A_546 = tpu.memref_slice %arg21[%dma_wait3A_545] : memref<100096xf32, #tpu.memory_space<vmem_shared>> -> memref<100096xf32, #tpu.memory_space<vmem_shared>>
    tpu.wait_indirect_dma semaphore(%arg28 : memref<!tpu.dma_semaphore, #tpu.memory_space<semaphore_mem>>) src(%arg13 : memref<1664xf32, #tpu.memory_space<vmem>>) dst(%dma_wait3A_546 : memref<100096xf32, #tpu.memory_space<vmem_shared>>)
    %add3A_547 = arith.constant 39936 : i32
    %add3A_548 = arith.addi %mul3A_4, %add3A_547 : i32
    %dma_start3A_549 = tpu.memref_slice %arg2[%add3A_548] : memref<1600000xi32, #tpu.memory_space<hbm>> -> memref<1664xi32, #tpu.memory_space<hbm>>
    %dma_start3A_550 = tpu.memref_slice %arg2[%add3A_548] : memref<1600000xi32, #tpu.memory_space<hbm>> -> memref<1664xi32, #tpu.memory_space<hbm>>
    tpu.enqueue_dma source(%dma_start3A_550 : memref<1664xi32, #tpu.memory_space<hbm>>) target(%arg7 : memref<1664xi32, #tpu.memory_space<vmem>>) target_semaphore(%arg22 : memref<!tpu.dma_semaphore, #tpu.memory_space<semaphore_mem>>)
    %add3A_551 = arith.constant 39936 : i32
    %add3A_552 = arith.addi %mul3A_4, %add3A_551 : i32
    %dma_start3A_553 = tpu.memref_slice %arg3[%add3A_552] : memref<1600000xi32, #tpu.memory_space<hbm>> -> memref<1664xi32, #tpu.memory_space<hbm>>
    %dma_start3A_554 = tpu.memref_slice %arg3[%add3A_552] : memref<1600000xi32, #tpu.memory_space<hbm>> -> memref<1664xi32, #tpu.memory_space<hbm>>
    tpu.enqueue_dma source(%dma_start3A_554 : memref<1664xi32, #tpu.memory_space<hbm>>) target(%arg10 : memref<1664xi32, #tpu.memory_space<vmem>>) target_semaphore(%arg25 : memref<!tpu.dma_semaphore, #tpu.memory_space<semaphore_mem>>)
    %dma_wait3A_555 = tpu.memref_slice %arg2[%add3A_525] : memref<1600000xi32, #tpu.memory_space<hbm>> -> memref<1664xi32, #tpu.memory_space<hbm>>
    %dma_wait3A_556 = tpu.memref_slice %arg2[%add3A_525] : memref<1600000xi32, #tpu.memory_space<hbm>> -> memref<1664xi32, #tpu.memory_space<hbm>>
    tpu.wait_dma2 semaphore(%arg24 : memref<!tpu.dma_semaphore, #tpu.memory_space<semaphore_mem>>) src(%dma_wait3A_556 : memref<1664xi32, #tpu.memory_space<hbm>>) dst(%arg9 : memref<1664xi32, #tpu.memory_space<vmem>>)
    %scan3A_557 = arith.constant 0 : i32
    %scan3A_558 = arith.constant 0 : i32
    %scan3A_559 = arith.constant 104 : i32
    %scan3A_560 = arith.addi %scan3A_558, %scan3A_559 : i32
    %scan3A_561 = arith.constant 1 : i32
    %scan3A_562 = scf.for %scan3A_716 = %scan3A_558 to %scan3A_560 step %scan3A_561 iter_args(%scan3A_717 = %scan3A_557) -> (i32)  : i32 {
      %mul3A_718 = arith.constant 16 : i32
      %mul3A_719 = arith.muli %scan3A_716, %mul3A_718 : i32
      %get3A = arith.index_cast %mul3A_719 : i32 to index
      %get3A_720 = tpu.vector_load %arg9[%get3A] {strides = array<i32>} : memref<1664xi32, #tpu.memory_space<vmem>>, vector<16xi32>,
      %gather3A = tpu.vector_load_idx %arg19[%get3A_720] : memref<100000xf32, #tpu.memory_space<vmem>>[vector<16xi32>], vector<16xf32>,
      %mul3A_721 = arith.constant 16 : i32
      %mul3A_722 = arith.muli %scan3A_716, %mul3A_721 : i32
      %swap3A = arith.index_cast %mul3A_722 : i32 to index
      %swap3A_723 = tpu.vector_load %arg15[%swap3A] {strides = array<i32>} : memref<1664xf32, #tpu.memory_space<vmem>>, vector<16xf32>,
      %swap3A_724 = vector.shape_cast %swap3A_723 : vector<16xf32> to vector<16xf32>
      %swap3A_725 = vector.shape_cast %gather3A : vector<16xf32> to vector<16xf32>
      tpu.vector_store %arg15[%swap3A], %swap3A_725 {strides = array<i32>} : memref<1664xf32, #tpu.memory_space<vmem>>, vector<16xf32>,
      %scan3A_726 = arith.constant 0 : i32
      scf.yield %scan3A_726 : i32
    }
    %scan3A_563 = arith.constant 104 : i32
    %dma_wait3A_564 = tpu.memref_slice %arg3[%add3A_529] : memref<1600000xi32, #tpu.memory_space<hbm>> -> memref<1664xi32, #tpu.memory_space<hbm>>
    %dma_wait3A_565 = tpu.memref_slice %arg3[%add3A_529] : memref<1600000xi32, #tpu.memory_space<hbm>> -> memref<1664xi32, #tpu.memory_space<hbm>>
    tpu.wait_dma2 semaphore(%arg27 : memref<!tpu.dma_semaphore, #tpu.memory_space<semaphore_mem>>) src(%dma_wait3A_565 : memref<1664xi32, #tpu.memory_space<hbm>>) dst(%arg12 : memref<1664xi32, #tpu.memory_space<vmem>>)
    %dma_start3A_566 = arith.constant 0 : i32
    %dma_start3A_567 = tpu.memref_slice %arg21[%dma_start3A_566] : memref<100096xf32, #tpu.memory_space<vmem_shared>> -> memref<100096xf32, #tpu.memory_space<vmem_shared>>
    tpu.enqueue_indirect_dma source(%arg15 : memref<1664xf32, #tpu.memory_space<vmem>>) target(%dma_start3A_567 : memref<100096xf32, #tpu.memory_space<vmem_shared>>) offsets(%arg12 : memref<1664xi32, #tpu.memory_space<vmem>>) semaphore(%arg30 : memref<!tpu.dma_semaphore, #tpu.memory_space<semaphore_mem>>) {add = true}
    %dma_wait3A_568 = arith.constant 0 : i32
    %dma_wait3A_569 = tpu.memref_slice %arg21[%dma_wait3A_568] : memref<100096xf32, #tpu.memory_space<vmem_shared>> -> memref<100096xf32, #tpu.memory_space<vmem_shared>>
    tpu.wait_indirect_dma semaphore(%arg29 : memref<!tpu.dma_semaphore, #tpu.memory_space<semaphore_mem>>) src(%arg14 : memref<1664xf32, #tpu.memory_space<vmem>>) dst(%dma_wait3A_569 : memref<100096xf32, #tpu.memory_space<vmem_shared>>)
    %add3A_570 = arith.constant 41600 : i32
    %add3A_571 = arith.addi %mul3A_4, %add3A_570 : i32
    %dma_start3A_572 = tpu.memref_slice %arg2[%add3A_571] : memref<1600000xi32, #tpu.memory_space<hbm>> -> memref<1664xi32, #tpu.memory_space<hbm>>
    %dma_start3A_573 = tpu.memref_slice %arg2[%add3A_571] : memref<1600000xi32, #tpu.memory_space<hbm>> -> memref<1664xi32, #tpu.memory_space<hbm>>
    tpu.enqueue_dma source(%dma_start3A_573 : memref<1664xi32, #tpu.memory_space<hbm>>) target(%arg8 : memref<1664xi32, #tpu.memory_space<vmem>>) target_semaphore(%arg23 : memref<!tpu.dma_semaphore, #tpu.memory_space<semaphore_mem>>)
    %add3A_574 = arith.constant 41600 : i32
    %add3A_575 = arith.addi %mul3A_4, %add3A_574 : i32
    %dma_start3A_576 = tpu.memref_slice %arg3[%add3A_575] : memref<1600000xi32, #tpu.memory_space<hbm>> -> memref<1664xi32, #tpu.memory_space<hbm>>
    %dma_start3A_577 = tpu.memref_slice %arg3[%add3A_575] : memref<1600000xi32, #tpu.memory_space<hbm>> -> memref<1664xi32, #tpu.memory_space<hbm>>
    tpu.enqueue_dma source(%dma_start3A_577 : memref<1664xi32, #tpu.memory_space<hbm>>) target(%arg11 : memref<1664xi32, #tpu.memory_space<vmem>>) target_semaphore(%arg26 : memref<!tpu.dma_semaphore, #tpu.memory_space<semaphore_mem>>)
    %dma_wait3A_578 = tpu.memref_slice %arg2[%add3A_548] : memref<1600000xi32, #tpu.memory_space<hbm>> -> memref<1664xi32, #tpu.memory_space<hbm>>
    %dma_wait3A_579 = tpu.memref_slice %arg2[%add3A_548] : memref<1600000xi32, #tpu.memory_space<hbm>> -> memref<1664xi32, #tpu.memory_space<hbm>>
    tpu.wait_dma2 semaphore(%arg22 : memref<!tpu.dma_semaphore, #tpu.memory_space<semaphore_mem>>) src(%dma_wait3A_579 : memref<1664xi32, #tpu.memory_space<hbm>>) dst(%arg7 : memref<1664xi32, #tpu.memory_space<vmem>>)
    %scan3A_580 = arith.constant 0 : i32
    %scan3A_581 = arith.constant 0 : i32
    %scan3A_582 = arith.constant 104 : i32
    %scan3A_583 = arith.addi %scan3A_581, %scan3A_582 : i32
    %scan3A_584 = arith.constant 1 : i32
    %scan3A_585 = scf.for %scan3A_716 = %scan3A_581 to %scan3A_583 step %scan3A_584 iter_args(%scan3A_717 = %scan3A_580) -> (i32)  : i32 {
      %mul3A_718 = arith.constant 16 : i32
      %mul3A_719 = arith.muli %scan3A_716, %mul3A_718 : i32
      %get3A = arith.index_cast %mul3A_719 : i32 to index
      %get3A_720 = tpu.vector_load %arg7[%get3A] {strides = array<i32>} : memref<1664xi32, #tpu.memory_space<vmem>>, vector<16xi32>,
      %gather3A = tpu.vector_load_idx %arg19[%get3A_720] : memref<100000xf32, #tpu.memory_space<vmem>>[vector<16xi32>], vector<16xf32>,
      %mul3A_721 = arith.constant 16 : i32
      %mul3A_722 = arith.muli %scan3A_716, %mul3A_721 : i32
      %swap3A = arith.index_cast %mul3A_722 : i32 to index
      %swap3A_723 = tpu.vector_load %arg13[%swap3A] {strides = array<i32>} : memref<1664xf32, #tpu.memory_space<vmem>>, vector<16xf32>,
      %swap3A_724 = vector.shape_cast %swap3A_723 : vector<16xf32> to vector<16xf32>
      %swap3A_725 = vector.shape_cast %gather3A : vector<16xf32> to vector<16xf32>
      tpu.vector_store %arg13[%swap3A], %swap3A_725 {strides = array<i32>} : memref<1664xf32, #tpu.memory_space<vmem>>, vector<16xf32>,
      %scan3A_726 = arith.constant 0 : i32
      scf.yield %scan3A_726 : i32
    }
    %scan3A_586 = arith.constant 104 : i32
    %dma_wait3A_587 = tpu.memref_slice %arg3[%add3A_552] : memref<1600000xi32, #tpu.memory_space<hbm>> -> memref<1664xi32, #tpu.memory_space<hbm>>
    %dma_wait3A_588 = tpu.memref_slice %arg3[%add3A_552] : memref<1600000xi32, #tpu.memory_space<hbm>> -> memref<1664xi32, #tpu.memory_space<hbm>>
    tpu.wait_dma2 semaphore(%arg25 : memref<!tpu.dma_semaphore, #tpu.memory_space<semaphore_mem>>) src(%dma_wait3A_588 : memref<1664xi32, #tpu.memory_space<hbm>>) dst(%arg10 : memref<1664xi32, #tpu.memory_space<vmem>>)
    %dma_start3A_589 = arith.constant 0 : i32
    %dma_start3A_590 = tpu.memref_slice %arg21[%dma_start3A_589] : memref<100096xf32, #tpu.memory_space<vmem_shared>> -> memref<100096xf32, #tpu.memory_space<vmem_shared>>
    tpu.enqueue_indirect_dma source(%arg13 : memref<1664xf32, #tpu.memory_space<vmem>>) target(%dma_start3A_590 : memref<100096xf32, #tpu.memory_space<vmem_shared>>) offsets(%arg10 : memref<1664xi32, #tpu.memory_space<vmem>>) semaphore(%arg28 : memref<!tpu.dma_semaphore, #tpu.memory_space<semaphore_mem>>) {add = true}
    %dma_wait3A_591 = arith.constant 0 : i32
    %dma_wait3A_592 = tpu.memref_slice %arg21[%dma_wait3A_591] : memref<100096xf32, #tpu.memory_space<vmem_shared>> -> memref<100096xf32, #tpu.memory_space<vmem_shared>>
    tpu.wait_indirect_dma semaphore(%arg30 : memref<!tpu.dma_semaphore, #tpu.memory_space<semaphore_mem>>) src(%arg15 : memref<1664xf32, #tpu.memory_space<vmem>>) dst(%dma_wait3A_592 : memref<100096xf32, #tpu.memory_space<vmem_shared>>)
    %add3A_593 = arith.constant 43264 : i32
    %add3A_594 = arith.addi %mul3A_4, %add3A_593 : i32
    %dma_start3A_595 = tpu.memref_slice %arg2[%add3A_594] : memref<1600000xi32, #tpu.memory_space<hbm>> -> memref<1664xi32, #tpu.memory_space<hbm>>
    %dma_start3A_596 = tpu.memref_slice %arg2[%add3A_594] : memref<1600000xi32, #tpu.memory_space<hbm>> -> memref<1664xi32, #tpu.memory_space<hbm>>
    tpu.enqueue_dma source(%dma_start3A_596 : memref<1664xi32, #tpu.memory_space<hbm>>) target(%arg9 : memref<1664xi32, #tpu.memory_space<vmem>>) target_semaphore(%arg24 : memref<!tpu.dma_semaphore, #tpu.memory_space<semaphore_mem>>)
    %add3A_597 = arith.constant 43264 : i32
    %add3A_598 = arith.addi %mul3A_4, %add3A_597 : i32
    %dma_start3A_599 = tpu.memref_slice %arg3[%add3A_598] : memref<1600000xi32, #tpu.memory_space<hbm>> -> memref<1664xi32, #tpu.memory_space<hbm>>
    %dma_start3A_600 = tpu.memref_slice %arg3[%add3A_598] : memref<1600000xi32, #tpu.memory_space<hbm>> -> memref<1664xi32, #tpu.memory_space<hbm>>
    tpu.enqueue_dma source(%dma_start3A_600 : memref<1664xi32, #tpu.memory_space<hbm>>) target(%arg12 : memref<1664xi32, #tpu.memory_space<vmem>>) target_semaphore(%arg27 : memref<!tpu.dma_semaphore, #tpu.memory_space<semaphore_mem>>)
    %dma_wait3A_601 = tpu.memref_slice %arg2[%add3A_571] : memref<1600000xi32, #tpu.memory_space<hbm>> -> memref<1664xi32, #tpu.memory_space<hbm>>
    %dma_wait3A_602 = tpu.memref_slice %arg2[%add3A_571] : memref<1600000xi32, #tpu.memory_space<hbm>> -> memref<1664xi32, #tpu.memory_space<hbm>>
    tpu.wait_dma2 semaphore(%arg23 : memref<!tpu.dma_semaphore, #tpu.memory_space<semaphore_mem>>) src(%dma_wait3A_602 : memref<1664xi32, #tpu.memory_space<hbm>>) dst(%arg8 : memref<1664xi32, #tpu.memory_space<vmem>>)
    %scan3A_603 = arith.constant 0 : i32
    %scan3A_604 = arith.constant 0 : i32
    %scan3A_605 = arith.constant 104 : i32
    %scan3A_606 = arith.addi %scan3A_604, %scan3A_605 : i32
    %scan3A_607 = arith.constant 1 : i32
    %scan3A_608 = scf.for %scan3A_716 = %scan3A_604 to %scan3A_606 step %scan3A_607 iter_args(%scan3A_717 = %scan3A_603) -> (i32)  : i32 {
      %mul3A_718 = arith.constant 16 : i32
      %mul3A_719 = arith.muli %scan3A_716, %mul3A_718 : i32
      %get3A = arith.index_cast %mul3A_719 : i32 to index
      %get3A_720 = tpu.vector_load %arg8[%get3A] {strides = array<i32>} : memref<1664xi32, #tpu.memory_space<vmem>>, vector<16xi32>,
      %gather3A = tpu.vector_load_idx %arg19[%get3A_720] : memref<100000xf32, #tpu.memory_space<vmem>>[vector<16xi32>], vector<16xf32>,
      %mul3A_721 = arith.constant 16 : i32
      %mul3A_722 = arith.muli %scan3A_716, %mul3A_721 : i32
      %swap3A = arith.index_cast %mul3A_722 : i32 to index
      %swap3A_723 = tpu.vector_load %arg14[%swap3A] {strides = array<i32>} : memref<1664xf32, #tpu.memory_space<vmem>>, vector<16xf32>,
      %swap3A_724 = vector.shape_cast %swap3A_723 : vector<16xf32> to vector<16xf32>
      %swap3A_725 = vector.shape_cast %gather3A : vector<16xf32> to vector<16xf32>
      tpu.vector_store %arg14[%swap3A], %swap3A_725 {strides = array<i32>} : memref<1664xf32, #tpu.memory_space<vmem>>, vector<16xf32>,
      %scan3A_726 = arith.constant 0 : i32
      scf.yield %scan3A_726 : i32
    }
    %scan3A_609 = arith.constant 104 : i32
    %dma_wait3A_610 = tpu.memref_slice %arg3[%add3A_575] : memref<1600000xi32, #tpu.memory_space<hbm>> -> memref<1664xi32, #tpu.memory_space<hbm>>
    %dma_wait3A_611 = tpu.memref_slice %arg3[%add3A_575] : memref<1600000xi32, #tpu.memory_space<hbm>> -> memref<1664xi32, #tpu.memory_space<hbm>>
    tpu.wait_dma2 semaphore(%arg26 : memref<!tpu.dma_semaphore, #tpu.memory_space<semaphore_mem>>) src(%dma_wait3A_611 : memref<1664xi32, #tpu.memory_space<hbm>>) dst(%arg11 : memref<1664xi32, #tpu.memory_space<vmem>>)
    %dma_start3A_612 = arith.constant 0 : i32
    %dma_start3A_613 = tpu.memref_slice %arg21[%dma_start3A_612] : memref<100096xf32, #tpu.memory_space<vmem_shared>> -> memref<100096xf32, #tpu.memory_space<vmem_shared>>
    tpu.enqueue_indirect_dma source(%arg14 : memref<1664xf32, #tpu.memory_space<vmem>>) target(%dma_start3A_613 : memref<100096xf32, #tpu.memory_space<vmem_shared>>) offsets(%arg11 : memref<1664xi32, #tpu.memory_space<vmem>>) semaphore(%arg29 : memref<!tpu.dma_semaphore, #tpu.memory_space<semaphore_mem>>) {add = true}
    %dma_wait3A_614 = arith.constant 0 : i32
    %dma_wait3A_615 = tpu.memref_slice %arg21[%dma_wait3A_614] : memref<100096xf32, #tpu.memory_space<vmem_shared>> -> memref<100096xf32, #tpu.memory_space<vmem_shared>>
    tpu.wait_indirect_dma semaphore(%arg28 : memref<!tpu.dma_semaphore, #tpu.memory_space<semaphore_mem>>) src(%arg13 : memref<1664xf32, #tpu.memory_space<vmem>>) dst(%dma_wait3A_615 : memref<100096xf32, #tpu.memory_space<vmem_shared>>)
    %add3A_616 = arith.constant 44928 : i32
    %add3A_617 = arith.addi %mul3A_4, %add3A_616 : i32
    %dma_start3A_618 = tpu.memref_slice %arg2[%add3A_617] : memref<1600000xi32, #tpu.memory_space<hbm>> -> memref<1664xi32, #tpu.memory_space<hbm>>
    %dma_start3A_619 = tpu.memref_slice %arg2[%add3A_617] : memref<1600000xi32, #tpu.memory_space<hbm>> -> memref<1664xi32, #tpu.memory_space<hbm>>
    tpu.enqueue_dma source(%dma_start3A_619 : memref<1664xi32, #tpu.memory_space<hbm>>) target(%arg7 : memref<1664xi32, #tpu.memory_space<vmem>>) target_semaphore(%arg22 : memref<!tpu.dma_semaphore, #tpu.memory_space<semaphore_mem>>)
    %add3A_620 = arith.constant 44928 : i32
    %add3A_621 = arith.addi %mul3A_4, %add3A_620 : i32
    %dma_start3A_622 = tpu.memref_slice %arg3[%add3A_621] : memref<1600000xi32, #tpu.memory_space<hbm>> -> memref<1664xi32, #tpu.memory_space<hbm>>
    %dma_start3A_623 = tpu.memref_slice %arg3[%add3A_621] : memref<1600000xi32, #tpu.memory_space<hbm>> -> memref<1664xi32, #tpu.memory_space<hbm>>
    tpu.enqueue_dma source(%dma_start3A_623 : memref<1664xi32, #tpu.memory_space<hbm>>) target(%arg10 : memref<1664xi32, #tpu.memory_space<vmem>>) target_semaphore(%arg25 : memref<!tpu.dma_semaphore, #tpu.memory_space<semaphore_mem>>)
    %dma_wait3A_624 = tpu.memref_slice %arg2[%add3A_594] : memref<1600000xi32, #tpu.memory_space<hbm>> -> memref<1664xi32, #tpu.memory_space<hbm>>
    %dma_wait3A_625 = tpu.memref_slice %arg2[%add3A_594] : memref<1600000xi32, #tpu.memory_space<hbm>> -> memref<1664xi32, #tpu.memory_space<hbm>>
    tpu.wait_dma2 semaphore(%arg24 : memref<!tpu.dma_semaphore, #tpu.memory_space<semaphore_mem>>) src(%dma_wait3A_625 : memref<1664xi32, #tpu.memory_space<hbm>>) dst(%arg9 : memref<1664xi32, #tpu.memory_space<vmem>>)
    %scan3A_626 = arith.constant 0 : i32
    %scan3A_627 = arith.constant 0 : i32
    %scan3A_628 = arith.constant 104 : i32
    %scan3A_629 = arith.addi %scan3A_627, %scan3A_628 : i32
    %scan3A_630 = arith.constant 1 : i32
    %scan3A_631 = scf.for %scan3A_716 = %scan3A_627 to %scan3A_629 step %scan3A_630 iter_args(%scan3A_717 = %scan3A_626) -> (i32)  : i32 {
      %mul3A_718 = arith.constant 16 : i32
      %mul3A_719 = arith.muli %scan3A_716, %mul3A_718 : i32
      %get3A = arith.index_cast %mul3A_719 : i32 to index
      %get3A_720 = tpu.vector_load %arg9[%get3A] {strides = array<i32>} : memref<1664xi32, #tpu.memory_space<vmem>>, vector<16xi32>,
      %gather3A = tpu.vector_load_idx %arg19[%get3A_720] : memref<100000xf32, #tpu.memory_space<vmem>>[vector<16xi32>], vector<16xf32>,
      %mul3A_721 = arith.constant 16 : i32
      %mul3A_722 = arith.muli %scan3A_716, %mul3A_721 : i32
      %swap3A = arith.index_cast %mul3A_722 : i32 to index
      %swap3A_723 = tpu.vector_load %arg15[%swap3A] {strides = array<i32>} : memref<1664xf32, #tpu.memory_space<vmem>>, vector<16xf32>,
      %swap3A_724 = vector.shape_cast %swap3A_723 : vector<16xf32> to vector<16xf32>
      %swap3A_725 = vector.shape_cast %gather3A : vector<16xf32> to vector<16xf32>
      tpu.vector_store %arg15[%swap3A], %swap3A_725 {strides = array<i32>} : memref<1664xf32, #tpu.memory_space<vmem>>, vector<16xf32>,
      %scan3A_726 = arith.constant 0 : i32
      scf.yield %scan3A_726 : i32
    }
    %scan3A_632 = arith.constant 104 : i32
    %dma_wait3A_633 = tpu.memref_slice %arg3[%add3A_598] : memref<1600000xi32, #tpu.memory_space<hbm>> -> memref<1664xi32, #tpu.memory_space<hbm>>
    %dma_wait3A_634 = tpu.memref_slice %arg3[%add3A_598] : memref<1600000xi32, #tpu.memory_space<hbm>> -> memref<1664xi32, #tpu.memory_space<hbm>>
    tpu.wait_dma2 semaphore(%arg27 : memref<!tpu.dma_semaphore, #tpu.memory_space<semaphore_mem>>) src(%dma_wait3A_634 : memref<1664xi32, #tpu.memory_space<hbm>>) dst(%arg12 : memref<1664xi32, #tpu.memory_space<vmem>>)
    %dma_start3A_635 = arith.constant 0 : i32
    %dma_start3A_636 = tpu.memref_slice %arg21[%dma_start3A_635] : memref<100096xf32, #tpu.memory_space<vmem_shared>> -> memref<100096xf32, #tpu.memory_space<vmem_shared>>
    tpu.enqueue_indirect_dma source(%arg15 : memref<1664xf32, #tpu.memory_space<vmem>>) target(%dma_start3A_636 : memref<100096xf32, #tpu.memory_space<vmem_shared>>) offsets(%arg12 : memref<1664xi32, #tpu.memory_space<vmem>>) semaphore(%arg30 : memref<!tpu.dma_semaphore, #tpu.memory_space<semaphore_mem>>) {add = true}
    %dma_wait3A_637 = arith.constant 0 : i32
    %dma_wait3A_638 = tpu.memref_slice %arg21[%dma_wait3A_637] : memref<100096xf32, #tpu.memory_space<vmem_shared>> -> memref<100096xf32, #tpu.memory_space<vmem_shared>>
    tpu.wait_indirect_dma semaphore(%arg29 : memref<!tpu.dma_semaphore, #tpu.memory_space<semaphore_mem>>) src(%arg14 : memref<1664xf32, #tpu.memory_space<vmem>>) dst(%dma_wait3A_638 : memref<100096xf32, #tpu.memory_space<vmem_shared>>)
    %add3A_639 = arith.constant 46592 : i32
    %add3A_640 = arith.addi %mul3A_4, %add3A_639 : i32
    %dma_start3A_641 = tpu.memref_slice %arg2[%add3A_640] : memref<1600000xi32, #tpu.memory_space<hbm>> -> memref<1664xi32, #tpu.memory_space<hbm>>
    %dma_start3A_642 = tpu.memref_slice %arg2[%add3A_640] : memref<1600000xi32, #tpu.memory_space<hbm>> -> memref<1664xi32, #tpu.memory_space<hbm>>
    tpu.enqueue_dma source(%dma_start3A_642 : memref<1664xi32, #tpu.memory_space<hbm>>) target(%arg8 : memref<1664xi32, #tpu.memory_space<vmem>>) target_semaphore(%arg23 : memref<!tpu.dma_semaphore, #tpu.memory_space<semaphore_mem>>)
    %add3A_643 = arith.constant 46592 : i32
    %add3A_644 = arith.addi %mul3A_4, %add3A_643 : i32
    %dma_start3A_645 = tpu.memref_slice %arg3[%add3A_644] : memref<1600000xi32, #tpu.memory_space<hbm>> -> memref<1664xi32, #tpu.memory_space<hbm>>
    %dma_start3A_646 = tpu.memref_slice %arg3[%add3A_644] : memref<1600000xi32, #tpu.memory_space<hbm>> -> memref<1664xi32, #tpu.memory_space<hbm>>
    tpu.enqueue_dma source(%dma_start3A_646 : memref<1664xi32, #tpu.memory_space<hbm>>) target(%arg11 : memref<1664xi32, #tpu.memory_space<vmem>>) target_semaphore(%arg26 : memref<!tpu.dma_semaphore, #tpu.memory_space<semaphore_mem>>)
    %dma_wait3A_647 = tpu.memref_slice %arg2[%add3A_617] : memref<1600000xi32, #tpu.memory_space<hbm>> -> memref<1664xi32, #tpu.memory_space<hbm>>
    %dma_wait3A_648 = tpu.memref_slice %arg2[%add3A_617] : memref<1600000xi32, #tpu.memory_space<hbm>> -> memref<1664xi32, #tpu.memory_space<hbm>>
    tpu.wait_dma2 semaphore(%arg22 : memref<!tpu.dma_semaphore, #tpu.memory_space<semaphore_mem>>) src(%dma_wait3A_648 : memref<1664xi32, #tpu.memory_space<hbm>>) dst(%arg7 : memref<1664xi32, #tpu.memory_space<vmem>>)
    %scan3A_649 = arith.constant 0 : i32
    %scan3A_650 = arith.constant 0 : i32
    %scan3A_651 = arith.constant 104 : i32
    %scan3A_652 = arith.addi %scan3A_650, %scan3A_651 : i32
    %scan3A_653 = arith.constant 1 : i32
    %scan3A_654 = scf.for %scan3A_716 = %scan3A_650 to %scan3A_652 step %scan3A_653 iter_args(%scan3A_717 = %scan3A_649) -> (i32)  : i32 {
      %mul3A_718 = arith.constant 16 : i32
      %mul3A_719 = arith.muli %scan3A_716, %mul3A_718 : i32
      %get3A = arith.index_cast %mul3A_719 : i32 to index
      %get3A_720 = tpu.vector_load %arg7[%get3A] {strides = array<i32>} : memref<1664xi32, #tpu.memory_space<vmem>>, vector<16xi32>,
      %gather3A = tpu.vector_load_idx %arg19[%get3A_720] : memref<100000xf32, #tpu.memory_space<vmem>>[vector<16xi32>], vector<16xf32>,
      %mul3A_721 = arith.constant 16 : i32
      %mul3A_722 = arith.muli %scan3A_716, %mul3A_721 : i32
      %swap3A = arith.index_cast %mul3A_722 : i32 to index
      %swap3A_723 = tpu.vector_load %arg13[%swap3A] {strides = array<i32>} : memref<1664xf32, #tpu.memory_space<vmem>>, vector<16xf32>,
      %swap3A_724 = vector.shape_cast %swap3A_723 : vector<16xf32> to vector<16xf32>
      %swap3A_725 = vector.shape_cast %gather3A : vector<16xf32> to vector<16xf32>
      tpu.vector_store %arg13[%swap3A], %swap3A_725 {strides = array<i32>} : memref<1664xf32, #tpu.memory_space<vmem>>, vector<16xf32>,
      %scan3A_726 = arith.constant 0 : i32
      scf.yield %scan3A_726 : i32
    }
    %scan3A_655 = arith.constant 104 : i32
    %dma_wait3A_656 = tpu.memref_slice %arg3[%add3A_621] : memref<1600000xi32, #tpu.memory_space<hbm>> -> memref<1664xi32, #tpu.memory_space<hbm>>
    %dma_wait3A_657 = tpu.memref_slice %arg3[%add3A_621] : memref<1600000xi32, #tpu.memory_space<hbm>> -> memref<1664xi32, #tpu.memory_space<hbm>>
    tpu.wait_dma2 semaphore(%arg25 : memref<!tpu.dma_semaphore, #tpu.memory_space<semaphore_mem>>) src(%dma_wait3A_657 : memref<1664xi32, #tpu.memory_space<hbm>>) dst(%arg10 : memref<1664xi32, #tpu.memory_space<vmem>>)
    %dma_start3A_658 = arith.constant 0 : i32
    %dma_start3A_659 = tpu.memref_slice %arg21[%dma_start3A_658] : memref<100096xf32, #tpu.memory_space<vmem_shared>> -> memref<100096xf32, #tpu.memory_space<vmem_shared>>
    tpu.enqueue_indirect_dma source(%arg13 : memref<1664xf32, #tpu.memory_space<vmem>>) target(%dma_start3A_659 : memref<100096xf32, #tpu.memory_space<vmem_shared>>) offsets(%arg10 : memref<1664xi32, #tpu.memory_space<vmem>>) semaphore(%arg28 : memref<!tpu.dma_semaphore, #tpu.memory_space<semaphore_mem>>) {add = true}
    %dma_wait3A_660 = arith.constant 0 : i32
    %dma_wait3A_661 = tpu.memref_slice %arg21[%dma_wait3A_660] : memref<100096xf32, #tpu.memory_space<vmem_shared>> -> memref<100096xf32, #tpu.memory_space<vmem_shared>>
    tpu.wait_indirect_dma semaphore(%arg30 : memref<!tpu.dma_semaphore, #tpu.memory_space<semaphore_mem>>) src(%arg15 : memref<1664xf32, #tpu.memory_space<vmem>>) dst(%dma_wait3A_661 : memref<100096xf32, #tpu.memory_space<vmem_shared>>)
    %add3A_662 = arith.constant 48256 : i32
    %add3A_663 = arith.addi %mul3A_4, %add3A_662 : i32
    %dma_start3A_664 = tpu.memref_slice %arg2[%add3A_663] : memref<1600000xi32, #tpu.memory_space<hbm>> -> memref<1664xi32, #tpu.memory_space<hbm>>
    %dma_start3A_665 = tpu.memref_slice %arg2[%add3A_663] : memref<1600000xi32, #tpu.memory_space<hbm>> -> memref<1664xi32, #tpu.memory_space<hbm>>
    tpu.enqueue_dma source(%dma_start3A_665 : memref<1664xi32, #tpu.memory_space<hbm>>) target(%arg9 : memref<1664xi32, #tpu.memory_space<vmem>>) target_semaphore(%arg24 : memref<!tpu.dma_semaphore, #tpu.memory_space<semaphore_mem>>)
    %add3A_666 = arith.constant 48256 : i32
    %add3A_667 = arith.addi %mul3A_4, %add3A_666 : i32
    %dma_start3A_668 = tpu.memref_slice %arg3[%add3A_667] : memref<1600000xi32, #tpu.memory_space<hbm>> -> memref<1664xi32, #tpu.memory_space<hbm>>
    %dma_start3A_669 = tpu.memref_slice %arg3[%add3A_667] : memref<1600000xi32, #tpu.memory_space<hbm>> -> memref<1664xi32, #tpu.memory_space<hbm>>
    tpu.enqueue_dma source(%dma_start3A_669 : memref<1664xi32, #tpu.memory_space<hbm>>) target(%arg12 : memref<1664xi32, #tpu.memory_space<vmem>>) target_semaphore(%arg27 : memref<!tpu.dma_semaphore, #tpu.memory_space<semaphore_mem>>)
    %dma_wait3A_670 = tpu.memref_slice %arg2[%add3A_640] : memref<1600000xi32, #tpu.memory_space<hbm>> -> memref<1664xi32, #tpu.memory_space<hbm>>
    %dma_wait3A_671 = tpu.memref_slice %arg2[%add3A_640] : memref<1600000xi32, #tpu.memory_space<hbm>> -> memref<1664xi32, #tpu.memory_space<hbm>>
    tpu.wait_dma2 semaphore(%arg23 : memref<!tpu.dma_semaphore, #tpu.memory_space<semaphore_mem>>) src(%dma_wait3A_671 : memref<1664xi32, #tpu.memory_space<hbm>>) dst(%arg8 : memref<1664xi32, #tpu.memory_space<vmem>>)
    %scan3A_672 = arith.constant 0 : i32
    %scan3A_673 = arith.constant 0 : i32
    %scan3A_674 = arith.constant 104 : i32
    %scan3A_675 = arith.addi %scan3A_673, %scan3A_674 : i32
    %scan3A_676 = arith.constant 1 : i32
    %scan3A_677 = scf.for %scan3A_716 = %scan3A_673 to %scan3A_675 step %scan3A_676 iter_args(%scan3A_717 = %scan3A_672) -> (i32)  : i32 {
      %mul3A_718 = arith.constant 16 : i32
      %mul3A_719 = arith.muli %scan3A_716, %mul3A_718 : i32
      %get3A = arith.index_cast %mul3A_719 : i32 to index
      %get3A_720 = tpu.vector_load %arg8[%get3A] {strides = array<i32>} : memref<1664xi32, #tpu.memory_space<vmem>>, vector<16xi32>,
      %gather3A = tpu.vector_load_idx %arg19[%get3A_720] : memref<100000xf32, #tpu.memory_space<vmem>>[vector<16xi32>], vector<16xf32>,
      %mul3A_721 = arith.constant 16 : i32
      %mul3A_722 = arith.muli %scan3A_716, %mul3A_721 : i32
      %swap3A = arith.index_cast %mul3A_722 : i32 to index
      %swap3A_723 = tpu.vector_load %arg14[%swap3A] {strides = array<i32>} : memref<1664xf32, #tpu.memory_space<vmem>>, vector<16xf32>,
      %swap3A_724 = vector.shape_cast %swap3A_723 : vector<16xf32> to vector<16xf32>
      %swap3A_725 = vector.shape_cast %gather3A : vector<16xf32> to vector<16xf32>
      tpu.vector_store %arg14[%swap3A], %swap3A_725 {strides = array<i32>} : memref<1664xf32, #tpu.memory_space<vmem>>, vector<16xf32>,
      %scan3A_726 = arith.constant 0 : i32
      scf.yield %scan3A_726 : i32
    }
    %scan3A_678 = arith.constant 104 : i32
    %dma_wait3A_679 = tpu.memref_slice %arg3[%add3A_644] : memref<1600000xi32, #tpu.memory_space<hbm>> -> memref<1664xi32, #tpu.memory_space<hbm>>
    %dma_wait3A_680 = tpu.memref_slice %arg3[%add3A_644] : memref<1600000xi32, #tpu.memory_space<hbm>> -> memref<1664xi32, #tpu.memory_space<hbm>>
    tpu.wait_dma2 semaphore(%arg26 : memref<!tpu.dma_semaphore, #tpu.memory_space<semaphore_mem>>) src(%dma_wait3A_680 : memref<1664xi32, #tpu.memory_space<hbm>>) dst(%arg11 : memref<1664xi32, #tpu.memory_space<vmem>>)
    %dma_start3A_681 = arith.constant 0 : i32
    %dma_start3A_682 = tpu.memref_slice %arg21[%dma_start3A_681] : memref<100096xf32, #tpu.memory_space<vmem_shared>> -> memref<100096xf32, #tpu.memory_space<vmem_shared>>
    tpu.enqueue_indirect_dma source(%arg14 : memref<1664xf32, #tpu.memory_space<vmem>>) target(%dma_start3A_682 : memref<100096xf32, #tpu.memory_space<vmem_shared>>) offsets(%arg11 : memref<1664xi32, #tpu.memory_space<vmem>>) semaphore(%arg29 : memref<!tpu.dma_semaphore, #tpu.memory_space<semaphore_mem>>) {add = true}
    %dma_wait3A_683 = arith.constant 0 : i32
    %dma_wait3A_684 = tpu.memref_slice %arg21[%dma_wait3A_683] : memref<100096xf32, #tpu.memory_space<vmem_shared>> -> memref<100096xf32, #tpu.memory_space<vmem_shared>>
    tpu.wait_indirect_dma semaphore(%arg28 : memref<!tpu.dma_semaphore, #tpu.memory_space<semaphore_mem>>) src(%arg13 : memref<1664xf32, #tpu.memory_space<vmem>>) dst(%dma_wait3A_684 : memref<100096xf32, #tpu.memory_space<vmem_shared>>)
    %dma_wait3A_685 = tpu.memref_slice %arg2[%add3A_663] : memref<1600000xi32, #tpu.memory_space<hbm>> -> memref<1664xi32, #tpu.memory_space<hbm>>
    %dma_wait3A_686 = tpu.memref_slice %arg2[%add3A_663] : memref<1600000xi32, #tpu.memory_space<hbm>> -> memref<1664xi32, #tpu.memory_space<hbm>>
    tpu.wait_dma2 semaphore(%arg24 : memref<!tpu.dma_semaphore, #tpu.memory_space<semaphore_mem>>) src(%dma_wait3A_686 : memref<1664xi32, #tpu.memory_space<hbm>>) dst(%arg9 : memref<1664xi32, #tpu.memory_space<vmem>>)
    %scan3A_687 = arith.constant 0 : i32
    %scan3A_688 = arith.constant 0 : i32
    %scan3A_689 = arith.constant 104 : i32
    %scan3A_690 = arith.addi %scan3A_688, %scan3A_689 : i32
    %scan3A_691 = arith.constant 1 : i32
    %scan3A_692 = scf.for %scan3A_716 = %scan3A_688 to %scan3A_690 step %scan3A_691 iter_args(%scan3A_717 = %scan3A_687) -> (i32)  : i32 {
      %mul3A_718 = arith.constant 16 : i32
      %mul3A_719 = arith.muli %scan3A_716, %mul3A_718 : i32
      %get3A = arith.index_cast %mul3A_719 : i32 to index
      %get3A_720 = tpu.vector_load %arg9[%get3A] {strides = array<i32>} : memref<1664xi32, #tpu.memory_space<vmem>>, vector<16xi32>,
      %gather3A = tpu.vector_load_idx %arg19[%get3A_720] : memref<100000xf32, #tpu.memory_space<vmem>>[vector<16xi32>], vector<16xf32>,
      %mul3A_721 = arith.constant 16 : i32
      %mul3A_722 = arith.muli %scan3A_716, %mul3A_721 : i32
      %swap3A = arith.index_cast %mul3A_722 : i32 to index
      %swap3A_723 = tpu.vector_load %arg15[%swap3A] {strides = array<i32>} : memref<1664xf32, #tpu.memory_space<vmem>>, vector<16xf32>,
      %swap3A_724 = vector.shape_cast %swap3A_723 : vector<16xf32> to vector<16xf32>
      %swap3A_725 = vector.shape_cast %gather3A : vector<16xf32> to vector<16xf32>
      tpu.vector_store %arg15[%swap3A], %swap3A_725 {strides = array<i32>} : memref<1664xf32, #tpu.memory_space<vmem>>, vector<16xf32>,
      %scan3A_726 = arith.constant 0 : i32
      scf.yield %scan3A_726 : i32
    }
    %scan3A_693 = arith.constant 104 : i32
    %dma_wait3A_694 = tpu.memref_slice %arg3[%add3A_667] : memref<1600000xi32, #tpu.memory_space<hbm>> -> memref<1664xi32, #tpu.memory_space<hbm>>
    %dma_wait3A_695 = tpu.memref_slice %arg3[%add3A_667] : memref<1600000xi32, #tpu.memory_space<hbm>> -> memref<1664xi32, #tpu.memory_space<hbm>>
    tpu.wait_dma2 semaphore(%arg27 : memref<!tpu.dma_semaphore, #tpu.memory_space<semaphore_mem>>) src(%dma_wait3A_695 : memref<1664xi32, #tpu.memory_space<hbm>>) dst(%arg12 : memref<1664xi32, #tpu.memory_space<vmem>>)
    %dma_start3A_696 = arith.constant 0 : i32
    %dma_start3A_697 = tpu.memref_slice %arg21[%dma_start3A_696] : memref<100096xf32, #tpu.memory_space<vmem_shared>> -> memref<100096xf32, #tpu.memory_space<vmem_shared>>
    tpu.enqueue_indirect_dma source(%arg15 : memref<1664xf32, #tpu.memory_space<vmem>>) target(%dma_start3A_697 : memref<100096xf32, #tpu.memory_space<vmem_shared>>) offsets(%arg12 : memref<1664xi32, #tpu.memory_space<vmem>>) semaphore(%arg30 : memref<!tpu.dma_semaphore, #tpu.memory_space<semaphore_mem>>) {add = true}
    %dma_wait3A_698 = arith.constant 0 : i32
    %dma_wait3A_699 = tpu.memref_slice %arg21[%dma_wait3A_698] : memref<100096xf32, #tpu.memory_space<vmem_shared>> -> memref<100096xf32, #tpu.memory_space<vmem_shared>>
    tpu.wait_indirect_dma semaphore(%arg29 : memref<!tpu.dma_semaphore, #tpu.memory_space<semaphore_mem>>) src(%arg14 : memref<1664xf32, #tpu.memory_space<vmem>>) dst(%dma_wait3A_699 : memref<100096xf32, #tpu.memory_space<vmem_shared>>)
    %dma_wait3A_700 = arith.constant 0 : i32
    %dma_wait3A_701 = tpu.memref_slice %arg21[%dma_wait3A_700] : memref<100096xf32, #tpu.memory_space<vmem_shared>> -> memref<100096xf32, #tpu.memory_space<vmem_shared>>
    tpu.wait_indirect_dma semaphore(%arg30 : memref<!tpu.dma_semaphore, #tpu.memory_space<semaphore_mem>>) src(%arg15 : memref<1664xf32, #tpu.memory_space<vmem>>) dst(%dma_wait3A_701 : memref<100096xf32, #tpu.memory_space<vmem_shared>>)
    %lt3A = arith.constant 20 : i32
    %lt3A_702 = arith.cmpi slt, %add3A, %lt3A : i32
    %convert_element_type3A = arith.extui %lt3A_702 : i1 to i32
    %cond3A = arith.constant 0 : i32
    %cond3A_703 = arith.cmpi ne, %convert_element_type3A, %cond3A : i32
    scf.if %cond3A_703 {
      %add3A_716 = arith.constant 12480 : i32
      %add3A_717 = arith.addi %add3A_716, %add3A : i32
      %mul3A_718 = arith.constant 128 : i32
      %mul3A_719 = arith.muli %add3A_717, %mul3A_718 : i32
      "tpu.region"() ({
        %run_scoped3A = tpu.sem_alloc : memref<!tpu.dma_semaphore, #tpu.memory_space<semaphore_mem>>
        %dma_start3A_727 = tpu.memref_slice %arg2[%mul3A_719] : memref<1600000xi32, #tpu.memory_space<hbm>> -> memref<128xi32, #tpu.memory_space<hbm>>
        %dma_start3A_728 = tpu.memref_slice %arg2[%mul3A_719] : memref<1600000xi32, #tpu.memory_space<hbm>> -> memref<128xi32, #tpu.memory_space<hbm>>
        tpu.enqueue_dma source(%dma_start3A_728 : memref<128xi32, #tpu.memory_space<hbm>>) target(%arg16 : memref<128xi32, #tpu.memory_space<vmem>>) target_semaphore(%run_scoped3A : memref<!tpu.dma_semaphore, #tpu.memory_space<semaphore_mem>>)
        %dma_wait3A_729 = tpu.memref_slice %arg2[%mul3A_719] : memref<1600000xi32, #tpu.memory_space<hbm>> -> memref<128xi32, #tpu.memory_space<hbm>>
        %dma_wait3A_730 = tpu.memref_slice %arg2[%mul3A_719] : memref<1600000xi32, #tpu.memory_space<hbm>> -> memref<128xi32, #tpu.memory_space<hbm>>
        tpu.wait_dma2 semaphore(%run_scoped3A : memref<!tpu.dma_semaphore, #tpu.memory_space<semaphore_mem>>) src(%dma_wait3A_730 : memref<128xi32, #tpu.memory_space<hbm>>) dst(%arg16 : memref<128xi32, #tpu.memory_space<vmem>>)
        tpu.yield
      }) : () -> ()
      "tpu.region"() ({
        %run_scoped3A = tpu.sem_alloc : memref<!tpu.dma_semaphore, #tpu.memory_space<semaphore_mem>>
        %dma_start3A_727 = tpu.memref_slice %arg3[%mul3A_719] : memref<1600000xi32, #tpu.memory_space<hbm>> -> memref<128xi32, #tpu.memory_space<hbm>>
        %dma_start3A_728 = tpu.memref_slice %arg3[%mul3A_719] : memref<1600000xi32, #tpu.memory_space<hbm>> -> memref<128xi32, #tpu.memory_space<hbm>>
        tpu.enqueue_dma source(%dma_start3A_728 : memref<128xi32, #tpu.memory_space<hbm>>) target(%arg17 : memref<128xi32, #tpu.memory_space<vmem>>) target_semaphore(%run_scoped3A : memref<!tpu.dma_semaphore, #tpu.memory_space<semaphore_mem>>)
        %dma_wait3A_729 = tpu.memref_slice %arg3[%mul3A_719] : memref<1600000xi32, #tpu.memory_space<hbm>> -> memref<128xi32, #tpu.memory_space<hbm>>
        %dma_wait3A_730 = tpu.memref_slice %arg3[%mul3A_719] : memref<1600000xi32, #tpu.memory_space<hbm>> -> memref<128xi32, #tpu.memory_space<hbm>>
        tpu.wait_dma2 semaphore(%run_scoped3A : memref<!tpu.dma_semaphore, #tpu.memory_space<semaphore_mem>>) src(%dma_wait3A_730 : memref<128xi32, #tpu.memory_space<hbm>>) dst(%arg17 : memref<128xi32, #tpu.memory_space<vmem>>)
        tpu.yield
      }) : () -> ()
      %scan3A_720 = arith.constant 0 : i32
      %scan3A_721 = arith.constant 0 : i32
      %scan3A_722 = arith.constant 8 : i32
      %scan3A_723 = arith.addi %scan3A_721, %scan3A_722 : i32
      %scan3A_724 = arith.constant 1 : i32
      %scan3A_725 = scf.for %scan3A_727 = %scan3A_721 to %scan3A_723 step %scan3A_724 iter_args(%scan3A_728 = %scan3A_720) -> (i32)  : i32 {
        %mul3A_729 = arith.constant 16 : i32
        %mul3A_730 = arith.muli %scan3A_727, %mul3A_729 : i32
        %get3A = arith.index_cast %mul3A_730 : i32 to index
        %get3A_731 = tpu.vector_load %arg16[%get3A] {strides = array<i32>} : memref<128xi32, #tpu.memory_space<vmem>>, vector<16xi32>,
        %gather3A = tpu.vector_load_idx %arg19[%get3A_731] : memref<100000xf32, #tpu.memory_space<vmem>>[vector<16xi32>], vector<16xf32>,
        %mul3A_732 = arith.constant 16 : i32
        %mul3A_733 = arith.muli %scan3A_727, %mul3A_732 : i32
        %swap3A = arith.index_cast %mul3A_733 : i32 to index
        %swap3A_734 = tpu.vector_load %arg18[%swap3A] {strides = array<i32>} : memref<128xf32, #tpu.memory_space<vmem>>, vector<16xf32>,
        tpu.vector_store %arg18[%swap3A], %gather3A {strides = array<i32>} : memref<128xf32, #tpu.memory_space<vmem>>, vector<16xf32>,
        %scan3A_735 = arith.constant 0 : i32
        scf.yield %scan3A_735 : i32
      }
      %scan3A_726 = arith.constant 8 : i32
      "tpu.region"() ({
        %run_scoped3A = tpu.sem_alloc : memref<!tpu.dma_semaphore, #tpu.memory_space<semaphore_mem>>
        %dma_start3A_727 = arith.constant 0 : i32
        %dma_start3A_728 = tpu.memref_slice %arg21[%dma_start3A_727] : memref<100096xf32, #tpu.memory_space<vmem_shared>> -> memref<100096xf32, #tpu.memory_space<vmem_shared>>
        tpu.enqueue_indirect_dma source(%arg18 : memref<128xf32, #tpu.memory_space<vmem>>) target(%dma_start3A_728 : memref<100096xf32, #tpu.memory_space<vmem_shared>>) offsets(%arg17 : memref<128xi32, #tpu.memory_space<vmem>>) semaphore(%run_scoped3A : memref<!tpu.dma_semaphore, #tpu.memory_space<semaphore_mem>>) {add = true}
        %dma_wait3A_729 = arith.constant 0 : i32
        %dma_wait3A_730 = tpu.memref_slice %arg21[%dma_wait3A_729] : memref<100096xf32, #tpu.memory_space<vmem_shared>> -> memref<100096xf32, #tpu.memory_space<vmem_shared>>
        tpu.wait_indirect_dma semaphore(%run_scoped3A : memref<!tpu.dma_semaphore, #tpu.memory_space<semaphore_mem>>) src(%arg18 : memref<128xf32, #tpu.memory_space<vmem>>) dst(%dma_wait3A_730 : memref<100096xf32, #tpu.memory_space<vmem_shared>>)
        tpu.yield
      }) : () -> ()
    } else {
    }
    %barrier3A_704 = arith.constant 0 : index
    tpu.barrier barrier_id(%barrier3A_704)
    %mul3A_705 = arith.constant 6256 : i32
    %mul3A_706 = arith.muli %arg1, %mul3A_705 : i32
    "tpu.region"() ({
      %run_scoped3A = tpu.sem_alloc : memref<!tpu.dma_semaphore, #tpu.memory_space<semaphore_mem>>
      %dma_start3A_716 = tpu.memref_slice %arg21[%mul3A_706] : memref<100096xf32, #tpu.memory_space<vmem_shared>> -> memref<6256xf32, #tpu.memory_space<vmem_shared>>
      %dma_start3A_717 = tpu.memref_slice %arg21[%mul3A_706] : memref<100096xf32, #tpu.memory_space<vmem_shared>> -> memref<6256xf32, #tpu.memory_space<vmem_shared>>
      tpu.enqueue_dma source(%dma_start3A_717 : memref<6256xf32, #tpu.memory_space<vmem_shared>>) target(%arg20 : memref<6256xf32, #tpu.memory_space<vmem>>) target_semaphore(%run_scoped3A : memref<!tpu.dma_semaphore, #tpu.memory_space<semaphore_mem>>)
      %dma_wait3A_718 = tpu.memref_slice %arg21[%mul3A_706] : memref<100096xf32, #tpu.memory_space<vmem_shared>> -> memref<6256xf32, #tpu.memory_space<vmem_shared>>
      %dma_wait3A_719 = tpu.memref_slice %arg21[%mul3A_706] : memref<100096xf32, #tpu.memory_space<vmem_shared>> -> memref<6256xf32, #tpu.memory_space<vmem_shared>>
      tpu.wait_dma2 semaphore(%run_scoped3A : memref<!tpu.dma_semaphore, #tpu.memory_space<semaphore_mem>>) src(%dma_wait3A_719 : memref<6256xf32, #tpu.memory_space<vmem_shared>>) dst(%arg20 : memref<6256xf32, #tpu.memory_space<vmem>>)
      tpu.yield
    }) : () -> ()
    %eq3A = arith.constant 0 : i32
    %eq3A_707 = arith.cmpi eq, %arg0, %eq3A : i32
    %convert_element_type3A_708 = arith.extui %eq3A_707 : i1 to i32
    %cond3A_709 = arith.constant 0 : i32
    %cond3A_710 = arith.cmpi ne, %convert_element_type3A_708, %cond3A_709 : i32
    scf.if %cond3A_710 {
      %mul3A_716 = arith.constant 6256 : i32
      %mul3A_717 = arith.muli %arg1, %mul3A_716 : i32
      "tpu.region"() ({
        %run_scoped3A = tpu.sem_alloc : memref<!tpu.dma_semaphore, #tpu.memory_space<semaphore_mem>>
        %dma_start3A_718 = tpu.memref_slice %arg5[%mul3A_717] : memref<100096xf32, #tpu.memory_space<hbm>> -> memref<6256xf32, #tpu.memory_space<hbm>>
        %dma_start3A_719 = tpu.memref_slice %arg5[%mul3A_717] : memref<100096xf32, #tpu.memory_space<hbm>> -> memref<6256xf32, #tpu.memory_space<hbm>>
        tpu.enqueue_dma source(%arg20 : memref<6256xf32, #tpu.memory_space<vmem>>) target(%dma_start3A_719 : memref<6256xf32, #tpu.memory_space<hbm>>) target_semaphore(%run_scoped3A : memref<!tpu.dma_semaphore, #tpu.memory_space<semaphore_mem>>)
        %dma_wait3A_720 = tpu.memref_slice %arg5[%mul3A_717] : memref<100096xf32, #tpu.memory_space<hbm>> -> memref<6256xf32, #tpu.memory_space<hbm>>
        %dma_wait3A_721 = tpu.memref_slice %arg5[%mul3A_717] : memref<100096xf32, #tpu.memory_space<hbm>> -> memref<6256xf32, #tpu.memory_space<hbm>>
        tpu.wait_dma2 semaphore(%run_scoped3A : memref<!tpu.dma_semaphore, #tpu.memory_space<semaphore_mem>>) src(%arg20 : memref<6256xf32, #tpu.memory_space<vmem>>) dst(%dma_wait3A_721 : memref<6256xf32, #tpu.memory_space<hbm>>)
        tpu.yield
      }) : () -> ()
    } else {
    }
    %eq3A_711 = arith.constant 1 : i32
    %eq3A_712 = arith.cmpi eq, %arg0, %eq3A_711 : i32
    %convert_element_type3A_713 = arith.extui %eq3A_712 : i1 to i32
    %cond3A_714 = arith.constant 0 : i32
    %cond3A_715 = arith.cmpi ne, %convert_element_type3A_713, %cond3A_714 : i32
    scf.if %cond3A_715 {
      %mul3A_716 = arith.constant 6256 : i32
      %mul3A_717 = arith.muli %arg1, %mul3A_716 : i32
      "tpu.region"() ({
        %run_scoped3A = tpu.sem_alloc : memref<!tpu.dma_semaphore, #tpu.memory_space<semaphore_mem>>
        %dma_start3A_718 = tpu.memref_slice %arg6[%mul3A_717] : memref<100096xf32, #tpu.memory_space<hbm>> -> memref<6256xf32, #tpu.memory_space<hbm>>
        %dma_start3A_719 = tpu.memref_slice %arg6[%mul3A_717] : memref<100096xf32, #tpu.memory_space<hbm>> -> memref<6256xf32, #tpu.memory_space<hbm>>
        tpu.enqueue_dma source(%arg20 : memref<6256xf32, #tpu.memory_space<vmem>>) target(%dma_start3A_719 : memref<6256xf32, #tpu.memory_space<hbm>>) target_semaphore(%run_scoped3A : memref<!tpu.dma_semaphore, #tpu.memory_space<semaphore_mem>>)
        %dma_wait3A_720 = tpu.memref_slice %arg6[%mul3A_717] : memref<100096xf32, #tpu.memory_space<hbm>> -> memref<6256xf32, #tpu.memory_space<hbm>>
        %dma_wait3A_721 = tpu.memref_slice %arg6[%mul3A_717] : memref<100096xf32, #tpu.memory_space<hbm>> -> memref<6256xf32, #tpu.memory_space<hbm>>
        tpu.wait_dma2 semaphore(%run_scoped3A : memref<!tpu.dma_semaphore, #tpu.memory_space<semaphore_mem>>) src(%arg20 : memref<6256xf32, #tpu.memory_space<vmem>>) dst(%dma_wait3A_721 : memref<6256xf32, #tpu.memory_space<hbm>>)
        tpu.yield
      }) : () -> ()
    } else {
    }
    return
  }
}

#map = affine_map<(d0, d1) -> (0)>
module attributes {stable_mosaic.version = 14 : i64} {
  func.func @_sc_hist(%arg0: i32, %arg1: i32, %arg2: memref<1600000xi32, #tpu.memory_space<hbm>>, %arg3: memref<100096xf32, #tpu.memory_space<hbm>>, %arg4: memref<100096xf32, #tpu.memory_space<hbm>>, %arg5: memref<1664xi32, #tpu.memory_space<vmem>>, %arg6: memref<1664xi32, #tpu.memory_space<vmem>>, %arg7: memref<128xi32, #tpu.memory_space<vmem>>, %arg8: memref<1664xf32, #tpu.memory_space<vmem>>, %arg9: memref<6256xf32, #tpu.memory_space<vmem>>, %arg10: memref<100096xf32, #tpu.memory_space<vmem_shared>>, %arg11: memref<!tpu.dma_semaphore, #tpu.memory_space<semaphore_mem>>, %arg12: memref<!tpu.dma_semaphore, #tpu.memory_space<semaphore_mem>>) attributes {dimension_semantics = [#tpu.dimension_semantics<core_parallel>, #tpu.dimension_semantics<subcore_parallel>], iteration_bounds = array<i64: 2, 16>, scalar_prefetch = 0 : i64, scratch_operands = 8 : i64, tpu.core_type = #tpu.core_type<sc_vector_subcore>, window_params = [{transform_indices = #map}, {transform_indices = #map}, {transform_indices = #map}]} {
    %mul3A = arith.constant 2 : i32
    %mul3A_0 = arith.muli %arg1, %mul3A : i32
    %add3A = arith.addi %mul3A_0, %arg0 : i32
    %mul3A_1 = arith.constant 390 : i32
    %mul3A_2 = arith.muli %add3A, %mul3A_1 : i32
    %mul3A_3 = arith.constant 128 : i32
    %mul3A_4 = arith.muli %mul3A_2, %mul3A_3 : i32
    %broadcast_in_dim3A = arith.constant 1.000000e+00 : f32
    %broadcast_in_dim3A_5 = vector.broadcast %broadcast_in_dim3A : f32 to vector<16xf32>
    %scan3A = arith.constant 0 : i32
    %scan3A_6 = arith.constant 0 : i32
    %scan3A_7 = arith.constant 104 : i32
    %scan3A_8 = arith.addi %scan3A_6, %scan3A_7 : i32
    %scan3A_9 = arith.constant 1 : i32
    %scan3A_10 = scf.for %scan3A_215 = %scan3A_6 to %scan3A_8 step %scan3A_9 iter_args(%scan3A_216 = %scan3A) -> (i32)  : i32 {
      %mul3A_217 = arith.constant 16 : i32
      %mul3A_218 = arith.muli %scan3A_215, %mul3A_217 : i32
      %swap3A = arith.index_cast %mul3A_218 : i32 to index
      %swap3A_219 = tpu.vector_load %arg8[%swap3A] {strides = array<i32>} : memref<1664xf32, #tpu.memory_space<vmem>>, vector<16xf32>,
      %swap3A_220 = vector.shape_cast %swap3A_219 : vector<16xf32> to vector<16xf32>
      %swap3A_221 = vector.shape_cast %broadcast_in_dim3A_5 : vector<16xf32> to vector<16xf32>
      tpu.vector_store %arg8[%swap3A], %swap3A_221 {strides = array<i32>} : memref<1664xf32, #tpu.memory_space<vmem>>, vector<16xf32>,
      %scan3A_222 = arith.constant 0 : i32
      scf.yield %scan3A_222 : i32
    }
    %scan3A_11 = arith.constant 104 : i32
    %broadcast_in_dim3A_12 = arith.constant 0.000000e+00 : f32
    %broadcast_in_dim3A_13 = vector.broadcast %broadcast_in_dim3A_12 : f32 to vector<16xf32>
    %scan3A_14 = arith.constant 0 : i32
    %scan3A_15 = arith.constant 0 : i32
    %scan3A_16 = arith.constant 391 : i32
    %scan3A_17 = arith.addi %scan3A_15, %scan3A_16 : i32
    %scan3A_18 = arith.constant 1 : i32
    %scan3A_19 = scf.for %scan3A_215 = %scan3A_15 to %scan3A_17 step %scan3A_18 iter_args(%scan3A_216 = %scan3A_14) -> (i32)  : i32 {
      %mul3A_217 = arith.constant 16 : i32
      %mul3A_218 = arith.muli %scan3A_215, %mul3A_217 : i32
      %swap3A = arith.index_cast %mul3A_218 : i32 to index
      %swap3A_219 = tpu.vector_load %arg9[%swap3A] {strides = array<i32>} : memref<6256xf32, #tpu.memory_space<vmem>>, vector<16xf32>,
      %swap3A_220 = vector.shape_cast %swap3A_219 : vector<16xf32> to vector<16xf32>
      %swap3A_221 = vector.shape_cast %broadcast_in_dim3A_13 : vector<16xf32> to vector<16xf32>
      tpu.vector_store %arg9[%swap3A], %swap3A_221 {strides = array<i32>} : memref<6256xf32, #tpu.memory_space<vmem>>, vector<16xf32>,
      %scan3A_222 = arith.constant 0 : i32
      scf.yield %scan3A_222 : i32
    }
    %scan3A_20 = arith.constant 391 : i32
    %mul3A_21 = arith.constant 6256 : i32
    %mul3A_22 = arith.muli %arg1, %mul3A_21 : i32
    "tpu.region"() ({
      %run_scoped3A = tpu.sem_alloc : memref<!tpu.dma_semaphore, #tpu.memory_space<semaphore_mem>>
      %dma_start3A_215 = tpu.memref_slice %arg10[%mul3A_22] : memref<100096xf32, #tpu.memory_space<vmem_shared>> -> memref<6256xf32, #tpu.memory_space<vmem_shared>>
      %dma_start3A_216 = tpu.memref_slice %arg10[%mul3A_22] : memref<100096xf32, #tpu.memory_space<vmem_shared>> -> memref<6256xf32, #tpu.memory_space<vmem_shared>>
      tpu.enqueue_dma source(%arg9 : memref<6256xf32, #tpu.memory_space<vmem>>) target(%dma_start3A_216 : memref<6256xf32, #tpu.memory_space<vmem_shared>>) target_semaphore(%run_scoped3A : memref<!tpu.dma_semaphore, #tpu.memory_space<semaphore_mem>>)
      %dma_wait3A_217 = tpu.memref_slice %arg10[%mul3A_22] : memref<100096xf32, #tpu.memory_space<vmem_shared>> -> memref<6256xf32, #tpu.memory_space<vmem_shared>>
      %dma_wait3A_218 = tpu.memref_slice %arg10[%mul3A_22] : memref<100096xf32, #tpu.memory_space<vmem_shared>> -> memref<6256xf32, #tpu.memory_space<vmem_shared>>
      tpu.wait_dma2 semaphore(%run_scoped3A : memref<!tpu.dma_semaphore, #tpu.memory_space<semaphore_mem>>) src(%arg9 : memref<6256xf32, #tpu.memory_space<vmem>>) dst(%dma_wait3A_218 : memref<6256xf32, #tpu.memory_space<vmem_shared>>)
      tpu.yield
    }) : () -> ()
    %barrier3A = arith.constant 0 : index
    tpu.barrier barrier_id(%barrier3A)
    %add3A_23 = arith.constant 0 : i32
    %add3A_24 = arith.addi %mul3A_4, %add3A_23 : i32
    %dma_start3A = tpu.memref_slice %arg2[%add3A_24] : memref<1600000xi32, #tpu.memory_space<hbm>> -> memref<1664xi32, #tpu.memory_space<hbm>>
    %dma_start3A_25 = tpu.memref_slice %arg2[%add3A_24] : memref<1600000xi32, #tpu.memory_space<hbm>> -> memref<1664xi32, #tpu.memory_space<hbm>>
    tpu.enqueue_dma source(%dma_start3A_25 : memref<1664xi32, #tpu.memory_space<hbm>>) target(%arg5 : memref<1664xi32, #tpu.memory_space<vmem>>) target_semaphore(%arg11 : memref<!tpu.dma_semaphore, #tpu.memory_space<semaphore_mem>>)
    %add3A_26 = arith.constant 1664 : i32
    %add3A_27 = arith.addi %mul3A_4, %add3A_26 : i32
    %dma_start3A_28 = tpu.memref_slice %arg2[%add3A_27] : memref<1600000xi32, #tpu.memory_space<hbm>> -> memref<1664xi32, #tpu.memory_space<hbm>>
    %dma_start3A_29 = tpu.memref_slice %arg2[%add3A_27] : memref<1600000xi32, #tpu.memory_space<hbm>> -> memref<1664xi32, #tpu.memory_space<hbm>>
    tpu.enqueue_dma source(%dma_start3A_29 : memref<1664xi32, #tpu.memory_space<hbm>>) target(%arg6 : memref<1664xi32, #tpu.memory_space<vmem>>) target_semaphore(%arg12 : memref<!tpu.dma_semaphore, #tpu.memory_space<semaphore_mem>>)
    %dma_wait3A = tpu.memref_slice %arg2[%add3A_24] : memref<1600000xi32, #tpu.memory_space<hbm>> -> memref<1664xi32, #tpu.memory_space<hbm>>
    %dma_wait3A_30 = tpu.memref_slice %arg2[%add3A_24] : memref<1600000xi32, #tpu.memory_space<hbm>> -> memref<1664xi32, #tpu.memory_space<hbm>>
    tpu.wait_dma2 semaphore(%arg11 : memref<!tpu.dma_semaphore, #tpu.memory_space<semaphore_mem>>) src(%dma_wait3A_30 : memref<1664xi32, #tpu.memory_space<hbm>>) dst(%arg5 : memref<1664xi32, #tpu.memory_space<vmem>>)
    "tpu.region"() ({
      %run_scoped3A = tpu.sem_alloc : memref<!tpu.dma_semaphore, #tpu.memory_space<semaphore_mem>>
      %dma_start3A_215 = arith.constant 0 : i32
      %dma_start3A_216 = tpu.memref_slice %arg10[%dma_start3A_215] : memref<100096xf32, #tpu.memory_space<vmem_shared>> -> memref<100096xf32, #tpu.memory_space<vmem_shared>>
      tpu.enqueue_indirect_dma source(%arg8 : memref<1664xf32, #tpu.memory_space<vmem>>) target(%dma_start3A_216 : memref<100096xf32, #tpu.memory_space<vmem_shared>>) offsets(%arg5 : memref<1664xi32, #tpu.memory_space<vmem>>) semaphore(%run_scoped3A : memref<!tpu.dma_semaphore, #tpu.memory_space<semaphore_mem>>) {add = true}
      %dma_wait3A_217 = arith.constant 0 : i32
      %dma_wait3A_218 = tpu.memref_slice %arg10[%dma_wait3A_217] : memref<100096xf32, #tpu.memory_space<vmem_shared>> -> memref<100096xf32, #tpu.memory_space<vmem_shared>>
      tpu.wait_indirect_dma semaphore(%run_scoped3A : memref<!tpu.dma_semaphore, #tpu.memory_space<semaphore_mem>>) src(%arg8 : memref<1664xf32, #tpu.memory_space<vmem>>) dst(%dma_wait3A_218 : memref<100096xf32, #tpu.memory_space<vmem_shared>>)
      tpu.yield
    }) : () -> ()
    %add3A_31 = arith.constant 3328 : i32
    %add3A_32 = arith.addi %mul3A_4, %add3A_31 : i32
    %dma_start3A_33 = tpu.memref_slice %arg2[%add3A_32] : memref<1600000xi32, #tpu.memory_space<hbm>> -> memref<1664xi32, #tpu.memory_space<hbm>>
    %dma_start3A_34 = tpu.memref_slice %arg2[%add3A_32] : memref<1600000xi32, #tpu.memory_space<hbm>> -> memref<1664xi32, #tpu.memory_space<hbm>>
    tpu.enqueue_dma source(%dma_start3A_34 : memref<1664xi32, #tpu.memory_space<hbm>>) target(%arg5 : memref<1664xi32, #tpu.memory_space<vmem>>) target_semaphore(%arg11 : memref<!tpu.dma_semaphore, #tpu.memory_space<semaphore_mem>>)
    %dma_wait3A_35 = tpu.memref_slice %arg2[%add3A_27] : memref<1600000xi32, #tpu.memory_space<hbm>> -> memref<1664xi32, #tpu.memory_space<hbm>>
    %dma_wait3A_36 = tpu.memref_slice %arg2[%add3A_27] : memref<1600000xi32, #tpu.memory_space<hbm>> -> memref<1664xi32, #tpu.memory_space<hbm>>
    tpu.wait_dma2 semaphore(%arg12 : memref<!tpu.dma_semaphore, #tpu.memory_space<semaphore_mem>>) src(%dma_wait3A_36 : memref<1664xi32, #tpu.memory_space<hbm>>) dst(%arg6 : memref<1664xi32, #tpu.memory_space<vmem>>)
    "tpu.region"() ({
      %run_scoped3A = tpu.sem_alloc : memref<!tpu.dma_semaphore, #tpu.memory_space<semaphore_mem>>
      %dma_start3A_215 = arith.constant 0 : i32
      %dma_start3A_216 = tpu.memref_slice %arg10[%dma_start3A_215] : memref<100096xf32, #tpu.memory_space<vmem_shared>> -> memref<100096xf32, #tpu.memory_space<vmem_shared>>
      tpu.enqueue_indirect_dma source(%arg8 : memref<1664xf32, #tpu.memory_space<vmem>>) target(%dma_start3A_216 : memref<100096xf32, #tpu.memory_space<vmem_shared>>) offsets(%arg6 : memref<1664xi32, #tpu.memory_space<vmem>>) semaphore(%run_scoped3A : memref<!tpu.dma_semaphore, #tpu.memory_space<semaphore_mem>>) {add = true}
      %dma_wait3A_217 = arith.constant 0 : i32
      %dma_wait3A_218 = tpu.memref_slice %arg10[%dma_wait3A_217] : memref<100096xf32, #tpu.memory_space<vmem_shared>> -> memref<100096xf32, #tpu.memory_space<vmem_shared>>
      tpu.wait_indirect_dma semaphore(%run_scoped3A : memref<!tpu.dma_semaphore, #tpu.memory_space<semaphore_mem>>) src(%arg8 : memref<1664xf32, #tpu.memory_space<vmem>>) dst(%dma_wait3A_218 : memref<100096xf32, #tpu.memory_space<vmem_shared>>)
      tpu.yield
    }) : () -> ()
    %add3A_37 = arith.constant 4992 : i32
    %add3A_38 = arith.addi %mul3A_4, %add3A_37 : i32
    %dma_start3A_39 = tpu.memref_slice %arg2[%add3A_38] : memref<1600000xi32, #tpu.memory_space<hbm>> -> memref<1664xi32, #tpu.memory_space<hbm>>
    %dma_start3A_40 = tpu.memref_slice %arg2[%add3A_38] : memref<1600000xi32, #tpu.memory_space<hbm>> -> memref<1664xi32, #tpu.memory_space<hbm>>
    tpu.enqueue_dma source(%dma_start3A_40 : memref<1664xi32, #tpu.memory_space<hbm>>) target(%arg6 : memref<1664xi32, #tpu.memory_space<vmem>>) target_semaphore(%arg12 : memref<!tpu.dma_semaphore, #tpu.memory_space<semaphore_mem>>)
    %dma_wait3A_41 = tpu.memref_slice %arg2[%add3A_32] : memref<1600000xi32, #tpu.memory_space<hbm>> -> memref<1664xi32, #tpu.memory_space<hbm>>
    %dma_wait3A_42 = tpu.memref_slice %arg2[%add3A_32] : memref<1600000xi32, #tpu.memory_space<hbm>> -> memref<1664xi32, #tpu.memory_space<hbm>>
    tpu.wait_dma2 semaphore(%arg11 : memref<!tpu.dma_semaphore, #tpu.memory_space<semaphore_mem>>) src(%dma_wait3A_42 : memref<1664xi32, #tpu.memory_space<hbm>>) dst(%arg5 : memref<1664xi32, #tpu.memory_space<vmem>>)
    "tpu.region"() ({
      %run_scoped3A = tpu.sem_alloc : memref<!tpu.dma_semaphore, #tpu.memory_space<semaphore_mem>>
      %dma_start3A_215 = arith.constant 0 : i32
      %dma_start3A_216 = tpu.memref_slice %arg10[%dma_start3A_215] : memref<100096xf32, #tpu.memory_space<vmem_shared>> -> memref<100096xf32, #tpu.memory_space<vmem_shared>>
      tpu.enqueue_indirect_dma source(%arg8 : memref<1664xf32, #tpu.memory_space<vmem>>) target(%dma_start3A_216 : memref<100096xf32, #tpu.memory_space<vmem_shared>>) offsets(%arg5 : memref<1664xi32, #tpu.memory_space<vmem>>) semaphore(%run_scoped3A : memref<!tpu.dma_semaphore, #tpu.memory_space<semaphore_mem>>) {add = true}
      %dma_wait3A_217 = arith.constant 0 : i32
      %dma_wait3A_218 = tpu.memref_slice %arg10[%dma_wait3A_217] : memref<100096xf32, #tpu.memory_space<vmem_shared>> -> memref<100096xf32, #tpu.memory_space<vmem_shared>>
      tpu.wait_indirect_dma semaphore(%run_scoped3A : memref<!tpu.dma_semaphore, #tpu.memory_space<semaphore_mem>>) src(%arg8 : memref<1664xf32, #tpu.memory_space<vmem>>) dst(%dma_wait3A_218 : memref<100096xf32, #tpu.memory_space<vmem_shared>>)
      tpu.yield
    }) : () -> ()
    %add3A_43 = arith.constant 6656 : i32
    %add3A_44 = arith.addi %mul3A_4, %add3A_43 : i32
    %dma_start3A_45 = tpu.memref_slice %arg2[%add3A_44] : memref<1600000xi32, #tpu.memory_space<hbm>> -> memref<1664xi32, #tpu.memory_space<hbm>>
    %dma_start3A_46 = tpu.memref_slice %arg2[%add3A_44] : memref<1600000xi32, #tpu.memory_space<hbm>> -> memref<1664xi32, #tpu.memory_space<hbm>>
    tpu.enqueue_dma source(%dma_start3A_46 : memref<1664xi32, #tpu.memory_space<hbm>>) target(%arg5 : memref<1664xi32, #tpu.memory_space<vmem>>) target_semaphore(%arg11 : memref<!tpu.dma_semaphore, #tpu.memory_space<semaphore_mem>>)
    %dma_wait3A_47 = tpu.memref_slice %arg2[%add3A_38] : memref<1600000xi32, #tpu.memory_space<hbm>> -> memref<1664xi32, #tpu.memory_space<hbm>>
    %dma_wait3A_48 = tpu.memref_slice %arg2[%add3A_38] : memref<1600000xi32, #tpu.memory_space<hbm>> -> memref<1664xi32, #tpu.memory_space<hbm>>
    tpu.wait_dma2 semaphore(%arg12 : memref<!tpu.dma_semaphore, #tpu.memory_space<semaphore_mem>>) src(%dma_wait3A_48 : memref<1664xi32, #tpu.memory_space<hbm>>) dst(%arg6 : memref<1664xi32, #tpu.memory_space<vmem>>)
    "tpu.region"() ({
      %run_scoped3A = tpu.sem_alloc : memref<!tpu.dma_semaphore, #tpu.memory_space<semaphore_mem>>
      %dma_start3A_215 = arith.constant 0 : i32
      %dma_start3A_216 = tpu.memref_slice %arg10[%dma_start3A_215] : memref<100096xf32, #tpu.memory_space<vmem_shared>> -> memref<100096xf32, #tpu.memory_space<vmem_shared>>
      tpu.enqueue_indirect_dma source(%arg8 : memref<1664xf32, #tpu.memory_space<vmem>>) target(%dma_start3A_216 : memref<100096xf32, #tpu.memory_space<vmem_shared>>) offsets(%arg6 : memref<1664xi32, #tpu.memory_space<vmem>>) semaphore(%run_scoped3A : memref<!tpu.dma_semaphore, #tpu.memory_space<semaphore_mem>>) {add = true}
      %dma_wait3A_217 = arith.constant 0 : i32
      %dma_wait3A_218 = tpu.memref_slice %arg10[%dma_wait3A_217] : memref<100096xf32, #tpu.memory_space<vmem_shared>> -> memref<100096xf32, #tpu.memory_space<vmem_shared>>
      tpu.wait_indirect_dma semaphore(%run_scoped3A : memref<!tpu.dma_semaphore, #tpu.memory_space<semaphore_mem>>) src(%arg8 : memref<1664xf32, #tpu.memory_space<vmem>>) dst(%dma_wait3A_218 : memref<100096xf32, #tpu.memory_space<vmem_shared>>)
      tpu.yield
    }) : () -> ()
    %add3A_49 = arith.constant 8320 : i32
    %add3A_50 = arith.addi %mul3A_4, %add3A_49 : i32
    %dma_start3A_51 = tpu.memref_slice %arg2[%add3A_50] : memref<1600000xi32, #tpu.memory_space<hbm>> -> memref<1664xi32, #tpu.memory_space<hbm>>
    %dma_start3A_52 = tpu.memref_slice %arg2[%add3A_50] : memref<1600000xi32, #tpu.memory_space<hbm>> -> memref<1664xi32, #tpu.memory_space<hbm>>
    tpu.enqueue_dma source(%dma_start3A_52 : memref<1664xi32, #tpu.memory_space<hbm>>) target(%arg6 : memref<1664xi32, #tpu.memory_space<vmem>>) target_semaphore(%arg12 : memref<!tpu.dma_semaphore, #tpu.memory_space<semaphore_mem>>)
    %dma_wait3A_53 = tpu.memref_slice %arg2[%add3A_44] : memref<1600000xi32, #tpu.memory_space<hbm>> -> memref<1664xi32, #tpu.memory_space<hbm>>
    %dma_wait3A_54 = tpu.memref_slice %arg2[%add3A_44] : memref<1600000xi32, #tpu.memory_space<hbm>> -> memref<1664xi32, #tpu.memory_space<hbm>>
    tpu.wait_dma2 semaphore(%arg11 : memref<!tpu.dma_semaphore, #tpu.memory_space<semaphore_mem>>) src(%dma_wait3A_54 : memref<1664xi32, #tpu.memory_space<hbm>>) dst(%arg5 : memref<1664xi32, #tpu.memory_space<vmem>>)
    "tpu.region"() ({
      %run_scoped3A = tpu.sem_alloc : memref<!tpu.dma_semaphore, #tpu.memory_space<semaphore_mem>>
      %dma_start3A_215 = arith.constant 0 : i32
      %dma_start3A_216 = tpu.memref_slice %arg10[%dma_start3A_215] : memref<100096xf32, #tpu.memory_space<vmem_shared>> -> memref<100096xf32, #tpu.memory_space<vmem_shared>>
      tpu.enqueue_indirect_dma source(%arg8 : memref<1664xf32, #tpu.memory_space<vmem>>) target(%dma_start3A_216 : memref<100096xf32, #tpu.memory_space<vmem_shared>>) offsets(%arg5 : memref<1664xi32, #tpu.memory_space<vmem>>) semaphore(%run_scoped3A : memref<!tpu.dma_semaphore, #tpu.memory_space<semaphore_mem>>) {add = true}
      %dma_wait3A_217 = arith.constant 0 : i32
      %dma_wait3A_218 = tpu.memref_slice %arg10[%dma_wait3A_217] : memref<100096xf32, #tpu.memory_space<vmem_shared>> -> memref<100096xf32, #tpu.memory_space<vmem_shared>>
      tpu.wait_indirect_dma semaphore(%run_scoped3A : memref<!tpu.dma_semaphore, #tpu.memory_space<semaphore_mem>>) src(%arg8 : memref<1664xf32, #tpu.memory_space<vmem>>) dst(%dma_wait3A_218 : memref<100096xf32, #tpu.memory_space<vmem_shared>>)
      tpu.yield
    }) : () -> ()
    %add3A_55 = arith.constant 9984 : i32
    %add3A_56 = arith.addi %mul3A_4, %add3A_55 : i32
    %dma_start3A_57 = tpu.memref_slice %arg2[%add3A_56] : memref<1600000xi32, #tpu.memory_space<hbm>> -> memref<1664xi32, #tpu.memory_space<hbm>>
    %dma_start3A_58 = tpu.memref_slice %arg2[%add3A_56] : memref<1600000xi32, #tpu.memory_space<hbm>> -> memref<1664xi32, #tpu.memory_space<hbm>>
    tpu.enqueue_dma source(%dma_start3A_58 : memref<1664xi32, #tpu.memory_space<hbm>>) target(%arg5 : memref<1664xi32, #tpu.memory_space<vmem>>) target_semaphore(%arg11 : memref<!tpu.dma_semaphore, #tpu.memory_space<semaphore_mem>>)
    %dma_wait3A_59 = tpu.memref_slice %arg2[%add3A_50] : memref<1600000xi32, #tpu.memory_space<hbm>> -> memref<1664xi32, #tpu.memory_space<hbm>>
    %dma_wait3A_60 = tpu.memref_slice %arg2[%add3A_50] : memref<1600000xi32, #tpu.memory_space<hbm>> -> memref<1664xi32, #tpu.memory_space<hbm>>
    tpu.wait_dma2 semaphore(%arg12 : memref<!tpu.dma_semaphore, #tpu.memory_space<semaphore_mem>>) src(%dma_wait3A_60 : memref<1664xi32, #tpu.memory_space<hbm>>) dst(%arg6 : memref<1664xi32, #tpu.memory_space<vmem>>)
    "tpu.region"() ({
      %run_scoped3A = tpu.sem_alloc : memref<!tpu.dma_semaphore, #tpu.memory_space<semaphore_mem>>
      %dma_start3A_215 = arith.constant 0 : i32
      %dma_start3A_216 = tpu.memref_slice %arg10[%dma_start3A_215] : memref<100096xf32, #tpu.memory_space<vmem_shared>> -> memref<100096xf32, #tpu.memory_space<vmem_shared>>
      tpu.enqueue_indirect_dma source(%arg8 : memref<1664xf32, #tpu.memory_space<vmem>>) target(%dma_start3A_216 : memref<100096xf32, #tpu.memory_space<vmem_shared>>) offsets(%arg6 : memref<1664xi32, #tpu.memory_space<vmem>>) semaphore(%run_scoped3A : memref<!tpu.dma_semaphore, #tpu.memory_space<semaphore_mem>>) {add = true}
      %dma_wait3A_217 = arith.constant 0 : i32
      %dma_wait3A_218 = tpu.memref_slice %arg10[%dma_wait3A_217] : memref<100096xf32, #tpu.memory_space<vmem_shared>> -> memref<100096xf32, #tpu.memory_space<vmem_shared>>
      tpu.wait_indirect_dma semaphore(%run_scoped3A : memref<!tpu.dma_semaphore, #tpu.memory_space<semaphore_mem>>) src(%arg8 : memref<1664xf32, #tpu.memory_space<vmem>>) dst(%dma_wait3A_218 : memref<100096xf32, #tpu.memory_space<vmem_shared>>)
      tpu.yield
    }) : () -> ()
    %add3A_61 = arith.constant 11648 : i32
    %add3A_62 = arith.addi %mul3A_4, %add3A_61 : i32
    %dma_start3A_63 = tpu.memref_slice %arg2[%add3A_62] : memref<1600000xi32, #tpu.memory_space<hbm>> -> memref<1664xi32, #tpu.memory_space<hbm>>
    %dma_start3A_64 = tpu.memref_slice %arg2[%add3A_62] : memref<1600000xi32, #tpu.memory_space<hbm>> -> memref<1664xi32, #tpu.memory_space<hbm>>
    tpu.enqueue_dma source(%dma_start3A_64 : memref<1664xi32, #tpu.memory_space<hbm>>) target(%arg6 : memref<1664xi32, #tpu.memory_space<vmem>>) target_semaphore(%arg12 : memref<!tpu.dma_semaphore, #tpu.memory_space<semaphore_mem>>)
    %dma_wait3A_65 = tpu.memref_slice %arg2[%add3A_56] : memref<1600000xi32, #tpu.memory_space<hbm>> -> memref<1664xi32, #tpu.memory_space<hbm>>
    %dma_wait3A_66 = tpu.memref_slice %arg2[%add3A_56] : memref<1600000xi32, #tpu.memory_space<hbm>> -> memref<1664xi32, #tpu.memory_space<hbm>>
    tpu.wait_dma2 semaphore(%arg11 : memref<!tpu.dma_semaphore, #tpu.memory_space<semaphore_mem>>) src(%dma_wait3A_66 : memref<1664xi32, #tpu.memory_space<hbm>>) dst(%arg5 : memref<1664xi32, #tpu.memory_space<vmem>>)
    "tpu.region"() ({
      %run_scoped3A = tpu.sem_alloc : memref<!tpu.dma_semaphore, #tpu.memory_space<semaphore_mem>>
      %dma_start3A_215 = arith.constant 0 : i32
      %dma_start3A_216 = tpu.memref_slice %arg10[%dma_start3A_215] : memref<100096xf32, #tpu.memory_space<vmem_shared>> -> memref<100096xf32, #tpu.memory_space<vmem_shared>>
      tpu.enqueue_indirect_dma source(%arg8 : memref<1664xf32, #tpu.memory_space<vmem>>) target(%dma_start3A_216 : memref<100096xf32, #tpu.memory_space<vmem_shared>>) offsets(%arg5 : memref<1664xi32, #tpu.memory_space<vmem>>) semaphore(%run_scoped3A : memref<!tpu.dma_semaphore, #tpu.memory_space<semaphore_mem>>) {add = true}
      %dma_wait3A_217 = arith.constant 0 : i32
      %dma_wait3A_218 = tpu.memref_slice %arg10[%dma_wait3A_217] : memref<100096xf32, #tpu.memory_space<vmem_shared>> -> memref<100096xf32, #tpu.memory_space<vmem_shared>>
      tpu.wait_indirect_dma semaphore(%run_scoped3A : memref<!tpu.dma_semaphore, #tpu.memory_space<semaphore_mem>>) src(%arg8 : memref<1664xf32, #tpu.memory_space<vmem>>) dst(%dma_wait3A_218 : memref<100096xf32, #tpu.memory_space<vmem_shared>>)
      tpu.yield
    }) : () -> ()
    %add3A_67 = arith.constant 13312 : i32
    %add3A_68 = arith.addi %mul3A_4, %add3A_67 : i32
    %dma_start3A_69 = tpu.memref_slice %arg2[%add3A_68] : memref<1600000xi32, #tpu.memory_space<hbm>> -> memref<1664xi32, #tpu.memory_space<hbm>>
    %dma_start3A_70 = tpu.memref_slice %arg2[%add3A_68] : memref<1600000xi32, #tpu.memory_space<hbm>> -> memref<1664xi32, #tpu.memory_space<hbm>>
    tpu.enqueue_dma source(%dma_start3A_70 : memref<1664xi32, #tpu.memory_space<hbm>>) target(%arg5 : memref<1664xi32, #tpu.memory_space<vmem>>) target_semaphore(%arg11 : memref<!tpu.dma_semaphore, #tpu.memory_space<semaphore_mem>>)
    %dma_wait3A_71 = tpu.memref_slice %arg2[%add3A_62] : memref<1600000xi32, #tpu.memory_space<hbm>> -> memref<1664xi32, #tpu.memory_space<hbm>>
    %dma_wait3A_72 = tpu.memref_slice %arg2[%add3A_62] : memref<1600000xi32, #tpu.memory_space<hbm>> -> memref<1664xi32, #tpu.memory_space<hbm>>
    tpu.wait_dma2 semaphore(%arg12 : memref<!tpu.dma_semaphore, #tpu.memory_space<semaphore_mem>>) src(%dma_wait3A_72 : memref<1664xi32, #tpu.memory_space<hbm>>) dst(%arg6 : memref<1664xi32, #tpu.memory_space<vmem>>)
    "tpu.region"() ({
      %run_scoped3A = tpu.sem_alloc : memref<!tpu.dma_semaphore, #tpu.memory_space<semaphore_mem>>
      %dma_start3A_215 = arith.constant 0 : i32
      %dma_start3A_216 = tpu.memref_slice %arg10[%dma_start3A_215] : memref<100096xf32, #tpu.memory_space<vmem_shared>> -> memref<100096xf32, #tpu.memory_space<vmem_shared>>
      tpu.enqueue_indirect_dma source(%arg8 : memref<1664xf32, #tpu.memory_space<vmem>>) target(%dma_start3A_216 : memref<100096xf32, #tpu.memory_space<vmem_shared>>) offsets(%arg6 : memref<1664xi32, #tpu.memory_space<vmem>>) semaphore(%run_scoped3A : memref<!tpu.dma_semaphore, #tpu.memory_space<semaphore_mem>>) {add = true}
      %dma_wait3A_217 = arith.constant 0 : i32
      %dma_wait3A_218 = tpu.memref_slice %arg10[%dma_wait3A_217] : memref<100096xf32, #tpu.memory_space<vmem_shared>> -> memref<100096xf32, #tpu.memory_space<vmem_shared>>
      tpu.wait_indirect_dma semaphore(%run_scoped3A : memref<!tpu.dma_semaphore, #tpu.memory_space<semaphore_mem>>) src(%arg8 : memref<1664xf32, #tpu.memory_space<vmem>>) dst(%dma_wait3A_218 : memref<100096xf32, #tpu.memory_space<vmem_shared>>)
      tpu.yield
    }) : () -> ()
    %add3A_73 = arith.constant 14976 : i32
    %add3A_74 = arith.addi %mul3A_4, %add3A_73 : i32
    %dma_start3A_75 = tpu.memref_slice %arg2[%add3A_74] : memref<1600000xi32, #tpu.memory_space<hbm>> -> memref<1664xi32, #tpu.memory_space<hbm>>
    %dma_start3A_76 = tpu.memref_slice %arg2[%add3A_74] : memref<1600000xi32, #tpu.memory_space<hbm>> -> memref<1664xi32, #tpu.memory_space<hbm>>
    tpu.enqueue_dma source(%dma_start3A_76 : memref<1664xi32, #tpu.memory_space<hbm>>) target(%arg6 : memref<1664xi32, #tpu.memory_space<vmem>>) target_semaphore(%arg12 : memref<!tpu.dma_semaphore, #tpu.memory_space<semaphore_mem>>)
    %dma_wait3A_77 = tpu.memref_slice %arg2[%add3A_68] : memref<1600000xi32, #tpu.memory_space<hbm>> -> memref<1664xi32, #tpu.memory_space<hbm>>
    %dma_wait3A_78 = tpu.memref_slice %arg2[%add3A_68] : memref<1600000xi32, #tpu.memory_space<hbm>> -> memref<1664xi32, #tpu.memory_space<hbm>>
    tpu.wait_dma2 semaphore(%arg11 : memref<!tpu.dma_semaphore, #tpu.memory_space<semaphore_mem>>) src(%dma_wait3A_78 : memref<1664xi32, #tpu.memory_space<hbm>>) dst(%arg5 : memref<1664xi32, #tpu.memory_space<vmem>>)
    "tpu.region"() ({
      %run_scoped3A = tpu.sem_alloc : memref<!tpu.dma_semaphore, #tpu.memory_space<semaphore_mem>>
      %dma_start3A_215 = arith.constant 0 : i32
      %dma_start3A_216 = tpu.memref_slice %arg10[%dma_start3A_215] : memref<100096xf32, #tpu.memory_space<vmem_shared>> -> memref<100096xf32, #tpu.memory_space<vmem_shared>>
      tpu.enqueue_indirect_dma source(%arg8 : memref<1664xf32, #tpu.memory_space<vmem>>) target(%dma_start3A_216 : memref<100096xf32, #tpu.memory_space<vmem_shared>>) offsets(%arg5 : memref<1664xi32, #tpu.memory_space<vmem>>) semaphore(%run_scoped3A : memref<!tpu.dma_semaphore, #tpu.memory_space<semaphore_mem>>) {add = true}
      %dma_wait3A_217 = arith.constant 0 : i32
      %dma_wait3A_218 = tpu.memref_slice %arg10[%dma_wait3A_217] : memref<100096xf32, #tpu.memory_space<vmem_shared>> -> memref<100096xf32, #tpu.memory_space<vmem_shared>>
      tpu.wait_indirect_dma semaphore(%run_scoped3A : memref<!tpu.dma_semaphore, #tpu.memory_space<semaphore_mem>>) src(%arg8 : memref<1664xf32, #tpu.memory_space<vmem>>) dst(%dma_wait3A_218 : memref<100096xf32, #tpu.memory_space<vmem_shared>>)
      tpu.yield
    }) : () -> ()
    %add3A_79 = arith.constant 16640 : i32
    %add3A_80 = arith.addi %mul3A_4, %add3A_79 : i32
    %dma_start3A_81 = tpu.memref_slice %arg2[%add3A_80] : memref<1600000xi32, #tpu.memory_space<hbm>> -> memref<1664xi32, #tpu.memory_space<hbm>>
    %dma_start3A_82 = tpu.memref_slice %arg2[%add3A_80] : memref<1600000xi32, #tpu.memory_space<hbm>> -> memref<1664xi32, #tpu.memory_space<hbm>>
    tpu.enqueue_dma source(%dma_start3A_82 : memref<1664xi32, #tpu.memory_space<hbm>>) target(%arg5 : memref<1664xi32, #tpu.memory_space<vmem>>) target_semaphore(%arg11 : memref<!tpu.dma_semaphore, #tpu.memory_space<semaphore_mem>>)
    %dma_wait3A_83 = tpu.memref_slice %arg2[%add3A_74] : memref<1600000xi32, #tpu.memory_space<hbm>> -> memref<1664xi32, #tpu.memory_space<hbm>>
    %dma_wait3A_84 = tpu.memref_slice %arg2[%add3A_74] : memref<1600000xi32, #tpu.memory_space<hbm>> -> memref<1664xi32, #tpu.memory_space<hbm>>
    tpu.wait_dma2 semaphore(%arg12 : memref<!tpu.dma_semaphore, #tpu.memory_space<semaphore_mem>>) src(%dma_wait3A_84 : memref<1664xi32, #tpu.memory_space<hbm>>) dst(%arg6 : memref<1664xi32, #tpu.memory_space<vmem>>)
    "tpu.region"() ({
      %run_scoped3A = tpu.sem_alloc : memref<!tpu.dma_semaphore, #tpu.memory_space<semaphore_mem>>
      %dma_start3A_215 = arith.constant 0 : i32
      %dma_start3A_216 = tpu.memref_slice %arg10[%dma_start3A_215] : memref<100096xf32, #tpu.memory_space<vmem_shared>> -> memref<100096xf32, #tpu.memory_space<vmem_shared>>
      tpu.enqueue_indirect_dma source(%arg8 : memref<1664xf32, #tpu.memory_space<vmem>>) target(%dma_start3A_216 : memref<100096xf32, #tpu.memory_space<vmem_shared>>) offsets(%arg6 : memref<1664xi32, #tpu.memory_space<vmem>>) semaphore(%run_scoped3A : memref<!tpu.dma_semaphore, #tpu.memory_space<semaphore_mem>>) {add = true}
      %dma_wait3A_217 = arith.constant 0 : i32
      %dma_wait3A_218 = tpu.memref_slice %arg10[%dma_wait3A_217] : memref<100096xf32, #tpu.memory_space<vmem_shared>> -> memref<100096xf32, #tpu.memory_space<vmem_shared>>
      tpu.wait_indirect_dma semaphore(%run_scoped3A : memref<!tpu.dma_semaphore, #tpu.memory_space<semaphore_mem>>) src(%arg8 : memref<1664xf32, #tpu.memory_space<vmem>>) dst(%dma_wait3A_218 : memref<100096xf32, #tpu.memory_space<vmem_shared>>)
      tpu.yield
    }) : () -> ()
    %add3A_85 = arith.constant 18304 : i32
    %add3A_86 = arith.addi %mul3A_4, %add3A_85 : i32
    %dma_start3A_87 = tpu.memref_slice %arg2[%add3A_86] : memref<1600000xi32, #tpu.memory_space<hbm>> -> memref<1664xi32, #tpu.memory_space<hbm>>
    %dma_start3A_88 = tpu.memref_slice %arg2[%add3A_86] : memref<1600000xi32, #tpu.memory_space<hbm>> -> memref<1664xi32, #tpu.memory_space<hbm>>
    tpu.enqueue_dma source(%dma_start3A_88 : memref<1664xi32, #tpu.memory_space<hbm>>) target(%arg6 : memref<1664xi32, #tpu.memory_space<vmem>>) target_semaphore(%arg12 : memref<!tpu.dma_semaphore, #tpu.memory_space<semaphore_mem>>)
    %dma_wait3A_89 = tpu.memref_slice %arg2[%add3A_80] : memref<1600000xi32, #tpu.memory_space<hbm>> -> memref<1664xi32, #tpu.memory_space<hbm>>
    %dma_wait3A_90 = tpu.memref_slice %arg2[%add3A_80] : memref<1600000xi32, #tpu.memory_space<hbm>> -> memref<1664xi32, #tpu.memory_space<hbm>>
    tpu.wait_dma2 semaphore(%arg11 : memref<!tpu.dma_semaphore, #tpu.memory_space<semaphore_mem>>) src(%dma_wait3A_90 : memref<1664xi32, #tpu.memory_space<hbm>>) dst(%arg5 : memref<1664xi32, #tpu.memory_space<vmem>>)
    "tpu.region"() ({
      %run_scoped3A = tpu.sem_alloc : memref<!tpu.dma_semaphore, #tpu.memory_space<semaphore_mem>>
      %dma_start3A_215 = arith.constant 0 : i32
      %dma_start3A_216 = tpu.memref_slice %arg10[%dma_start3A_215] : memref<100096xf32, #tpu.memory_space<vmem_shared>> -> memref<100096xf32, #tpu.memory_space<vmem_shared>>
      tpu.enqueue_indirect_dma source(%arg8 : memref<1664xf32, #tpu.memory_space<vmem>>) target(%dma_start3A_216 : memref<100096xf32, #tpu.memory_space<vmem_shared>>) offsets(%arg5 : memref<1664xi32, #tpu.memory_space<vmem>>) semaphore(%run_scoped3A : memref<!tpu.dma_semaphore, #tpu.memory_space<semaphore_mem>>) {add = true}
      %dma_wait3A_217 = arith.constant 0 : i32
      %dma_wait3A_218 = tpu.memref_slice %arg10[%dma_wait3A_217] : memref<100096xf32, #tpu.memory_space<vmem_shared>> -> memref<100096xf32, #tpu.memory_space<vmem_shared>>
      tpu.wait_indirect_dma semaphore(%run_scoped3A : memref<!tpu.dma_semaphore, #tpu.memory_space<semaphore_mem>>) src(%arg8 : memref<1664xf32, #tpu.memory_space<vmem>>) dst(%dma_wait3A_218 : memref<100096xf32, #tpu.memory_space<vmem_shared>>)
      tpu.yield
    }) : () -> ()
    %add3A_91 = arith.constant 19968 : i32
    %add3A_92 = arith.addi %mul3A_4, %add3A_91 : i32
    %dma_start3A_93 = tpu.memref_slice %arg2[%add3A_92] : memref<1600000xi32, #tpu.memory_space<hbm>> -> memref<1664xi32, #tpu.memory_space<hbm>>
    %dma_start3A_94 = tpu.memref_slice %arg2[%add3A_92] : memref<1600000xi32, #tpu.memory_space<hbm>> -> memref<1664xi32, #tpu.memory_space<hbm>>
    tpu.enqueue_dma source(%dma_start3A_94 : memref<1664xi32, #tpu.memory_space<hbm>>) target(%arg5 : memref<1664xi32, #tpu.memory_space<vmem>>) target_semaphore(%arg11 : memref<!tpu.dma_semaphore, #tpu.memory_space<semaphore_mem>>)
    %dma_wait3A_95 = tpu.memref_slice %arg2[%add3A_86] : memref<1600000xi32, #tpu.memory_space<hbm>> -> memref<1664xi32, #tpu.memory_space<hbm>>
    %dma_wait3A_96 = tpu.memref_slice %arg2[%add3A_86] : memref<1600000xi32, #tpu.memory_space<hbm>> -> memref<1664xi32, #tpu.memory_space<hbm>>
    tpu.wait_dma2 semaphore(%arg12 : memref<!tpu.dma_semaphore, #tpu.memory_space<semaphore_mem>>) src(%dma_wait3A_96 : memref<1664xi32, #tpu.memory_space<hbm>>) dst(%arg6 : memref<1664xi32, #tpu.memory_space<vmem>>)
    "tpu.region"() ({
      %run_scoped3A = tpu.sem_alloc : memref<!tpu.dma_semaphore, #tpu.memory_space<semaphore_mem>>
      %dma_start3A_215 = arith.constant 0 : i32
      %dma_start3A_216 = tpu.memref_slice %arg10[%dma_start3A_215] : memref<100096xf32, #tpu.memory_space<vmem_shared>> -> memref<100096xf32, #tpu.memory_space<vmem_shared>>
      tpu.enqueue_indirect_dma source(%arg8 : memref<1664xf32, #tpu.memory_space<vmem>>) target(%dma_start3A_216 : memref<100096xf32, #tpu.memory_space<vmem_shared>>) offsets(%arg6 : memref<1664xi32, #tpu.memory_space<vmem>>) semaphore(%run_scoped3A : memref<!tpu.dma_semaphore, #tpu.memory_space<semaphore_mem>>) {add = true}
      %dma_wait3A_217 = arith.constant 0 : i32
      %dma_wait3A_218 = tpu.memref_slice %arg10[%dma_wait3A_217] : memref<100096xf32, #tpu.memory_space<vmem_shared>> -> memref<100096xf32, #tpu.memory_space<vmem_shared>>
      tpu.wait_indirect_dma semaphore(%run_scoped3A : memref<!tpu.dma_semaphore, #tpu.memory_space<semaphore_mem>>) src(%arg8 : memref<1664xf32, #tpu.memory_space<vmem>>) dst(%dma_wait3A_218 : memref<100096xf32, #tpu.memory_space<vmem_shared>>)
      tpu.yield
    }) : () -> ()
    %add3A_97 = arith.constant 21632 : i32
    %add3A_98 = arith.addi %mul3A_4, %add3A_97 : i32
    %dma_start3A_99 = tpu.memref_slice %arg2[%add3A_98] : memref<1600000xi32, #tpu.memory_space<hbm>> -> memref<1664xi32, #tpu.memory_space<hbm>>
    %dma_start3A_100 = tpu.memref_slice %arg2[%add3A_98] : memref<1600000xi32, #tpu.memory_space<hbm>> -> memref<1664xi32, #tpu.memory_space<hbm>>
    tpu.enqueue_dma source(%dma_start3A_100 : memref<1664xi32, #tpu.memory_space<hbm>>) target(%arg6 : memref<1664xi32, #tpu.memory_space<vmem>>) target_semaphore(%arg12 : memref<!tpu.dma_semaphore, #tpu.memory_space<semaphore_mem>>)
    %dma_wait3A_101 = tpu.memref_slice %arg2[%add3A_92] : memref<1600000xi32, #tpu.memory_space<hbm>> -> memref<1664xi32, #tpu.memory_space<hbm>>
    %dma_wait3A_102 = tpu.memref_slice %arg2[%add3A_92] : memref<1600000xi32, #tpu.memory_space<hbm>> -> memref<1664xi32, #tpu.memory_space<hbm>>
    tpu.wait_dma2 semaphore(%arg11 : memref<!tpu.dma_semaphore, #tpu.memory_space<semaphore_mem>>) src(%dma_wait3A_102 : memref<1664xi32, #tpu.memory_space<hbm>>) dst(%arg5 : memref<1664xi32, #tpu.memory_space<vmem>>)
    "tpu.region"() ({
      %run_scoped3A = tpu.sem_alloc : memref<!tpu.dma_semaphore, #tpu.memory_space<semaphore_mem>>
      %dma_start3A_215 = arith.constant 0 : i32
      %dma_start3A_216 = tpu.memref_slice %arg10[%dma_start3A_215] : memref<100096xf32, #tpu.memory_space<vmem_shared>> -> memref<100096xf32, #tpu.memory_space<vmem_shared>>
      tpu.enqueue_indirect_dma source(%arg8 : memref<1664xf32, #tpu.memory_space<vmem>>) target(%dma_start3A_216 : memref<100096xf32, #tpu.memory_space<vmem_shared>>) offsets(%arg5 : memref<1664xi32, #tpu.memory_space<vmem>>) semaphore(%run_scoped3A : memref<!tpu.dma_semaphore, #tpu.memory_space<semaphore_mem>>) {add = true}
      %dma_wait3A_217 = arith.constant 0 : i32
      %dma_wait3A_218 = tpu.memref_slice %arg10[%dma_wait3A_217] : memref<100096xf32, #tpu.memory_space<vmem_shared>> -> memref<100096xf32, #tpu.memory_space<vmem_shared>>
      tpu.wait_indirect_dma semaphore(%run_scoped3A : memref<!tpu.dma_semaphore, #tpu.memory_space<semaphore_mem>>) src(%arg8 : memref<1664xf32, #tpu.memory_space<vmem>>) dst(%dma_wait3A_218 : memref<100096xf32, #tpu.memory_space<vmem_shared>>)
      tpu.yield
    }) : () -> ()
    %add3A_103 = arith.constant 23296 : i32
    %add3A_104 = arith.addi %mul3A_4, %add3A_103 : i32
    %dma_start3A_105 = tpu.memref_slice %arg2[%add3A_104] : memref<1600000xi32, #tpu.memory_space<hbm>> -> memref<1664xi32, #tpu.memory_space<hbm>>
    %dma_start3A_106 = tpu.memref_slice %arg2[%add3A_104] : memref<1600000xi32, #tpu.memory_space<hbm>> -> memref<1664xi32, #tpu.memory_space<hbm>>
    tpu.enqueue_dma source(%dma_start3A_106 : memref<1664xi32, #tpu.memory_space<hbm>>) target(%arg5 : memref<1664xi32, #tpu.memory_space<vmem>>) target_semaphore(%arg11 : memref<!tpu.dma_semaphore, #tpu.memory_space<semaphore_mem>>)
    %dma_wait3A_107 = tpu.memref_slice %arg2[%add3A_98] : memref<1600000xi32, #tpu.memory_space<hbm>> -> memref<1664xi32, #tpu.memory_space<hbm>>
    %dma_wait3A_108 = tpu.memref_slice %arg2[%add3A_98] : memref<1600000xi32, #tpu.memory_space<hbm>> -> memref<1664xi32, #tpu.memory_space<hbm>>
    tpu.wait_dma2 semaphore(%arg12 : memref<!tpu.dma_semaphore, #tpu.memory_space<semaphore_mem>>) src(%dma_wait3A_108 : memref<1664xi32, #tpu.memory_space<hbm>>) dst(%arg6 : memref<1664xi32, #tpu.memory_space<vmem>>)
    "tpu.region"() ({
      %run_scoped3A = tpu.sem_alloc : memref<!tpu.dma_semaphore, #tpu.memory_space<semaphore_mem>>
      %dma_start3A_215 = arith.constant 0 : i32
      %dma_start3A_216 = tpu.memref_slice %arg10[%dma_start3A_215] : memref<100096xf32, #tpu.memory_space<vmem_shared>> -> memref<100096xf32, #tpu.memory_space<vmem_shared>>
      tpu.enqueue_indirect_dma source(%arg8 : memref<1664xf32, #tpu.memory_space<vmem>>) target(%dma_start3A_216 : memref<100096xf32, #tpu.memory_space<vmem_shared>>) offsets(%arg6 : memref<1664xi32, #tpu.memory_space<vmem>>) semaphore(%run_scoped3A : memref<!tpu.dma_semaphore, #tpu.memory_space<semaphore_mem>>) {add = true}
      %dma_wait3A_217 = arith.constant 0 : i32
      %dma_wait3A_218 = tpu.memref_slice %arg10[%dma_wait3A_217] : memref<100096xf32, #tpu.memory_space<vmem_shared>> -> memref<100096xf32, #tpu.memory_space<vmem_shared>>
      tpu.wait_indirect_dma semaphore(%run_scoped3A : memref<!tpu.dma_semaphore, #tpu.memory_space<semaphore_mem>>) src(%arg8 : memref<1664xf32, #tpu.memory_space<vmem>>) dst(%dma_wait3A_218 : memref<100096xf32, #tpu.memory_space<vmem_shared>>)
      tpu.yield
    }) : () -> ()
    %add3A_109 = arith.constant 24960 : i32
    %add3A_110 = arith.addi %mul3A_4, %add3A_109 : i32
    %dma_start3A_111 = tpu.memref_slice %arg2[%add3A_110] : memref<1600000xi32, #tpu.memory_space<hbm>> -> memref<1664xi32, #tpu.memory_space<hbm>>
    %dma_start3A_112 = tpu.memref_slice %arg2[%add3A_110] : memref<1600000xi32, #tpu.memory_space<hbm>> -> memref<1664xi32, #tpu.memory_space<hbm>>
    tpu.enqueue_dma source(%dma_start3A_112 : memref<1664xi32, #tpu.memory_space<hbm>>) target(%arg6 : memref<1664xi32, #tpu.memory_space<vmem>>) target_semaphore(%arg12 : memref<!tpu.dma_semaphore, #tpu.memory_space<semaphore_mem>>)
    %dma_wait3A_113 = tpu.memref_slice %arg2[%add3A_104] : memref<1600000xi32, #tpu.memory_space<hbm>> -> memref<1664xi32, #tpu.memory_space<hbm>>
    %dma_wait3A_114 = tpu.memref_slice %arg2[%add3A_104] : memref<1600000xi32, #tpu.memory_space<hbm>> -> memref<1664xi32, #tpu.memory_space<hbm>>
    tpu.wait_dma2 semaphore(%arg11 : memref<!tpu.dma_semaphore, #tpu.memory_space<semaphore_mem>>) src(%dma_wait3A_114 : memref<1664xi32, #tpu.memory_space<hbm>>) dst(%arg5 : memref<1664xi32, #tpu.memory_space<vmem>>)
    "tpu.region"() ({
      %run_scoped3A = tpu.sem_alloc : memref<!tpu.dma_semaphore, #tpu.memory_space<semaphore_mem>>
      %dma_start3A_215 = arith.constant 0 : i32
      %dma_start3A_216 = tpu.memref_slice %arg10[%dma_start3A_215] : memref<100096xf32, #tpu.memory_space<vmem_shared>> -> memref<100096xf32, #tpu.memory_space<vmem_shared>>
      tpu.enqueue_indirect_dma source(%arg8 : memref<1664xf32, #tpu.memory_space<vmem>>) target(%dma_start3A_216 : memref<100096xf32, #tpu.memory_space<vmem_shared>>) offsets(%arg5 : memref<1664xi32, #tpu.memory_space<vmem>>) semaphore(%run_scoped3A : memref<!tpu.dma_semaphore, #tpu.memory_space<semaphore_mem>>) {add = true}
      %dma_wait3A_217 = arith.constant 0 : i32
      %dma_wait3A_218 = tpu.memref_slice %arg10[%dma_wait3A_217] : memref<100096xf32, #tpu.memory_space<vmem_shared>> -> memref<100096xf32, #tpu.memory_space<vmem_shared>>
      tpu.wait_indirect_dma semaphore(%run_scoped3A : memref<!tpu.dma_semaphore, #tpu.memory_space<semaphore_mem>>) src(%arg8 : memref<1664xf32, #tpu.memory_space<vmem>>) dst(%dma_wait3A_218 : memref<100096xf32, #tpu.memory_space<vmem_shared>>)
      tpu.yield
    }) : () -> ()
    %add3A_115 = arith.constant 26624 : i32
    %add3A_116 = arith.addi %mul3A_4, %add3A_115 : i32
    %dma_start3A_117 = tpu.memref_slice %arg2[%add3A_116] : memref<1600000xi32, #tpu.memory_space<hbm>> -> memref<1664xi32, #tpu.memory_space<hbm>>
    %dma_start3A_118 = tpu.memref_slice %arg2[%add3A_116] : memref<1600000xi32, #tpu.memory_space<hbm>> -> memref<1664xi32, #tpu.memory_space<hbm>>
    tpu.enqueue_dma source(%dma_start3A_118 : memref<1664xi32, #tpu.memory_space<hbm>>) target(%arg5 : memref<1664xi32, #tpu.memory_space<vmem>>) target_semaphore(%arg11 : memref<!tpu.dma_semaphore, #tpu.memory_space<semaphore_mem>>)
    %dma_wait3A_119 = tpu.memref_slice %arg2[%add3A_110] : memref<1600000xi32, #tpu.memory_space<hbm>> -> memref<1664xi32, #tpu.memory_space<hbm>>
    %dma_wait3A_120 = tpu.memref_slice %arg2[%add3A_110] : memref<1600000xi32, #tpu.memory_space<hbm>> -> memref<1664xi32, #tpu.memory_space<hbm>>
    tpu.wait_dma2 semaphore(%arg12 : memref<!tpu.dma_semaphore, #tpu.memory_space<semaphore_mem>>) src(%dma_wait3A_120 : memref<1664xi32, #tpu.memory_space<hbm>>) dst(%arg6 : memref<1664xi32, #tpu.memory_space<vmem>>)
    "tpu.region"() ({
      %run_scoped3A = tpu.sem_alloc : memref<!tpu.dma_semaphore, #tpu.memory_space<semaphore_mem>>
      %dma_start3A_215 = arith.constant 0 : i32
      %dma_start3A_216 = tpu.memref_slice %arg10[%dma_start3A_215] : memref<100096xf32, #tpu.memory_space<vmem_shared>> -> memref<100096xf32, #tpu.memory_space<vmem_shared>>
      tpu.enqueue_indirect_dma source(%arg8 : memref<1664xf32, #tpu.memory_space<vmem>>) target(%dma_start3A_216 : memref<100096xf32, #tpu.memory_space<vmem_shared>>) offsets(%arg6 : memref<1664xi32, #tpu.memory_space<vmem>>) semaphore(%run_scoped3A : memref<!tpu.dma_semaphore, #tpu.memory_space<semaphore_mem>>) {add = true}
      %dma_wait3A_217 = arith.constant 0 : i32
      %dma_wait3A_218 = tpu.memref_slice %arg10[%dma_wait3A_217] : memref<100096xf32, #tpu.memory_space<vmem_shared>> -> memref<100096xf32, #tpu.memory_space<vmem_shared>>
      tpu.wait_indirect_dma semaphore(%run_scoped3A : memref<!tpu.dma_semaphore, #tpu.memory_space<semaphore_mem>>) src(%arg8 : memref<1664xf32, #tpu.memory_space<vmem>>) dst(%dma_wait3A_218 : memref<100096xf32, #tpu.memory_space<vmem_shared>>)
      tpu.yield
    }) : () -> ()
    %add3A_121 = arith.constant 28288 : i32
    %add3A_122 = arith.addi %mul3A_4, %add3A_121 : i32
    %dma_start3A_123 = tpu.memref_slice %arg2[%add3A_122] : memref<1600000xi32, #tpu.memory_space<hbm>> -> memref<1664xi32, #tpu.memory_space<hbm>>
    %dma_start3A_124 = tpu.memref_slice %arg2[%add3A_122] : memref<1600000xi32, #tpu.memory_space<hbm>> -> memref<1664xi32, #tpu.memory_space<hbm>>
    tpu.enqueue_dma source(%dma_start3A_124 : memref<1664xi32, #tpu.memory_space<hbm>>) target(%arg6 : memref<1664xi32, #tpu.memory_space<vmem>>) target_semaphore(%arg12 : memref<!tpu.dma_semaphore, #tpu.memory_space<semaphore_mem>>)
    %dma_wait3A_125 = tpu.memref_slice %arg2[%add3A_116] : memref<1600000xi32, #tpu.memory_space<hbm>> -> memref<1664xi32, #tpu.memory_space<hbm>>
    %dma_wait3A_126 = tpu.memref_slice %arg2[%add3A_116] : memref<1600000xi32, #tpu.memory_space<hbm>> -> memref<1664xi32, #tpu.memory_space<hbm>>
    tpu.wait_dma2 semaphore(%arg11 : memref<!tpu.dma_semaphore, #tpu.memory_space<semaphore_mem>>) src(%dma_wait3A_126 : memref<1664xi32, #tpu.memory_space<hbm>>) dst(%arg5 : memref<1664xi32, #tpu.memory_space<vmem>>)
    "tpu.region"() ({
      %run_scoped3A = tpu.sem_alloc : memref<!tpu.dma_semaphore, #tpu.memory_space<semaphore_mem>>
      %dma_start3A_215 = arith.constant 0 : i32
      %dma_start3A_216 = tpu.memref_slice %arg10[%dma_start3A_215] : memref<100096xf32, #tpu.memory_space<vmem_shared>> -> memref<100096xf32, #tpu.memory_space<vmem_shared>>
      tpu.enqueue_indirect_dma source(%arg8 : memref<1664xf32, #tpu.memory_space<vmem>>) target(%dma_start3A_216 : memref<100096xf32, #tpu.memory_space<vmem_shared>>) offsets(%arg5 : memref<1664xi32, #tpu.memory_space<vmem>>) semaphore(%run_scoped3A : memref<!tpu.dma_semaphore, #tpu.memory_space<semaphore_mem>>) {add = true}
      %dma_wait3A_217 = arith.constant 0 : i32
      %dma_wait3A_218 = tpu.memref_slice %arg10[%dma_wait3A_217] : memref<100096xf32, #tpu.memory_space<vmem_shared>> -> memref<100096xf32, #tpu.memory_space<vmem_shared>>
      tpu.wait_indirect_dma semaphore(%run_scoped3A : memref<!tpu.dma_semaphore, #tpu.memory_space<semaphore_mem>>) src(%arg8 : memref<1664xf32, #tpu.memory_space<vmem>>) dst(%dma_wait3A_218 : memref<100096xf32, #tpu.memory_space<vmem_shared>>)
      tpu.yield
    }) : () -> ()
    %add3A_127 = arith.constant 29952 : i32
    %add3A_128 = arith.addi %mul3A_4, %add3A_127 : i32
    %dma_start3A_129 = tpu.memref_slice %arg2[%add3A_128] : memref<1600000xi32, #tpu.memory_space<hbm>> -> memref<1664xi32, #tpu.memory_space<hbm>>
    %dma_start3A_130 = tpu.memref_slice %arg2[%add3A_128] : memref<1600000xi32, #tpu.memory_space<hbm>> -> memref<1664xi32, #tpu.memory_space<hbm>>
    tpu.enqueue_dma source(%dma_start3A_130 : memref<1664xi32, #tpu.memory_space<hbm>>) target(%arg5 : memref<1664xi32, #tpu.memory_space<vmem>>) target_semaphore(%arg11 : memref<!tpu.dma_semaphore, #tpu.memory_space<semaphore_mem>>)
    %dma_wait3A_131 = tpu.memref_slice %arg2[%add3A_122] : memref<1600000xi32, #tpu.memory_space<hbm>> -> memref<1664xi32, #tpu.memory_space<hbm>>
    %dma_wait3A_132 = tpu.memref_slice %arg2[%add3A_122] : memref<1600000xi32, #tpu.memory_space<hbm>> -> memref<1664xi32, #tpu.memory_space<hbm>>
    tpu.wait_dma2 semaphore(%arg12 : memref<!tpu.dma_semaphore, #tpu.memory_space<semaphore_mem>>) src(%dma_wait3A_132 : memref<1664xi32, #tpu.memory_space<hbm>>) dst(%arg6 : memref<1664xi32, #tpu.memory_space<vmem>>)
    "tpu.region"() ({
      %run_scoped3A = tpu.sem_alloc : memref<!tpu.dma_semaphore, #tpu.memory_space<semaphore_mem>>
      %dma_start3A_215 = arith.constant 0 : i32
      %dma_start3A_216 = tpu.memref_slice %arg10[%dma_start3A_215] : memref<100096xf32, #tpu.memory_space<vmem_shared>> -> memref<100096xf32, #tpu.memory_space<vmem_shared>>
      tpu.enqueue_indirect_dma source(%arg8 : memref<1664xf32, #tpu.memory_space<vmem>>) target(%dma_start3A_216 : memref<100096xf32, #tpu.memory_space<vmem_shared>>) offsets(%arg6 : memref<1664xi32, #tpu.memory_space<vmem>>) semaphore(%run_scoped3A : memref<!tpu.dma_semaphore, #tpu.memory_space<semaphore_mem>>) {add = true}
      %dma_wait3A_217 = arith.constant 0 : i32
      %dma_wait3A_218 = tpu.memref_slice %arg10[%dma_wait3A_217] : memref<100096xf32, #tpu.memory_space<vmem_shared>> -> memref<100096xf32, #tpu.memory_space<vmem_shared>>
      tpu.wait_indirect_dma semaphore(%run_scoped3A : memref<!tpu.dma_semaphore, #tpu.memory_space<semaphore_mem>>) src(%arg8 : memref<1664xf32, #tpu.memory_space<vmem>>) dst(%dma_wait3A_218 : memref<100096xf32, #tpu.memory_space<vmem_shared>>)
      tpu.yield
    }) : () -> ()
    %add3A_133 = arith.constant 31616 : i32
    %add3A_134 = arith.addi %mul3A_4, %add3A_133 : i32
    %dma_start3A_135 = tpu.memref_slice %arg2[%add3A_134] : memref<1600000xi32, #tpu.memory_space<hbm>> -> memref<1664xi32, #tpu.memory_space<hbm>>
    %dma_start3A_136 = tpu.memref_slice %arg2[%add3A_134] : memref<1600000xi32, #tpu.memory_space<hbm>> -> memref<1664xi32, #tpu.memory_space<hbm>>
    tpu.enqueue_dma source(%dma_start3A_136 : memref<1664xi32, #tpu.memory_space<hbm>>) target(%arg6 : memref<1664xi32, #tpu.memory_space<vmem>>) target_semaphore(%arg12 : memref<!tpu.dma_semaphore, #tpu.memory_space<semaphore_mem>>)
    %dma_wait3A_137 = tpu.memref_slice %arg2[%add3A_128] : memref<1600000xi32, #tpu.memory_space<hbm>> -> memref<1664xi32, #tpu.memory_space<hbm>>
    %dma_wait3A_138 = tpu.memref_slice %arg2[%add3A_128] : memref<1600000xi32, #tpu.memory_space<hbm>> -> memref<1664xi32, #tpu.memory_space<hbm>>
    tpu.wait_dma2 semaphore(%arg11 : memref<!tpu.dma_semaphore, #tpu.memory_space<semaphore_mem>>) src(%dma_wait3A_138 : memref<1664xi32, #tpu.memory_space<hbm>>) dst(%arg5 : memref<1664xi32, #tpu.memory_space<vmem>>)
    "tpu.region"() ({
      %run_scoped3A = tpu.sem_alloc : memref<!tpu.dma_semaphore, #tpu.memory_space<semaphore_mem>>
      %dma_start3A_215 = arith.constant 0 : i32
      %dma_start3A_216 = tpu.memref_slice %arg10[%dma_start3A_215] : memref<100096xf32, #tpu.memory_space<vmem_shared>> -> memref<100096xf32, #tpu.memory_space<vmem_shared>>
      tpu.enqueue_indirect_dma source(%arg8 : memref<1664xf32, #tpu.memory_space<vmem>>) target(%dma_start3A_216 : memref<100096xf32, #tpu.memory_space<vmem_shared>>) offsets(%arg5 : memref<1664xi32, #tpu.memory_space<vmem>>) semaphore(%run_scoped3A : memref<!tpu.dma_semaphore, #tpu.memory_space<semaphore_mem>>) {add = true}
      %dma_wait3A_217 = arith.constant 0 : i32
      %dma_wait3A_218 = tpu.memref_slice %arg10[%dma_wait3A_217] : memref<100096xf32, #tpu.memory_space<vmem_shared>> -> memref<100096xf32, #tpu.memory_space<vmem_shared>>
      tpu.wait_indirect_dma semaphore(%run_scoped3A : memref<!tpu.dma_semaphore, #tpu.memory_space<semaphore_mem>>) src(%arg8 : memref<1664xf32, #tpu.memory_space<vmem>>) dst(%dma_wait3A_218 : memref<100096xf32, #tpu.memory_space<vmem_shared>>)
      tpu.yield
    }) : () -> ()
    %add3A_139 = arith.constant 33280 : i32
    %add3A_140 = arith.addi %mul3A_4, %add3A_139 : i32
    %dma_start3A_141 = tpu.memref_slice %arg2[%add3A_140] : memref<1600000xi32, #tpu.memory_space<hbm>> -> memref<1664xi32, #tpu.memory_space<hbm>>
    %dma_start3A_142 = tpu.memref_slice %arg2[%add3A_140] : memref<1600000xi32, #tpu.memory_space<hbm>> -> memref<1664xi32, #tpu.memory_space<hbm>>
    tpu.enqueue_dma source(%dma_start3A_142 : memref<1664xi32, #tpu.memory_space<hbm>>) target(%arg5 : memref<1664xi32, #tpu.memory_space<vmem>>) target_semaphore(%arg11 : memref<!tpu.dma_semaphore, #tpu.memory_space<semaphore_mem>>)
    %dma_wait3A_143 = tpu.memref_slice %arg2[%add3A_134] : memref<1600000xi32, #tpu.memory_space<hbm>> -> memref<1664xi32, #tpu.memory_space<hbm>>
    %dma_wait3A_144 = tpu.memref_slice %arg2[%add3A_134] : memref<1600000xi32, #tpu.memory_space<hbm>> -> memref<1664xi32, #tpu.memory_space<hbm>>
    tpu.wait_dma2 semaphore(%arg12 : memref<!tpu.dma_semaphore, #tpu.memory_space<semaphore_mem>>) src(%dma_wait3A_144 : memref<1664xi32, #tpu.memory_space<hbm>>) dst(%arg6 : memref<1664xi32, #tpu.memory_space<vmem>>)
    "tpu.region"() ({
      %run_scoped3A = tpu.sem_alloc : memref<!tpu.dma_semaphore, #tpu.memory_space<semaphore_mem>>
      %dma_start3A_215 = arith.constant 0 : i32
      %dma_start3A_216 = tpu.memref_slice %arg10[%dma_start3A_215] : memref<100096xf32, #tpu.memory_space<vmem_shared>> -> memref<100096xf32, #tpu.memory_space<vmem_shared>>
      tpu.enqueue_indirect_dma source(%arg8 : memref<1664xf32, #tpu.memory_space<vmem>>) target(%dma_start3A_216 : memref<100096xf32, #tpu.memory_space<vmem_shared>>) offsets(%arg6 : memref<1664xi32, #tpu.memory_space<vmem>>) semaphore(%run_scoped3A : memref<!tpu.dma_semaphore, #tpu.memory_space<semaphore_mem>>) {add = true}
      %dma_wait3A_217 = arith.constant 0 : i32
      %dma_wait3A_218 = tpu.memref_slice %arg10[%dma_wait3A_217] : memref<100096xf32, #tpu.memory_space<vmem_shared>> -> memref<100096xf32, #tpu.memory_space<vmem_shared>>
      tpu.wait_indirect_dma semaphore(%run_scoped3A : memref<!tpu.dma_semaphore, #tpu.memory_space<semaphore_mem>>) src(%arg8 : memref<1664xf32, #tpu.memory_space<vmem>>) dst(%dma_wait3A_218 : memref<100096xf32, #tpu.memory_space<vmem_shared>>)
      tpu.yield
    }) : () -> ()
    %add3A_145 = arith.constant 34944 : i32
    %add3A_146 = arith.addi %mul3A_4, %add3A_145 : i32
    %dma_start3A_147 = tpu.memref_slice %arg2[%add3A_146] : memref<1600000xi32, #tpu.memory_space<hbm>> -> memref<1664xi32, #tpu.memory_space<hbm>>
    %dma_start3A_148 = tpu.memref_slice %arg2[%add3A_146] : memref<1600000xi32, #tpu.memory_space<hbm>> -> memref<1664xi32, #tpu.memory_space<hbm>>
    tpu.enqueue_dma source(%dma_start3A_148 : memref<1664xi32, #tpu.memory_space<hbm>>) target(%arg6 : memref<1664xi32, #tpu.memory_space<vmem>>) target_semaphore(%arg12 : memref<!tpu.dma_semaphore, #tpu.memory_space<semaphore_mem>>)
    %dma_wait3A_149 = tpu.memref_slice %arg2[%add3A_140] : memref<1600000xi32, #tpu.memory_space<hbm>> -> memref<1664xi32, #tpu.memory_space<hbm>>
    %dma_wait3A_150 = tpu.memref_slice %arg2[%add3A_140] : memref<1600000xi32, #tpu.memory_space<hbm>> -> memref<1664xi32, #tpu.memory_space<hbm>>
    tpu.wait_dma2 semaphore(%arg11 : memref<!tpu.dma_semaphore, #tpu.memory_space<semaphore_mem>>) src(%dma_wait3A_150 : memref<1664xi32, #tpu.memory_space<hbm>>) dst(%arg5 : memref<1664xi32, #tpu.memory_space<vmem>>)
    "tpu.region"() ({
      %run_scoped3A = tpu.sem_alloc : memref<!tpu.dma_semaphore, #tpu.memory_space<semaphore_mem>>
      %dma_start3A_215 = arith.constant 0 : i32
      %dma_start3A_216 = tpu.memref_slice %arg10[%dma_start3A_215] : memref<100096xf32, #tpu.memory_space<vmem_shared>> -> memref<100096xf32, #tpu.memory_space<vmem_shared>>
      tpu.enqueue_indirect_dma source(%arg8 : memref<1664xf32, #tpu.memory_space<vmem>>) target(%dma_start3A_216 : memref<100096xf32, #tpu.memory_space<vmem_shared>>) offsets(%arg5 : memref<1664xi32, #tpu.memory_space<vmem>>) semaphore(%run_scoped3A : memref<!tpu.dma_semaphore, #tpu.memory_space<semaphore_mem>>) {add = true}
      %dma_wait3A_217 = arith.constant 0 : i32
      %dma_wait3A_218 = tpu.memref_slice %arg10[%dma_wait3A_217] : memref<100096xf32, #tpu.memory_space<vmem_shared>> -> memref<100096xf32, #tpu.memory_space<vmem_shared>>
      tpu.wait_indirect_dma semaphore(%run_scoped3A : memref<!tpu.dma_semaphore, #tpu.memory_space<semaphore_mem>>) src(%arg8 : memref<1664xf32, #tpu.memory_space<vmem>>) dst(%dma_wait3A_218 : memref<100096xf32, #tpu.memory_space<vmem_shared>>)
      tpu.yield
    }) : () -> ()
    %add3A_151 = arith.constant 36608 : i32
    %add3A_152 = arith.addi %mul3A_4, %add3A_151 : i32
    %dma_start3A_153 = tpu.memref_slice %arg2[%add3A_152] : memref<1600000xi32, #tpu.memory_space<hbm>> -> memref<1664xi32, #tpu.memory_space<hbm>>
    %dma_start3A_154 = tpu.memref_slice %arg2[%add3A_152] : memref<1600000xi32, #tpu.memory_space<hbm>> -> memref<1664xi32, #tpu.memory_space<hbm>>
    tpu.enqueue_dma source(%dma_start3A_154 : memref<1664xi32, #tpu.memory_space<hbm>>) target(%arg5 : memref<1664xi32, #tpu.memory_space<vmem>>) target_semaphore(%arg11 : memref<!tpu.dma_semaphore, #tpu.memory_space<semaphore_mem>>)
    %dma_wait3A_155 = tpu.memref_slice %arg2[%add3A_146] : memref<1600000xi32, #tpu.memory_space<hbm>> -> memref<1664xi32, #tpu.memory_space<hbm>>
    %dma_wait3A_156 = tpu.memref_slice %arg2[%add3A_146] : memref<1600000xi32, #tpu.memory_space<hbm>> -> memref<1664xi32, #tpu.memory_space<hbm>>
    tpu.wait_dma2 semaphore(%arg12 : memref<!tpu.dma_semaphore, #tpu.memory_space<semaphore_mem>>) src(%dma_wait3A_156 : memref<1664xi32, #tpu.memory_space<hbm>>) dst(%arg6 : memref<1664xi32, #tpu.memory_space<vmem>>)
    "tpu.region"() ({
      %run_scoped3A = tpu.sem_alloc : memref<!tpu.dma_semaphore, #tpu.memory_space<semaphore_mem>>
      %dma_start3A_215 = arith.constant 0 : i32
      %dma_start3A_216 = tpu.memref_slice %arg10[%dma_start3A_215] : memref<100096xf32, #tpu.memory_space<vmem_shared>> -> memref<100096xf32, #tpu.memory_space<vmem_shared>>
      tpu.enqueue_indirect_dma source(%arg8 : memref<1664xf32, #tpu.memory_space<vmem>>) target(%dma_start3A_216 : memref<100096xf32, #tpu.memory_space<vmem_shared>>) offsets(%arg6 : memref<1664xi32, #tpu.memory_space<vmem>>) semaphore(%run_scoped3A : memref<!tpu.dma_semaphore, #tpu.memory_space<semaphore_mem>>) {add = true}
      %dma_wait3A_217 = arith.constant 0 : i32
      %dma_wait3A_218 = tpu.memref_slice %arg10[%dma_wait3A_217] : memref<100096xf32, #tpu.memory_space<vmem_shared>> -> memref<100096xf32, #tpu.memory_space<vmem_shared>>
      tpu.wait_indirect_dma semaphore(%run_scoped3A : memref<!tpu.dma_semaphore, #tpu.memory_space<semaphore_mem>>) src(%arg8 : memref<1664xf32, #tpu.memory_space<vmem>>) dst(%dma_wait3A_218 : memref<100096xf32, #tpu.memory_space<vmem_shared>>)
      tpu.yield
    }) : () -> ()
    %add3A_157 = arith.constant 38272 : i32
    %add3A_158 = arith.addi %mul3A_4, %add3A_157 : i32
    %dma_start3A_159 = tpu.memref_slice %arg2[%add3A_158] : memref<1600000xi32, #tpu.memory_space<hbm>> -> memref<1664xi32, #tpu.memory_space<hbm>>
    %dma_start3A_160 = tpu.memref_slice %arg2[%add3A_158] : memref<1600000xi32, #tpu.memory_space<hbm>> -> memref<1664xi32, #tpu.memory_space<hbm>>
    tpu.enqueue_dma source(%dma_start3A_160 : memref<1664xi32, #tpu.memory_space<hbm>>) target(%arg6 : memref<1664xi32, #tpu.memory_space<vmem>>) target_semaphore(%arg12 : memref<!tpu.dma_semaphore, #tpu.memory_space<semaphore_mem>>)
    %dma_wait3A_161 = tpu.memref_slice %arg2[%add3A_152] : memref<1600000xi32, #tpu.memory_space<hbm>> -> memref<1664xi32, #tpu.memory_space<hbm>>
    %dma_wait3A_162 = tpu.memref_slice %arg2[%add3A_152] : memref<1600000xi32, #tpu.memory_space<hbm>> -> memref<1664xi32, #tpu.memory_space<hbm>>
    tpu.wait_dma2 semaphore(%arg11 : memref<!tpu.dma_semaphore, #tpu.memory_space<semaphore_mem>>) src(%dma_wait3A_162 : memref<1664xi32, #tpu.memory_space<hbm>>) dst(%arg5 : memref<1664xi32, #tpu.memory_space<vmem>>)
    "tpu.region"() ({
      %run_scoped3A = tpu.sem_alloc : memref<!tpu.dma_semaphore, #tpu.memory_space<semaphore_mem>>
      %dma_start3A_215 = arith.constant 0 : i32
      %dma_start3A_216 = tpu.memref_slice %arg10[%dma_start3A_215] : memref<100096xf32, #tpu.memory_space<vmem_shared>> -> memref<100096xf32, #tpu.memory_space<vmem_shared>>
      tpu.enqueue_indirect_dma source(%arg8 : memref<1664xf32, #tpu.memory_space<vmem>>) target(%dma_start3A_216 : memref<100096xf32, #tpu.memory_space<vmem_shared>>) offsets(%arg5 : memref<1664xi32, #tpu.memory_space<vmem>>) semaphore(%run_scoped3A : memref<!tpu.dma_semaphore, #tpu.memory_space<semaphore_mem>>) {add = true}
      %dma_wait3A_217 = arith.constant 0 : i32
      %dma_wait3A_218 = tpu.memref_slice %arg10[%dma_wait3A_217] : memref<100096xf32, #tpu.memory_space<vmem_shared>> -> memref<100096xf32, #tpu.memory_space<vmem_shared>>
      tpu.wait_indirect_dma semaphore(%run_scoped3A : memref<!tpu.dma_semaphore, #tpu.memory_space<semaphore_mem>>) src(%arg8 : memref<1664xf32, #tpu.memory_space<vmem>>) dst(%dma_wait3A_218 : memref<100096xf32, #tpu.memory_space<vmem_shared>>)
      tpu.yield
    }) : () -> ()
    %add3A_163 = arith.constant 39936 : i32
    %add3A_164 = arith.addi %mul3A_4, %add3A_163 : i32
    %dma_start3A_165 = tpu.memref_slice %arg2[%add3A_164] : memref<1600000xi32, #tpu.memory_space<hbm>> -> memref<1664xi32, #tpu.memory_space<hbm>>
    %dma_start3A_166 = tpu.memref_slice %arg2[%add3A_164] : memref<1600000xi32, #tpu.memory_space<hbm>> -> memref<1664xi32, #tpu.memory_space<hbm>>
    tpu.enqueue_dma source(%dma_start3A_166 : memref<1664xi32, #tpu.memory_space<hbm>>) target(%arg5 : memref<1664xi32, #tpu.memory_space<vmem>>) target_semaphore(%arg11 : memref<!tpu.dma_semaphore, #tpu.memory_space<semaphore_mem>>)
    %dma_wait3A_167 = tpu.memref_slice %arg2[%add3A_158] : memref<1600000xi32, #tpu.memory_space<hbm>> -> memref<1664xi32, #tpu.memory_space<hbm>>
    %dma_wait3A_168 = tpu.memref_slice %arg2[%add3A_158] : memref<1600000xi32, #tpu.memory_space<hbm>> -> memref<1664xi32, #tpu.memory_space<hbm>>
    tpu.wait_dma2 semaphore(%arg12 : memref<!tpu.dma_semaphore, #tpu.memory_space<semaphore_mem>>) src(%dma_wait3A_168 : memref<1664xi32, #tpu.memory_space<hbm>>) dst(%arg6 : memref<1664xi32, #tpu.memory_space<vmem>>)
    "tpu.region"() ({
      %run_scoped3A = tpu.sem_alloc : memref<!tpu.dma_semaphore, #tpu.memory_space<semaphore_mem>>
      %dma_start3A_215 = arith.constant 0 : i32
      %dma_start3A_216 = tpu.memref_slice %arg10[%dma_start3A_215] : memref<100096xf32, #tpu.memory_space<vmem_shared>> -> memref<100096xf32, #tpu.memory_space<vmem_shared>>
      tpu.enqueue_indirect_dma source(%arg8 : memref<1664xf32, #tpu.memory_space<vmem>>) target(%dma_start3A_216 : memref<100096xf32, #tpu.memory_space<vmem_shared>>) offsets(%arg6 : memref<1664xi32, #tpu.memory_space<vmem>>) semaphore(%run_scoped3A : memref<!tpu.dma_semaphore, #tpu.memory_space<semaphore_mem>>) {add = true}
      %dma_wait3A_217 = arith.constant 0 : i32
      %dma_wait3A_218 = tpu.memref_slice %arg10[%dma_wait3A_217] : memref<100096xf32, #tpu.memory_space<vmem_shared>> -> memref<100096xf32, #tpu.memory_space<vmem_shared>>
      tpu.wait_indirect_dma semaphore(%run_scoped3A : memref<!tpu.dma_semaphore, #tpu.memory_space<semaphore_mem>>) src(%arg8 : memref<1664xf32, #tpu.memory_space<vmem>>) dst(%dma_wait3A_218 : memref<100096xf32, #tpu.memory_space<vmem_shared>>)
      tpu.yield
    }) : () -> ()
    %add3A_169 = arith.constant 41600 : i32
    %add3A_170 = arith.addi %mul3A_4, %add3A_169 : i32
    %dma_start3A_171 = tpu.memref_slice %arg2[%add3A_170] : memref<1600000xi32, #tpu.memory_space<hbm>> -> memref<1664xi32, #tpu.memory_space<hbm>>
    %dma_start3A_172 = tpu.memref_slice %arg2[%add3A_170] : memref<1600000xi32, #tpu.memory_space<hbm>> -> memref<1664xi32, #tpu.memory_space<hbm>>
    tpu.enqueue_dma source(%dma_start3A_172 : memref<1664xi32, #tpu.memory_space<hbm>>) target(%arg6 : memref<1664xi32, #tpu.memory_space<vmem>>) target_semaphore(%arg12 : memref<!tpu.dma_semaphore, #tpu.memory_space<semaphore_mem>>)
    %dma_wait3A_173 = tpu.memref_slice %arg2[%add3A_164] : memref<1600000xi32, #tpu.memory_space<hbm>> -> memref<1664xi32, #tpu.memory_space<hbm>>
    %dma_wait3A_174 = tpu.memref_slice %arg2[%add3A_164] : memref<1600000xi32, #tpu.memory_space<hbm>> -> memref<1664xi32, #tpu.memory_space<hbm>>
    tpu.wait_dma2 semaphore(%arg11 : memref<!tpu.dma_semaphore, #tpu.memory_space<semaphore_mem>>) src(%dma_wait3A_174 : memref<1664xi32, #tpu.memory_space<hbm>>) dst(%arg5 : memref<1664xi32, #tpu.memory_space<vmem>>)
    "tpu.region"() ({
      %run_scoped3A = tpu.sem_alloc : memref<!tpu.dma_semaphore, #tpu.memory_space<semaphore_mem>>
      %dma_start3A_215 = arith.constant 0 : i32
      %dma_start3A_216 = tpu.memref_slice %arg10[%dma_start3A_215] : memref<100096xf32, #tpu.memory_space<vmem_shared>> -> memref<100096xf32, #tpu.memory_space<vmem_shared>>
      tpu.enqueue_indirect_dma source(%arg8 : memref<1664xf32, #tpu.memory_space<vmem>>) target(%dma_start3A_216 : memref<100096xf32, #tpu.memory_space<vmem_shared>>) offsets(%arg5 : memref<1664xi32, #tpu.memory_space<vmem>>) semaphore(%run_scoped3A : memref<!tpu.dma_semaphore, #tpu.memory_space<semaphore_mem>>) {add = true}
      %dma_wait3A_217 = arith.constant 0 : i32
      %dma_wait3A_218 = tpu.memref_slice %arg10[%dma_wait3A_217] : memref<100096xf32, #tpu.memory_space<vmem_shared>> -> memref<100096xf32, #tpu.memory_space<vmem_shared>>
      tpu.wait_indirect_dma semaphore(%run_scoped3A : memref<!tpu.dma_semaphore, #tpu.memory_space<semaphore_mem>>) src(%arg8 : memref<1664xf32, #tpu.memory_space<vmem>>) dst(%dma_wait3A_218 : memref<100096xf32, #tpu.memory_space<vmem_shared>>)
      tpu.yield
    }) : () -> ()
    %add3A_175 = arith.constant 43264 : i32
    %add3A_176 = arith.addi %mul3A_4, %add3A_175 : i32
    %dma_start3A_177 = tpu.memref_slice %arg2[%add3A_176] : memref<1600000xi32, #tpu.memory_space<hbm>> -> memref<1664xi32, #tpu.memory_space<hbm>>
    %dma_start3A_178 = tpu.memref_slice %arg2[%add3A_176] : memref<1600000xi32, #tpu.memory_space<hbm>> -> memref<1664xi32, #tpu.memory_space<hbm>>
    tpu.enqueue_dma source(%dma_start3A_178 : memref<1664xi32, #tpu.memory_space<hbm>>) target(%arg5 : memref<1664xi32, #tpu.memory_space<vmem>>) target_semaphore(%arg11 : memref<!tpu.dma_semaphore, #tpu.memory_space<semaphore_mem>>)
    %dma_wait3A_179 = tpu.memref_slice %arg2[%add3A_170] : memref<1600000xi32, #tpu.memory_space<hbm>> -> memref<1664xi32, #tpu.memory_space<hbm>>
    %dma_wait3A_180 = tpu.memref_slice %arg2[%add3A_170] : memref<1600000xi32, #tpu.memory_space<hbm>> -> memref<1664xi32, #tpu.memory_space<hbm>>
    tpu.wait_dma2 semaphore(%arg12 : memref<!tpu.dma_semaphore, #tpu.memory_space<semaphore_mem>>) src(%dma_wait3A_180 : memref<1664xi32, #tpu.memory_space<hbm>>) dst(%arg6 : memref<1664xi32, #tpu.memory_space<vmem>>)
    "tpu.region"() ({
      %run_scoped3A = tpu.sem_alloc : memref<!tpu.dma_semaphore, #tpu.memory_space<semaphore_mem>>
      %dma_start3A_215 = arith.constant 0 : i32
      %dma_start3A_216 = tpu.memref_slice %arg10[%dma_start3A_215] : memref<100096xf32, #tpu.memory_space<vmem_shared>> -> memref<100096xf32, #tpu.memory_space<vmem_shared>>
      tpu.enqueue_indirect_dma source(%arg8 : memref<1664xf32, #tpu.memory_space<vmem>>) target(%dma_start3A_216 : memref<100096xf32, #tpu.memory_space<vmem_shared>>) offsets(%arg6 : memref<1664xi32, #tpu.memory_space<vmem>>) semaphore(%run_scoped3A : memref<!tpu.dma_semaphore, #tpu.memory_space<semaphore_mem>>) {add = true}
      %dma_wait3A_217 = arith.constant 0 : i32
      %dma_wait3A_218 = tpu.memref_slice %arg10[%dma_wait3A_217] : memref<100096xf32, #tpu.memory_space<vmem_shared>> -> memref<100096xf32, #tpu.memory_space<vmem_shared>>
      tpu.wait_indirect_dma semaphore(%run_scoped3A : memref<!tpu.dma_semaphore, #tpu.memory_space<semaphore_mem>>) src(%arg8 : memref<1664xf32, #tpu.memory_space<vmem>>) dst(%dma_wait3A_218 : memref<100096xf32, #tpu.memory_space<vmem_shared>>)
      tpu.yield
    }) : () -> ()
    %add3A_181 = arith.constant 44928 : i32
    %add3A_182 = arith.addi %mul3A_4, %add3A_181 : i32
    %dma_start3A_183 = tpu.memref_slice %arg2[%add3A_182] : memref<1600000xi32, #tpu.memory_space<hbm>> -> memref<1664xi32, #tpu.memory_space<hbm>>
    %dma_start3A_184 = tpu.memref_slice %arg2[%add3A_182] : memref<1600000xi32, #tpu.memory_space<hbm>> -> memref<1664xi32, #tpu.memory_space<hbm>>
    tpu.enqueue_dma source(%dma_start3A_184 : memref<1664xi32, #tpu.memory_space<hbm>>) target(%arg6 : memref<1664xi32, #tpu.memory_space<vmem>>) target_semaphore(%arg12 : memref<!tpu.dma_semaphore, #tpu.memory_space<semaphore_mem>>)
    %dma_wait3A_185 = tpu.memref_slice %arg2[%add3A_176] : memref<1600000xi32, #tpu.memory_space<hbm>> -> memref<1664xi32, #tpu.memory_space<hbm>>
    %dma_wait3A_186 = tpu.memref_slice %arg2[%add3A_176] : memref<1600000xi32, #tpu.memory_space<hbm>> -> memref<1664xi32, #tpu.memory_space<hbm>>
    tpu.wait_dma2 semaphore(%arg11 : memref<!tpu.dma_semaphore, #tpu.memory_space<semaphore_mem>>) src(%dma_wait3A_186 : memref<1664xi32, #tpu.memory_space<hbm>>) dst(%arg5 : memref<1664xi32, #tpu.memory_space<vmem>>)
    "tpu.region"() ({
      %run_scoped3A = tpu.sem_alloc : memref<!tpu.dma_semaphore, #tpu.memory_space<semaphore_mem>>
      %dma_start3A_215 = arith.constant 0 : i32
      %dma_start3A_216 = tpu.memref_slice %arg10[%dma_start3A_215] : memref<100096xf32, #tpu.memory_space<vmem_shared>> -> memref<100096xf32, #tpu.memory_space<vmem_shared>>
      tpu.enqueue_indirect_dma source(%arg8 : memref<1664xf32, #tpu.memory_space<vmem>>) target(%dma_start3A_216 : memref<100096xf32, #tpu.memory_space<vmem_shared>>) offsets(%arg5 : memref<1664xi32, #tpu.memory_space<vmem>>) semaphore(%run_scoped3A : memref<!tpu.dma_semaphore, #tpu.memory_space<semaphore_mem>>) {add = true}
      %dma_wait3A_217 = arith.constant 0 : i32
      %dma_wait3A_218 = tpu.memref_slice %arg10[%dma_wait3A_217] : memref<100096xf32, #tpu.memory_space<vmem_shared>> -> memref<100096xf32, #tpu.memory_space<vmem_shared>>
      tpu.wait_indirect_dma semaphore(%run_scoped3A : memref<!tpu.dma_semaphore, #tpu.memory_space<semaphore_mem>>) src(%arg8 : memref<1664xf32, #tpu.memory_space<vmem>>) dst(%dma_wait3A_218 : memref<100096xf32, #tpu.memory_space<vmem_shared>>)
      tpu.yield
    }) : () -> ()
    %add3A_187 = arith.constant 46592 : i32
    %add3A_188 = arith.addi %mul3A_4, %add3A_187 : i32
    %dma_start3A_189 = tpu.memref_slice %arg2[%add3A_188] : memref<1600000xi32, #tpu.memory_space<hbm>> -> memref<1664xi32, #tpu.memory_space<hbm>>
    %dma_start3A_190 = tpu.memref_slice %arg2[%add3A_188] : memref<1600000xi32, #tpu.memory_space<hbm>> -> memref<1664xi32, #tpu.memory_space<hbm>>
    tpu.enqueue_dma source(%dma_start3A_190 : memref<1664xi32, #tpu.memory_space<hbm>>) target(%arg5 : memref<1664xi32, #tpu.memory_space<vmem>>) target_semaphore(%arg11 : memref<!tpu.dma_semaphore, #tpu.memory_space<semaphore_mem>>)
    %dma_wait3A_191 = tpu.memref_slice %arg2[%add3A_182] : memref<1600000xi32, #tpu.memory_space<hbm>> -> memref<1664xi32, #tpu.memory_space<hbm>>
    %dma_wait3A_192 = tpu.memref_slice %arg2[%add3A_182] : memref<1600000xi32, #tpu.memory_space<hbm>> -> memref<1664xi32, #tpu.memory_space<hbm>>
    tpu.wait_dma2 semaphore(%arg12 : memref<!tpu.dma_semaphore, #tpu.memory_space<semaphore_mem>>) src(%dma_wait3A_192 : memref<1664xi32, #tpu.memory_space<hbm>>) dst(%arg6 : memref<1664xi32, #tpu.memory_space<vmem>>)
    "tpu.region"() ({
      %run_scoped3A = tpu.sem_alloc : memref<!tpu.dma_semaphore, #tpu.memory_space<semaphore_mem>>
      %dma_start3A_215 = arith.constant 0 : i32
      %dma_start3A_216 = tpu.memref_slice %arg10[%dma_start3A_215] : memref<100096xf32, #tpu.memory_space<vmem_shared>> -> memref<100096xf32, #tpu.memory_space<vmem_shared>>
      tpu.enqueue_indirect_dma source(%arg8 : memref<1664xf32, #tpu.memory_space<vmem>>) target(%dma_start3A_216 : memref<100096xf32, #tpu.memory_space<vmem_shared>>) offsets(%arg6 : memref<1664xi32, #tpu.memory_space<vmem>>) semaphore(%run_scoped3A : memref<!tpu.dma_semaphore, #tpu.memory_space<semaphore_mem>>) {add = true}
      %dma_wait3A_217 = arith.constant 0 : i32
      %dma_wait3A_218 = tpu.memref_slice %arg10[%dma_wait3A_217] : memref<100096xf32, #tpu.memory_space<vmem_shared>> -> memref<100096xf32, #tpu.memory_space<vmem_shared>>
      tpu.wait_indirect_dma semaphore(%run_scoped3A : memref<!tpu.dma_semaphore, #tpu.memory_space<semaphore_mem>>) src(%arg8 : memref<1664xf32, #tpu.memory_space<vmem>>) dst(%dma_wait3A_218 : memref<100096xf32, #tpu.memory_space<vmem_shared>>)
      tpu.yield
    }) : () -> ()
    %add3A_193 = arith.constant 48256 : i32
    %add3A_194 = arith.addi %mul3A_4, %add3A_193 : i32
    %dma_start3A_195 = tpu.memref_slice %arg2[%add3A_194] : memref<1600000xi32, #tpu.memory_space<hbm>> -> memref<1664xi32, #tpu.memory_space<hbm>>
    %dma_start3A_196 = tpu.memref_slice %arg2[%add3A_194] : memref<1600000xi32, #tpu.memory_space<hbm>> -> memref<1664xi32, #tpu.memory_space<hbm>>
    tpu.enqueue_dma source(%dma_start3A_196 : memref<1664xi32, #tpu.memory_space<hbm>>) target(%arg6 : memref<1664xi32, #tpu.memory_space<vmem>>) target_semaphore(%arg12 : memref<!tpu.dma_semaphore, #tpu.memory_space<semaphore_mem>>)
    %dma_wait3A_197 = tpu.memref_slice %arg2[%add3A_188] : memref<1600000xi32, #tpu.memory_space<hbm>> -> memref<1664xi32, #tpu.memory_space<hbm>>
    %dma_wait3A_198 = tpu.memref_slice %arg2[%add3A_188] : memref<1600000xi32, #tpu.memory_space<hbm>> -> memref<1664xi32, #tpu.memory_space<hbm>>
    tpu.wait_dma2 semaphore(%arg11 : memref<!tpu.dma_semaphore, #tpu.memory_space<semaphore_mem>>) src(%dma_wait3A_198 : memref<1664xi32, #tpu.memory_space<hbm>>) dst(%arg5 : memref<1664xi32, #tpu.memory_space<vmem>>)
    "tpu.region"() ({
      %run_scoped3A = tpu.sem_alloc : memref<!tpu.dma_semaphore, #tpu.memory_space<semaphore_mem>>
      %dma_start3A_215 = arith.constant 0 : i32
      %dma_start3A_216 = tpu.memref_slice %arg10[%dma_start3A_215] : memref<100096xf32, #tpu.memory_space<vmem_shared>> -> memref<100096xf32, #tpu.memory_space<vmem_shared>>
      tpu.enqueue_indirect_dma source(%arg8 : memref<1664xf32, #tpu.memory_space<vmem>>) target(%dma_start3A_216 : memref<100096xf32, #tpu.memory_space<vmem_shared>>) offsets(%arg5 : memref<1664xi32, #tpu.memory_space<vmem>>) semaphore(%run_scoped3A : memref<!tpu.dma_semaphore, #tpu.memory_space<semaphore_mem>>) {add = true}
      %dma_wait3A_217 = arith.constant 0 : i32
      %dma_wait3A_218 = tpu.memref_slice %arg10[%dma_wait3A_217] : memref<100096xf32, #tpu.memory_space<vmem_shared>> -> memref<100096xf32, #tpu.memory_space<vmem_shared>>
      tpu.wait_indirect_dma semaphore(%run_scoped3A : memref<!tpu.dma_semaphore, #tpu.memory_space<semaphore_mem>>) src(%arg8 : memref<1664xf32, #tpu.memory_space<vmem>>) dst(%dma_wait3A_218 : memref<100096xf32, #tpu.memory_space<vmem_shared>>)
      tpu.yield
    }) : () -> ()
    %dma_wait3A_199 = tpu.memref_slice %arg2[%add3A_194] : memref<1600000xi32, #tpu.memory_space<hbm>> -> memref<1664xi32, #tpu.memory_space<hbm>>
    %dma_wait3A_200 = tpu.memref_slice %arg2[%add3A_194] : memref<1600000xi32, #tpu.memory_space<hbm>> -> memref<1664xi32, #tpu.memory_space<hbm>>
    tpu.wait_dma2 semaphore(%arg12 : memref<!tpu.dma_semaphore, #tpu.memory_space<semaphore_mem>>) src(%dma_wait3A_200 : memref<1664xi32, #tpu.memory_space<hbm>>) dst(%arg6 : memref<1664xi32, #tpu.memory_space<vmem>>)
    "tpu.region"() ({
      %run_scoped3A = tpu.sem_alloc : memref<!tpu.dma_semaphore, #tpu.memory_space<semaphore_mem>>
      %dma_start3A_215 = arith.constant 0 : i32
      %dma_start3A_216 = tpu.memref_slice %arg10[%dma_start3A_215] : memref<100096xf32, #tpu.memory_space<vmem_shared>> -> memref<100096xf32, #tpu.memory_space<vmem_shared>>
      tpu.enqueue_indirect_dma source(%arg8 : memref<1664xf32, #tpu.memory_space<vmem>>) target(%dma_start3A_216 : memref<100096xf32, #tpu.memory_space<vmem_shared>>) offsets(%arg6 : memref<1664xi32, #tpu.memory_space<vmem>>) semaphore(%run_scoped3A : memref<!tpu.dma_semaphore, #tpu.memory_space<semaphore_mem>>) {add = true}
      %dma_wait3A_217 = arith.constant 0 : i32
      %dma_wait3A_218 = tpu.memref_slice %arg10[%dma_wait3A_217] : memref<100096xf32, #tpu.memory_space<vmem_shared>> -> memref<100096xf32, #tpu.memory_space<vmem_shared>>
      tpu.wait_indirect_dma semaphore(%run_scoped3A : memref<!tpu.dma_semaphore, #tpu.memory_space<semaphore_mem>>) src(%arg8 : memref<1664xf32, #tpu.memory_space<vmem>>) dst(%dma_wait3A_218 : memref<100096xf32, #tpu.memory_space<vmem_shared>>)
      tpu.yield
    }) : () -> ()
    %lt3A = arith.constant 20 : i32
    %lt3A_201 = arith.cmpi slt, %add3A, %lt3A : i32
    %convert_element_type3A = arith.extui %lt3A_201 : i1 to i32
    %cond3A = arith.constant 0 : i32
    %cond3A_202 = arith.cmpi ne, %convert_element_type3A, %cond3A : i32
    scf.if %cond3A_202 {
      %add3A_215 = arith.constant 12480 : i32
      %add3A_216 = arith.addi %add3A_215, %add3A : i32
      %mul3A_217 = arith.constant 128 : i32
      %mul3A_218 = arith.muli %add3A_216, %mul3A_217 : i32
      "tpu.region"() ({
        %run_scoped3A = tpu.sem_alloc : memref<!tpu.dma_semaphore, #tpu.memory_space<semaphore_mem>>
        %dma_start3A_219 = tpu.memref_slice %arg2[%mul3A_218] : memref<1600000xi32, #tpu.memory_space<hbm>> -> memref<128xi32, #tpu.memory_space<hbm>>
        %dma_start3A_220 = tpu.memref_slice %arg2[%mul3A_218] : memref<1600000xi32, #tpu.memory_space<hbm>> -> memref<128xi32, #tpu.memory_space<hbm>>
        tpu.enqueue_dma source(%dma_start3A_220 : memref<128xi32, #tpu.memory_space<hbm>>) target(%arg7 : memref<128xi32, #tpu.memory_space<vmem>>) target_semaphore(%run_scoped3A : memref<!tpu.dma_semaphore, #tpu.memory_space<semaphore_mem>>)
        %dma_wait3A_221 = tpu.memref_slice %arg2[%mul3A_218] : memref<1600000xi32, #tpu.memory_space<hbm>> -> memref<128xi32, #tpu.memory_space<hbm>>
        %dma_wait3A_222 = tpu.memref_slice %arg2[%mul3A_218] : memref<1600000xi32, #tpu.memory_space<hbm>> -> memref<128xi32, #tpu.memory_space<hbm>>
        tpu.wait_dma2 semaphore(%run_scoped3A : memref<!tpu.dma_semaphore, #tpu.memory_space<semaphore_mem>>) src(%dma_wait3A_222 : memref<128xi32, #tpu.memory_space<hbm>>) dst(%arg7 : memref<128xi32, #tpu.memory_space<vmem>>)
        tpu.yield
      }) : () -> ()
      "tpu.region"() ({
        %run_scoped3A = tpu.sem_alloc : memref<!tpu.dma_semaphore, #tpu.memory_space<semaphore_mem>>
        %dma_start3A_219 = arith.constant 0 : i32
        %dma_start3A_220 = tpu.memref_slice %arg8[%dma_start3A_219] : memref<1664xf32, #tpu.memory_space<vmem>> -> memref<128xf32, #tpu.memory_space<vmem>>
        %dma_start3A_221 = arith.constant 0 : i32
        %dma_start3A_222 = tpu.memref_slice %arg10[%dma_start3A_221] : memref<100096xf32, #tpu.memory_space<vmem_shared>> -> memref<100096xf32, #tpu.memory_space<vmem_shared>>
        tpu.enqueue_indirect_dma source(%dma_start3A_220 : memref<128xf32, #tpu.memory_space<vmem>>) target(%dma_start3A_222 : memref<100096xf32, #tpu.memory_space<vmem_shared>>) offsets(%arg7 : memref<128xi32, #tpu.memory_space<vmem>>) semaphore(%run_scoped3A : memref<!tpu.dma_semaphore, #tpu.memory_space<semaphore_mem>>) {add = true}
        %dma_wait3A_223 = arith.constant 0 : i32
        %dma_wait3A_224 = tpu.memref_slice %arg8[%dma_wait3A_223] : memref<1664xf32, #tpu.memory_space<vmem>> -> memref<128xf32, #tpu.memory_space<vmem>>
        %dma_wait3A_225 = arith.constant 0 : i32
        %dma_wait3A_226 = tpu.memref_slice %arg10[%dma_wait3A_225] : memref<100096xf32, #tpu.memory_space<vmem_shared>> -> memref<100096xf32, #tpu.memory_space<vmem_shared>>
        tpu.wait_indirect_dma semaphore(%run_scoped3A : memref<!tpu.dma_semaphore, #tpu.memory_space<semaphore_mem>>) src(%dma_wait3A_224 : memref<128xf32, #tpu.memory_space<vmem>>) dst(%dma_wait3A_226 : memref<100096xf32, #tpu.memory_space<vmem_shared>>)
        tpu.yield
      }) : () -> ()
    } else {
    }
    %barrier3A_203 = arith.constant 0 : index
    tpu.barrier barrier_id(%barrier3A_203)
    %mul3A_204 = arith.constant 6256 : i32
    %mul3A_205 = arith.muli %arg1, %mul3A_204 : i32
    "tpu.region"() ({
      %run_scoped3A = tpu.sem_alloc : memref<!tpu.dma_semaphore, #tpu.memory_space<semaphore_mem>>
      %dma_start3A_215 = tpu.memref_slice %arg10[%mul3A_205] : memref<100096xf32, #tpu.memory_space<vmem_shared>> -> memref<6256xf32, #tpu.memory_space<vmem_shared>>
      %dma_start3A_216 = tpu.memref_slice %arg10[%mul3A_205] : memref<100096xf32, #tpu.memory_space<vmem_shared>> -> memref<6256xf32, #tpu.memory_space<vmem_shared>>
      tpu.enqueue_dma source(%dma_start3A_216 : memref<6256xf32, #tpu.memory_space<vmem_shared>>) target(%arg9 : memref<6256xf32, #tpu.memory_space<vmem>>) target_semaphore(%run_scoped3A : memref<!tpu.dma_semaphore, #tpu.memory_space<semaphore_mem>>)
      %dma_wait3A_217 = tpu.memref_slice %arg10[%mul3A_205] : memref<100096xf32, #tpu.memory_space<vmem_shared>> -> memref<6256xf32, #tpu.memory_space<vmem_shared>>
      %dma_wait3A_218 = tpu.memref_slice %arg10[%mul3A_205] : memref<100096xf32, #tpu.memory_space<vmem_shared>> -> memref<6256xf32, #tpu.memory_space<vmem_shared>>
      tpu.wait_dma2 semaphore(%run_scoped3A : memref<!tpu.dma_semaphore, #tpu.memory_space<semaphore_mem>>) src(%dma_wait3A_218 : memref<6256xf32, #tpu.memory_space<vmem_shared>>) dst(%arg9 : memref<6256xf32, #tpu.memory_space<vmem>>)
      tpu.yield
    }) : () -> ()
    %eq3A = arith.constant 0 : i32
    %eq3A_206 = arith.cmpi eq, %arg0, %eq3A : i32
    %convert_element_type3A_207 = arith.extui %eq3A_206 : i1 to i32
    %cond3A_208 = arith.constant 0 : i32
    %cond3A_209 = arith.cmpi ne, %convert_element_type3A_207, %cond3A_208 : i32
    scf.if %cond3A_209 {
      %mul3A_215 = arith.constant 6256 : i32
      %mul3A_216 = arith.muli %arg1, %mul3A_215 : i32
      "tpu.region"() ({
        %run_scoped3A = tpu.sem_alloc : memref<!tpu.dma_semaphore, #tpu.memory_space<semaphore_mem>>
        %dma_start3A_217 = tpu.memref_slice %arg3[%mul3A_216] : memref<100096xf32, #tpu.memory_space<hbm>> -> memref<6256xf32, #tpu.memory_space<hbm>>
        %dma_start3A_218 = tpu.memref_slice %arg3[%mul3A_216] : memref<100096xf32, #tpu.memory_space<hbm>> -> memref<6256xf32, #tpu.memory_space<hbm>>
        tpu.enqueue_dma source(%arg9 : memref<6256xf32, #tpu.memory_space<vmem>>) target(%dma_start3A_218 : memref<6256xf32, #tpu.memory_space<hbm>>) target_semaphore(%run_scoped3A : memref<!tpu.dma_semaphore, #tpu.memory_space<semaphore_mem>>)
        %dma_wait3A_219 = tpu.memref_slice %arg3[%mul3A_216] : memref<100096xf32, #tpu.memory_space<hbm>> -> memref<6256xf32, #tpu.memory_space<hbm>>
        %dma_wait3A_220 = tpu.memref_slice %arg3[%mul3A_216] : memref<100096xf32, #tpu.memory_space<hbm>> -> memref<6256xf32, #tpu.memory_space<hbm>>
        tpu.wait_dma2 semaphore(%run_scoped3A : memref<!tpu.dma_semaphore, #tpu.memory_space<semaphore_mem>>) src(%arg9 : memref<6256xf32, #tpu.memory_space<vmem>>) dst(%dma_wait3A_220 : memref<6256xf32, #tpu.memory_space<hbm>>)
        tpu.yield
      }) : () -> ()
    } else {
    }
    %eq3A_210 = arith.constant 1 : i32
    %eq3A_211 = arith.cmpi eq, %arg0, %eq3A_210 : i32
    %convert_element_type3A_212 = arith.extui %eq3A_211 : i1 to i32
    %cond3A_213 = arith.constant 0 : i32
    %cond3A_214 = arith.cmpi ne, %convert_element_type3A_212, %cond3A_213 : i32
    scf.if %cond3A_214 {
      %mul3A_215 = arith.constant 6256 : i32
      %mul3A_216 = arith.muli %arg1, %mul3A_215 : i32
      "tpu.region"() ({
        %run_scoped3A = tpu.sem_alloc : memref<!tpu.dma_semaphore, #tpu.memory_space<semaphore_mem>>
        %dma_start3A_217 = tpu.memref_slice %arg4[%mul3A_216] : memref<100096xf32, #tpu.memory_space<hbm>> -> memref<6256xf32, #tpu.memory_space<hbm>>
        %dma_start3A_218 = tpu.memref_slice %arg4[%mul3A_216] : memref<100096xf32, #tpu.memory_space<hbm>> -> memref<6256xf32, #tpu.memory_space<hbm>>
        tpu.enqueue_dma source(%arg9 : memref<6256xf32, #tpu.memory_space<vmem>>) target(%dma_start3A_218 : memref<6256xf32, #tpu.memory_space<hbm>>) target_semaphore(%run_scoped3A : memref<!tpu.dma_semaphore, #tpu.memory_space<semaphore_mem>>)
        %dma_wait3A_219 = tpu.memref_slice %arg4[%mul3A_216] : memref<100096xf32, #tpu.memory_space<hbm>> -> memref<6256xf32, #tpu.memory_space<hbm>>
        %dma_wait3A_220 = tpu.memref_slice %arg4[%mul3A_216] : memref<100096xf32, #tpu.memory_space<hbm>> -> memref<6256xf32, #tpu.memory_space<hbm>>
        tpu.wait_dma2 semaphore(%run_scoped3A : memref<!tpu.dma_semaphore, #tpu.memory_space<semaphore_mem>>) src(%arg9 : memref<6256xf32, #tpu.memory_space<vmem>>) dst(%dma_wait3A_220 : memref<6256xf32, #tpu.memory_space<hbm>>)
        tpu.yield
      }) : () -> ()
    } else {
    }
    return
  }
}

module attributes {stable_mosaic.version = 14 : i64} {
  func.func @_tc_hw(%arg0: i32, %arg1: memref<1x2500x128xf32, #tpu.memory_space<vmem>>, %arg2: memref<2500x128xf32, #tpu.memory_space<vmem>>, %arg3: memref<128x4xf32, #tpu.memory_space<vmem>>, %arg4: memref<2500x4xf32, #tpu.memory_space<vmem>>, %arg5: memref<1x1xf32, #tpu.memory_space<vmem>>, %arg6: memref<1x2500x4xf32, #tpu.memory_space<vmem>>) attributes {dimension_semantics = [#tpu.dimension_semantics<arbitrary>], iteration_bounds = array<i64: 10>, scalar_prefetch = 0 : i64, scratch_operands = 0 : i64, tpu.core_type = #tpu.core_type<tc>, window_params = [{transform_indices = @transform_0, window_bounds = array<i64: 1, 2500, 128>}, {pipeline_mode = #tpu.pipeline_mode<synchronous>, transform_indices = @transform_1, window_bounds = array<i64: 2500, 128>}, {pipeline_mode = #tpu.pipeline_mode<synchronous>, transform_indices = @transform_2, window_bounds = array<i64: 128, 4>}, {pipeline_mode = #tpu.pipeline_mode<synchronous>, transform_indices = @transform_3, window_bounds = array<i64: 2500, 4>}, {pipeline_mode = #tpu.pipeline_mode<synchronous>, transform_indices = @transform_4, window_bounds = array<i64: 1, 1>}, {transform_indices = @transform_5, window_bounds = array<i64: 1, 2500, 4>}]} {
    %get3A = arith.constant 0 : index
    %get3A_0 = arith.constant 0 : index
    %get3A_1 = arith.constant 0 : index
    %get3A_2 = vector.load %arg1[%get3A, %get3A_0, %get3A_1] : memref<1x2500x128xf32, #tpu.memory_space<vmem>>, vector<1x2500x128xf32>
    %get3A_3 = vector.shape_cast %get3A_2 : vector<1x2500x128xf32> to vector<2500x128xf32>
    %get3A_4 = arith.constant 0 : index
    %get3A_5 = arith.constant 0 : index
    %get3A_6 = vector.load %arg2[%get3A_4, %get3A_5] : memref<2500x128xf32, #tpu.memory_space<vmem>>, vector<2500x128xf32>
    %mul3A = arith.mulf %get3A_3, %get3A_6 : vector<2500x128xf32>
    %get3A_7 = arith.constant 0 : index
    %get3A_8 = arith.constant 0 : index
    %get3A_9 = vector.load %arg3[%get3A_7, %get3A_8] : memref<128x4xf32, #tpu.memory_space<vmem>>, vector<128x4xf32>
    %dot_general3A = arith.constant dense<0.000000e+00> : vector<2500x4xf32>
    %dot_general3A_10 = tpu.matmul %mul3A, %get3A_9, %dot_general3A {dimension_numbers = #tpu.dot_dimension_numbers<[1], [0], [0], [1], [0, 0, 1, 1], [], []>, transpose_lhs_hint = false} : vector<2500x128xf32>, vector<128x4xf32>, vector<2500x4xf32> -> vector<2500x4xf32>
    %get3A_11 = arith.constant 0 : index
    %get3A_12 = arith.constant 0 : index
    %get3A_13 = vector.load %arg4[%get3A_11, %get3A_12] : memref<2500x4xf32, #tpu.memory_space<vmem>>, vector<2500x4xf32>
    %get3A_14 = arith.constant 0 : index
    %get3A_15 = arith.constant 0 : index
    %get3A_16 = vector.load %arg5[%get3A_14, %get3A_15] : memref<1x1xf32, #tpu.memory_space<vmem>>, vector<1x1xf32>
    %get3A_17 = vector.extract %get3A_16[0, 0] : f32 from vector<1x1xf32>
    %mul3A_18 = vector.broadcast %get3A_17 : f32 to vector<2500x4xf32>
    %mul3A_19 = arith.mulf %get3A_13, %mul3A_18 : vector<2500x4xf32>
    %add3A = arith.addf %dot_general3A_10, %mul3A_19 : vector<2500x4xf32>
    %swap3A = arith.constant 0 : index
    %swap3A_20 = arith.constant 0 : index
    %swap3A_21 = arith.constant 0 : index
    %swap3A_22 = vector.load %arg6[%swap3A, %swap3A_20, %swap3A_21] : memref<1x2500x4xf32, #tpu.memory_space<vmem>>, vector<1x2500x4xf32>
    %swap3A_23 = vector.shape_cast %swap3A_22 : vector<1x2500x4xf32> to vector<2500x4xf32>
    %swap3A_24 = vector.shape_cast %add3A : vector<2500x4xf32> to vector<1x2500x4xf32>
    tpu.vector_store %arg6[%swap3A, %swap3A_20, %swap3A_21], %swap3A_24 {strides = array<i32>} : memref<1x2500x4xf32, #tpu.memory_space<vmem>>, vector<1x2500x4xf32>,
    return
  }
  func.func @transform_0(%arg0: i32) -> (i32, i32, i32) {
    %c0_i32 = arith.constant 0 : i32
    %c0_i32_0 = arith.constant 0 : i32
    %c0_i32_1 = arith.constant 0 : i32
    return %arg0, %c0_i32, %c0_i32_0 : i32, i32, i32
  }
  func.func @transform_1(%arg0: i32) -> (i32, i32) {
    %c0_i32 = arith.constant 0 : i32
    %c0_i32_0 = arith.constant 0 : i32
    %c0_i32_1 = arith.constant 0 : i32
    return %c0_i32, %c0_i32_0 : i32, i32
  }
  func.func @transform_2(%arg0: i32) -> (i32, i32) {
    %c0_i32 = arith.constant 0 : i32
    %c0_i32_0 = arith.constant 0 : i32
    %c0_i32_1 = arith.constant 0 : i32
    return %c0_i32, %c0_i32_0 : i32, i32
  }
  func.func @transform_3(%arg0: i32) -> (i32, i32) {
    %c0_i32 = arith.constant 0 : i32
    %c0_i32_0 = arith.constant 0 : i32
    %c0_i32_1 = arith.constant 0 : i32
    return %c0_i32, %c0_i32_0 : i32, i32
  }
  func.func @transform_4(%arg0: i32) -> (i32, i32) {
    %c0_i32 = arith.constant 0 : i32
    %c0_i32_0 = arith.constant 0 : i32
    %c0_i32_1 = arith.constant 0 : i32
    return %c0_i32, %c0_i32_0 : i32, i32
  }
  func.func @transform_5(%arg0: i32) -> (i32, i32, i32) {
    %c0_i32 = arith.constant 0 : i32
    %c0_i32_0 = arith.constant 0 : i32
    %c0_i32_1 = arith.constant 0 : i32
    return %arg0, %c0_i32, %c0_i32_0 : i32, i32, i32
  }
}

module attributes {stable_mosaic.version = 14 : i64} {
  func.func @_tc_mix(%arg0: memref<10x1x10000xf32, #tpu.memory_space<vmem>>, %arg1: memref<10x1x10000xf32, #tpu.memory_space<vmem>>, %arg2: memref<10x1x10000xf32, #tpu.memory_space<vmem>>, %arg3: memref<10x1x10000xf32, #tpu.memory_space<vmem>>, %arg4: memref<10x1x10000xf32, #tpu.memory_space<vmem>>) attributes {dimension_semantics = [], scalar_prefetch = 0 : i64, scratch_operands = 0 : i64, tpu.core_type = #tpu.core_type<tc>} {
    %get3A = arith.constant 0 : index
    %get3A_0 = arith.constant 0 : index
    %get3A_1 = arith.constant 0 : index
    %get3A_2 = vector.load %arg1[%get3A, %get3A_0, %get3A_1] : memref<10x1x10000xf32, #tpu.memory_space<vmem>>, vector<10x1x10000xf32>
    %get3A_3 = vector.shape_cast %get3A_2 : vector<10x1x10000xf32> to vector<10x10000xf32>
    %add3A = arith.constant 1.000000e+00 : f32
    %add3A_4 = vector.broadcast %add3A : f32 to vector<10x10000xf32>
    %add3A_5 = arith.addf %add3A_4, %get3A_3 : vector<10x10000xf32>
    %get3A_6 = arith.constant 0 : index
    %get3A_7 = arith.constant 0 : index
    %get3A_8 = arith.constant 0 : index
    %get3A_9 = vector.load %arg2[%get3A_6, %get3A_7, %get3A_8] : memref<10x1x10000xf32, #tpu.memory_space<vmem>>, vector<10x1x10000xf32>
    %get3A_10 = vector.shape_cast %get3A_9 : vector<10x1x10000xf32> to vector<10x10000xf32>
    %add3A_11 = arith.addf %add3A_5, %get3A_10 : vector<10x10000xf32>
    %rsqrt3A = math.rsqrt %add3A_11 : vector<10x10000xf32>
    %swap3A = arith.constant 0 : index
    %swap3A_12 = arith.constant 0 : index
    %swap3A_13 = arith.constant 0 : index
    %swap3A_14 = vector.load %arg3[%swap3A, %swap3A_12, %swap3A_13] : memref<10x1x10000xf32, #tpu.memory_space<vmem>>, vector<10x1x10000xf32>
    %swap3A_15 = vector.shape_cast %swap3A_14 : vector<10x1x10000xf32> to vector<10x10000xf32>
    %swap3A_16 = vector.shape_cast %rsqrt3A : vector<10x10000xf32> to vector<10x1x10000xf32>
    tpu.vector_store %arg3[%swap3A, %swap3A_12, %swap3A_13], %swap3A_16 {strides = array<i32>} : memref<10x1x10000xf32, #tpu.memory_space<vmem>>, vector<10x1x10000xf32>,
    %get3A_17 = arith.constant 0 : index
    %get3A_18 = arith.constant 0 : index
    %get3A_19 = arith.constant 0 : index
    %get3A_20 = vector.load %arg0[%get3A_17, %get3A_18, %get3A_19] : memref<10x1x10000xf32, #tpu.memory_space<vmem>>, vector<10x1x10000xf32>
    %get3A_21 = vector.shape_cast %get3A_20 : vector<10x1x10000xf32> to vector<10x10000xf32>
    %mul3A = arith.mulf %get3A_21, %rsqrt3A : vector<10x10000xf32>
    %swap3A_22 = arith.constant 0 : index
    %swap3A_23 = arith.constant 0 : index
    %swap3A_24 = arith.constant 0 : index
    %swap3A_25 = vector.load %arg4[%swap3A_22, %swap3A_23, %swap3A_24] : memref<10x1x10000xf32, #tpu.memory_space<vmem>>, vector<10x1x10000xf32>
    %swap3A_26 = vector.shape_cast %swap3A_25 : vector<10x1x10000xf32> to vector<10x10000xf32>
    %swap3A_27 = vector.shape_cast %mul3A : vector<10x10000xf32> to vector<10x1x10000xf32>
    tpu.vector_store %arg4[%swap3A_22, %swap3A_23, %swap3A_24], %swap3A_27 {strides = array<i32>} : memref<10x1x10000xf32, #tpu.memory_space<vmem>>, vector<10x1x10000xf32>,
    return
  }
}

module attributes {stable_mosaic.version = 14 : i64} {
  func.func @_tc_score(%arg0: memref<10x1x10000xf32, #tpu.memory_space<vmem>>, %arg1: memref<10x1x10000xf32, #tpu.memory_space<vmem>>, %arg2: memref<10x1x10000xf32, #tpu.memory_space<vmem>>, %arg3: memref<10x1x10000xf32, #tpu.memory_space<vmem>>, %arg4: memref<1x1xf32, #tpu.memory_space<vmem>>, %arg5: memref<1x10000xf32, #tpu.memory_space<vmem>>, %arg6: memref<10x10000xf32, #tpu.memory_space<vmem>>, %arg7: memref<10x1xf32, #tpu.memory_space<vmem>>) attributes {dimension_semantics = [], scalar_prefetch = 0 : i64, scratch_operands = 0 : i64, tpu.core_type = #tpu.core_type<tc>} {
    %get3A = arith.constant 0 : index
    %get3A_0 = arith.constant 0 : index
    %get3A_1 = arith.constant 0 : index
    %get3A_2 = vector.load %arg2[%get3A, %get3A_0, %get3A_1] : memref<10x1x10000xf32, #tpu.memory_space<vmem>>, vector<10x1x10000xf32>
    %get3A_3 = vector.shape_cast %get3A_2 : vector<10x1x10000xf32> to vector<10x10000xf32>
    %get3A_4 = arith.constant 0 : index
    %get3A_5 = arith.constant 0 : index
    %get3A_6 = arith.constant 0 : index
    %get3A_7 = vector.load %arg3[%get3A_4, %get3A_5, %get3A_6] : memref<10x1x10000xf32, #tpu.memory_space<vmem>>, vector<10x1x10000xf32>
    %get3A_8 = vector.shape_cast %get3A_7 : vector<10x1x10000xf32> to vector<10x10000xf32>
    %add3A = arith.addf %get3A_3, %get3A_8 : vector<10x10000xf32>
    %get3A_9 = arith.constant 0 : index
    %get3A_10 = arith.constant 0 : index
    %get3A_11 = arith.constant 0 : index
    %get3A_12 = vector.load %arg0[%get3A_9, %get3A_10, %get3A_11] : memref<10x1x10000xf32, #tpu.memory_space<vmem>>, vector<10x1x10000xf32>
    %get3A_13 = vector.shape_cast %get3A_12 : vector<10x1x10000xf32> to vector<10x10000xf32>
    %get3A_14 = arith.constant 0 : index
    %get3A_15 = arith.constant 0 : index
    %get3A_16 = arith.constant 0 : index
    %get3A_17 = vector.load %arg1[%get3A_14, %get3A_15, %get3A_16] : memref<10x1x10000xf32, #tpu.memory_space<vmem>>, vector<10x1x10000xf32>
    %get3A_18 = vector.shape_cast %get3A_17 : vector<10x1x10000xf32> to vector<10x10000xf32>
    %add3A_19 = arith.addf %add3A, %get3A_18 : vector<10x10000xf32>
    %mul3A = arith.mulf %get3A_13, %add3A_19 : vector<10x10000xf32>
    %get3A_20 = arith.constant 0 : index
    %get3A_21 = arith.constant 0 : index
    %get3A_22 = vector.load %arg4[%get3A_20, %get3A_21] : memref<1x1xf32, #tpu.memory_space<vmem>>, vector<1x1xf32>
    %get3A_23 = vector.extract %get3A_22[0, 0] : f32 from vector<1x1xf32>
    %add3A_24 = vector.broadcast %get3A_23 : f32 to vector<10x10000xf32>
    %add3A_25 = arith.addf %mul3A, %add3A_24 : vector<10x10000xf32>
    %bitcast_convert_type3A = tpu.bitcast %add3A_25 : vector<10x10000xf32> -> vector<10x10000xi32>
    %shift_right_arithmetic3A = arith.constant 31 : i32
    %shift_right_arithmetic3A_26 = vector.broadcast %shift_right_arithmetic3A : i32 to vector<10x10000xi32>
    %shift_right_arithmetic3A_27 = arith.shrsi %bitcast_convert_type3A, %shift_right_arithmetic3A_26 : vector<10x10000xi32>
    %and3A = arith.constant 2147483647 : i32
    %and3A_28 = vector.broadcast %and3A : i32 to vector<10x10000xi32>
    %and3A_29 = arith.andi %shift_right_arithmetic3A_27, %and3A_28 : vector<10x10000xi32>
    %xor3A = arith.xori %bitcast_convert_type3A, %and3A_29 : vector<10x10000xi32>
    %broadcast_in_dim3A = arith.constant 0 : i32
    %broadcast_in_dim3A_30 = vector.broadcast %broadcast_in_dim3A : i32 to vector<10x1xi32>
    %or3A = arith.constant -2147483648 : i32
    %or3A_31 = vector.broadcast %or3A : i32 to vector<10x1xi32>
    %or3A_32 = arith.ori %broadcast_in_dim3A_30, %or3A_31 : vector<10x1xi32>
    %xor3A_33 = arith.constant -2147483648 : i32
    %xor3A_34 = vector.broadcast %xor3A_33 : i32 to vector<10x1xi32>
    %xor3A_35 = arith.xori %or3A_32, %xor3A_34 : vector<10x1xi32>
    %ge3A = vector.broadcast %xor3A_35 : vector<10x1xi32> to vector<10x10000xi32>
    %ge3A_36 = arith.cmpi sge, %xor3A, %ge3A : vector<10x10000xi32>
    %convert_element_type3A = arith.extui %ge3A_36 : vector<10x10000xi1> to vector<10x10000xi32>
    %reduce_sum3A = arith.constant dense<0> : vector<10xi32>
    %reduce_sum3A_37 = vector.multi_reduction <add>, %convert_element_type3A, %reduce_sum3A [1] : vector<10x10000xi32> to vector<10xi32>
    %broadcast_in_dim3A_38 = vector.shape_cast %reduce_sum3A_37 : vector<10xi32> to vector<10x1xi32>
    %ge3A_39 = arith.constant 5000 : i32
    %ge3A_40 = vector.broadcast %ge3A_39 : i32 to vector<10x1xi32>
    %ge3A_41 = arith.cmpi sge, %broadcast_in_dim3A_38, %ge3A_40 : vector<10x1xi32>
    %select_n3A = arith.select %ge3A_41, %or3A_32, %broadcast_in_dim3A_30 : vector<10x1xi1>, vector<10x1xi32>
    %or3A_42 = arith.constant 1073741824 : i32
    %or3A_43 = vector.broadcast %or3A_42 : i32 to vector<10x1xi32>
    %or3A_44 = arith.ori %select_n3A, %or3A_43 : vector<10x1xi32>
    %xor3A_45 = arith.constant -2147483648 : i32
    %xor3A_46 = vector.broadcast %xor3A_45 : i32 to vector<10x1xi32>
    %xor3A_47 = arith.xori %or3A_44, %xor3A_46 : vector<10x1xi32>
    %ge3A_48 = vector.broadcast %xor3A_47 : vector<10x1xi32> to vector<10x10000xi32>
    %ge3A_49 = arith.cmpi sge, %xor3A, %ge3A_48 : vector<10x10000xi32>
    %convert_element_type3A_50 = arith.extui %ge3A_49 : vector<10x10000xi1> to vector<10x10000xi32>
    %reduce_sum3A_51 = arith.constant dense<0> : vector<10xi32>
    %reduce_sum3A_52 = vector.multi_reduction <add>, %convert_element_type3A_50, %reduce_sum3A_51 [1] : vector<10x10000xi32> to vector<10xi32>
    %broadcast_in_dim3A_53 = vector.shape_cast %reduce_sum3A_52 : vector<10xi32> to vector<10x1xi32>
    %ge3A_54 = arith.constant 5000 : i32
    %ge3A_55 = vector.broadcast %ge3A_54 : i32 to vector<10x1xi32>
    %ge3A_56 = arith.cmpi sge, %broadcast_in_dim3A_53, %ge3A_55 : vector<10x1xi32>
    %select_n3A_57 = arith.select %ge3A_56, %or3A_44, %select_n3A : vector<10x1xi1>, vector<10x1xi32>
    %or3A_58 = arith.constant 536870912 : i32
    %or3A_59 = vector.broadcast %or3A_58 : i32 to vector<10x1xi32>
    %or3A_60 = arith.ori %select_n3A_57, %or3A_59 : vector<10x1xi32>
    %xor3A_61 = arith.constant -2147483648 : i32
    %xor3A_62 = vector.broadcast %xor3A_61 : i32 to vector<10x1xi32>
    %xor3A_63 = arith.xori %or3A_60, %xor3A_62 : vector<10x1xi32>
    %ge3A_64 = vector.broadcast %xor3A_63 : vector<10x1xi32> to vector<10x10000xi32>
    %ge3A_65 = arith.cmpi sge, %xor3A, %ge3A_64 : vector<10x10000xi32>
    %convert_element_type3A_66 = arith.extui %ge3A_65 : vector<10x10000xi1> to vector<10x10000xi32>
    %reduce_sum3A_67 = arith.constant dense<0> : vector<10xi32>
    %reduce_sum3A_68 = vector.multi_reduction <add>, %convert_element_type3A_66, %reduce_sum3A_67 [1] : vector<10x10000xi32> to vector<10xi32>
    %broadcast_in_dim3A_69 = vector.shape_cast %reduce_sum3A_68 : vector<10xi32> to vector<10x1xi32>
    %ge3A_70 = arith.constant 5000 : i32
    %ge3A_71 = vector.broadcast %ge3A_70 : i32 to vector<10x1xi32>
    %ge3A_72 = arith.cmpi sge, %broadcast_in_dim3A_69, %ge3A_71 : vector<10x1xi32>
    %select_n3A_73 = arith.select %ge3A_72, %or3A_60, %select_n3A_57 : vector<10x1xi1>, vector<10x1xi32>
    %or3A_74 = arith.constant 268435456 : i32
    %or3A_75 = vector.broadcast %or3A_74 : i32 to vector<10x1xi32>
    %or3A_76 = arith.ori %select_n3A_73, %or3A_75 : vector<10x1xi32>
    %xor3A_77 = arith.constant -2147483648 : i32
    %xor3A_78 = vector.broadcast %xor3A_77 : i32 to vector<10x1xi32>
    %xor3A_79 = arith.xori %or3A_76, %xor3A_78 : vector<10x1xi32>
    %ge3A_80 = vector.broadcast %xor3A_79 : vector<10x1xi32> to vector<10x10000xi32>
    %ge3A_81 = arith.cmpi sge, %xor3A, %ge3A_80 : vector<10x10000xi32>
    %convert_element_type3A_82 = arith.extui %ge3A_81 : vector<10x10000xi1> to vector<10x10000xi32>
    %reduce_sum3A_83 = arith.constant dense<0> : vector<10xi32>
    %reduce_sum3A_84 = vector.multi_reduction <add>, %convert_element_type3A_82, %reduce_sum3A_83 [1] : vector<10x10000xi32> to vector<10xi32>
    %broadcast_in_dim3A_85 = vector.shape_cast %reduce_sum3A_84 : vector<10xi32> to vector<10x1xi32>
    %ge3A_86 = arith.constant 5000 : i32
    %ge3A_87 = vector.broadcast %ge3A_86 : i32 to vector<10x1xi32>
    %ge3A_88 = arith.cmpi sge, %broadcast_in_dim3A_85, %ge3A_87 : vector<10x1xi32>
    %select_n3A_89 = arith.select %ge3A_88, %or3A_76, %select_n3A_73 : vector<10x1xi1>, vector<10x1xi32>
    %or3A_90 = arith.constant 134217728 : i32
    %or3A_91 = vector.broadcast %or3A_90 : i32 to vector<10x1xi32>
    %or3A_92 = arith.ori %select_n3A_89, %or3A_91 : vector<10x1xi32>
    %xor3A_93 = arith.constant -2147483648 : i32
    %xor3A_94 = vector.broadcast %xor3A_93 : i32 to vector<10x1xi32>
    %xor3A_95 = arith.xori %or3A_92, %xor3A_94 : vector<10x1xi32>
    %ge3A_96 = vector.broadcast %xor3A_95 : vector<10x1xi32> to vector<10x10000xi32>
    %ge3A_97 = arith.cmpi sge, %xor3A, %ge3A_96 : vector<10x10000xi32>
    %convert_element_type3A_98 = arith.extui %ge3A_97 : vector<10x10000xi1> to vector<10x10000xi32>
    %reduce_sum3A_99 = arith.constant dense<0> : vector<10xi32>
    %reduce_sum3A_100 = vector.multi_reduction <add>, %convert_element_type3A_98, %reduce_sum3A_99 [1] : vector<10x10000xi32> to vector<10xi32>
    %broadcast_in_dim3A_101 = vector.shape_cast %reduce_sum3A_100 : vector<10xi32> to vector<10x1xi32>
    %ge3A_102 = arith.constant 5000 : i32
    %ge3A_103 = vector.broadcast %ge3A_102 : i32 to vector<10x1xi32>
    %ge3A_104 = arith.cmpi sge, %broadcast_in_dim3A_101, %ge3A_103 : vector<10x1xi32>
    %select_n3A_105 = arith.select %ge3A_104, %or3A_92, %select_n3A_89 : vector<10x1xi1>, vector<10x1xi32>
    %or3A_106 = arith.constant 67108864 : i32
    %or3A_107 = vector.broadcast %or3A_106 : i32 to vector<10x1xi32>
    %or3A_108 = arith.ori %select_n3A_105, %or3A_107 : vector<10x1xi32>
    %xor3A_109 = arith.constant -2147483648 : i32
    %xor3A_110 = vector.broadcast %xor3A_109 : i32 to vector<10x1xi32>
    %xor3A_111 = arith.xori %or3A_108, %xor3A_110 : vector<10x1xi32>
    %ge3A_112 = vector.broadcast %xor3A_111 : vector<10x1xi32> to vector<10x10000xi32>
    %ge3A_113 = arith.cmpi sge, %xor3A, %ge3A_112 : vector<10x10000xi32>
    %convert_element_type3A_114 = arith.extui %ge3A_113 : vector<10x10000xi1> to vector<10x10000xi32>
    %reduce_sum3A_115 = arith.constant dense<0> : vector<10xi32>
    %reduce_sum3A_116 = vector.multi_reduction <add>, %convert_element_type3A_114, %reduce_sum3A_115 [1] : vector<10x10000xi32> to vector<10xi32>
    %broadcast_in_dim3A_117 = vector.shape_cast %reduce_sum3A_116 : vector<10xi32> to vector<10x1xi32>
    %ge3A_118 = arith.constant 5000 : i32
    %ge3A_119 = vector.broadcast %ge3A_118 : i32 to vector<10x1xi32>
    %ge3A_120 = arith.cmpi sge, %broadcast_in_dim3A_117, %ge3A_119 : vector<10x1xi32>
    %select_n3A_121 = arith.select %ge3A_120, %or3A_108, %select_n3A_105 : vector<10x1xi1>, vector<10x1xi32>
    %or3A_122 = arith.constant 33554432 : i32
    %or3A_123 = vector.broadcast %or3A_122 : i32 to vector<10x1xi32>
    %or3A_124 = arith.ori %select_n3A_121, %or3A_123 : vector<10x1xi32>
    %xor3A_125 = arith.constant -2147483648 : i32
    %xor3A_126 = vector.broadcast %xor3A_125 : i32 to vector<10x1xi32>
    %xor3A_127 = arith.xori %or3A_124, %xor3A_126 : vector<10x1xi32>
    %ge3A_128 = vector.broadcast %xor3A_127 : vector<10x1xi32> to vector<10x10000xi32>
    %ge3A_129 = arith.cmpi sge, %xor3A, %ge3A_128 : vector<10x10000xi32>
    %convert_element_type3A_130 = arith.extui %ge3A_129 : vector<10x10000xi1> to vector<10x10000xi32>
    %reduce_sum3A_131 = arith.constant dense<0> : vector<10xi32>
    %reduce_sum3A_132 = vector.multi_reduction <add>, %convert_element_type3A_130, %reduce_sum3A_131 [1] : vector<10x10000xi32> to vector<10xi32>
    %broadcast_in_dim3A_133 = vector.shape_cast %reduce_sum3A_132 : vector<10xi32> to vector<10x1xi32>
    %ge3A_134 = arith.constant 5000 : i32
    %ge3A_135 = vector.broadcast %ge3A_134 : i32 to vector<10x1xi32>
    %ge3A_136 = arith.cmpi sge, %broadcast_in_dim3A_133, %ge3A_135 : vector<10x1xi32>
    %select_n3A_137 = arith.select %ge3A_136, %or3A_124, %select_n3A_121 : vector<10x1xi1>, vector<10x1xi32>
    %or3A_138 = arith.constant 16777216 : i32
    %or3A_139 = vector.broadcast %or3A_138 : i32 to vector<10x1xi32>
    %or3A_140 = arith.ori %select_n3A_137, %or3A_139 : vector<10x1xi32>
    %xor3A_141 = arith.constant -2147483648 : i32
    %xor3A_142 = vector.broadcast %xor3A_141 : i32 to vector<10x1xi32>
    %xor3A_143 = arith.xori %or3A_140, %xor3A_142 : vector<10x1xi32>
    %ge3A_144 = vector.broadcast %xor3A_143 : vector<10x1xi32> to vector<10x10000xi32>
    %ge3A_145 = arith.cmpi sge, %xor3A, %ge3A_144 : vector<10x10000xi32>
    %convert_element_type3A_146 = arith.extui %ge3A_145 : vector<10x10000xi1> to vector<10x10000xi32>
    %reduce_sum3A_147 = arith.constant dense<0> : vector<10xi32>
    %reduce_sum3A_148 = vector.multi_reduction <add>, %convert_element_type3A_146, %reduce_sum3A_147 [1] : vector<10x10000xi32> to vector<10xi32>
    %broadcast_in_dim3A_149 = vector.shape_cast %reduce_sum3A_148 : vector<10xi32> to vector<10x1xi32>
    %ge3A_150 = arith.constant 5000 : i32
    %ge3A_151 = vector.broadcast %ge3A_150 : i32 to vector<10x1xi32>
    %ge3A_152 = arith.cmpi sge, %broadcast_in_dim3A_149, %ge3A_151 : vector<10x1xi32>
    %select_n3A_153 = arith.select %ge3A_152, %or3A_140, %select_n3A_137 : vector<10x1xi1>, vector<10x1xi32>
    %or3A_154 = arith.constant 8388608 : i32
    %or3A_155 = vector.broadcast %or3A_154 : i32 to vector<10x1xi32>
    %or3A_156 = arith.ori %select_n3A_153, %or3A_155 : vector<10x1xi32>
    %xor3A_157 = arith.constant -2147483648 : i32
    %xor3A_158 = vector.broadcast %xor3A_157 : i32 to vector<10x1xi32>
    %xor3A_159 = arith.xori %or3A_156, %xor3A_158 : vector<10x1xi32>
    %ge3A_160 = vector.broadcast %xor3A_159 : vector<10x1xi32> to vector<10x10000xi32>
    %ge3A_161 = arith.cmpi sge, %xor3A, %ge3A_160 : vector<10x10000xi32>
    %convert_element_type3A_162 = arith.extui %ge3A_161 : vector<10x10000xi1> to vector<10x10000xi32>
    %reduce_sum3A_163 = arith.constant dense<0> : vector<10xi32>
    %reduce_sum3A_164 = vector.multi_reduction <add>, %convert_element_type3A_162, %reduce_sum3A_163 [1] : vector<10x10000xi32> to vector<10xi32>
    %broadcast_in_dim3A_165 = vector.shape_cast %reduce_sum3A_164 : vector<10xi32> to vector<10x1xi32>
    %ge3A_166 = arith.constant 5000 : i32
    %ge3A_167 = vector.broadcast %ge3A_166 : i32 to vector<10x1xi32>
    %ge3A_168 = arith.cmpi sge, %broadcast_in_dim3A_165, %ge3A_167 : vector<10x1xi32>
    %select_n3A_169 = arith.select %ge3A_168, %or3A_156, %select_n3A_153 : vector<10x1xi1>, vector<10x1xi32>
    %or3A_170 = arith.constant 4194304 : i32
    %or3A_171 = vector.broadcast %or3A_170 : i32 to vector<10x1xi32>
    %or3A_172 = arith.ori %select_n3A_169, %or3A_171 : vector<10x1xi32>
    %xor3A_173 = arith.constant -2147483648 : i32
    %xor3A_174 = vector.broadcast %xor3A_173 : i32 to vector<10x1xi32>
    %xor3A_175 = arith.xori %or3A_172, %xor3A_174 : vector<10x1xi32>
    %ge3A_176 = vector.broadcast %xor3A_175 : vector<10x1xi32> to vector<10x10000xi32>
    %ge3A_177 = arith.cmpi sge, %xor3A, %ge3A_176 : vector<10x10000xi32>
    %convert_element_type3A_178 = arith.extui %ge3A_177 : vector<10x10000xi1> to vector<10x10000xi32>
    %reduce_sum3A_179 = arith.constant dense<0> : vector<10xi32>
    %reduce_sum3A_180 = vector.multi_reduction <add>, %convert_element_type3A_178, %reduce_sum3A_179 [1] : vector<10x10000xi32> to vector<10xi32>
    %broadcast_in_dim3A_181 = vector.shape_cast %reduce_sum3A_180 : vector<10xi32> to vector<10x1xi32>
    %ge3A_182 = arith.constant 5000 : i32
    %ge3A_183 = vector.broadcast %ge3A_182 : i32 to vector<10x1xi32>
    %ge3A_184 = arith.cmpi sge, %broadcast_in_dim3A_181, %ge3A_183 : vector<10x1xi32>
    %select_n3A_185 = arith.select %ge3A_184, %or3A_172, %select_n3A_169 : vector<10x1xi1>, vector<10x1xi32>
    %or3A_186 = arith.constant 2097152 : i32
    %or3A_187 = vector.broadcast %or3A_186 : i32 to vector<10x1xi32>
    %or3A_188 = arith.ori %select_n3A_185, %or3A_187 : vector<10x1xi32>
    %xor3A_189 = arith.constant -2147483648 : i32
    %xor3A_190 = vector.broadcast %xor3A_189 : i32 to vector<10x1xi32>
    %xor3A_191 = arith.xori %or3A_188, %xor3A_190 : vector<10x1xi32>
    %ge3A_192 = vector.broadcast %xor3A_191 : vector<10x1xi32> to vector<10x10000xi32>
    %ge3A_193 = arith.cmpi sge, %xor3A, %ge3A_192 : vector<10x10000xi32>
    %convert_element_type3A_194 = arith.extui %ge3A_193 : vector<10x10000xi1> to vector<10x10000xi32>
    %reduce_sum3A_195 = arith.constant dense<0> : vector<10xi32>
    %reduce_sum3A_196 = vector.multi_reduction <add>, %convert_element_type3A_194, %reduce_sum3A_195 [1] : vector<10x10000xi32> to vector<10xi32>
    %broadcast_in_dim3A_197 = vector.shape_cast %reduce_sum3A_196 : vector<10xi32> to vector<10x1xi32>
    %ge3A_198 = arith.constant 5000 : i32
    %ge3A_199 = vector.broadcast %ge3A_198 : i32 to vector<10x1xi32>
    %ge3A_200 = arith.cmpi sge, %broadcast_in_dim3A_197, %ge3A_199 : vector<10x1xi32>
    %select_n3A_201 = arith.select %ge3A_200, %or3A_188, %select_n3A_185 : vector<10x1xi1>, vector<10x1xi32>
    %or3A_202 = arith.constant 1048576 : i32
    %or3A_203 = vector.broadcast %or3A_202 : i32 to vector<10x1xi32>
    %or3A_204 = arith.ori %select_n3A_201, %or3A_203 : vector<10x1xi32>
    %xor3A_205 = arith.constant -2147483648 : i32
    %xor3A_206 = vector.broadcast %xor3A_205 : i32 to vector<10x1xi32>
    %xor3A_207 = arith.xori %or3A_204, %xor3A_206 : vector<10x1xi32>
    %ge3A_208 = vector.broadcast %xor3A_207 : vector<10x1xi32> to vector<10x10000xi32>
    %ge3A_209 = arith.cmpi sge, %xor3A, %ge3A_208 : vector<10x10000xi32>
    %convert_element_type3A_210 = arith.extui %ge3A_209 : vector<10x10000xi1> to vector<10x10000xi32>
    %reduce_sum3A_211 = arith.constant dense<0> : vector<10xi32>
    %reduce_sum3A_212 = vector.multi_reduction <add>, %convert_element_type3A_210, %reduce_sum3A_211 [1] : vector<10x10000xi32> to vector<10xi32>
    %broadcast_in_dim3A_213 = vector.shape_cast %reduce_sum3A_212 : vector<10xi32> to vector<10x1xi32>
    %ge3A_214 = arith.constant 5000 : i32
    %ge3A_215 = vector.broadcast %ge3A_214 : i32 to vector<10x1xi32>
    %ge3A_216 = arith.cmpi sge, %broadcast_in_dim3A_213, %ge3A_215 : vector<10x1xi32>
    %select_n3A_217 = arith.select %ge3A_216, %or3A_204, %select_n3A_201 : vector<10x1xi1>, vector<10x1xi32>
    %or3A_218 = arith.constant 524288 : i32
    %or3A_219 = vector.broadcast %or3A_218 : i32 to vector<10x1xi32>
    %or3A_220 = arith.ori %select_n3A_217, %or3A_219 : vector<10x1xi32>
    %xor3A_221 = arith.constant -2147483648 : i32
    %xor3A_222 = vector.broadcast %xor3A_221 : i32 to vector<10x1xi32>
    %xor3A_223 = arith.xori %or3A_220, %xor3A_222 : vector<10x1xi32>
    %ge3A_224 = vector.broadcast %xor3A_223 : vector<10x1xi32> to vector<10x10000xi32>
    %ge3A_225 = arith.cmpi sge, %xor3A, %ge3A_224 : vector<10x10000xi32>
    %convert_element_type3A_226 = arith.extui %ge3A_225 : vector<10x10000xi1> to vector<10x10000xi32>
    %reduce_sum3A_227 = arith.constant dense<0> : vector<10xi32>
    %reduce_sum3A_228 = vector.multi_reduction <add>, %convert_element_type3A_226, %reduce_sum3A_227 [1] : vector<10x10000xi32> to vector<10xi32>
    %broadcast_in_dim3A_229 = vector.shape_cast %reduce_sum3A_228 : vector<10xi32> to vector<10x1xi32>
    %ge3A_230 = arith.constant 5000 : i32
    %ge3A_231 = vector.broadcast %ge3A_230 : i32 to vector<10x1xi32>
    %ge3A_232 = arith.cmpi sge, %broadcast_in_dim3A_229, %ge3A_231 : vector<10x1xi32>
    %select_n3A_233 = arith.select %ge3A_232, %or3A_220, %select_n3A_217 : vector<10x1xi1>, vector<10x1xi32>
    %or3A_234 = arith.constant 262144 : i32
    %or3A_235 = vector.broadcast %or3A_234 : i32 to vector<10x1xi32>
    %or3A_236 = arith.ori %select_n3A_233, %or3A_235 : vector<10x1xi32>
    %xor3A_237 = arith.constant -2147483648 : i32
    %xor3A_238 = vector.broadcast %xor3A_237 : i32 to vector<10x1xi32>
    %xor3A_239 = arith.xori %or3A_236, %xor3A_238 : vector<10x1xi32>
    %ge3A_240 = vector.broadcast %xor3A_239 : vector<10x1xi32> to vector<10x10000xi32>
    %ge3A_241 = arith.cmpi sge, %xor3A, %ge3A_240 : vector<10x10000xi32>
    %convert_element_type3A_242 = arith.extui %ge3A_241 : vector<10x10000xi1> to vector<10x10000xi32>
    %reduce_sum3A_243 = arith.constant dense<0> : vector<10xi32>
    %reduce_sum3A_244 = vector.multi_reduction <add>, %convert_element_type3A_242, %reduce_sum3A_243 [1] : vector<10x10000xi32> to vector<10xi32>
    %broadcast_in_dim3A_245 = vector.shape_cast %reduce_sum3A_244 : vector<10xi32> to vector<10x1xi32>
    %ge3A_246 = arith.constant 5000 : i32
    %ge3A_247 = vector.broadcast %ge3A_246 : i32 to vector<10x1xi32>
    %ge3A_248 = arith.cmpi sge, %broadcast_in_dim3A_245, %ge3A_247 : vector<10x1xi32>
    %select_n3A_249 = arith.select %ge3A_248, %or3A_236, %select_n3A_233 : vector<10x1xi1>, vector<10x1xi32>
    %or3A_250 = arith.constant 131072 : i32
    %or3A_251 = vector.broadcast %or3A_250 : i32 to vector<10x1xi32>
    %or3A_252 = arith.ori %select_n3A_249, %or3A_251 : vector<10x1xi32>
    %xor3A_253 = arith.constant -2147483648 : i32
    %xor3A_254 = vector.broadcast %xor3A_253 : i32 to vector<10x1xi32>
    %xor3A_255 = arith.xori %or3A_252, %xor3A_254 : vector<10x1xi32>
    %ge3A_256 = vector.broadcast %xor3A_255 : vector<10x1xi32> to vector<10x10000xi32>
    %ge3A_257 = arith.cmpi sge, %xor3A, %ge3A_256 : vector<10x10000xi32>
    %convert_element_type3A_258 = arith.extui %ge3A_257 : vector<10x10000xi1> to vector<10x10000xi32>
    %reduce_sum3A_259 = arith.constant dense<0> : vector<10xi32>
    %reduce_sum3A_260 = vector.multi_reduction <add>, %convert_element_type3A_258, %reduce_sum3A_259 [1] : vector<10x10000xi32> to vector<10xi32>
    %broadcast_in_dim3A_261 = vector.shape_cast %reduce_sum3A_260 : vector<10xi32> to vector<10x1xi32>
    %ge3A_262 = arith.constant 5000 : i32
    %ge3A_263 = vector.broadcast %ge3A_262 : i32 to vector<10x1xi32>
    %ge3A_264 = arith.cmpi sge, %broadcast_in_dim3A_261, %ge3A_263 : vector<10x1xi32>
    %select_n3A_265 = arith.select %ge3A_264, %or3A_252, %select_n3A_249 : vector<10x1xi1>, vector<10x1xi32>
    %or3A_266 = arith.constant 65536 : i32
    %or3A_267 = vector.broadcast %or3A_266 : i32 to vector<10x1xi32>
    %or3A_268 = arith.ori %select_n3A_265, %or3A_267 : vector<10x1xi32>
    %xor3A_269 = arith.constant -2147483648 : i32
    %xor3A_270 = vector.broadcast %xor3A_269 : i32 to vector<10x1xi32>
    %xor3A_271 = arith.xori %or3A_268, %xor3A_270 : vector<10x1xi32>
    %ge3A_272 = vector.broadcast %xor3A_271 : vector<10x1xi32> to vector<10x10000xi32>
    %ge3A_273 = arith.cmpi sge, %xor3A, %ge3A_272 : vector<10x10000xi32>
    %convert_element_type3A_274 = arith.extui %ge3A_273 : vector<10x10000xi1> to vector<10x10000xi32>
    %reduce_sum3A_275 = arith.constant dense<0> : vector<10xi32>
    %reduce_sum3A_276 = vector.multi_reduction <add>, %convert_element_type3A_274, %reduce_sum3A_275 [1] : vector<10x10000xi32> to vector<10xi32>
    %broadcast_in_dim3A_277 = vector.shape_cast %reduce_sum3A_276 : vector<10xi32> to vector<10x1xi32>
    %ge3A_278 = arith.constant 5000 : i32
    %ge3A_279 = vector.broadcast %ge3A_278 : i32 to vector<10x1xi32>
    %ge3A_280 = arith.cmpi sge, %broadcast_in_dim3A_277, %ge3A_279 : vector<10x1xi32>
    %select_n3A_281 = arith.select %ge3A_280, %or3A_268, %select_n3A_265 : vector<10x1xi1>, vector<10x1xi32>
    %or3A_282 = arith.constant 32768 : i32
    %or3A_283 = vector.broadcast %or3A_282 : i32 to vector<10x1xi32>
    %or3A_284 = arith.ori %select_n3A_281, %or3A_283 : vector<10x1xi32>
    %xor3A_285 = arith.constant -2147483648 : i32
    %xor3A_286 = vector.broadcast %xor3A_285 : i32 to vector<10x1xi32>
    %xor3A_287 = arith.xori %or3A_284, %xor3A_286 : vector<10x1xi32>
    %ge3A_288 = vector.broadcast %xor3A_287 : vector<10x1xi32> to vector<10x10000xi32>
    %ge3A_289 = arith.cmpi sge, %xor3A, %ge3A_288 : vector<10x10000xi32>
    %convert_element_type3A_290 = arith.extui %ge3A_289 : vector<10x10000xi1> to vector<10x10000xi32>
    %reduce_sum3A_291 = arith.constant dense<0> : vector<10xi32>
    %reduce_sum3A_292 = vector.multi_reduction <add>, %convert_element_type3A_290, %reduce_sum3A_291 [1] : vector<10x10000xi32> to vector<10xi32>
    %broadcast_in_dim3A_293 = vector.shape_cast %reduce_sum3A_292 : vector<10xi32> to vector<10x1xi32>
    %ge3A_294 = arith.constant 5000 : i32
    %ge3A_295 = vector.broadcast %ge3A_294 : i32 to vector<10x1xi32>
    %ge3A_296 = arith.cmpi sge, %broadcast_in_dim3A_293, %ge3A_295 : vector<10x1xi32>
    %select_n3A_297 = arith.select %ge3A_296, %or3A_284, %select_n3A_281 : vector<10x1xi1>, vector<10x1xi32>
    %or3A_298 = arith.constant 16384 : i32
    %or3A_299 = vector.broadcast %or3A_298 : i32 to vector<10x1xi32>
    %or3A_300 = arith.ori %select_n3A_297, %or3A_299 : vector<10x1xi32>
    %xor3A_301 = arith.constant -2147483648 : i32
    %xor3A_302 = vector.broadcast %xor3A_301 : i32 to vector<10x1xi32>
    %xor3A_303 = arith.xori %or3A_300, %xor3A_302 : vector<10x1xi32>
    %ge3A_304 = vector.broadcast %xor3A_303 : vector<10x1xi32> to vector<10x10000xi32>
    %ge3A_305 = arith.cmpi sge, %xor3A, %ge3A_304 : vector<10x10000xi32>
    %convert_element_type3A_306 = arith.extui %ge3A_305 : vector<10x10000xi1> to vector<10x10000xi32>
    %reduce_sum3A_307 = arith.constant dense<0> : vector<10xi32>
    %reduce_sum3A_308 = vector.multi_reduction <add>, %convert_element_type3A_306, %reduce_sum3A_307 [1] : vector<10x10000xi32> to vector<10xi32>
    %broadcast_in_dim3A_309 = vector.shape_cast %reduce_sum3A_308 : vector<10xi32> to vector<10x1xi32>
    %ge3A_310 = arith.constant 5000 : i32
    %ge3A_311 = vector.broadcast %ge3A_310 : i32 to vector<10x1xi32>
    %ge3A_312 = arith.cmpi sge, %broadcast_in_dim3A_309, %ge3A_311 : vector<10x1xi32>
    %select_n3A_313 = arith.select %ge3A_312, %or3A_300, %select_n3A_297 : vector<10x1xi1>, vector<10x1xi32>
    %or3A_314 = arith.constant 8192 : i32
    %or3A_315 = vector.broadcast %or3A_314 : i32 to vector<10x1xi32>
    %or3A_316 = arith.ori %select_n3A_313, %or3A_315 : vector<10x1xi32>
    %xor3A_317 = arith.constant -2147483648 : i32
    %xor3A_318 = vector.broadcast %xor3A_317 : i32 to vector<10x1xi32>
    %xor3A_319 = arith.xori %or3A_316, %xor3A_318 : vector<10x1xi32>
    %ge3A_320 = vector.broadcast %xor3A_319 : vector<10x1xi32> to vector<10x10000xi32>
    %ge3A_321 = arith.cmpi sge, %xor3A, %ge3A_320 : vector<10x10000xi32>
    %convert_element_type3A_322 = arith.extui %ge3A_321 : vector<10x10000xi1> to vector<10x10000xi32>
    %reduce_sum3A_323 = arith.constant dense<0> : vector<10xi32>
    %reduce_sum3A_324 = vector.multi_reduction <add>, %convert_element_type3A_322, %reduce_sum3A_323 [1] : vector<10x10000xi32> to vector<10xi32>
    %broadcast_in_dim3A_325 = vector.shape_cast %reduce_sum3A_324 : vector<10xi32> to vector<10x1xi32>
    %ge3A_326 = arith.constant 5000 : i32
    %ge3A_327 = vector.broadcast %ge3A_326 : i32 to vector<10x1xi32>
    %ge3A_328 = arith.cmpi sge, %broadcast_in_dim3A_325, %ge3A_327 : vector<10x1xi32>
    %select_n3A_329 = arith.select %ge3A_328, %or3A_316, %select_n3A_313 : vector<10x1xi1>, vector<10x1xi32>
    %or3A_330 = arith.constant 4096 : i32
    %or3A_331 = vector.broadcast %or3A_330 : i32 to vector<10x1xi32>
    %or3A_332 = arith.ori %select_n3A_329, %or3A_331 : vector<10x1xi32>
    %xor3A_333 = arith.constant -2147483648 : i32
    %xor3A_334 = vector.broadcast %xor3A_333 : i32 to vector<10x1xi32>
    %xor3A_335 = arith.xori %or3A_332, %xor3A_334 : vector<10x1xi32>
    %ge3A_336 = vector.broadcast %xor3A_335 : vector<10x1xi32> to vector<10x10000xi32>
    %ge3A_337 = arith.cmpi sge, %xor3A, %ge3A_336 : vector<10x10000xi32>
    %convert_element_type3A_338 = arith.extui %ge3A_337 : vector<10x10000xi1> to vector<10x10000xi32>
    %reduce_sum3A_339 = arith.constant dense<0> : vector<10xi32>
    %reduce_sum3A_340 = vector.multi_reduction <add>, %convert_element_type3A_338, %reduce_sum3A_339 [1] : vector<10x10000xi32> to vector<10xi32>
    %broadcast_in_dim3A_341 = vector.shape_cast %reduce_sum3A_340 : vector<10xi32> to vector<10x1xi32>
    %ge3A_342 = arith.constant 5000 : i32
    %ge3A_343 = vector.broadcast %ge3A_342 : i32 to vector<10x1xi32>
    %ge3A_344 = arith.cmpi sge, %broadcast_in_dim3A_341, %ge3A_343 : vector<10x1xi32>
    %select_n3A_345 = arith.select %ge3A_344, %or3A_332, %select_n3A_329 : vector<10x1xi1>, vector<10x1xi32>
    %or3A_346 = arith.constant 2048 : i32
    %or3A_347 = vector.broadcast %or3A_346 : i32 to vector<10x1xi32>
    %or3A_348 = arith.ori %select_n3A_345, %or3A_347 : vector<10x1xi32>
    %xor3A_349 = arith.constant -2147483648 : i32
    %xor3A_350 = vector.broadcast %xor3A_349 : i32 to vector<10x1xi32>
    %xor3A_351 = arith.xori %or3A_348, %xor3A_350 : vector<10x1xi32>
    %ge3A_352 = vector.broadcast %xor3A_351 : vector<10x1xi32> to vector<10x10000xi32>
    %ge3A_353 = arith.cmpi sge, %xor3A, %ge3A_352 : vector<10x10000xi32>
    %convert_element_type3A_354 = arith.extui %ge3A_353 : vector<10x10000xi1> to vector<10x10000xi32>
    %reduce_sum3A_355 = arith.constant dense<0> : vector<10xi32>
    %reduce_sum3A_356 = vector.multi_reduction <add>, %convert_element_type3A_354, %reduce_sum3A_355 [1] : vector<10x10000xi32> to vector<10xi32>
    %broadcast_in_dim3A_357 = vector.shape_cast %reduce_sum3A_356 : vector<10xi32> to vector<10x1xi32>
    %ge3A_358 = arith.constant 5000 : i32
    %ge3A_359 = vector.broadcast %ge3A_358 : i32 to vector<10x1xi32>
    %ge3A_360 = arith.cmpi sge, %broadcast_in_dim3A_357, %ge3A_359 : vector<10x1xi32>
    %select_n3A_361 = arith.select %ge3A_360, %or3A_348, %select_n3A_345 : vector<10x1xi1>, vector<10x1xi32>
    %or3A_362 = arith.constant 1024 : i32
    %or3A_363 = vector.broadcast %or3A_362 : i32 to vector<10x1xi32>
    %or3A_364 = arith.ori %select_n3A_361, %or3A_363 : vector<10x1xi32>
    %xor3A_365 = arith.constant -2147483648 : i32
    %xor3A_366 = vector.broadcast %xor3A_365 : i32 to vector<10x1xi32>
    %xor3A_367 = arith.xori %or3A_364, %xor3A_366 : vector<10x1xi32>
    %ge3A_368 = vector.broadcast %xor3A_367 : vector<10x1xi32> to vector<10x10000xi32>
    %ge3A_369 = arith.cmpi sge, %xor3A, %ge3A_368 : vector<10x10000xi32>
    %convert_element_type3A_370 = arith.extui %ge3A_369 : vector<10x10000xi1> to vector<10x10000xi32>
    %reduce_sum3A_371 = arith.constant dense<0> : vector<10xi32>
    %reduce_sum3A_372 = vector.multi_reduction <add>, %convert_element_type3A_370, %reduce_sum3A_371 [1] : vector<10x10000xi32> to vector<10xi32>
    %broadcast_in_dim3A_373 = vector.shape_cast %reduce_sum3A_372 : vector<10xi32> to vector<10x1xi32>
    %ge3A_374 = arith.constant 5000 : i32
    %ge3A_375 = vector.broadcast %ge3A_374 : i32 to vector<10x1xi32>
    %ge3A_376 = arith.cmpi sge, %broadcast_in_dim3A_373, %ge3A_375 : vector<10x1xi32>
    %select_n3A_377 = arith.select %ge3A_376, %or3A_364, %select_n3A_361 : vector<10x1xi1>, vector<10x1xi32>
    %or3A_378 = arith.constant 512 : i32
    %or3A_379 = vector.broadcast %or3A_378 : i32 to vector<10x1xi32>
    %or3A_380 = arith.ori %select_n3A_377, %or3A_379 : vector<10x1xi32>
    %xor3A_381 = arith.constant -2147483648 : i32
    %xor3A_382 = vector.broadcast %xor3A_381 : i32 to vector<10x1xi32>
    %xor3A_383 = arith.xori %or3A_380, %xor3A_382 : vector<10x1xi32>
    %ge3A_384 = vector.broadcast %xor3A_383 : vector<10x1xi32> to vector<10x10000xi32>
    %ge3A_385 = arith.cmpi sge, %xor3A, %ge3A_384 : vector<10x10000xi32>
    %convert_element_type3A_386 = arith.extui %ge3A_385 : vector<10x10000xi1> to vector<10x10000xi32>
    %reduce_sum3A_387 = arith.constant dense<0> : vector<10xi32>
    %reduce_sum3A_388 = vector.multi_reduction <add>, %convert_element_type3A_386, %reduce_sum3A_387 [1] : vector<10x10000xi32> to vector<10xi32>
    %broadcast_in_dim3A_389 = vector.shape_cast %reduce_sum3A_388 : vector<10xi32> to vector<10x1xi32>
    %ge3A_390 = arith.constant 5000 : i32
    %ge3A_391 = vector.broadcast %ge3A_390 : i32 to vector<10x1xi32>
    %ge3A_392 = arith.cmpi sge, %broadcast_in_dim3A_389, %ge3A_391 : vector<10x1xi32>
    %select_n3A_393 = arith.select %ge3A_392, %or3A_380, %select_n3A_377 : vector<10x1xi1>, vector<10x1xi32>
    %or3A_394 = arith.constant 256 : i32
    %or3A_395 = vector.broadcast %or3A_394 : i32 to vector<10x1xi32>
    %or3A_396 = arith.ori %select_n3A_393, %or3A_395 : vector<10x1xi32>
    %xor3A_397 = arith.constant -2147483648 : i32
    %xor3A_398 = vector.broadcast %xor3A_397 : i32 to vector<10x1xi32>
    %xor3A_399 = arith.xori %or3A_396, %xor3A_398 : vector<10x1xi32>
    %ge3A_400 = vector.broadcast %xor3A_399 : vector<10x1xi32> to vector<10x10000xi32>
    %ge3A_401 = arith.cmpi sge, %xor3A, %ge3A_400 : vector<10x10000xi32>
    %convert_element_type3A_402 = arith.extui %ge3A_401 : vector<10x10000xi1> to vector<10x10000xi32>
    %reduce_sum3A_403 = arith.constant dense<0> : vector<10xi32>
    %reduce_sum3A_404 = vector.multi_reduction <add>, %convert_element_type3A_402, %reduce_sum3A_403 [1] : vector<10x10000xi32> to vector<10xi32>
    %broadcast_in_dim3A_405 = vector.shape_cast %reduce_sum3A_404 : vector<10xi32> to vector<10x1xi32>
    %ge3A_406 = arith.constant 5000 : i32
    %ge3A_407 = vector.broadcast %ge3A_406 : i32 to vector<10x1xi32>
    %ge3A_408 = arith.cmpi sge, %broadcast_in_dim3A_405, %ge3A_407 : vector<10x1xi32>
    %select_n3A_409 = arith.select %ge3A_408, %or3A_396, %select_n3A_393 : vector<10x1xi1>, vector<10x1xi32>
    %or3A_410 = arith.constant 128 : i32
    %or3A_411 = vector.broadcast %or3A_410 : i32 to vector<10x1xi32>
    %or3A_412 = arith.ori %select_n3A_409, %or3A_411 : vector<10x1xi32>
    %xor3A_413 = arith.constant -2147483648 : i32
    %xor3A_414 = vector.broadcast %xor3A_413 : i32 to vector<10x1xi32>
    %xor3A_415 = arith.xori %or3A_412, %xor3A_414 : vector<10x1xi32>
    %ge3A_416 = vector.broadcast %xor3A_415 : vector<10x1xi32> to vector<10x10000xi32>
    %ge3A_417 = arith.cmpi sge, %xor3A, %ge3A_416 : vector<10x10000xi32>
    %convert_element_type3A_418 = arith.extui %ge3A_417 : vector<10x10000xi1> to vector<10x10000xi32>
    %reduce_sum3A_419 = arith.constant dense<0> : vector<10xi32>
    %reduce_sum3A_420 = vector.multi_reduction <add>, %convert_element_type3A_418, %reduce_sum3A_419 [1] : vector<10x10000xi32> to vector<10xi32>
    %broadcast_in_dim3A_421 = vector.shape_cast %reduce_sum3A_420 : vector<10xi32> to vector<10x1xi32>
    %ge3A_422 = arith.constant 5000 : i32
    %ge3A_423 = vector.broadcast %ge3A_422 : i32 to vector<10x1xi32>
    %ge3A_424 = arith.cmpi sge, %broadcast_in_dim3A_421, %ge3A_423 : vector<10x1xi32>
    %select_n3A_425 = arith.select %ge3A_424, %or3A_412, %select_n3A_409 : vector<10x1xi1>, vector<10x1xi32>
    %or3A_426 = arith.constant 64 : i32
    %or3A_427 = vector.broadcast %or3A_426 : i32 to vector<10x1xi32>
    %or3A_428 = arith.ori %select_n3A_425, %or3A_427 : vector<10x1xi32>
    %xor3A_429 = arith.constant -2147483648 : i32
    %xor3A_430 = vector.broadcast %xor3A_429 : i32 to vector<10x1xi32>
    %xor3A_431 = arith.xori %or3A_428, %xor3A_430 : vector<10x1xi32>
    %ge3A_432 = vector.broadcast %xor3A_431 : vector<10x1xi32> to vector<10x10000xi32>
    %ge3A_433 = arith.cmpi sge, %xor3A, %ge3A_432 : vector<10x10000xi32>
    %convert_element_type3A_434 = arith.extui %ge3A_433 : vector<10x10000xi1> to vector<10x10000xi32>
    %reduce_sum3A_435 = arith.constant dense<0> : vector<10xi32>
    %reduce_sum3A_436 = vector.multi_reduction <add>, %convert_element_type3A_434, %reduce_sum3A_435 [1] : vector<10x10000xi32> to vector<10xi32>
    %broadcast_in_dim3A_437 = vector.shape_cast %reduce_sum3A_436 : vector<10xi32> to vector<10x1xi32>
    %ge3A_438 = arith.constant 5000 : i32
    %ge3A_439 = vector.broadcast %ge3A_438 : i32 to vector<10x1xi32>
    %ge3A_440 = arith.cmpi sge, %broadcast_in_dim3A_437, %ge3A_439 : vector<10x1xi32>
    %select_n3A_441 = arith.select %ge3A_440, %or3A_428, %select_n3A_425 : vector<10x1xi1>, vector<10x1xi32>
    %or3A_442 = arith.constant 32 : i32
    %or3A_443 = vector.broadcast %or3A_442 : i32 to vector<10x1xi32>
    %or3A_444 = arith.ori %select_n3A_441, %or3A_443 : vector<10x1xi32>
    %xor3A_445 = arith.constant -2147483648 : i32
    %xor3A_446 = vector.broadcast %xor3A_445 : i32 to vector<10x1xi32>
    %xor3A_447 = arith.xori %or3A_444, %xor3A_446 : vector<10x1xi32>
    %ge3A_448 = vector.broadcast %xor3A_447 : vector<10x1xi32> to vector<10x10000xi32>
    %ge3A_449 = arith.cmpi sge, %xor3A, %ge3A_448 : vector<10x10000xi32>
    %convert_element_type3A_450 = arith.extui %ge3A_449 : vector<10x10000xi1> to vector<10x10000xi32>
    %reduce_sum3A_451 = arith.constant dense<0> : vector<10xi32>
    %reduce_sum3A_452 = vector.multi_reduction <add>, %convert_element_type3A_450, %reduce_sum3A_451 [1] : vector<10x10000xi32> to vector<10xi32>
    %broadcast_in_dim3A_453 = vector.shape_cast %reduce_sum3A_452 : vector<10xi32> to vector<10x1xi32>
    %ge3A_454 = arith.constant 5000 : i32
    %ge3A_455 = vector.broadcast %ge3A_454 : i32 to vector<10x1xi32>
    %ge3A_456 = arith.cmpi sge, %broadcast_in_dim3A_453, %ge3A_455 : vector<10x1xi32>
    %select_n3A_457 = arith.select %ge3A_456, %or3A_444, %select_n3A_441 : vector<10x1xi1>, vector<10x1xi32>
    %or3A_458 = arith.constant 16 : i32
    %or3A_459 = vector.broadcast %or3A_458 : i32 to vector<10x1xi32>
    %or3A_460 = arith.ori %select_n3A_457, %or3A_459 : vector<10x1xi32>
    %xor3A_461 = arith.constant -2147483648 : i32
    %xor3A_462 = vector.broadcast %xor3A_461 : i32 to vector<10x1xi32>
    %xor3A_463 = arith.xori %or3A_460, %xor3A_462 : vector<10x1xi32>
    %ge3A_464 = vector.broadcast %xor3A_463 : vector<10x1xi32> to vector<10x10000xi32>
    %ge3A_465 = arith.cmpi sge, %xor3A, %ge3A_464 : vector<10x10000xi32>
    %convert_element_type3A_466 = arith.extui %ge3A_465 : vector<10x10000xi1> to vector<10x10000xi32>
    %reduce_sum3A_467 = arith.constant dense<0> : vector<10xi32>
    %reduce_sum3A_468 = vector.multi_reduction <add>, %convert_element_type3A_466, %reduce_sum3A_467 [1] : vector<10x10000xi32> to vector<10xi32>
    %broadcast_in_dim3A_469 = vector.shape_cast %reduce_sum3A_468 : vector<10xi32> to vector<10x1xi32>
    %ge3A_470 = arith.constant 5000 : i32
    %ge3A_471 = vector.broadcast %ge3A_470 : i32 to vector<10x1xi32>
    %ge3A_472 = arith.cmpi sge, %broadcast_in_dim3A_469, %ge3A_471 : vector<10x1xi32>
    %select_n3A_473 = arith.select %ge3A_472, %or3A_460, %select_n3A_457 : vector<10x1xi1>, vector<10x1xi32>
    %or3A_474 = arith.constant 8 : i32
    %or3A_475 = vector.broadcast %or3A_474 : i32 to vector<10x1xi32>
    %or3A_476 = arith.ori %select_n3A_473, %or3A_475 : vector<10x1xi32>
    %xor3A_477 = arith.constant -2147483648 : i32
    %xor3A_478 = vector.broadcast %xor3A_477 : i32 to vector<10x1xi32>
    %xor3A_479 = arith.xori %or3A_476, %xor3A_478 : vector<10x1xi32>
    %ge3A_480 = vector.broadcast %xor3A_479 : vector<10x1xi32> to vector<10x10000xi32>
    %ge3A_481 = arith.cmpi sge, %xor3A, %ge3A_480 : vector<10x10000xi32>
    %convert_element_type3A_482 = arith.extui %ge3A_481 : vector<10x10000xi1> to vector<10x10000xi32>
    %reduce_sum3A_483 = arith.constant dense<0> : vector<10xi32>
    %reduce_sum3A_484 = vector.multi_reduction <add>, %convert_element_type3A_482, %reduce_sum3A_483 [1] : vector<10x10000xi32> to vector<10xi32>
    %broadcast_in_dim3A_485 = vector.shape_cast %reduce_sum3A_484 : vector<10xi32> to vector<10x1xi32>
    %ge3A_486 = arith.constant 5000 : i32
    %ge3A_487 = vector.broadcast %ge3A_486 : i32 to vector<10x1xi32>
    %ge3A_488 = arith.cmpi sge, %broadcast_in_dim3A_485, %ge3A_487 : vector<10x1xi32>
    %select_n3A_489 = arith.select %ge3A_488, %or3A_476, %select_n3A_473 : vector<10x1xi1>, vector<10x1xi32>
    %or3A_490 = arith.constant 4 : i32
    %or3A_491 = vector.broadcast %or3A_490 : i32 to vector<10x1xi32>
    %or3A_492 = arith.ori %select_n3A_489, %or3A_491 : vector<10x1xi32>
    %xor3A_493 = arith.constant -2147483648 : i32
    %xor3A_494 = vector.broadcast %xor3A_493 : i32 to vector<10x1xi32>
    %xor3A_495 = arith.xori %or3A_492, %xor3A_494 : vector<10x1xi32>
    %ge3A_496 = vector.broadcast %xor3A_495 : vector<10x1xi32> to vector<10x10000xi32>
    %ge3A_497 = arith.cmpi sge, %xor3A, %ge3A_496 : vector<10x10000xi32>
    %convert_element_type3A_498 = arith.extui %ge3A_497 : vector<10x10000xi1> to vector<10x10000xi32>
    %reduce_sum3A_499 = arith.constant dense<0> : vector<10xi32>
    %reduce_sum3A_500 = vector.multi_reduction <add>, %convert_element_type3A_498, %reduce_sum3A_499 [1] : vector<10x10000xi32> to vector<10xi32>
    %broadcast_in_dim3A_501 = vector.shape_cast %reduce_sum3A_500 : vector<10xi32> to vector<10x1xi32>
    %ge3A_502 = arith.constant 5000 : i32
    %ge3A_503 = vector.broadcast %ge3A_502 : i32 to vector<10x1xi32>
    %ge3A_504 = arith.cmpi sge, %broadcast_in_dim3A_501, %ge3A_503 : vector<10x1xi32>
    %select_n3A_505 = arith.select %ge3A_504, %or3A_492, %select_n3A_489 : vector<10x1xi1>, vector<10x1xi32>
    %or3A_506 = arith.constant 2 : i32
    %or3A_507 = vector.broadcast %or3A_506 : i32 to vector<10x1xi32>
    %or3A_508 = arith.ori %select_n3A_505, %or3A_507 : vector<10x1xi32>
    %xor3A_509 = arith.constant -2147483648 : i32
    %xor3A_510 = vector.broadcast %xor3A_509 : i32 to vector<10x1xi32>
    %xor3A_511 = arith.xori %or3A_508, %xor3A_510 : vector<10x1xi32>
    %ge3A_512 = vector.broadcast %xor3A_511 : vector<10x1xi32> to vector<10x10000xi32>
    %ge3A_513 = arith.cmpi sge, %xor3A, %ge3A_512 : vector<10x10000xi32>
    %convert_element_type3A_514 = arith.extui %ge3A_513 : vector<10x10000xi1> to vector<10x10000xi32>
    %reduce_sum3A_515 = arith.constant dense<0> : vector<10xi32>
    %reduce_sum3A_516 = vector.multi_reduction <add>, %convert_element_type3A_514, %reduce_sum3A_515 [1] : vector<10x10000xi32> to vector<10xi32>
    %broadcast_in_dim3A_517 = vector.shape_cast %reduce_sum3A_516 : vector<10xi32> to vector<10x1xi32>
    %ge3A_518 = arith.constant 5000 : i32
    %ge3A_519 = vector.broadcast %ge3A_518 : i32 to vector<10x1xi32>
    %ge3A_520 = arith.cmpi sge, %broadcast_in_dim3A_517, %ge3A_519 : vector<10x1xi32>
    %select_n3A_521 = arith.select %ge3A_520, %or3A_508, %select_n3A_505 : vector<10x1xi1>, vector<10x1xi32>
    %or3A_522 = arith.constant 1 : i32
    %or3A_523 = vector.broadcast %or3A_522 : i32 to vector<10x1xi32>
    %or3A_524 = arith.ori %select_n3A_521, %or3A_523 : vector<10x1xi32>
    %xor3A_525 = arith.constant -2147483648 : i32
    %xor3A_526 = vector.broadcast %xor3A_525 : i32 to vector<10x1xi32>
    %xor3A_527 = arith.xori %or3A_524, %xor3A_526 : vector<10x1xi32>
    %ge3A_528 = vector.broadcast %xor3A_527 : vector<10x1xi32> to vector<10x10000xi32>
    %ge3A_529 = arith.cmpi sge, %xor3A, %ge3A_528 : vector<10x10000xi32>
    %convert_element_type3A_530 = arith.extui %ge3A_529 : vector<10x10000xi1> to vector<10x10000xi32>
    %reduce_sum3A_531 = arith.constant dense<0> : vector<10xi32>
    %reduce_sum3A_532 = vector.multi_reduction <add>, %convert_element_type3A_530, %reduce_sum3A_531 [1] : vector<10x10000xi32> to vector<10xi32>
    %broadcast_in_dim3A_533 = vector.shape_cast %reduce_sum3A_532 : vector<10xi32> to vector<10x1xi32>
    %ge3A_534 = arith.constant 5000 : i32
    %ge3A_535 = vector.broadcast %ge3A_534 : i32 to vector<10x1xi32>
    %ge3A_536 = arith.cmpi sge, %broadcast_in_dim3A_533, %ge3A_535 : vector<10x1xi32>
    %select_n3A_537 = arith.select %ge3A_536, %or3A_524, %select_n3A_521 : vector<10x1xi1>, vector<10x1xi32>
    %xor3A_538 = arith.constant -2147483648 : i32
    %xor3A_539 = vector.broadcast %xor3A_538 : i32 to vector<10x1xi32>
    %xor3A_540 = arith.xori %select_n3A_537, %xor3A_539 : vector<10x1xi32>
    %ge3A_541 = vector.broadcast %xor3A_540 : vector<10x1xi32> to vector<10x10000xi32>
    %ge3A_542 = arith.cmpi sge, %xor3A, %ge3A_541 : vector<10x10000xi32>
    %tanh3A = math.tanh %add3A_25 : vector<10x10000xf32>
    %jit3A = arith.constant 0.000000e+00 : f32
    %broadcast_in_dim3A_543 = vector.broadcast %jit3A : f32 to vector<10x10000xf32>
    %select_n3A_544 = arith.select %ge3A_542, %tanh3A, %broadcast_in_dim3A_543 : vector<10x10000xi1>, vector<10x10000xf32>
    %swap3A = arith.constant 0 : index
    %swap3A_545 = arith.constant 0 : index
    %swap3A_546 = vector.load %arg6[%swap3A, %swap3A_545] : memref<10x10000xf32, #tpu.memory_space<vmem>>, vector<10x10000xf32>
    tpu.vector_store %arg6[%swap3A, %swap3A_545], %select_n3A_544 {strides = array<i32>} : memref<10x10000xf32, #tpu.memory_space<vmem>>, vector<10x10000xf32>,
    %get3A_547 = arith.constant 0 : index
    %get3A_548 = arith.constant 0 : index
    %get3A_549 = vector.load %arg5[%get3A_547, %get3A_548] : memref<1x10000xf32, #tpu.memory_space<vmem>>, vector<1x10000xf32>
    %mul3A_550 = vector.broadcast %get3A_549 : vector<1x10000xf32> to vector<10x10000xf32>
    %mul3A_551 = arith.mulf %select_n3A_544, %mul3A_550 : vector<10x10000xf32>
    %reduce_sum3A_552 = arith.constant dense<0.000000e+00> : vector<10xf32>
    %reduce_sum3A_553 = vector.multi_reduction <add>, %mul3A_551, %reduce_sum3A_552 [1] : vector<10x10000xf32> to vector<10xf32>
    %broadcast_in_dim3A_554 = vector.shape_cast %reduce_sum3A_553 : vector<10xf32> to vector<10x1xf32>
    %swap3A_555 = arith.constant 0 : index
    %swap3A_556 = arith.constant 0 : index
    %swap3A_557 = vector.load %arg7[%swap3A_555, %swap3A_556] : memref<10x1xf32, #tpu.memory_space<vmem>>, vector<10x1xf32>
    tpu.vector_store %arg7[%swap3A_555, %swap3A_556], %broadcast_in_dim3A_554 {strides = array<i32>} : memref<10x1xf32, #tpu.memory_space<vmem>>, vector<10x1xf32>,
    return
  }
}

module attributes {stable_mosaic.version = 14 : i64} {
  func.func @_tc_pool(%arg0: i32, %arg1: memref<1x2500x128xf32, #tpu.memory_space<vmem>>, %arg2: memref<2500x128xf32, #tpu.memory_space<vmem>>, %arg3: memref<1x2500x4xf32, #tpu.memory_space<vmem>>, %arg4: memref<1x1x1xf32, #tpu.memory_space<vmem>>, %arg5: memref<4x128xf32, #tpu.memory_space<vmem>>, %arg6: memref<128x32xf32, #tpu.memory_space<vmem>>, %arg7: memref<32x32xf32, #tpu.memory_space<vmem>>, %arg8: memref<1x32xf32, #tpu.memory_space<vmem>>, %arg9: memref<1x1x32xf32, #tpu.memory_space<vmem>>) attributes {dimension_semantics = [#tpu.dimension_semantics<arbitrary>], iteration_bounds = array<i64: 10>, scalar_prefetch = 0 : i64, scratch_operands = 0 : i64, tpu.core_type = #tpu.core_type<tc>, window_params = [{transform_indices = @transform_0, window_bounds = array<i64: 1, 2500, 128>}, {pipeline_mode = #tpu.pipeline_mode<synchronous>, transform_indices = @transform_1, window_bounds = array<i64: 2500, 128>}, {transform_indices = @transform_2, window_bounds = array<i64: 1, 2500, 4>}, {transform_indices = @transform_3, window_bounds = array<i64: 1, 1, 1>}, {pipeline_mode = #tpu.pipeline_mode<synchronous>, transform_indices = @transform_4, window_bounds = array<i64: 4, 128>}, {pipeline_mode = #tpu.pipeline_mode<synchronous>, transform_indices = @transform_5, window_bounds = array<i64: 128, 32>}, {pipeline_mode = #tpu.pipeline_mode<synchronous>, transform_indices = @transform_6, window_bounds = array<i64: 32, 32>}, {pipeline_mode = #tpu.pipeline_mode<synchronous>, transform_indices = @transform_7, window_bounds = array<i64: 1, 32>}, {transform_indices = @transform_8, window_bounds = array<i64: 1, 1, 32>}]} {
    %get3A = arith.constant 0 : index
    %get3A_0 = arith.constant 0 : index
    %get3A_1 = arith.constant 0 : index
    %get3A_2 = vector.load %arg3[%get3A, %get3A_0, %get3A_1] : memref<1x2500x4xf32, #tpu.memory_space<vmem>>, vector<1x2500x4xf32>
    %get3A_3 = vector.shape_cast %get3A_2 : vector<1x2500x4xf32> to vector<2500x4xf32>
    %get3A_4 = arith.constant 0 : index
    %get3A_5 = arith.constant 0 : index
    %get3A_6 = vector.load %arg5[%get3A_4, %get3A_5] : memref<4x128xf32, #tpu.memory_space<vmem>>, vector<4x128xf32>
    %dot_general3A = arith.constant dense<0.000000e+00> : vector<2500x128xf32>
    %dot_general3A_7 = tpu.matmul %get3A_3, %get3A_6, %dot_general3A {dimension_numbers = #tpu.dot_dimension_numbers<[1], [0], [0], [1], [0, 0, 1, 1], [], []>, transpose_lhs_hint = false} : vector<2500x4xf32>, vector<4x128xf32>, vector<2500x128xf32> -> vector<2500x128xf32>
    %get3A_8 = arith.constant 0 : index
    %get3A_9 = arith.constant 0 : index
    %get3A_10 = arith.constant 0 : index
    %get3A_11 = vector.load %arg1[%get3A_8, %get3A_9, %get3A_10] : memref<1x2500x128xf32, #tpu.memory_space<vmem>>, vector<1x2500x128xf32>
    %get3A_12 = vector.shape_cast %get3A_11 : vector<1x2500x128xf32> to vector<2500x128xf32>
    %get3A_13 = arith.constant 0 : index
    %get3A_14 = arith.constant 0 : index
    %get3A_15 = vector.load %arg2[%get3A_13, %get3A_14] : memref<2500x128xf32, #tpu.memory_space<vmem>>, vector<2500x128xf32>
    %mul3A = arith.mulf %get3A_12, %get3A_15 : vector<2500x128xf32>
    %mul3A_16 = arith.mulf %mul3A, %dot_general3A_7 : vector<2500x128xf32>
    %reduce_sum3A = arith.constant dense<0.000000e+00> : vector<128xf32>
    %reduce_sum3A_17 = vector.multi_reduction <add>, %mul3A_16, %reduce_sum3A [0] : vector<2500x128xf32> to vector<128xf32>
    %broadcast_in_dim3A = vector.shape_cast %reduce_sum3A_17 : vector<128xf32> to vector<1x128xf32>
    %get3A_18 = arith.constant 0 : index
    %get3A_19 = arith.constant 0 : index
    %get3A_20 = vector.load %arg6[%get3A_18, %get3A_19] : memref<128x32xf32, #tpu.memory_space<vmem>>, vector<128x32xf32>
    %dot_general3A_21 = arith.constant dense<0.000000e+00> : vector<1x32xf32>
    %dot_general3A_22 = tpu.matmul %broadcast_in_dim3A, %get3A_20, %dot_general3A_21 {dimension_numbers = #tpu.dot_dimension_numbers<[1], [0], [0], [1], [0, 0, 1, 1], [], []>, transpose_lhs_hint = false} : vector<1x128xf32>, vector<128x32xf32>, vector<1x32xf32> -> vector<1x32xf32>
    %get3A_23 = arith.constant 0 : index
    %get3A_24 = arith.constant 0 : index
    %get3A_25 = arith.constant 0 : index
    %get3A_26 = vector.load %arg4[%get3A_23, %get3A_24, %get3A_25] : memref<1x1x1xf32, #tpu.memory_space<vmem>>, vector<1x1x1xf32>
    %get3A_27 = vector.shape_cast %get3A_26 : vector<1x1x1xf32> to vector<1xf32>
    %broadcast_in_dim3A_28 = vector.shape_cast %get3A_27 : vector<1xf32> to vector<1x1xf32>
    %add3A = vector.broadcast %broadcast_in_dim3A_28 : vector<1x1xf32> to vector<1x32xf32>
    %add3A_29 = arith.addf %dot_general3A_22, %add3A : vector<1x32xf32>
    %mul3A_30 = arith.constant 2.000000e-04 : f32
    %mul3A_31 = vector.broadcast %mul3A_30 : f32 to vector<1x32xf32>
    %mul3A_32 = arith.mulf %add3A_29, %mul3A_31 : vector<1x32xf32>
    %get3A_33 = arith.constant 0 : index
    %get3A_34 = arith.constant 0 : index
    %get3A_35 = vector.load %arg7[%get3A_33, %get3A_34] : memref<32x32xf32, #tpu.memory_space<vmem>>, vector<32x32xf32>
    %mul3A_36 = vector.broadcast %mul3A_32 : vector<1x32xf32> to vector<32x32xf32>
    %mul3A_37 = arith.mulf %get3A_35, %mul3A_36 : vector<32x32xf32>
    %reduce_sum3A_38 = arith.constant dense<0.000000e+00> : vector<32xf32>
    %reduce_sum3A_39 = vector.multi_reduction <add>, %mul3A_37, %reduce_sum3A_38 [1] : vector<32x32xf32> to vector<32xf32>
    %get3A_40 = arith.constant 0 : index
    %get3A_41 = arith.constant 0 : index
    %get3A_42 = vector.load %arg8[%get3A_40, %get3A_41] : memref<1x32xf32, #tpu.memory_space<vmem>>, vector<1x32xf32>
    %get3A_43 = vector.shape_cast %get3A_42 : vector<1x32xf32> to vector<32xf32>
    %add3A_44 = arith.addf %reduce_sum3A_39, %get3A_43 : vector<32xf32>
    %swap3A = arith.constant 0 : index
    %swap3A_45 = arith.constant 0 : index
    %swap3A_46 = arith.constant 0 : index
    %swap3A_47 = vector.load %arg9[%swap3A, %swap3A_45, %swap3A_46] : memref<1x1x32xf32, #tpu.memory_space<vmem>>, vector<1x1x32xf32>
    %swap3A_48 = vector.shape_cast %swap3A_47 : vector<1x1x32xf32> to vector<32xf32>
    %swap3A_49 = vector.shape_cast %add3A_44 : vector<32xf32> to vector<1x1x32xf32>
    tpu.vector_store %arg9[%swap3A, %swap3A_45, %swap3A_46], %swap3A_49 {strides = array<i32>} : memref<1x1x32xf32, #tpu.memory_space<vmem>>, vector<1x1x32xf32>,
    return
  }
  func.func @transform_0(%arg0: i32) -> (i32, i32, i32) {
    %c0_i32 = arith.constant 0 : i32
    %c0_i32_0 = arith.constant 0 : i32
    %c0_i32_1 = arith.constant 0 : i32
    return %arg0, %c0_i32, %c0_i32_0 : i32, i32, i32
  }
  func.func @transform_1(%arg0: i32) -> (i32, i32) {
    %c0_i32 = arith.constant 0 : i32
    %c0_i32_0 = arith.constant 0 : i32
    %c0_i32_1 = arith.constant 0 : i32
    return %c0_i32, %c0_i32_0 : i32, i32
  }
  func.func @transform_2(%arg0: i32) -> (i32, i32, i32) {
    %c0_i32 = arith.constant 0 : i32
    %c0_i32_0 = arith.constant 0 : i32
    %c0_i32_1 = arith.constant 0 : i32
    return %arg0, %c0_i32, %c0_i32_0 : i32, i32, i32
  }
  func.func @transform_3(%arg0: i32) -> (i32, i32, i32) {
    %c0_i32 = arith.constant 0 : i32
    %c0_i32_0 = arith.constant 0 : i32
    %c0_i32_1 = arith.constant 0 : i32
    return %arg0, %c0_i32, %c0_i32_0 : i32, i32, i32
  }
  func.func @transform_4(%arg0: i32) -> (i32, i32) {
    %c0_i32 = arith.constant 0 : i32
    %c0_i32_0 = arith.constant 0 : i32
    %c0_i32_1 = arith.constant 0 : i32
    return %c0_i32, %c0_i32_0 : i32, i32
  }
  func.func @transform_5(%arg0: i32) -> (i32, i32) {
    %c0_i32 = arith.constant 0 : i32
    %c0_i32_0 = arith.constant 0 : i32
    %c0_i32_1 = arith.constant 0 : i32
    return %c0_i32, %c0_i32_0 : i32, i32
  }
  func.func @transform_6(%arg0: i32) -> (i32, i32) {
    %c0_i32 = arith.constant 0 : i32
    %c0_i32_0 = arith.constant 0 : i32
    %c0_i32_1 = arith.constant 0 : i32
    return %c0_i32, %c0_i32_0 : i32, i32
  }
  func.func @transform_7(%arg0: i32) -> (i32, i32) {
    %c0_i32 = arith.constant 0 : i32
    %c0_i32_0 = arith.constant 0 : i32
    %c0_i32_1 = arith.constant 0 : i32
    return %c0_i32, %c0_i32_0 : i32, i32
  }
  func.func @transform_8(%arg0: i32) -> (i32, i32, i32) {
    %c0_i32 = arith.constant 0 : i32
    %c0_i32_0 = arith.constant 0 : i32
    %c0_i32_1 = arith.constant 0 : i32
    return %arg0, %c0_i32, %c0_i32_0 : i32, i32, i32
  }
}

</mosaic_0001>

<sc_bundles>
// kernel: kernel.11.cloned.1.call-start
scs
__scs_entry_jumppad:
0x0: {  	(pc) =	sbr.rel $0x88, $3  }
0x1: {  	(tag) =	ssettag $0x0;
	lr =	simm.s32 $0x1  }
0x2: {  	[smem:$0x3F99] =	sst lr;
	_ =	strace $0xD0000000  }
0x3: {  	_ = 	snop  }
0x4: {  	_ = 	snop  }
0x5: {  	_ = 	snop  }
0x6: {  	_ = 	snop  }
0x7: {  	_ = 	snop  }
__scs_overlays_trampoline_lowered:
0x8: {  	[smem:$0x3FA8] =	sst s0  }
0x9: {  	[smem:$0x3FA9] =	sst s1  }
0xa: {  	[smem:$0x3FAA] =	sst s2  }
0xb: {  	[smem:$0x3FAB] =	sst s3  }
0xc: {  	[smem:$0x3FAC] =	sst s4  }
0xd: {  	[smem:$0x3FAD] =	sst s5  }
0xe: {  	[smem:$0x3FAE] =	sst s6  }
0xf: {  	[smem:$0x3FAF] =	sst s7  }
0x10: {  	[smem:$0x3FB0] =	sst s8  }
0x11: {  	[smem:$0x3FB1] =	sst s9;
	s0 =	simm.s32 @!p0 $0x0  }
0x12: {  	s1 =	sld [smem:$0x3F97];
	s0 =	simm.s32 @p0 $0x1  }
0x13: {  	[smem:$0x3FB2] =	sst s0;
	s0 =	simm.s32 @!p1 $0x0  }
0x14: {  	s2 =	sld [smem:$0x3F96];
	s0 =	simm.s32 @p1 $0x1  }
0x15: {  	[smem:$0x3FB3] =	sst s0;
	s0 =	simm.s32 @!p2 $0x0  }
0x16: {  	s3 =	sld [smem:$0x3FDB];
	s0 =	simm.s32 @p2 $0x1  }
0x17: {  	s4 =	simm.s32 $0x1BF5;
	[smem:$0x3FB5] =	sst s0  }
0x18: {  	s0 =	sld [smem:$0x3F98];
	_ =	swait.ge [sflag:s4], $0x0  }
0x19: {  	s7 =	sld [smem:$0x3F99]  }
0x1a: {  	s8 =	sadd.s32 $0xFFFFE003, lr  }
0x1b: {  	s9 =	sadd.s32 $0xFFFFFEF7, lr;
	s5 =	simm.s32 $0xFFFFFFFF;
	p2 =	slt.u32 s8, $0xFFFFF086  }
0x1c: {  	p1 =	slt.u32 s9, $0xF7A;
	s5 =	simm.s32 @!p2 $0x0  }
0x1d: {  	s5 =	simm.s32 @p1 $0x1;
	p0 =	seq.s32 s7, s2  }
0x1e: {  	s7 =	smul.u32 @!p0 $0xF7A, s2;
	p2 =	seq.s32 @!p0 s5, $0x0  }
0x1f: {  	s9 =	smul.u32 $0xF7A, s1;
	s8 =	simm.s32 @!p0 $0x1BF5;
	p2 =	por !p2, p0  }
0x20: {  	[sflag:s8] =	ssyncset.s32 @!p0 $0xFFFFF086;
	s6 =	sadd.s32 @!p0 s3, s7;
	s7 =	simm.s32 @!p0 $0x108  }
0x21: {  	s3 =	sadd.s32 s3, s9;
	s6 =	sadd.s32 @!p0 $0x88, s6;
	s7 =	simm.s32 @p2 $0x1082  }
0x22: {  	[simem:s7], [sflag:s8] =	dma.local @!p0 [hbm:s6], $0xF7A  }
0x23: {  	s9 =	sor.u32 $0xD0000000, s2;
	s6 =	simm.s32 $0x108;
	_ =	swait.ge @!p0 [sflag:s8], $0x0  }
0x24: {  	s3 =	sadd.s32 $0x88, s3;
	s6 =	simm.s32 @!p1 $0x1082;
	[sflag:s4] =	ssyncset.s32 $0xFFFFF086  }
0x25: {  	[simem:s6], [sflag:s4] =	dma.local [hbm:s3], $0xF7A  }
0x26: {  	[smem:$0x3F99] =	sst s1;
	(tag) =	ssettag s2;
	_ =	strace s9  }
0x27: {  	s1 =	sld [smem:$0x3FA9]  }
0x28: {  	s2 =	sld [smem:$0x3FAA]  }
0x29: {  	s4 =	sld [smem:$0x3FAC]  }
0x2a: {  	p0 =	seq.s32 s5, $0x0;
	s5 =	sld [smem:$0x3FAD]  }
0x2b: {  	s6 =	sld [smem:$0x3FAE]  }
0x2c: {  	s7 =	sld [smem:$0x3FAF]  }
0x2d: {  	s3 =	simm.s32 $0x108;
	s8 =	sld [smem:$0x3FB0]  }
0x2e: {  	s3 =	simm.s32 @!p0 $0x1082;
	s9 =	sld [smem:$0x3FB1]  }
0x2f: {  	lr =	sadd.s32 s0, s3;
	s0 =	sld [smem:$0x3FA8]  }
0x30: {  	s3 =	sld [smem:$0x3FAB]  }
0x31: {  	[smem:$0x3FB4] =	sst s10  }
0x32: {  	s10 =	sld [smem:$0x3FB2];
	_ =	sdelay $0x3  }
0x33: {  	p0 =	seq.s32 s10, $0x1;
	s10 =	sld [smem:$0x3FB4];
	_ =	sdelay $0x3  }
0x34: {  	[smem:$0x3FB4] =	sst s10  }
0x35: {  	s10 =	sld [smem:$0x3FB3];
	_ =	sdelay $0x3  }
0x36: {  	p1 =	seq.s32 s10, $0x1;
	s10 =	sld [smem:$0x3FB4];
	_ =	sdelay $0x3  }
0x37: {  	[smem:$0x3FB4] =	sst s10  }
0x38: {  	s10 =	sld [smem:$0x3FB5]  }
0x39: {  	_ = 	snop;
	(pc) =	sbr.ind lr, $3  }
0x3a: {  	_ = 	snop  }
0x3b: {  	_ = 	snop  }
0x3c: {  	p2 =	seq.s32 s10, $0x1;
	s10 =	sld [smem:$0x3FB4]  }
0x3d: {  	_ =	shalt  }
0x3e: {  	_ =	shalt  }
0x3f: {  	_ =	shalt  }
0x40: {  	_ =	shalt  }
0x41: {  	_ =	shalt  }
0x42: {  	_ =	shalt  }
0x43: {  	_ =	shalt  }
0x44: {  	_ =	shalt  }
0x45: {  	_ =	shalt  }
0x46: {  	_ =	shalt  }
0x47: {  	_ =	shalt  }
0x48: {  	_ =	shalt  }
0x49: {  	_ =	shalt  }
0x4a: {  	_ =	shalt  }
0x4b: {  	_ =	shalt  }
0x4c: {  	_ =	shalt  }
0x4d: {  	_ =	shalt  }
0x4e: {  	_ =	shalt  }
0x4f: {  	_ =	shalt  }
0x50: {  	_ =	shalt  }
0x51: {  	_ =	shalt  }
0x52: {  	_ =	shalt  }
0x53: {  	_ =	shalt  }
0x54: {  	_ =	shalt  }
0x55: {  	_ =	shalt  }
0x56: {  	_ =	shalt  }
0x57: {  	_ =	shalt  }
0x58: {  	_ =	shalt  }
0x59: {  	_ =	shalt  }
0x5a: {  	_ =	shalt  }
0x5b: {  	_ =	shalt  }
0x5c: {  	_ =	shalt  }
0x5d: {  	_ =	shalt  }
0x5e: {  	_ =	shalt  }
0x5f: {  	_ =	shalt  }
0x60: {  	_ =	shalt  }
0x61: {  	_ =	shalt  }
0x62: {  	_ =	shalt  }
0x63: {  	_ =	shalt  }
0x64: {  	_ =	shalt  }
0x65: {  	_ =	shalt  }
0x66: {  	_ =	shalt  }
0x67: {  	_ =	shalt  }
0x68: {  	_ =	shalt  }
0x69: {  	_ =	shalt  }
0x6a: {  	_ =	shalt  }
0x6b: {  	_ =	shalt  }
0x6c: {  	_ =	shalt  }
0x6d: {  	_ =	shalt  }
0x6e: {  	_ =	shalt  }
0x6f: {  	_ =	shalt  }
0x70: {  	_ =	shalt  }
0x71: {  	_ =	shalt  }
0x72: {  	_ =	shalt  }
0x73: {  	_ =	shalt  }
0x74: {  	_ =	shalt  }
0x75: {  	_ =	shalt  }
0x76: {  	_ =	shalt  }
0x77: {  	_ =	shalt  }
0x78: {  	_ =	shalt  }
0x79: {  	_ =	shalt  }
0x7a: {  	_ =	shalt  }
0x7b: {  	_ =	shalt  }
0x7c: {  	_ =	shalt  }
0x7d: {  	_ =	shalt  }
0x7e: {  	_ =	shalt  }
0x7f: {  	_ =	shalt  }
0x80: {  	_ =	shalt  }
0x81: {  	_ =	shalt  }
0x82: {  	_ =	shalt  }
0x83: {  	_ =	shalt  }
0x84: {  	_ =	shalt  }
0x85: {  	_ =	shalt  }
0x86: {  	_ =	shalt  }
0x87: {  	_ =	shalt  }
.Lfunc_end0:
.L_simem_size_0:
called_computation.1_lowered:
.L_overlay_start_0:
0x88: {  	s2 =	sld [smem:$0x3FD9]  }
0x89: {  	s3 =	sld [smem:$0x3FFE];
	_ =	sdelay $0x1  }
0x8a: {  	s1 =	srdreg.scid  }
0x8b: {  	s0 =	sand.u32 $0x1, s1  }
0x8c: {  	s16 =	sshll.u32 s0, $0xA;
	s2 =	sadd.s32 s3, s2  }
0x8d: {  	s2 =	sadd.s32 s2, s16  }
0x8e: {  	[smem:$0x3FC0] =	sst s2  }
0x8f: {  	_ = 	snop  }
0x90: {  	(tm) =	ssettm $0x1  }
0x91: {  	s17 =	sld [smem:$0x3FFB];
	_ =	sdelay $0x3  }
0x92: {  	_ =	strace s17  }
0x93: {  	s2 =	sld [smem:$0x3FFC];
	_ =	sdelay $0x3  }
0x94: {  	_ =	strace s2  }
0x95: {  	s2 =	sld [smem:$0x3FFD];
	_ =	sdelay $0x3  }
0x96: {  	_ =	strace s2  }
0x97: {  	_ =	strace $0x8FFFFFFF  }
0x98: {  	s18 =	sld [smem:$0x3FDB];
	_ =	sdelay $0x1  }
0x99: {  	s19 =	simm.s32 $_scs_section_size  }
0x9a: {  	s4 =	simm.s32 $_size__tile_overlayer_lowered;
	s5 =	simm.s32 $_tile_overlayer_lowered  }
0x9b: {  	s22 =	simm.s32 $0x1BFF;
	s21 =	sshll.u32 s5, $0x1;
	s2 =	sadd.s32 s19, s18  }
0x9c: {  	s6 =	simm.s32 $0x0;
	s20 =	sshll.u32 s4, $0x1;
	s4 =	sadd.s32 s21, s2  }
0x9d: {  	[timem:s6], [sflag:s22] =	dma.local [hbm:s4], s20  }
0x9e: {  	_ =	swait.ge [sflag:s22], s20  }
0x9f: {  	s3 =	ssub.s32 $0x0, s20;
	[sflag:s22] =	ssyncset.done $0x0  }
0xa0: {  	[sflag:s22] =	ssyncadd.s32 s3;
	_ =	sdelay $0x1  }
0xa1: {  	s23 =	simm.s32 $0x1B8B  }
0xa2: {  	_ =	swait.ge [sflag:s23], $0x1  }
0xa3: {  	[sflag:s23] =	ssyncset.done $0x0  }
0xa4: {  	s25 =	simm.s32 $0x1B8E;
	s24 =	sld [smem:$0x3FFE];
	[sflag:s23] =	ssyncadd.s32 $0xFFFFFFFF  }
0xa5: {  	s26 =	simm.s32 $execute0_lowered;
	[smem:$0x3FD2] =	sst s25  }
0xa6: {  	s4 =	sshll.u32 s26, $0x1;
	_ =	strace $0x80000049;
	[dreg:$0x1] =	wrdreg $0xFFFFFFFF  }
0xa7: {  	s28 =	simm.s32 $_size_execute0_lowered;
	s2 =	sadd.s32 s2, s4;
	[dreg:$0x0] =	wrdreg $0x0  }
0xa8: {  	s4 =	sshll.u32 s28, $0x1;
	[dreg:$0x2] =	wrdreg s2  }
0xa9: {  	[dreg:$0x3] =	wrdreg s4  }
0xaa: {  	[dreg:$0x4] =	wrdreg $0xC0  }
0xab: {  	_ =	task [dreg:s6], $0x5FFFF  }
0xac: {  	[dreg:$0x1] =	wrdreg $0xFFFFFFFF  }
0xad: {  	[dreg:$0x0] =	wrdreg $0x60  }
0xae: {  	[dreg:$0x2] =	wrdreg s24  }
0xaf: {  	[dreg:$0x3] =	wrdreg $0x1DB800  }
0xb0: {  	[dreg:$0x4] =	wrdreg $0x9  }
0xb1: {  	_ =	task.clear_ibuf [dreg:s6], $0x5FFFF;
	_ =	strace $0x90000049  }
0xb2: {  	s29 =	simm.s32 $0x9;
	_ =	strace $0x8000004B  }
0xb3: {  	_ =	swait.ge [sflag:s29], $0x1  }
0xb4: {  	[sflag:s29] =	ssyncadd.s32 $0xFFFFFFFF  }
0xb5: {  	_ =	strace $0x9000004B  }
0xb6: {  	_ =	sfence  }
0xb7: {  	s30 =	sld [smem:$0x0];
	_ =	sdelay $0x2  }
0xb8: {  	s31 =	sshll.u32 s1, $0xD;
	s1 =	sshrl.u32 s1, $0x2  }
0xb9: {  	s3 =	sand.u32 $0x4000, s31;
	s1 =	sadd.s32 s1, s30  }
0xba: {  	s0 =	sor.u32 s3, s0;
	s1 =	sshll.u32 s1, $0x11  }
0xbb: {  	s0 =	sor.u32 s1, s0  }
0xbc: {  	s0 =	sadd.s32 $0x8F2B, s0  }
0xbd: {  	[sflag:s0] =	ssyncadd.remote.s32 $0x1  }
0xbe: {  	_ =	sfence.sel $0xFFFF  }
0xbf: {  	[dreg:$0x0] =	wrdreg $0xFFFFFFFF;
	(pc) =	sbr.abs _section_cstart, $3  }
0xc0: {  	[dreg:$0x1] =	wrdreg $0xFFFFFFFF  }
0xc1: {  	_ =	task.clear_ibuf [dreg:s6], $0x2FFFF;
	_ =	strace $0x9FFFFFFF  }
0xc2: {  	(tm) =	ssettm $0x7FFFFFFF  }
0xc3: {  	_ =	shalt  }
tec
execute0_lowered:
.L_overlay_start_1:
0x0: {  	(tag) =	ssettag $0x1  }
0x1: {  	s0 =	srdreg.scid;
	s9 =	stileid.u32  }
0x2: {  	s5 =	sand.u32 $0x1, s0;
	s24 =	sshll.u32 s9, $0x1  }
0x3: {  	s0 =	sor.u32 s5, s24  }
0x4: {  	s3 =	smul.u32 $0xC300, s0  }
0x5: {  	s4 =	rddreg [dreg:$0x0];
	s1 =	simm.s32 $0x0  }
0x6: {  	[smem:$0x7FF] =	sst s1;
	s6 =	ssub.s32 $0x2, s5;
	s3 =	sshrl.u32 s3, $0x3  }
0x7: {  	s2 =	sadd.s32 $0x1E00, s4;
	s7 =	sshrl.u32 s6, $0x1;
	s25 =	sadd.s32 $0xD0, s3  }
0x8: {  	s1 =	sadd.s32 $0x32C00, s4;
	s6 =	ssub.s32 s6, s7;
	s10 =	sadd.s32 s2, s25  }
0x9: {  	s8 =	sadd.s32 $0x1A0, s3;
	s7 =	sadd.s32 s1, s25;
	[dreg:$0x3] =	wrdreg s10  }
0xa: {  	s26 =	sadd.s32 s2, s8;
	[dreg:$0x4] =	wrdreg s7  }
0xb: {  	s30 =	sadd.s32 $0x270, s3;
	s29 =	sadd.s32 s1, s8;
	[dreg:$0x5] =	wrdreg s26  }
0xc: {  	s31 =	sadd.s32 $0x340, s3;
	s11 =	sadd.s32 s2, s30;
	[dreg:$0x6] =	wrdreg s29  }
0xd: {  	s12 =	sadd.s32 s2, s31;
	[dreg:$0x7] =	wrdreg s11  }
0xe: {  	s14 =	sadd.s32 $0x410, s3;
	s13 =	sadd.s32 s1, s31;
	[dreg:$0x9] =	wrdreg s12  }
0xf: {  	s15 =	sadd.s32 $0x4E0, s3;
	s16 =	sadd.s32 s2, s14;
	[dreg:$0xa] =	wrdreg s13  }
0x10: {  	s17 =	sadd.s32 s2, s15;
	[dreg:$0xb] =	wrdreg s16  }
0x11: {  	s19 =	sadd.s32 $0x5B0, s3;
	s18 =	sadd.s32 s1, s15;
	[dreg:$0xd] =	wrdreg s17  }
0x12: {  	s20 =	sadd.s32 $0x680, s3;
	s21 =	sadd.s32 s2, s19;
	[dreg:$0xe] =	wrdreg s18  }
0x13: {  	s28 =	simm.s32 $0x0;
	s22 =	sadd.s32 s2, s20;
	[dreg:$0xf] =	wrdreg s21  }
0x14: {  	s24 =	sadd.s32 $0x750, s3;
	s23 =	sadd.s32 s1, s20;
	[dreg:$0x11] =	wrdreg s22  }
0x15: {  	p0 =	seq.s32 s5, $0x1;
	s25 =	sadd.s32 s2, s24;
	[dreg:$0x12] =	wrdreg s23  }
0x16: {  	s0 =	sshll.u32 s0, $0x4;
	s7 =	sadd.s32 s1, s30;
	[dreg:$0x13] =	wrdreg s25  }
0x17: {  	s31 =	sadd.s32 $0x8F0, s3;
	s26 =	sadd.s32 s1, s24;
	[dreg:$0x8] =	wrdreg s7  }
0x18: {  	s20 =	sadd.s32 $0xDD0, s3;
	s8 =	sadd.s32 s2, s31;
	[dreg:$0x14] =	wrdreg s26  }
0x19: {  	s6 =	smax.u32 s6, $0x1;
	s21 =	sadd.s32 s2, s20;
	[dreg:$0x17] =	wrdreg s8  }
0x1a: {  	s29 =	sadd.s32 $0x820, s3;
	s7 =	sadd.s32 s1, s14;
	[smem:$0x7E1] =	sst s21  }
0x1b: {  	s10 =	sadd.s32 $0x9C0, s3;
	s30 =	sadd.s32 s2, s29;
	[dreg:$0xc] =	wrdreg s7  }
0x1c: {  	s12 =	sadd.s32 $0xA90, s3;
	s5 =	sadd.s32 s1, s29;
	[dreg:$0x15] =	wrdreg s30  }
0x1d: {  	s16 =	sadd.s32 $0xC30, s3;
	s11 =	sadd.s32 s2, s10;
	[dreg:$0x16] =	wrdreg s5  }
0x1e: {  	s18 =	sadd.s32 $0xD00, s3;
	s13 =	sadd.s32 s2, s12;
	[dreg:$0x19] =	wrdreg s11  }
0x1f: {  	s22 =	sadd.s32 $0xEA0, s3;
	s17 =	sadd.s32 s2, s16;
	[dreg:$0x1b] =	wrdreg s13  }
0x20: {  	s24 =	sadd.s32 $0xF70, s3;
	s23 =	sadd.s32 s2, s22;
	[dreg:$0x1f] =	wrdreg s17  }
0x21: {  	s14 =	sadd.s32 $0xB60, s3;
	s25 =	sadd.s32 s2, s24;
	[smem:$0x7E3] =	sst s23  }
0x22: {  	s26 =	sadd.s32 $0x1040, s3;
	s7 =	sadd.s32 s1, s19;
	[smem:$0x7E5] =	sst s25  }
0x23: {  	s8 =	sadd.s32 $0x11E0, s3;
	s5 =	sadd.s32 s1, s31;
	[dreg:$0x10] =	wrdreg s7  }
0x24: {  	s21 =	sadd.s32 $0x16C0, s3;
	s15 =	sadd.s32 s2, s14;
	[dreg:$0x18] =	wrdreg s5  }
0x25: {  	s19 =	sadd.s32 s2, s18;
	s29 =	sadd.s32 s2, s26;
	[dreg:$0x1d] =	wrdreg s15  }
0x26: {  	s30 =	sadd.s32 $0x1110, s3;
	s11 =	sadd.s32 $0x12B0, s3;
	[smem:$0x7DF] =	sst s19  }
0x27: {  	s13 =	sadd.s32 $0x1380, s3;
	s23 =	sadd.s32 s2, s3;
	[smem:$0x7E7] =	sst s29  }
0x28: {  	s17 =	sadd.s32 $0x1520, s3;
	s5 =	sadd.s32 s1, s10;
	[smem:$0x7F9] =	sst s23  }
0x29: {  	s31 =	sadd.s32 s2, s30;
	s10 =	sadd.s32 s2, s8;
	[dreg:$0x1a] =	wrdreg s5  }
0x2a: {  	s15 =	sadd.s32 $0x1450, s3;
	s19 =	sadd.s32 $0x15F0, s3;
	[smem:$0x7E9] =	sst s31  }
0x2b: {  	s29 =	smul.u32 $0x1870, s9;
	s5 =	sadd.s32 s1, s12;
	[smem:$0x7EB] =	sst s10  }
0x2c: {  	s7 =	simm.s32 $0x69E00;
	s12 =	sadd.s32 s2, s11;
	[dreg:$0x1c] =	wrdreg s5  }
0x2d: {  	s23 =	simm.s32 $0x6;
	s5 =	sadd.s32 s1, s14;
	[smem:$0x7ED] =	sst s12  }
0x2e: {  	s7 =	simm.s32 @!p0 $0x66C00;
	s14 =	sadd.s32 s2, s13;
	[dreg:$0x1e] =	wrdreg s5  }
0x2f: {  	p0 =	sgt.u32 s9, $0x9;
	s5 =	sadd.s32 s1, s16;
	[smem:$0x7EF] =	sst s14  }
0x30: {  	s9 =	simm.s32 $0x3C00;
	s16 =	sadd.s32 s2, s15;
	[smem:$0x7DE] =	sst s5  }
0x31: {  	s10 =	simm.s32 $0x1380;
	s5 =	sadd.s32 s1, s18;
	[smem:$0x7F1] =	sst s16  }
0x32: {  	s31 =	sshrl.u32 s29, $0x3;
	s18 =	sadd.s32 s2, s17;
	[smem:$0x7E0] =	sst s5  }
0x33: {  	s12 =	simm.s32 $0x1A00;
	s5 =	sadd.s32 s1, s20;
	[smem:$0x7F3] =	sst s18  }
0x34: {  	s14 =	simm.s32 $0x4;
	s20 =	sadd.s32 s2, s19;
	[smem:$0x7E2] =	sst s5  }
0x35: {  	s16 =	simm.s32 $0xD00;
	s5 =	sadd.s32 s1, s22;
	[smem:$0x7F5] =	sst s20  }
0x36: {  	s18 =	simm.s32 $0x2;
	s22 =	sadd.s32 s2, s21;
	[smem:$0x7E4] =	sst s5  }
0x37: {  	s20 =	simm.s32 $0x2D80;
	s5 =	sadd.s32 s1, s24;
	[smem:$0x7F7] =	sst s22  }
0x38: {  	s24 =	sadd.s32 s1, s3;
	s3 =	sadd.s32 $0x1790, s3;
	[smem:$0x7E6] =	sst s5  }
0x39: {  	s22 =	simm.s32 $0x3;
	s5 =	sadd.s32 s1, s26;
	[smem:$0x7FA] =	sst s24  }
0x3a: {  	s25 =	sadd.s32 s2, s3;
	s3 =	sadd.s32 s1, s3;
	[smem:$0x7E8] =	sst s5  }
0x3b: {  	s26 =	sor.u32 $0x30C00, s0;
	s24 =	simm.s32 $0x3400;
	[smem:$0x7FB] =	sst s25  }
0x3c: {  	s5 =	sadd.s32 s1, s30;
	[smem:$0x7FC] =	sst s3;
	s0 =	sadd.s32 s2, s26  }
0x3d: {  	s2 =	rddreg [dreg:$0x1];
	s30 =	sadd.s32 s7, s4;
	s4 =	sadd.s32 $0x63A00, s4  }
0x3e: {  	s7 =	simm.s32 $0x1C300;
	s25 =	simm.s32 $0x8;
	[smem:$0x7EA] =	sst s5  }
0x3f: {  	s5 =	sadd.s32 s1, s8;
	[smem:$0x7FD] =	sst s0;
	s3 =	sadd.s32 s30, s31  }
0x40: {  	s8 =	simm.s32 $0xA;
	[smem:$0x7EC] =	sst s5;
	s5 =	sadd.s32 s1, s11  }
0x41: {  	s11 =	simm.s32 $0x680;
	[smem:$0x7EE] =	sst s5;
	s5 =	sadd.s32 s1, s13  }
0x42: {  	s13 =	simm.s32 $0x1;
	[smem:$0x7F0] =	sst s5;
	s5 =	sadd.s32 s1, s15  }
0x43: {  	s15 =	simm.s32 $0x2700;
	[smem:$0x7F2] =	sst s5;
	s5 =	sadd.s32 s1, s17  }
0x44: {  	s17 =	simm.s32 $0x2080;
	[smem:$0x7F4] =	sst s5;
	s5 =	sadd.s32 s1, s19  }
0x45: {  	s19 =	simm.s32 $0x5;
	[smem:$0x7F6] =	sst s5;
	s5 =	sadd.s32 s1, s21  }
0x46: {  	s1 =	sadd.s32 s1, s26;
	s21 =	simm.s32 $0x7;
	[smem:$0x7F8] =	sst s5  }
0x47: {  	v0 =	vimm.f32 $0.0e+00;
	s26 =	simm.s32 $0x9;
	s5 =	sadd.s32 s29, s2;
	_ =	strace $0x8000004A  }
.LBB2_1:
0x48: {  	s29 =	simm.s32 $0x40;
	s30 =	simm.s32 $0x0  }
.LBB2_2:
0x49: {  	p1 =	sne.s32 s29, $0x6180;
	[tilespmem:s30+$0x1C300] =	vst v0;
	s30 =	smov.u32 s29;
	s29 =	sadd.s32 $0x40, s29  }
.Ltmp0:
0x4a: {  	(pc) =	sbr.rel @p1 .LBB2_2-.Ltmp0, $2  }
0x4b: {  	_ =	sdelay $0x2  }
0x4c: {  	s30 =	sshra.s32 s30, $0x2  }
0x4d: {  	[tilespmem:s30+$0x1C300] =	vst v0  }
0x4e: {  	[spmem:s5] =	stream.linear.scatter [tilespmem:s7], [sflag:$0xA], $0x1870, $0x38;
	[tilespmem:$0x1F3F0] =	vst v63  }
0x4f: {  	_ =	swait.ge [sflag:s8], $0x1870  }
0x50: {  	[sflag:s8] =	ssyncset.done $0x0  }
0x51: {  	s29 =	simm.s32 $0x0;
	[sflag:s8] =	ssyncadd.s32 $0xFFFFE790  }
0x52: {  	[tilespmem:s9], [sflag:$0xA] =	stream.linear.gather [hbm4b:s4+s29], $0x18700, $0x38;
	[tilespmem:$0x1F3F0] =	vst v63  }
0x53: {  	_ =	swait.ge [sflag:s8], $0x18700  }
0x54: {  	[sflag:s8] =	ssyncset.done $0x0  }
0x55: {  	[sflag:s8] =	ssyncadd.s32 $0xFFFE7900  }
0x56: {  	[bflag:$0x0] =	sbarrier.arrive $0xFFFF  }
0x57: {  	s0 =	sld [smem:$0x7F9];
	_ =	sdelay $0x2  }
0x58: {  	[tilespmem:s29], [sflag:$0x1] =	stream.linear.gather [hbm4b:s0+s29], $0x680, $0x38;
	[tilespmem:$0x1F3F0] =	vst v63  }
0x59: {  	s0 =	sld [smem:$0x7FA];
	_ =	sdelay $0x2  }
0x5a: {  	[tilespmem:s10], [sflag:$0x4] =	stream.linear.gather [hbm4b:s0+s29], $0x680, $0x38;
	[tilespmem:$0x1F3F0] =	vst v63  }
0x5b: {  	s0 =	rddreg [dreg:$0x3]  }
0x5c: {  	[tilespmem:s11], [sflag:$0x2] =	stream.linear.gather [hbm4b:s0+s29], $0x680, $0x38;
	[tilespmem:$0x1F3F0] =	vst v63  }
0x5d: {  	s0 =	rddreg [dreg:$0x4]  }
0x5e: {  	[tilespmem:s12], [sflag:$0x5] =	stream.linear.gather [hbm4b:s0+s29], $0x680, $0x38;
	[tilespmem:$0x1F3F0] =	vst v63  }
0x5f: {  	_ =	swait.ge [sflag:s13], $0x680  }
0x60: {  	[sflag:s13] =	ssyncset.done $0x0  }
0x61: {  	s29 =	simm.s32 $0x0;
	[sflag:s13] =	ssyncadd.s32 $0xFFFFF980  }
0x62: {  	v1 =	vld [tilespmem:s29+$0x0];
	_ =	sdelay $0x7  }
0x63: {  	s30 =	simm.s32 $0x10;
	s31 =	simm.s32 $0x80;
	v1 =	vld.idx.msk [tilespmem:v1+s9+$0x0], $0xffff  }
.LBB2_4:
0x64: {  	p1 =	sne.s32 s31, $0x19C0;
	v2 =	vld [tilespmem:s30+$0x0];
	_ =	sdelay $0x3  }
.Ltmp1:
0x65: {  	(pc) =	sbr.rel @p1 .LBB2_4-.Ltmp1, $2  }
0x66: {  	[tilespmem:s29+$0x2700] =	vst v1;
	s29 =	smov.u32 s30;
	_ =	sdelay $0x2  }
0x67: {  	s30 =	sshra.s32 s31, $0x2;
	s31 =	sadd.s32 $0x40, s31;
	v1 =	vld.idx.msk [tilespmem:v2+s9+$0x0], $0xffff  }
0x68: {  	v2 =	vld [tilespmem:s30+$0x0];
	_ =	sdelay $0x6  }
0x69: {  	[tilespmem:s29+$0x2700] =	vst v1  }
0x6a: {  	v1 =	vld.idx.msk [tilespmem:v2+s9+$0x0], $0xffff;
	_ =	sdelay $0x4  }
0x6b: {  	[tilespmem:s30+$0x2700] =	vst v1  }
0x6c: {  	_ =	swait.ge [sflag:s14], $0x680  }
0x6d: {  	[sflag:s14] =	ssyncset.done $0x0  }
0x6e: {  	[sflag:s14] =	ssyncadd.s32 $0xFFFFF980  }
0x6f: {  	[spmem:s2] =	stream.indirect.scatter.add.f32 [tilespmem:s15], [sflag:$0x7], $0x1, s10, s11, $0xb8;
	[tilespmem:$0x1F3F0] =	vst v63  }
0x70: {  	s29 =	simm.s32 $0x0;
	s0 =	rddreg [dreg:$0x5]  }
0x71: {  	[tilespmem:s16], [sflag:$0x3] =	stream.linear.gather [hbm4b:s0+s29], $0x680, $0x38;
	[tilespmem:$0x1F3F0] =	vst v63  }
0x72: {  	s0 =	rddreg [dreg:$0x6]  }
0x73: {  	[tilespmem:s17], [sflag:$0x6] =	stream.linear.gather [hbm4b:s0+s29], $0x680, $0x38;
	[tilespmem:$0x1F3F0] =	vst v63  }
0x74: {  	_ =	swait.ge [sflag:s18], $0x680  }
0x75: {  	[sflag:s18] =	ssyncset.done $0x0  }
0x76: {  	s29 =	simm.s32 $0x0;
	[sflag:s18] =	ssyncadd.s32 $0xFFFFF980  }
0x77: {  	v1 =	vld [tilespmem:s29+$0x680];
	_ =	sdelay $0x7  }
0x78: {  	s31 =	simm.s32 $0x80;
	s30 =	simm.s32 $0x10;
	v1 =	vld.idx.msk [tilespmem:v1+s9+$0x0], $0xffff  }
.LBB2_6:
0x79: {  	p1 =	sne.s32 s31, $0x19C0;
	v2 =	vld [tilespmem:s30+$0x680];
	_ =	sdelay $0x3  }
.Ltmp2:
0x7a: {  	(pc) =	sbr.rel @p1 .LBB2_6-.Ltmp2, $2  }
0x7b: {  	[tilespmem:s29+$0x2D80] =	vst v1;
	s29 =	smov.u32 s30;
	_ =	sdelay $0x2  }
0x7c: {  	s30 =	sshra.s32 s31, $0x2;
	s31 =	sadd.s32 $0x40, s31;
	v1 =	vld.idx.msk [tilespmem:v2+s9+$0x0], $0xffff  }
0x7d: {  	v2 =	vld [tilespmem:s30+$0x680];
	_ =	sdelay $0x6  }
0x7e: {  	[tilespmem:s29+$0x2D80] =	vst v1  }
0x7f: {  	v1 =	vld.idx.msk [tilespmem:v2+s9+$0x0], $0xffff;
	_ =	sdelay $0x4  }
0x80: {  	[tilespmem:s30+$0x2D80] =	vst v1  }
0x81: {  	_ =	swait.ge [sflag:s19], $0x680  }
0x82: {  	[sflag:s19] =	ssyncset.done $0x0  }
0x83: {  	[sflag:s19] =	ssyncadd.s32 $0xFFFFF980  }
0x84: {  	[spmem:s2] =	stream.indirect.scatter.add.f32 [tilespmem:s20], [sflag:$0x8], $0x1, s12, s11, $0xb8;
	[tilespmem:$0x1F3F0] =	vst v63  }
0x85: {  	_ =	swait.ge [sflag:s21], $0x680  }
0x86: {  	[sflag:s21] =	ssyncset.done $0x0  }
0x87: {  	s29 =	simm.s32 $0x0;
	s0 =	rddreg [dreg:$0x7];
	[sflag:s21] =	ssyncadd.s32 $0xFFFFF980  }
0x88: {  	[tilespmem:s29], [sflag:$0x1] =	stream.linear.gather [hbm4b:s0+s29], $0x680, $0x38;
	[tilespmem:$0x1F3F0] =	vst v63  }
0x89: {  	s0 =	rddreg [dreg:$0x8]  }
0x8a: {  	[tilespmem:s10], [sflag:$0x4] =	stream.linear.gather [hbm4b:s0+s29], $0x680, $0x38;
	[tilespmem:$0x1F3F0] =	vst v63  }
0x8b: {  	_ =	swait.ge [sflag:s22], $0x680  }
0x8c: {  	[sflag:s22] =	ssyncset.done $0x0  }
0x8d: {  	s29 =	simm.s32 $0x0;
	[sflag:s22] =	ssyncadd.s32 $0xFFFFF980  }
0x8e: {  	v1 =	vld [tilespmem:s29+$0xD00];
	_ =	sdelay $0x7  }
0x8f: {  	s31 =	simm.s32 $0x80;
	s30 =	simm.s32 $0x10;
	v1 =	vld.idx.msk [tilespmem:v1+s9+$0x0], $0xffff  }
.LBB2_8:
0x90: {  	p1 =	sne.s32 s31, $0x19C0;
	v2 =	vld [tilespmem:s30+$0xD00];
	_ =	sdelay $0x3  }
.Ltmp3:
0x91: {  	(pc) =	sbr.rel @p1 .LBB2_8-.Ltmp3, $2  }
0x92: {  	[tilespmem:s29+$0x3400] =	vst v1;
	s29 =	smov.u32 s30;
	_ =	sdelay $0x2  }
0x93: {  	s30 =	sshra.s32 s31, $0x2;
	s31 =	sadd.s32 $0x40, s31;
	v1 =	vld.idx.msk [tilespmem:v2+s9+$0x0], $0xffff  }
0x94: {  	v2 =	vld [tilespmem:s30+$0xD00];
	_ =	sdelay $0x6  }
0x95: {  	[tilespmem:s29+$0x3400] =	vst v1  }
0x96: {  	v1 =	vld.idx.msk [tilespmem:v2+s9+$0x0], $0xffff;
	_ =	sdelay $0x4  }
0x97: {  	[tilespmem:s30+$0x3400] =	vst v1  }
0x98: {  	_ =	swait.ge [sflag:s23], $0x680  }
0x99: {  	[sflag:s23] =	ssyncset.done $0x0  }
0x9a: {  	[sflag:s23] =	ssyncadd.s32 $0xFFFFF980  }
0x9b: {  	[spmem:s2] =	stream.indirect.scatter.add.f32 [tilespmem:s24], [sflag:$0x9], $0x1, s17, s11, $0xb8;
	[tilespmem:$0x1F3F0] =	vst v63  }
0x9c: {  	_ =	swait.ge [sflag:s25], $0x680  }
0x9d: {  	[sflag:s25] =	ssyncset.done $0x0  }
0x9e: {  	s29 =	simm.s32 $0x0;
	s0 =	rddreg [dreg:$0x9];
	[sflag:s25] =	ssyncadd.s32 $0xFFFFF980  }
0x9f: {  	[tilespmem:s11], [sflag:$0x2] =	stream.linear.gather [hbm4b:s0+s29], $0x680, $0x38;
	[tilespmem:$0x1F3F0] =	vst v63  }
0xa0: {  	s0 =	rddreg [dreg:$0xa]  }
0xa1: {  	[tilespmem:s12], [sflag:$0x5] =	stream.linear.gather [hbm4b:s0+s29], $0x680, $0x38;
	[tilespmem:$0x1F3F0] =	vst v63  }
0xa2: {  	_ =	swait.ge [sflag:s13], $0x680  }
0xa3: {  	[sflag:s13] =	ssyncset.done $0x0  }
0xa4: {  	s29 =	simm.s32 $0x0;
	[sflag:s13] =	ssyncadd.s32 $0xFFFFF980  }
0xa5: {  	v1 =	vld [tilespmem:s29+$0x0];
	_ =	sdelay $0x7  }
0xa6: {  	s31 =	simm.s32 $0x80;
	s30 =	simm.s32 $0x10;
	v1 =	vld.idx.msk [tilespmem:v1+s9+$0x0], $0xffff  }
.LBB2_10:
0xa7: {  	p1 =	sne.s32 s31, $0x19C0;
	v2 =	vld [tilespmem:s30+$0x0];
	_ =	sdelay $0x3  }
.Ltmp4:
0xa8: {  	(pc) =	sbr.rel @p1 .LBB2_10-.Ltmp4, $2  }
0xa9: {  	[tilespmem:s29+$0x2700] =	vst v1;
	s29 =	smov.u32 s30;
	_ =	sdelay $0x2  }
0xaa: {  	s30 =	sshra.s32 s31, $0x2;
	s31 =	sadd.s32 $0x40, s31;
	v1 =	vld.idx.msk [tilespmem:v2+s9+$0x0], $0xffff  }
0xab: {  	v2 =	vld [tilespmem:s30+$0x0];
	_ =	sdelay $0x6  }
0xac: {  	[tilespmem:s29+$0x2700] =	vst v1  }
0xad: {  	v1 =	vld.idx.msk [tilespmem:v2+s9+$0x0], $0xffff;
	_ =	sdelay $0x4  }
0xae: {  	[tilespmem:s30+$0x2700] =	vst v1  }
0xaf: {  	_ =	swait.ge [sflag:s14], $0x680  }
0xb0: {  	[sflag:s14] =	ssyncset.done $0x0  }
0xb1: {  	[sflag:s14] =	ssyncadd.s32 $0xFFFFF980  }
0xb2: {  	[spmem:s2] =	stream.indirect.scatter.add.f32 [tilespmem:s15], [sflag:$0x7], $0x1, s10, s11, $0xb8;
	[tilespmem:$0x1F3F0] =	vst v63  }
0xb3: {  	_ =	swait.ge [sflag:s26], $0x680  }
0xb4: {  	[sflag:s26] =	ssyncset.done $0x0  }
0xb5: {  	s29 =	simm.s32 $0x0;
	s0 =	rddreg [dreg:$0xb];
	[sflag:s26] =	ssyncadd.s32 $0xFFFFF980  }
0xb6: {  	[tilespmem:s16], [sflag:$0x3] =	stream.linear.gather [hbm4b:s0+s29], $0x680, $0x38;
	[tilespmem:$0x1F3F0] =	vst v63  }
0xb7: {  	s0 =	rddreg [dreg:$0xc]  }
0xb8: {  	[tilespmem:s17], [sflag:$0x6] =	stream.linear.gather [hbm4b:s0+s29], $0x680, $0x38;
	[tilespmem:$0x1F3F0] =	vst v63  }
0xb9: {  	_ =	swait.ge [sflag:s18], $0x680  }
0xba: {  	[sflag:s18] =	ssyncset.done $0x0  }
0xbb: {  	s29 =	simm.s32 $0x0;
	[sflag:s18] =	ssyncadd.s32 $0xFFFFF980  }
0xbc: {  	v1 =	vld [tilespmem:s29+$0x680];
	_ =	sdelay $0x7  }
0xbd: {  	s31 =	simm.s32 $0x80;
	s30 =	simm.s32 $0x10;
	v1 =	vld.idx.msk [tilespmem:v1+s9+$0x0], $0xffff  }
.LBB2_12:
0xbe: {  	p1 =	sne.s32 s31, $0x19C0;
	v2 =	vld [tilespmem:s30+$0x680];
	_ =	sdelay $0x3  }
.Ltmp5:
0xbf: {  	(pc) =	sbr.rel @p1 .LBB2_12-.Ltmp5, $2  }
0xc0: {  	[tilespmem:s29+$0x2D80] =	vst v1;
	s29 =	smov.u32 s30;
	_ =	sdelay $0x2  }
0xc1: {  	s30 =	sshra.s32 s31, $0x2;
	s31 =	sadd.s32 $0x40, s31;
	v1 =	vld.idx.msk [tilespmem:v2+s9+$0x0], $0xffff  }
0xc2: {  	v2 =	vld [tilespmem:s30+$0x680];
	_ =	sdelay $0x6  }
0xc3: {  	[tilespmem:s29+$0x2D80] =	vst v1  }
0xc4: {  	v1 =	vld.idx.msk [tilespmem:v2+s9+$0x0], $0xffff;
	_ =	sdelay $0x4  }
0xc5: {  	[tilespmem:s30+$0x2D80] =	vst v1  }
0xc6: {  	_ =	swait.ge [sflag:s19], $0x680  }
0xc7: {  	[sflag:s19] =	ssyncset.done $0x0  }
0xc8: {  	[sflag:s19] =	ssyncadd.s32 $0xFFFFF980  }
0xc9: {  	[spmem:s2] =	stream.indirect.scatter.add.f32 [tilespmem:s20], [sflag:$0x8], $0x1, s12, s11, $0xb8;
	[tilespmem:$0x1F3F0] =	vst v63  }
0xca: {  	_ =	swait.ge [sflag:s21], $0x680  }
0xcb: {  	[sflag:s21] =	ssyncset.done $0x0  }
0xcc: {  	s29 =	simm.s32 $0x0;
	s0 =	rddreg [dreg:$0xd];
	[sflag:s21] =	ssyncadd.s32 $0xFFFFF980  }
0xcd: {  	[tilespmem:s29], [sflag:$0x1] =	stream.linear.gather [hbm4b:s0+s29], $0x680, $0x38;
	[tilespmem:$0x1F3F0] =	vst v63  }
0xce: {  	s0 =	rddreg [dreg:$0xe]  }
0xcf: {  	[tilespmem:s10], [sflag:$0x4] =	stream.linear.gather [hbm4b:s0+s29], $0x680, $0x38;
	[tilespmem:$0x1F3F0] =	vst v63  }
0xd0: {  	_ =	swait.ge [sflag:s22], $0x680  }
0xd1: {  	[sflag:s22] =	ssyncset.done $0x0  }
0xd2: {  	s29 =	simm.s32 $0x0;
	[sflag:s22] =	ssyncadd.s32 $0xFFFFF980  }
0xd3: {  	v1 =	vld [tilespmem:s29+$0xD00];
	_ =	sdelay $0x7  }
0xd4: {  	s31 =	simm.s32 $0x80;
	s30 =	simm.s32 $0x10;
	v1 =	vld.idx.msk [tilespmem:v1+s9+$0x0], $0xffff  }
.LBB2_14:
0xd5: {  	p1 =	sne.s32 s31, $0x19C0;
	v2 =	vld [tilespmem:s30+$0xD00];
	_ =	sdelay $0x3  }
.Ltmp6:
0xd6: {  	(pc) =	sbr.rel @p1 .LBB2_14-.Ltmp6, $2  }
0xd7: {  	[tilespmem:s29+$0x3400] =	vst v1;
	s29 =	smov.u32 s30;
	_ =	sdelay $0x2  }
0xd8: {  	s30 =	sshra.s32 s31, $0x2;
	s31 =	sadd.s32 $0x40, s31;
	v1 =	vld.idx.msk [tilespmem:v2+s9+$0x0], $0xffff  }
0xd9: {  	v2 =	vld [tilespmem:s30+$0xD00];
	_ =	sdelay $0x6  }
0xda: {  	[tilespmem:s29+$0x3400] =	vst v1  }
0xdb: {  	v1 =	vld.idx.msk [tilespmem:v2+s9+$0x0], $0xffff;
	_ =	sdelay $0x4  }
0xdc: {  	[tilespmem:s30+$0x3400] =	vst v1  }
0xdd: {  	_ =	swait.ge [sflag:s23], $0x680  }
0xde: {  	[sflag:s23] =	ssyncset.done $0x0  }
0xdf: {  	[sflag:s23] =	ssyncadd.s32 $0xFFFFF980  }
0xe0: {  	[spmem:s2] =	stream.indirect.scatter.add.f32 [tilespmem:s24], [sflag:$0x9], $0x1, s17, s11, $0xb8;
	[tilespmem:$0x1F3F0] =	vst v63  }
0xe1: {  	_ =	swait.ge [sflag:s25], $0x680  }
0xe2: {  	[sflag:s25] =	ssyncset.done $0x0  }
0xe3: {  	s29 =	simm.s32 $0x0;
	s0 =	rddreg [dreg:$0xf];
	[sflag:s25] =	ssyncadd.s32 $0xFFFFF980  }
0xe4: {  	[tilespmem:s11], [sflag:$0x2] =	stream.linear.gather [hbm4b:s0+s29], $0x680, $0x38;
	[tilespmem:$0x1F3F0] =	vst v63  }
0xe5: {  	s0 =	rddreg [dreg:$0x10]  }
0xe6: {  	[tilespmem:s12], [sflag:$0x5] =	stream.linear.gather [hbm4b:s0+s29], $0x680, $0x38;
	[tilespmem:$0x1F3F0] =	vst v63  }
0xe7: {  	_ =	swait.ge [sflag:s13], $0x680  }
0xe8: {  	[sflag:s13] =	ssyncset.done $0x0  }
0xe9: {  	s29 =	simm.s32 $0x0;
	[sflag:s13] =	ssyncadd.s32 $0xFFFFF980  }
0xea: {  	v1 =	vld [tilespmem:s29+$0x0];
	_ =	sdelay $0x7  }
0xeb: {  	s31 =	simm.s32 $0x80;
	s30 =	simm.s32 $0x10;
	v1 =	vld.idx.msk [tilespmem:v1+s9+$0x0], $0xffff  }
.LBB2_16:
0xec: {  	p1 =	sne.s32 s31, $0x19C0;
	v2 =	vld [tilespmem:s30+$0x0];
	_ =	sdelay $0x3  }
.Ltmp7:
0xed: {  	(pc) =	sbr.rel @p1 .LBB2_16-.Ltmp7, $2  }
0xee: {  	[tilespmem:s29+$0x2700] =	vst v1;
	s29 =	smov.u32 s30;
	_ =	sdelay $0x2  }
0xef: {  	s30 =	sshra.s32 s31, $0x2;
	s31 =	sadd.s32 $0x40, s31;
	v1 =	vld.idx.msk [tilespmem:v2+s9+$0x0], $0xffff  }
0xf0: {  	v2 =	vld [tilespmem:s30+$0x0];
	_ =	sdelay $0x6  }
0xf1: {  	[tilespmem:s29+$0x2700] =	vst v1  }
0xf2: {  	v1 =	vld.idx.msk [tilespmem:v2+s9+$0x0], $0xffff;
	_ =	sdelay $0x4  }
0xf3: {  	[tilespmem:s30+$0x2700] =	vst v1  }
0xf4: {  	_ =	swait.ge [sflag:s14], $0x680  }
0xf5: {  	[sflag:s14] =	ssyncset.done $0x0  }
0xf6: {  	[sflag:s14] =	ssyncadd.s32 $0xFFFFF980  }
0xf7: {  	[spmem:s2] =	stream.indirect.scatter.add.f32 [tilespmem:s15], [sflag:$0x7], $0x1, s10, s11, $0xb8;
	[tilespmem:$0x1F3F0] =	vst v63  }
0xf8: {  	_ =	swait.ge [sflag:s26], $0x680  }
0xf9: {  	[sflag:s26] =	ssyncset.done $0x0  }
0xfa: {  	s29 =	simm.s32 $0x0;
	s0 =	rddreg [dreg:$0x11];
	[sflag:s26] =	ssyncadd.s32 $0xFFFFF980  }
0xfb: {  	[tilespmem:s16], [sflag:$0x3] =	stream.linear.gather [hbm4b:s0+s29], $0x680, $0x38;
	[tilespmem:$0x1F3F0] =	vst v63  }
0xfc: {  	s0 =	rddreg [dreg:$0x12]  }
0xfd: {  	[tilespmem:s17], [sflag:$0x6] =	stream.linear.gather [hbm4b:s0+s29], $0x680, $0x38;
	[tilespmem:$0x1F3F0] =	vst v63  }
0xfe: {  	_ =	swait.ge [sflag:s18], $0x680  }
0xff: {  	[sflag:s18] =	ssyncset.done $0x0  }
0x100: {  	s29 =	simm.s32 $0x0;
	[sflag:s18] =	ssyncadd.s32 $0xFFFFF980  }
0x101: {  	v1 =	vld [tilespmem:s29+$0x680];
	_ =	sdelay $0x7  }
0x102: {  	s31 =	simm.s32 $0x80;
	s30 =	simm.s32 $0x10;
	v1 =	vld.idx.msk [tilespmem:v1+s9+$0x0], $0xffff  }
.LBB2_18:
0x103: {  	p1 =	sne.s32 s31, $0x19C0;
	v2 =	vld [tilespmem:s30+$0x680];
	_ =	sdelay $0x3  }
.Ltmp8:
0x104: {  	(pc) =	sbr.rel @p1 .LBB2_18-.Ltmp8, $2  }
0x105: {  	[tilespmem:s29+$0x2D80] =	vst v1;
	s29 =	smov.u32 s30;
	_ =	sdelay $0x2  }
0x106: {  	s30 =	sshra.s32 s31, $0x2;
	s31 =	sadd.s32 $0x40, s31;
	v1 =	vld.idx.msk [tilespmem:v2+s9+$0x0], $0xffff  }
0x107: {  	v2 =	vld [tilespmem:s30+$0x680];
	_ =	sdelay $0x6  }
0x108: {  	[tilespmem:s29+$0x2D80] =	vst v1  }
0x109: {  	v1 =	vld.idx.msk [tilespmem:v2+s9+$0x0], $0xffff;
	_ =	sdelay $0x4  }
0x10a: {  	[tilespmem:s30+$0x2D80] =	vst v1  }
0x10b: {  	_ =	swait.ge [sflag:s19], $0x680  }
0x10c: {  	[sflag:s19] =	ssyncset.done $0x0  }
0x10d: {  	[sflag:s19] =	ssyncadd.s32 $0xFFFFF980  }
0x10e: {  	[spmem:s2] =	stream.indirect.scatter.add.f32 [tilespmem:s20], [sflag:$0x8], $0x1, s12, s11, $0xb8;
	[tilespmem:$0x1F3F0] =	vst v63  }
0x10f: {  	_ =	swait.ge [sflag:s21], $0x680  }
0x110: {  	[sflag:s21] =	ssyncset.done $0x0  }
0x111: {  	s29 =	simm.s32 $0x0;
	s0 =	rddreg [dreg:$0x13];
	[sflag:s21] =	ssyncadd.s32 $0xFFFFF980  }
0x112: {  	[tilespmem:s29], [sflag:$0x1] =	stream.linear.gather [hbm4b:s0+s29], $0x680, $0x38;
	[tilespmem:$0x1F3F0] =	vst v63  }
0x113: {  	s0 =	rddreg [dreg:$0x14]  }
0x114: {  	[tilespmem:s10], [sflag:$0x4] =	stream.linear.gather [hbm4b:s0+s29], $0x680, $0x38;
	[tilespmem:$0x1F3F0] =	vst v63  }
0x115: {  	_ =	swait.ge [sflag:s22], $0x680  }
0x116: {  	[sflag:s22] =	ssyncset.done $0x0  }
0x117: {  	s29 =	simm.s32 $0x0;
	[sflag:s22] =	ssyncadd.s32 $0xFFFFF980  }
0x118: {  	v1 =	vld [tilespmem:s29+$0xD00];
	_ =	sdelay $0x7  }
0x119: {  	s31 =	simm.s32 $0x80;
	s30 =	simm.s32 $0x10;
	v1 =	vld.idx.msk [tilespmem:v1+s9+$0x0], $0xffff  }
.LBB2_20:
0x11a: {  	p1 =	sne.s32 s31, $0x19C0;
	v2 =	vld [tilespmem:s30+$0xD00];
	_ =	sdelay $0x3  }
.Ltmp9:
0x11b: {  	(pc) =	sbr.rel @p1 .LBB2_20-.Ltmp9, $2  }
0x11c: {  	[tilespmem:s29+$0x3400] =	vst v1;
	s29 =	smov.u32 s30;
	_ =	sdelay $0x2  }
0x11d: {  	s30 =	sshra.s32 s31, $0x2;
	s31 =	sadd.s32 $0x40, s31;
	v1 =	vld.idx.msk [tilespmem:v2+s9+$0x0], $0xffff  }
0x11e: {  	v2 =	vld [tilespmem:s30+$0xD00];
	_ =	sdelay $0x6  }
0x11f: {  	[tilespmem:s29+$0x3400] =	vst v1  }
0x120: {  	v1 =	vld.idx.msk [tilespmem:v2+s9+$0x0], $0xffff;
	_ =	sdelay $0x4  }
0x121: {  	[tilespmem:s30+$0x3400] =	vst v1  }
0x122: {  	_ =	swait.ge [sflag:s23], $0x680  }
0x123: {  	[sflag:s23] =	ssyncset.done $0x0  }
0x124: {  	[sflag:s23] =	ssyncadd.s32 $0xFFFFF980  }
0x125: {  	[spmem:s2] =	stream.indirect.scatter.add.f32 [tilespmem:s24], [sflag:$0x9], $0x1, s17, s11, $0xb8;
	[tilespmem:$0x1F3F0] =	vst v63  }
0x126: {  	_ =	swait.ge [sflag:s25], $0x680  }
0x127: {  	[sflag:s25] =	ssyncset.done $0x0  }
0x128: {  	s29 =	simm.s32 $0x0;
	s0 =	rddreg [dreg:$0x15];
	[sflag:s25] =	ssyncadd.s32 $0xFFFFF980  }
0x129: {  	[tilespmem:s11], [sflag:$0x2] =	stream.linear.gather [hbm4b:s0+s29], $0x680, $0x38;
	[tilespmem:$0x1F3F0] =	vst v63  }
0x12a: {  	s0 =	rddreg [dreg:$0x16]  }
0x12b: {  	[tilespmem:s12], [sflag:$0x5] =	stream.linear.gather [hbm4b:s0+s29], $0x680, $0x38;
	[tilespmem:$0x1F3F0] =	vst v63  }
0x12c: {  	_ =	swait.ge [sflag:s13], $0x680  }
0x12d: {  	[sflag:s13] =	ssyncset.done $0x0  }
0x12e: {  	s29 =	simm.s32 $0x0;
	[sflag:s13] =	ssyncadd.s32 $0xFFFFF980  }
0x12f: {  	v1 =	vld [tilespmem:s29+$0x0];
	_ =	sdelay $0x7  }
0x130: {  	s31 =	simm.s32 $0x80;
	s30 =	simm.s32 $0x10;
	v1 =	vld.idx.msk [tilespmem:v1+s9+$0x0], $0xffff  }
.LBB2_22:
0x131: {  	p1 =	sne.s32 s31, $0x19C0;
	v2 =	vld [tilespmem:s30+$0x0];
	_ =	sdelay $0x3  }
.Ltmp10:
0x132: {  	(pc) =	sbr.rel @p1 .LBB2_22-.Ltmp10, $2  }
0x133: {  	[tilespmem:s29+$0x2700] =	vst v1;
	s29 =	smov.u32 s30;
	_ =	sdelay $0x2  }
0x134: {  	s30 =	sshra.s32 s31, $0x2;
	s31 =	sadd.s32 $0x40, s31;
	v1 =	vld.idx.msk [tilespmem:v2+s9+$0x0], $0xffff  }
0x135: {  	v2 =	vld [tilespmem:s30+$0x0];
	_ =	sdelay $0x6  }
0x136: {  	[tilespmem:s29+$0x2700] =	vst v1  }
0x137: {  	v1 =	vld.idx.msk [tilespmem:v2+s9+$0x0], $0xffff;
	_ =	sdelay $0x4  }
0x138: {  	[tilespmem:s30+$0x2700] =	vst v1  }
0x139: {  	_ =	swait.ge [sflag:s14], $0x680  }
0x13a: {  	[sflag:s14] =	ssyncset.done $0x0  }
0x13b: {  	[sflag:s14] =	ssyncadd.s32 $0xFFFFF980  }
0x13c: {  	[spmem:s2] =	stream.indirect.scatter.add.f32 [tilespmem:s15], [sflag:$0x7], $0x1, s10, s11, $0xb8;
	[tilespmem:$0x1F3F0] =	vst v63  }
0x13d: {  	_ =	swait.ge [sflag:s26], $0x680  }
0x13e: {  	[sflag:s26] =	ssyncset.done $0x0  }
0x13f: {  	s29 =	simm.s32 $0x0;
	s0 =	rddreg [dreg:$0x17];
	[sflag:s26] =	ssyncadd.s32 $0xFFFFF980  }
0x140: {  	[tilespmem:s16], [sflag:$0x3] =	stream.linear.gather [hbm4b:s0+s29], $0x680, $0x38;
	[tilespmem:$0x1F3F0] =	vst v63  }
0x141: {  	s0 =	rddreg [dreg:$0x18]  }
0x142: {  	[tilespmem:s17], [sflag:$0x6] =	stream.linear.gather [hbm4b:s0+s29], $0x680, $0x38;
	[tilespmem:$0x1F3F0] =	vst v63  }
0x143: {  	_ =	swait.ge [sflag:s18], $0x680  }
0x144: {  	[sflag:s18] =	ssyncset.done $0x0  }
0x145: {  	s29 =	simm.s32 $0x0;
	[sflag:s18] =	ssyncadd.s32 $0xFFFFF980  }
0x146: {  	v1 =	vld [tilespmem:s29+$0x680];
	_ =	sdelay $0x7  }
0x147: {  	s31 =	simm.s32 $0x80;
	s30 =	simm.s32 $0x10;
	v1 =	vld.idx.msk [tilespmem:v1+s9+$0x0], $0xffff  }
.LBB2_24:
0x148: {  	p1 =	sne.s32 s31, $0x19C0;
	v2 =	vld [tilespmem:s30+$0x680];
	_ =	sdelay $0x3  }
.Ltmp11:
0x149: {  	(pc) =	sbr.rel @p1 .LBB2_24-.Ltmp11, $2  }
0x14a: {  	[tilespmem:s29+$0x2D80] =	vst v1;
	s29 =	smov.u32 s30;
	_ =	sdelay $0x2  }
0x14b: {  	s30 =	sshra.s32 s31, $0x2;
	s31 =	sadd.s32 $0x40, s31;
	v1 =	vld.idx.msk [tilespmem:v2+s9+$0x0], $0xffff  }
0x14c: {  	v2 =	vld [tilespmem:s30+$0x680];
	_ =	sdelay $0x6  }
0x14d: {  	[tilespmem:s29+$0x2D80] =	vst v1  }
0x14e: {  	v1 =	vld.idx.msk [tilespmem:v2+s9+$0x0], $0xffff;
	_ =	sdelay $0x4  }
0x14f: {  	[tilespmem:s30+$0x2D80] =	vst v1  }
0x150: {  	_ =	swait.ge [sflag:s19], $0x680  }
0x151: {  	[sflag:s19] =	ssyncset.done $0x0  }
0x152: {  	[sflag:s19] =	ssyncadd.s32 $0xFFFFF980  }
0x153: {  	[spmem:s2] =	stream.indirect.scatter.add.f32 [tilespmem:s20], [sflag:$0x8], $0x1, s12, s11, $0xb8;
	[tilespmem:$0x1F3F0] =	vst v63  }
0x154: {  	_ =	swait.ge [sflag:s21], $0x680  }
0x155: {  	[sflag:s21] =	ssyncset.done $0x0  }
0x156: {  	s29 =	simm.s32 $0x0;
	s0 =	rddreg [dreg:$0x19];
	[sflag:s21] =	ssyncadd.s32 $0xFFFFF980  }
0x157: {  	[tilespmem:s29], [sflag:$0x1] =	stream.linear.gather [hbm4b:s0+s29], $0x680, $0x38;
	[tilespmem:$0x1F3F0] =	vst v63  }
0x158: {  	s0 =	rddreg [dreg:$0x1a]  }
0x159: {  	[tilespmem:s10], [sflag:$0x4] =	stream.linear.gather [hbm4b:s0+s29], $0x680, $0x38;
	[tilespmem:$0x1F3F0] =	vst v63  }
0x15a: {  	_ =	swait.ge [sflag:s22], $0x680  }
0x15b: {  	[sflag:s22] =	ssyncset.done $0x0  }
0x15c: {  	s29 =	simm.s32 $0x0;
	[sflag:s22] =	ssyncadd.s32 $0xFFFFF980  }
0x15d: {  	v1 =	vld [tilespmem:s29+$0xD00];
	_ =	sdelay $0x7  }
0x15e: {  	s31 =	simm.s32 $0x80;
	s30 =	simm.s32 $0x10;
	v1 =	vld.idx.msk [tilespmem:v1+s9+$0x0], $0xffff  }
.LBB2_26:
0x15f: {  	p1 =	sne.s32 s31, $0x19C0;
	v2 =	vld [tilespmem:s30+$0xD00];
	_ =	sdelay $0x3  }
.Ltmp12:
0x160: {  	(pc) =	sbr.rel @p1 .LBB2_26-.Ltmp12, $2  }
0x161: {  	[tilespmem:s29+$0x3400] =	vst v1;
	s29 =	smov.u32 s30;
	_ =	sdelay $0x2  }
0x162: {  	s30 =	sshra.s32 s31, $0x2;
	s31 =	sadd.s32 $0x40, s31;
	v1 =	vld.idx.msk [tilespmem:v2+s9+$0x0], $0xffff  }
0x163: {  	v2 =	vld [tilespmem:s30+$0xD00];
	_ =	sdelay $0x6  }
0x164: {  	[tilespmem:s29+$0x3400] =	vst v1  }
0x165: {  	v1 =	vld.idx.msk [tilespmem:v2+s9+$0x0], $0xffff;
	_ =	sdelay $0x4  }
0x166: {  	[tilespmem:s30+$0x3400] =	vst v1  }
0x167: {  	_ =	swait.ge [sflag:s23], $0x680  }
0x168: {  	[sflag:s23] =	ssyncset.done $0x0  }
0x169: {  	[sflag:s23] =	ssyncadd.s32 $0xFFFFF980  }
0x16a: {  	[spmem:s2] =	stream.indirect.scatter.add.f32 [tilespmem:s24], [sflag:$0x9], $0x1, s17, s11, $0xb8;
	[tilespmem:$0x1F3F0] =	vst v63  }
0x16b: {  	_ =	swait.ge [sflag:s25], $0x680  }
0x16c: {  	[sflag:s25] =	ssyncset.done $0x0  }
0x16d: {  	s29 =	simm.s32 $0x0;
	s0 =	rddreg [dreg:$0x1b];
	[sflag:s25] =	ssyncadd.s32 $0xFFFFF980  }
0x16e: {  	[tilespmem:s11], [sflag:$0x2] =	stream.linear.gather [hbm4b:s0+s29], $0x680, $0x38;
	[tilespmem:$0x1F3F0] =	vst v63  }
0x16f: {  	s0 =	rddreg [dreg:$0x1c]  }
0x170: {  	[tilespmem:s12], [sflag:$0x5] =	stream.linear.gather [hbm4b:s0+s29], $0x680, $0x38;
	[tilespmem:$0x1F3F0] =	vst v63  }
0x171: {  	_ =	swait.ge [sflag:s13], $0x680  }
0x172: {  	[sflag:s13] =	ssyncset.done $0x0  }
0x173: {  	s29 =	simm.s32 $0x0;
	[sflag:s13] =	ssyncadd.s32 $0xFFFFF980  }
0x174: {  	v1 =	vld [tilespmem:s29+$0x0];
	_ =	sdelay $0x7  }
0x175: {  	s31 =	simm.s32 $0x80;
	s30 =	simm.s32 $0x10;
	v1 =	vld.idx.msk [tilespmem:v1+s9+$0x0], $0xffff  }
.LBB2_28:
0x176: {  	p1 =	sne.s32 s31, $0x19C0;
	v2 =	vld [tilespmem:s30+$0x0];
	_ =	sdelay $0x3  }
.Ltmp13:
0x177: {  	(pc) =	sbr.rel @p1 .LBB2_28-.Ltmp13, $2  }
0x178: {  	[tilespmem:s29+$0x2700] =	vst v1;
	s29 =	smov.u32 s30;
	_ =	sdelay $0x2  }
0x179: {  	s30 =	sshra.s32 s31, $0x2;
	s31 =	sadd.s32 $0x40, s31;
	v1 =	vld.idx.msk [tilespmem:v2+s9+$0x0], $0xffff  }
0x17a: {  	v2 =	vld [tilespmem:s30+$0x0];
	_ =	sdelay $0x6  }
0x17b: {  	[tilespmem:s29+$0x2700] =	vst v1  }
0x17c: {  	v1 =	vld.idx.msk [tilespmem:v2+s9+$0x0], $0xffff;
	_ =	sdelay $0x4  }
0x17d: {  	[tilespmem:s30+$0x2700] =	vst v1  }
0x17e: {  	_ =	swait.ge [sflag:s14], $0x680  }
0x17f: {  	[sflag:s14] =	ssyncset.done $0x0  }
0x180: {  	[sflag:s14] =	ssyncadd.s32 $0xFFFFF980  }
0x181: {  	[spmem:s2] =	stream.indirect.scatter.add.f32 [tilespmem:s15], [sflag:$0x7], $0x1, s10, s11, $0xb8;
	[tilespmem:$0x1F3F0] =	vst v63  }
0x182: {  	_ =	swait.ge [sflag:s26], $0x680  }
0x183: {  	[sflag:s26] =	ssyncset.done $0x0  }
0x184: {  	s29 =	simm.s32 $0x0;
	s0 =	rddreg [dreg:$0x1d];
	[sflag:s26] =	ssyncadd.s32 $0xFFFFF980  }
0x185: {  	[tilespmem:s16], [sflag:$0x3] =	stream.linear.gather [hbm4b:s0+s29], $0x680, $0x38;
	[tilespmem:$0x1F3F0] =	vst v63  }
0x186: {  	s0 =	rddreg [dreg:$0x1e]  }
0x187: {  	[tilespmem:s17], [sflag:$0x6] =	stream.linear.gather [hbm4b:s0+s29], $0x680, $0x38;
	[tilespmem:$0x1F3F0] =	vst v63  }
0x188: {  	_ =	swait.ge [sflag:s18], $0x680  }
0x189: {  	[sflag:s18] =	ssyncset.done $0x0  }
0x18a: {  	s29 =	simm.s32 $0x0;
	[sflag:s18] =	ssyncadd.s32 $0xFFFFF980  }
0x18b: {  	v1 =	vld [tilespmem:s29+$0x680];
	_ =	sdelay $0x7  }
0x18c: {  	s31 =	simm.s32 $0x80;
	s30 =	simm.s32 $0x10;
	v1 =	vld.idx.msk [tilespmem:v1+s9+$0x0], $0xffff  }
.LBB2_30:
0x18d: {  	p1 =	sne.s32 s31, $0x19C0;
	v2 =	vld [tilespmem:s30+$0x680];
	_ =	sdelay $0x3  }
.Ltmp14:
0x18e: {  	(pc) =	sbr.rel @p1 .LBB2_30-.Ltmp14, $2  }
0x18f: {  	[tilespmem:s29+$0x2D80] =	vst v1;
	s29 =	smov.u32 s30;
	_ =	sdelay $0x2  }
0x190: {  	s30 =	sshra.s32 s31, $0x2;
	s31 =	sadd.s32 $0x40, s31;
	v1 =	vld.idx.msk [tilespmem:v2+s9+$0x0], $0xffff  }
0x191: {  	v2 =	vld [tilespmem:s30+$0x680];
	_ =	sdelay $0x6  }
0x192: {  	[tilespmem:s29+$0x2D80] =	vst v1  }
0x193: {  	v1 =	vld.idx.msk [tilespmem:v2+s9+$0x0], $0xffff;
	_ =	sdelay $0x4  }
0x194: {  	[tilespmem:s30+$0x2D80] =	vst v1  }
0x195: {  	_ =	swait.ge [sflag:s19], $0x680  }
0x196: {  	[sflag:s19] =	ssyncset.done $0x0  }
0x197: {  	[sflag:s19] =	ssyncadd.s32 $0xFFFFF980  }
0x198: {  	[spmem:s2] =	stream.indirect.scatter.add.f32 [tilespmem:s20], [sflag:$0x8], $0x1, s12, s11, $0xb8;
	[tilespmem:$0x1F3F0] =	vst v63  }
0x199: {  	_ =	swait.ge [sflag:s21], $0x680  }
0x19a: {  	[sflag:s21] =	ssyncset.done $0x0  }
0x19b: {  	s29 =	simm.s32 $0x0;
	s0 =	rddreg [dreg:$0x1f];
	[sflag:s21] =	ssyncadd.s32 $0xFFFFF980  }
0x19c: {  	[tilespmem:s29], [sflag:$0x1] =	stream.linear.gather [hbm4b:s0+s29], $0x680, $0x38;
	[tilespmem:$0x1F3F0] =	vst v63  }
0x19d: {  	s0 =	sld [smem:$0x7DE];
	_ =	sdelay $0x2  }
0x19e: {  	[tilespmem:s10], [sflag:$0x4] =	stream.linear.gather [hbm4b:s0+s29], $0x680, $0x38;
	[tilespmem:$0x1F3F0] =	vst v63  }
0x19f: {  	_ =	swait.ge [sflag:s22], $0x680  }
0x1a0: {  	[sflag:s22] =	ssyncset.done $0x0  }
0x1a1: {  	s29 =	simm.s32 $0x0;
	[sflag:s22] =	ssyncadd.s32 $0xFFFFF980  }
0x1a2: {  	v1 =	vld [tilespmem:s29+$0xD00];
	_ =	sdelay $0x7  }
0x1a3: {  	s31 =	simm.s32 $0x80;
	s30 =	simm.s32 $0x10;
	v1 =	vld.idx.msk [tilespmem:v1+s9+$0x0], $0xffff  }
.LBB2_32:
0x1a4: {  	p1 =	sne.s32 s31, $0x19C0;
	v2 =	vld [tilespmem:s30+$0xD00];
	_ =	sdelay $0x3  }
.Ltmp15:
0x1a5: {  	(pc) =	sbr.rel @p1 .LBB2_32-.Ltmp15, $2  }
0x1a6: {  	[tilespmem:s29+$0x3400] =	vst v1;
	s29 =	smov.u32 s30;
	_ =	sdelay $0x2  }
0x1a7: {  	s30 =	sshra.s32 s31, $0x2;
	s31 =	sadd.s32 $0x40, s31;
	v1 =	vld.idx.msk [tilespmem:v2+s9+$0x0], $0xffff  }
0x1a8: {  	v2 =	vld [tilespmem:s30+$0xD00];
	_ =	sdelay $0x6  }
0x1a9: {  	[tilespmem:s29+$0x3400] =	vst v1  }
0x1aa: {  	v1 =	vld.idx.msk [tilespmem:v2+s9+$0x0], $0xffff;
	_ =	sdelay $0x4  }
0x1ab: {  	[tilespmem:s30+$0x3400] =	vst v1  }
0x1ac: {  	_ =	swait.ge [sflag:s23], $0x680  }
0x1ad: {  	[sflag:s23] =	ssyncset.done $0x0  }
0x1ae: {  	[sflag:s23] =	ssyncadd.s32 $0xFFFFF980  }
0x1af: {  	[spmem:s2] =	stream.indirect.scatter.add.f32 [tilespmem:s24], [sflag:$0x9], $0x1, s17, s11, $0xb8;
	[tilespmem:$0x1F3F0] =	vst v63  }
0x1b0: {  	_ =	swait.ge [sflag:s25], $0x680  }
0x1b1: {  	s0 =	sld [smem:$0x7DF]  }
0x1b2: {  	[sflag:s25] =	ssyncset.done $0x0  }
0x1b3: {  	s29 =	simm.s32 $0x0;
	[sflag:s25] =	ssyncadd.s32 $0xFFFFF980  }
0x1b4: {  	[tilespmem:s11], [sflag:$0x2] =	stream.linear.gather [hbm4b:s0+s29], $0x680, $0x38;
	[tilespmem:$0x1F3F0] =	vst v63  }
0x1b5: {  	s0 =	sld [smem:$0x7E0];
	_ =	sdelay $0x2  }
0x1b6: {  	[tilespmem:s12], [sflag:$0x5] =	stream.linear.gather [hbm4b:s0+s29], $0x680, $0x38;
	[tilespmem:$0x1F3F0] =	vst v63  }
0x1b7: {  	_ =	swait.ge [sflag:s13], $0x680  }
0x1b8: {  	[sflag:s13] =	ssyncset.done $0x0  }
0x1b9: {  	s29 =	simm.s32 $0x0;
	[sflag:s13] =	ssyncadd.s32 $0xFFFFF980  }
0x1ba: {  	v1 =	vld [tilespmem:s29+$0x0];
	_ =	sdelay $0x7  }
0x1bb: {  	s31 =	simm.s32 $0x80;
	s30 =	simm.s32 $0x10;
	v1 =	vld.idx.msk [tilespmem:v1+s9+$0x0], $0xffff  }
.LBB2_34:
0x1bc: {  	p1 =	sne.s32 s31, $0x19C0;
	v2 =	vld [tilespmem:s30+$0x0];
	_ =	sdelay $0x3  }
.Ltmp16:
0x1bd: {  	(pc) =	sbr.rel @p1 .LBB2_34-.Ltmp16, $2  }
0x1be: {  	[tilespmem:s29+$0x2700] =	vst v1;
	s29 =	smov.u32 s30;
	_ =	sdelay $0x2  }
0x1bf: {  	s30 =	sshra.s32 s31, $0x2;
	s31 =	sadd.s32 $0x40, s31;
	v1 =	vld.idx.msk [tilespmem:v2+s9+$0x0], $0xffff  }
0x1c0: {  	v2 =	vld [tilespmem:s30+$0x0];
	_ =	sdelay $0x6  }
0x1c1: {  	[tilespmem:s29+$0x2700] =	vst v1  }
0x1c2: {  	v1 =	vld.idx.msk [tilespmem:v2+s9+$0x0], $0xffff;
	_ =	sdelay $0x4  }
0x1c3: {  	[tilespmem:s30+$0x2700] =	vst v1  }
0x1c4: {  	_ =	swait.ge [sflag:s14], $0x680  }
0x1c5: {  	[sflag:s14] =	ssyncset.done $0x0  }
0x1c6: {  	[sflag:s14] =	ssyncadd.s32 $0xFFFFF980  }
0x1c7: {  	[spmem:s2] =	stream.indirect.scatter.add.f32 [tilespmem:s15], [sflag:$0x7], $0x1, s10, s11, $0xb8;
	[tilespmem:$0x1F3F0] =	vst v63  }
0x1c8: {  	_ =	swait.ge [sflag:s26], $0x680  }
0x1c9: {  	s0 =	sld [smem:$0x7E1]  }
0x1ca: {  	[sflag:s26] =	ssyncset.done $0x0  }
0x1cb: {  	s29 =	simm.s32 $0x0;
	[sflag:s26] =	ssyncadd.s32 $0xFFFFF980  }
0x1cc: {  	[tilespmem:s16], [sflag:$0x3] =	stream.linear.gather [hbm4b:s0+s29], $0x680, $0x38;
	[tilespmem:$0x1F3F0] =	vst v63  }
0x1cd: {  	s0 =	sld [smem:$0x7E2];
	_ =	sdelay $0x2  }
0x1ce: {  	[tilespmem:s17], [sflag:$0x6] =	stream.linear.gather [hbm4b:s0+s29], $0x680, $0x38;
	[tilespmem:$0x1F3F0] =	vst v63  }
0x1cf: {  	_ =	swait.ge [sflag:s18], $0x680  }
0x1d0: {  	[sflag:s18] =	ssyncset.done $0x0  }
0x1d1: {  	s29 =	simm.s32 $0x0;
	[sflag:s18] =	ssyncadd.s32 $0xFFFFF980  }
0x1d2: {  	v1 =	vld [tilespmem:s29+$0x680];
	_ =	sdelay $0x7  }
0x1d3: {  	s31 =	simm.s32 $0x80;
	s30 =	simm.s32 $0x10;
	v1 =	vld.idx.msk [tilespmem:v1+s9+$0x0], $0xffff  }
.LBB2_36:
0x1d4: {  	p1 =	sne.s32 s31, $0x19C0;
	v2 =	vld [tilespmem:s30+$0x680];
	_ =	sdelay $0x3  }
.Ltmp17:
0x1d5: {  	(pc) =	sbr.rel @p1 .LBB2_36-.Ltmp17, $2  }
0x1d6: {  	[tilespmem:s29+$0x2D80] =	vst v1;
	s29 =	smov.u32 s30;
	_ =	sdelay $0x2  }
0x1d7: {  	s30 =	sshra.s32 s31, $0x2;
	s31 =	sadd.s32 $0x40, s31;
	v1 =	vld.idx.msk [tilespmem:v2+s9+$0x0], $0xffff  }
0x1d8: {  	v2 =	vld [tilespmem:s30+$0x680];
	_ =	sdelay $0x6  }
0x1d9: {  	[tilespmem:s29+$0x2D80] =	vst v1  }
0x1da: {  	v1 =	vld.idx.msk [tilespmem:v2+s9+$0x0], $0xffff;
	_ =	sdelay $0x4  }
0x1db: {  	[tilespmem:s30+$0x2D80] =	vst v1  }
0x1dc: {  	_ =	swait.ge [sflag:s19], $0x680  }
0x1dd: {  	[sflag:s19] =	ssyncset.done $0x0  }
0x1de: {  	[sflag:s19] =	ssyncadd.s32 $0xFFFFF980  }
0x1df: {  	[spmem:s2] =	stream.indirect.scatter.add.f32 [tilespmem:s20], [sflag:$0x8], $0x1, s12, s11, $0xb8;
	[tilespmem:$0x1F3F0] =	vst v63  }
0x1e0: {  	_ =	swait.ge [sflag:s21], $0x680  }
0x1e1: {  	s0 =	sld [smem:$0x7E3]  }
0x1e2: {  	[sflag:s21] =	ssyncset.done $0x0  }
0x1e3: {  	s29 =	simm.s32 $0x0;
	[sflag:s21] =	ssyncadd.s32 $0xFFFFF980  }
0x1e4: {  	[tilespmem:s29], [sflag:$0x1] =	stream.linear.gather [hbm4b:s0+s29], $0x680, $0x38;
	[tilespmem:$0x1F3F0] =	vst v63  }
0x1e5: {  	s0 =	sld [smem:$0x7E4];
	_ =	sdelay $0x2  }
0x1e6: {  	[tilespmem:s10], [sflag:$0x4] =	stream.linear.gather [hbm4b:s0+s29], $0x680, $0x38;
	[tilespmem:$0x1F3F0] =	vst v63  }
0x1e7: {  	_ =	swait.ge [sflag:s22], $0x680  }
0x1e8: {  	[sflag:s22] =	ssyncset.done $0x0  }
0x1e9: {  	s29 =	simm.s32 $0x0;
	[sflag:s22] =	ssyncadd.s32 $0xFFFFF980  }
0x1ea: {  	v1 =	vld [tilespmem:s29+$0xD00];
	_ =	sdelay $0x7  }
0x1eb: {  	s31 =	simm.s32 $0x80;
	s30 =	simm.s32 $0x10;
	v1 =	vld.idx.msk [tilespmem:v1+s9+$0x0], $0xffff  }
.LBB2_38:
0x1ec: {  	p1 =	sne.s32 s31, $0x19C0;
	v2 =	vld [tilespmem:s30+$0xD00];
	_ =	sdelay $0x3  }
.Ltmp18:
0x1ed: {  	(pc) =	sbr.rel @p1 .LBB2_38-.Ltmp18, $2  }
0x1ee: {  	[tilespmem:s29+$0x3400] =	vst v1;
	s29 =	smov.u32 s30;
	_ =	sdelay $0x2  }
0x1ef: {  	s30 =	sshra.s32 s31, $0x2;
	s31 =	sadd.s32 $0x40, s31;
	v1 =	vld.idx.msk [tilespmem:v2+s9+$0x0], $0xffff  }
0x1f0: {  	v2 =	vld [tilespmem:s30+$0xD00];
	_ =	sdelay $0x6  }
0x1f1: {  	[tilespmem:s29+$0x3400] =	vst v1  }
0x1f2: {  	v1 =	vld.idx.msk [tilespmem:v2+s9+$0x0], $0xffff;
	_ =	sdelay $0x4  }
0x1f3: {  	[tilespmem:s30+$0x3400] =	vst v1  }
0x1f4: {  	_ =	swait.ge [sflag:s23], $0x680  }
0x1f5: {  	[sflag:s23] =	ssyncset.done $0x0  }
0x1f6: {  	[sflag:s23] =	ssyncadd.s32 $0xFFFFF980  }
0x1f7: {  	[spmem:s2] =	stream.indirect.scatter.add.f32 [tilespmem:s24], [sflag:$0x9], $0x1, s17, s11, $0xb8;
	[tilespmem:$0x1F3F0] =	vst v63  }
0x1f8: {  	_ =	swait.ge [sflag:s25], $0x680  }
0x1f9: {  	s0 =	sld [smem:$0x7E5]  }
0x1fa: {  	[sflag:s25] =	ssyncset.done $0x0  }
0x1fb: {  	s29 =	simm.s32 $0x0;
	[sflag:s25] =	ssyncadd.s32 $0xFFFFF980  }
0x1fc: {  	[tilespmem:s11], [sflag:$0x2] =	stream.linear.gather [hbm4b:s0+s29], $0x680, $0x38;
	[tilespmem:$0x1F3F0] =	vst v63  }
0x1fd: {  	s0 =	sld [smem:$0x7E6];
	_ =	sdelay $0x2  }
0x1fe: {  	[tilespmem:s12], [sflag:$0x5] =	stream.linear.gather [hbm4b:s0+s29], $0x680, $0x38;
	[tilespmem:$0x1F3F0] =	vst v63  }
0x1ff: {  	_ =	swait.ge [sflag:s13], $0x680  }
0x200: {  	[sflag:s13] =	ssyncset.done $0x0  }
0x201: {  	s29 =	simm.s32 $0x0;
	[sflag:s13] =	ssyncadd.s32 $0xFFFFF980  }
0x202: {  	v1 =	vld [tilespmem:s29+$0x0];
	_ =	sdelay $0x7  }
0x203: {  	s31 =	simm.s32 $0x80;
	s30 =	simm.s32 $0x10;
	v1 =	vld.idx.msk [tilespmem:v1+s9+$0x0], $0xffff  }
.LBB2_40:
0x204: {  	p1 =	sne.s32 s31, $0x19C0;
	v2 =	vld [tilespmem:s30+$0x0];
	_ =	sdelay $0x3  }
.Ltmp19:
0x205: {  	(pc) =	sbr.rel @p1 .LBB2_40-.Ltmp19, $2  }
0x206: {  	[tilespmem:s29+$0x2700] =	vst v1;
	s29 =	smov.u32 s30;
	_ =	sdelay $0x2  }
0x207: {  	s30 =	sshra.s32 s31, $0x2;
	s31 =	sadd.s32 $0x40, s31;
	v1 =	vld.idx.msk [tilespmem:v2+s9+$0x0], $0xffff  }
0x208: {  	v2 =	vld [tilespmem:s30+$0x0];
	_ =	sdelay $0x6  }
0x209: {  	[tilespmem:s29+$0x2700] =	vst v1  }
0x20a: {  	v1 =	vld.idx.msk [tilespmem:v2+s9+$0x0], $0xffff;
	_ =	sdelay $0x4  }
0x20b: {  	[tilespmem:s30+$0x2700] =	vst v1  }
0x20c: {  	_ =	swait.ge [sflag:s14], $0x680  }
0x20d: {  	[sflag:s14] =	ssyncset.done $0x0  }
0x20e: {  	[sflag:s14] =	ssyncadd.s32 $0xFFFFF980  }
0x20f: {  	[spmem:s2] =	stream.indirect.scatter.add.f32 [tilespmem:s15], [sflag:$0x7], $0x1, s10, s11, $0xb8;
	[tilespmem:$0x1F3F0] =	vst v63  }
0x210: {  	_ =	swait.ge [sflag:s26], $0x680  }
0x211: {  	s0 =	sld [smem:$0x7E7]  }
0x212: {  	[sflag:s26] =	ssyncset.done $0x0  }
0x213: {  	s29 =	simm.s32 $0x0;
	[sflag:s26] =	ssyncadd.s32 $0xFFFFF980  }
0x214: {  	[tilespmem:s16], [sflag:$0x3] =	stream.linear.gather [hbm4b:s0+s29], $0x680, $0x38;
	[tilespmem:$0x1F3F0] =	vst v63  }
0x215: {  	s0 =	sld [smem:$0x7E8];
	_ =	sdelay $0x2  }
0x216: {  	[tilespmem:s17], [sflag:$0x6] =	stream.linear.gather [hbm4b:s0+s29], $0x680, $0x38;
	[tilespmem:$0x1F3F0] =	vst v63  }
0x217: {  	_ =	swait.ge [sflag:s18], $0x680  }
0x218: {  	[sflag:s18] =	ssyncset.done $0x0  }
0x219: {  	s29 =	simm.s32 $0x0;
	[sflag:s18] =	ssyncadd.s32 $0xFFFFF980  }
0x21a: {  	v1 =	vld [tilespmem:s29+$0x680];
	_ =	sdelay $0x7  }
0x21b: {  	s31 =	simm.s32 $0x80;
	s30 =	simm.s32 $0x10;
	v1 =	vld.idx.msk [tilespmem:v1+s9+$0x0], $0xffff  }
.LBB2_42:
0x21c: {  	p1 =	sne.s32 s31, $0x19C0;
	v2 =	vld [tilespmem:s30+$0x680];
	_ =	sdelay $0x3  }
.Ltmp20:
0x21d: {  	(pc) =	sbr.rel @p1 .LBB2_42-.Ltmp20, $2  }
0x21e: {  	[tilespmem:s29+$0x2D80] =	vst v1;
	s29 =	smov.u32 s30;
	_ =	sdelay $0x2  }
0x21f: {  	s30 =	sshra.s32 s31, $0x2;
	s31 =	sadd.s32 $0x40, s31;
	v1 =	vld.idx.msk [tilespmem:v2+s9+$0x0], $0xffff  }
0x220: {  	v2 =	vld [tilespmem:s30+$0x680];
	_ =	sdelay $0x6  }
0x221: {  	[tilespmem:s29+$0x2D80] =	vst v1  }
0x222: {  	v1 =	vld.idx.msk [tilespmem:v2+s9+$0x0], $0xffff;
	_ =	sdelay $0x4  }
0x223: {  	[tilespmem:s30+$0x2D80] =	vst v1  }
0x224: {  	_ =	swait.ge [sflag:s19], $0x680  }
0x225: {  	[sflag:s19] =	ssyncset.done $0x0  }
0x226: {  	[sflag:s19] =	ssyncadd.s32 $0xFFFFF980  }
0x227: {  	[spmem:s2] =	stream.indirect.scatter.add.f32 [tilespmem:s20], [sflag:$0x8], $0x1, s12, s11, $0xb8;
	[tilespmem:$0x1F3F0] =	vst v63  }
0x228: {  	_ =	swait.ge [sflag:s21], $0x680  }
0x229: {  	s0 =	sld [smem:$0x7E9]  }
0x22a: {  	[sflag:s21] =	ssyncset.done $0x0  }
0x22b: {  	s29 =	simm.s32 $0x0;
	[sflag:s21] =	ssyncadd.s32 $0xFFFFF980  }
0x22c: {  	[tilespmem:s29], [sflag:$0x1] =	stream.linear.gather [hbm4b:s0+s29], $0x680, $0x38;
	[tilespmem:$0x1F3F0] =	vst v63  }
0x22d: {  	s0 =	sld [smem:$0x7EA];
	_ =	sdelay $0x2  }
0x22e: {  	[tilespmem:s10], [sflag:$0x4] =	stream.linear.gather [hbm4b:s0+s29], $0x680, $0x38;
	[tilespmem:$0x1F3F0] =	vst v63  }
0x22f: {  	_ =	swait.ge [sflag:s22], $0x680  }
0x230: {  	[sflag:s22] =	ssyncset.done $0x0  }
0x231: {  	s29 =	simm.s32 $0x0;
	[sflag:s22] =	ssyncadd.s32 $0xFFFFF980  }
0x232: {  	v1 =	vld [tilespmem:s29+$0xD00];
	_ =	sdelay $0x7  }
0x233: {  	s31 =	simm.s32 $0x80;
	s30 =	simm.s32 $0x10;
	v1 =	vld.idx.msk [tilespmem:v1+s9+$0x0], $0xffff  }
.LBB2_44:
0x234: {  	p1 =	sne.s32 s31, $0x19C0;
	v2 =	vld [tilespmem:s30+$0xD00];
	_ =	sdelay $0x3  }
.Ltmp21:
0x235: {  	(pc) =	sbr.rel @p1 .LBB2_44-.Ltmp21, $2  }
0x236: {  	[tilespmem:s29+$0x3400] =	vst v1;
	s29 =	smov.u32 s30;
	_ =	sdelay $0x2  }
0x237: {  	s30 =	sshra.s32 s31, $0x2;
	s31 =	sadd.s32 $0x40, s31;
	v1 =	vld.idx.msk [tilespmem:v2+s9+$0x0], $0xffff  }
0x238: {  	v2 =	vld [tilespmem:s30+$0xD00];
	_ =	sdelay $0x6  }
0x239: {  	[tilespmem:s29+$0x3400] =	vst v1  }
0x23a: {  	v1 =	vld.idx.msk [tilespmem:v2+s9+$0x0], $0xffff;
	_ =	sdelay $0x4  }
0x23b: {  	[tilespmem:s30+$0x3400] =	vst v1  }
0x23c: {  	_ =	swait.ge [sflag:s23], $0x680  }
0x23d: {  	[sflag:s23] =	ssyncset.done $0x0  }
0x23e: {  	[sflag:s23] =	ssyncadd.s32 $0xFFFFF980  }
0x23f: {  	[spmem:s2] =	stream.indirect.scatter.add.f32 [tilespmem:s24], [sflag:$0x9], $0x1, s17, s11, $0xb8;
	[tilespmem:$0x1F3F0] =	vst v63  }
0x240: {  	_ =	swait.ge [sflag:s25], $0x680  }
0x241: {  	s0 =	sld [smem:$0x7EB]  }
0x242: {  	[sflag:s25] =	ssyncset.done $0x0  }
0x243: {  	s29 =	simm.s32 $0x0;
	[sflag:s25] =	ssyncadd.s32 $0xFFFFF980  }
0x244: {  	[tilespmem:s11], [sflag:$0x2] =	stream.linear.gather [hbm4b:s0+s29], $0x680, $0x38;
	[tilespmem:$0x1F3F0] =	vst v63  }
0x245: {  	s0 =	sld [smem:$0x7EC];
	_ =	sdelay $0x2  }
0x246: {  	[tilespmem:s12], [sflag:$0x5] =	stream.linear.gather [hbm4b:s0+s29], $0x680, $0x38;
	[tilespmem:$0x1F3F0] =	vst v63  }
0x247: {  	_ =	swait.ge [sflag:s13], $0x680  }
0x248: {  	[sflag:s13] =	ssyncset.done $0x0  }
0x249: {  	s29 =	simm.s32 $0x0;
	[sflag:s13] =	ssyncadd.s32 $0xFFFFF980  }
0x24a: {  	v1 =	vld [tilespmem:s29+$0x0];
	_ =	sdelay $0x7  }
0x24b: {  	s31 =	simm.s32 $0x80;
	s30 =	simm.s32 $0x10;
	v1 =	vld.idx.msk [tilespmem:v1+s9+$0x0], $0xffff  }
.LBB2_46:
0x24c: {  	p1 =	sne.s32 s31, $0x19C0;
	v2 =	vld [tilespmem:s30+$0x0];
	_ =	sdelay $0x3  }
.Ltmp22:
0x24d: {  	(pc) =	sbr.rel @p1 .LBB2_46-.Ltmp22, $2  }
0x24e: {  	[tilespmem:s29+$0x2700] =	vst v1;
	s29 =	smov.u32 s30;
	_ =	sdelay $0x2  }
0x24f: {  	s30 =	sshra.s32 s31, $0x2;
	s31 =	sadd.s32 $0x40, s31;
	v1 =	vld.idx.msk [tilespmem:v2+s9+$0x0], $0xffff  }
0x250: {  	v2 =	vld [tilespmem:s30+$0x0];
	_ =	sdelay $0x6  }
0x251: {  	[tilespmem:s29+$0x2700] =	vst v1  }
0x252: {  	v1 =	vld.idx.msk [tilespmem:v2+s9+$0x0], $0xffff;
	_ =	sdelay $0x4  }
0x253: {  	[tilespmem:s30+$0x2700] =	vst v1  }
0x254: {  	_ =	swait.ge [sflag:s14], $0x680  }
0x255: {  	[sflag:s14] =	ssyncset.done $0x0  }
0x256: {  	[sflag:s14] =	ssyncadd.s32 $0xFFFFF980  }
0x257: {  	[spmem:s2] =	stream.indirect.scatter.add.f32 [tilespmem:s15], [sflag:$0x7], $0x1, s10, s11, $0xb8;
	[tilespmem:$0x1F3F0] =	vst v63  }
0x258: {  	_ =	swait.ge [sflag:s26], $0x680  }
0x259: {  	s0 =	sld [smem:$0x7ED]  }
0x25a: {  	[sflag:s26] =	ssyncset.done $0x0  }
0x25b: {  	s29 =	simm.s32 $0x0;
	[sflag:s26] =	ssyncadd.s32 $0xFFFFF980  }
0x25c: {  	[tilespmem:s16], [sflag:$0x3] =	stream.linear.gather [hbm4b:s0+s29], $0x680, $0x38;
	[tilespmem:$0x1F3F0] =	vst v63  }
0x25d: {  	s0 =	sld [smem:$0x7EE];
	_ =	sdelay $0x2  }
0x25e: {  	[tilespmem:s17], [sflag:$0x6] =	stream.linear.gather [hbm4b:s0+s29], $0x680, $0x38;
	[tilespmem:$0x1F3F0] =	vst v63  }
0x25f: {  	_ =	swait.ge [sflag:s18], $0x680  }
0x260: {  	[sflag:s18] =	ssyncset.done $0x0  }
0x261: {  	s29 =	simm.s32 $0x0;
	[sflag:s18] =	ssyncadd.s32 $0xFFFFF980  }
0x262: {  	v1 =	vld [tilespmem:s29+$0x680];
	_ =	sdelay $0x7  }
0x263: {  	s31 =	simm.s32 $0x80;
	s30 =	simm.s32 $0x10;
	v1 =	vld.idx.msk [tilespmem:v1+s9+$0x0], $0xffff  }
.LBB2_48:
0x264: {  	p1 =	sne.s32 s31, $0x19C0;
	v2 =	vld [tilespmem:s30+$0x680];
	_ =	sdelay $0x3  }
.Ltmp23:
0x265: {  	(pc) =	sbr.rel @p1 .LBB2_48-.Ltmp23, $2  }
0x266: {  	[tilespmem:s29+$0x2D80] =	vst v1;
	s29 =	smov.u32 s30;
	_ =	sdelay $0x2  }
0x267: {  	s30 =	sshra.s32 s31, $0x2;
	s31 =	sadd.s32 $0x40, s31;
	v1 =	vld.idx.msk [tilespmem:v2+s9+$0x0], $0xffff  }
0x268: {  	v2 =	vld [tilespmem:s30+$0x680];
	_ =	sdelay $0x6  }
0x269: {  	[tilespmem:s29+$0x2D80] =	vst v1  }
0x26a: {  	v1 =	vld.idx.msk [tilespmem:v2+s9+$0x0], $0xffff;
	_ =	sdelay $0x4  }
0x26b: {  	[tilespmem:s30+$0x2D80] =	vst v1  }
0x26c: {  	_ =	swait.ge [sflag:s19], $0x680  }
0x26d: {  	[sflag:s19] =	ssyncset.done $0x0  }
0x26e: {  	[sflag:s19] =	ssyncadd.s32 $0xFFFFF980  }
0x26f: {  	[spmem:s2] =	stream.indirect.scatter.add.f32 [tilespmem:s20], [sflag:$0x8], $0x1, s12, s11, $0xb8;
	[tilespmem:$0x1F3F0] =	vst v63  }
0x270: {  	_ =	swait.ge [sflag:s21], $0x680  }
0x271: {  	s0 =	sld [smem:$0x7EF]  }
0x272: {  	[sflag:s21] =	ssyncset.done $0x0  }
0x273: {  	s29 =	simm.s32 $0x0;
	[sflag:s21] =	ssyncadd.s32 $0xFFFFF980  }
0x274: {  	[tilespmem:s29], [sflag:$0x1] =	stream.linear.gather [hbm4b:s0+s29], $0x680, $0x38;
	[tilespmem:$0x1F3F0] =	vst v63  }
0x275: {  	s0 =	sld [smem:$0x7F0];
	_ =	sdelay $0x2  }
0x276: {  	[tilespmem:s10], [sflag:$0x4] =	stream.linear.gather [hbm4b:s0+s29], $0x680, $0x38;
	[tilespmem:$0x1F3F0] =	vst v63  }
0x277: {  	_ =	swait.ge [sflag:s22], $0x680  }
0x278: {  	[sflag:s22] =	ssyncset.done $0x0  }
0x279: {  	s29 =	simm.s32 $0x0;
	[sflag:s22] =	ssyncadd.s32 $0xFFFFF980  }
0x27a: {  	v1 =	vld [tilespmem:s29+$0xD00];
	_ =	sdelay $0x7  }
0x27b: {  	s31 =	simm.s32 $0x80;
	s30 =	simm.s32 $0x10;
	v1 =	vld.idx.msk [tilespmem:v1+s9+$0x0], $0xffff  }
.LBB2_50:
0x27c: {  	p1 =	sne.s32 s31, $0x19C0;
	v2 =	vld [tilespmem:s30+$0xD00];
	_ =	sdelay $0x3  }
.Ltmp24:
0x27d: {  	(pc) =	sbr.rel @p1 .LBB2_50-.Ltmp24, $2  }
0x27e: {  	[tilespmem:s29+$0x3400] =	vst v1;
	s29 =	smov.u32 s30;
	_ =	sdelay $0x2  }
0x27f: {  	s30 =	sshra.s32 s31, $0x2;
	s31 =	sadd.s32 $0x40, s31;
	v1 =	vld.idx.msk [tilespmem:v2+s9+$0x0], $0xffff  }
0x280: {  	v2 =	vld [tilespmem:s30+$0xD00];
	_ =	sdelay $0x6  }
0x281: {  	[tilespmem:s29+$0x3400] =	vst v1  }
0x282: {  	v1 =	vld.idx.msk [tilespmem:v2+s9+$0x0], $0xffff;
	_ =	sdelay $0x4  }
0x283: {  	[tilespmem:s30+$0x3400] =	vst v1  }
0x284: {  	_ =	swait.ge [sflag:s23], $0x680  }
0x285: {  	[sflag:s23] =	ssyncset.done $0x0  }
0x286: {  	[sflag:s23] =	ssyncadd.s32 $0xFFFFF980  }
0x287: {  	[spmem:s2] =	stream.indirect.scatter.add.f32 [tilespmem:s24], [sflag:$0x9], $0x1, s17, s11, $0xb8;
	[tilespmem:$0x1F3F0] =	vst v63  }
0x288: {  	_ =	swait.ge [sflag:s25], $0x680  }
0x289: {  	s0 =	sld [smem:$0x7F1]  }
0x28a: {  	[sflag:s25] =	ssyncset.done $0x0  }
0x28b: {  	s29 =	simm.s32 $0x0;
	[sflag:s25] =	ssyncadd.s32 $0xFFFFF980  }
0x28c: {  	[tilespmem:s11], [sflag:$0x2] =	stream.linear.gather [hbm4b:s0+s29], $0x680, $0x38;
	[tilespmem:$0x1F3F0] =	vst v63  }
0x28d: {  	s0 =	sld [smem:$0x7F2];
	_ =	sdelay $0x2  }
0x28e: {  	[tilespmem:s12], [sflag:$0x5] =	stream.linear.gather [hbm4b:s0+s29], $0x680, $0x38;
	[tilespmem:$0x1F3F0] =	vst v63  }
0x28f: {  	_ =	swait.ge [sflag:s13], $0x680  }
0x290: {  	[sflag:s13] =	ssyncset.done $0x0  }
0x291: {  	s29 =	simm.s32 $0x0;
	[sflag:s13] =	ssyncadd.s32 $0xFFFFF980  }
0x292: {  	v1 =	vld [tilespmem:s29+$0x0];
	_ =	sdelay $0x7  }
0x293: {  	s31 =	simm.s32 $0x80;
	s30 =	simm.s32 $0x10;
	v1 =	vld.idx.msk [tilespmem:v1+s9+$0x0], $0xffff  }
.LBB2_52:
0x294: {  	p1 =	sne.s32 s31, $0x19C0;
	v2 =	vld [tilespmem:s30+$0x0];
	_ =	sdelay $0x3  }
.Ltmp25:
0x295: {  	(pc) =	sbr.rel @p1 .LBB2_52-.Ltmp25, $2  }
0x296: {  	[tilespmem:s29+$0x2700] =	vst v1;
	s29 =	smov.u32 s30;
	_ =	sdelay $0x2  }
0x297: {  	s30 =	sshra.s32 s31, $0x2;
	s31 =	sadd.s32 $0x40, s31;
	v1 =	vld.idx.msk [tilespmem:v2+s9+$0x0], $0xffff  }
0x298: {  	v2 =	vld [tilespmem:s30+$0x0];
	_ =	sdelay $0x6  }
0x299: {  	[tilespmem:s29+$0x2700] =	vst v1  }
0x29a: {  	v1 =	vld.idx.msk [tilespmem:v2+s9+$0x0], $0xffff;
	_ =	sdelay $0x4  }
0x29b: {  	[tilespmem:s30+$0x2700] =	vst v1  }
0x29c: {  	_ =	swait.ge [sflag:s14], $0x680  }
0x29d: {  	[sflag:s14] =	ssyncset.done $0x0  }
0x29e: {  	[sflag:s14] =	ssyncadd.s32 $0xFFFFF980  }
0x29f: {  	[spmem:s2] =	stream.indirect.scatter.add.f32 [tilespmem:s15], [sflag:$0x7], $0x1, s10, s11, $0xb8;
	[tilespmem:$0x1F3F0] =	vst v63  }
0x2a0: {  	_ =	swait.ge [sflag:s26], $0x680  }
0x2a1: {  	s0 =	sld [smem:$0x7F3]  }
0x2a2: {  	[sflag:s26] =	ssyncset.done $0x0  }
0x2a3: {  	s29 =	simm.s32 $0x0;
	[sflag:s26] =	ssyncadd.s32 $0xFFFFF980  }
0x2a4: {  	[tilespmem:s16], [sflag:$0x3] =	stream.linear.gather [hbm4b:s0+s29], $0x680, $0x38;
	[tilespmem:$0x1F3F0] =	vst v63  }
0x2a5: {  	s0 =	sld [smem:$0x7F4];
	_ =	sdelay $0x2  }
0x2a6: {  	[tilespmem:s17], [sflag:$0x6] =	stream.linear.gather [hbm4b:s0+s29], $0x680, $0x38;
	[tilespmem:$0x1F3F0] =	vst v63  }
0x2a7: {  	_ =	swait.ge [sflag:s18], $0x680  }
0x2a8: {  	[sflag:s18] =	ssyncset.done $0x0  }
0x2a9: {  	s29 =	simm.s32 $0x0;
	[sflag:s18] =	ssyncadd.s32 $0xFFFFF980  }
0x2aa: {  	v1 =	vld [tilespmem:s29+$0x680];
	_ =	sdelay $0x7  }
0x2ab: {  	s31 =	simm.s32 $0x80;
	s30 =	simm.s32 $0x10;
	v1 =	vld.idx.msk [tilespmem:v1+s9+$0x0], $0xffff  }
.LBB2_54:
0x2ac: {  	p1 =	sne.s32 s31, $0x19C0;
	v2 =	vld [tilespmem:s30+$0x680];
	_ =	sdelay $0x3  }
.Ltmp26:
0x2ad: {  	(pc) =	sbr.rel @p1 .LBB2_54-.Ltmp26, $2  }
0x2ae: {  	[tilespmem:s29+$0x2D80] =	vst v1;
	s29 =	smov.u32 s30;
	_ =	sdelay $0x2  }
0x2af: {  	s30 =	sshra.s32 s31, $0x2;
	s31 =	sadd.s32 $0x40, s31;
	v1 =	vld.idx.msk [tilespmem:v2+s9+$0x0], $0xffff  }
0x2b0: {  	v2 =	vld [tilespmem:s30+$0x680];
	_ =	sdelay $0x6  }
0x2b1: {  	[tilespmem:s29+$0x2D80] =	vst v1  }
0x2b2: {  	v1 =	vld.idx.msk [tilespmem:v2+s9+$0x0], $0xffff;
	_ =	sdelay $0x4  }
0x2b3: {  	[tilespmem:s30+$0x2D80] =	vst v1  }
0x2b4: {  	_ =	swait.ge [sflag:s19], $0x680  }
0x2b5: {  	[sflag:s19] =	ssyncset.done $0x0  }
0x2b6: {  	[sflag:s19] =	ssyncadd.s32 $0xFFFFF980  }
0x2b7: {  	[spmem:s2] =	stream.indirect.scatter.add.f32 [tilespmem:s20], [sflag:$0x8], $0x1, s12, s11, $0xb8;
	[tilespmem:$0x1F3F0] =	vst v63  }
0x2b8: {  	_ =	swait.ge [sflag:s21], $0x680  }
0x2b9: {  	s0 =	sld [smem:$0x7F5]  }
0x2ba: {  	[sflag:s21] =	ssyncset.done $0x0  }
0x2bb: {  	s29 =	simm.s32 $0x0;
	[sflag:s21] =	ssyncadd.s32 $0xFFFFF980  }
0x2bc: {  	[tilespmem:s29], [sflag:$0x1] =	stream.linear.gather [hbm4b:s0+s29], $0x680, $0x38;
	[tilespmem:$0x1F3F0] =	vst v63  }
0x2bd: {  	s0 =	sld [smem:$0x7F6];
	_ =	sdelay $0x2  }
0x2be: {  	[tilespmem:s10], [sflag:$0x4] =	stream.linear.gather [hbm4b:s0+s29], $0x680, $0x38;
	[tilespmem:$0x1F3F0] =	vst v63  }
0x2bf: {  	_ =	swait.ge [sflag:s22], $0x680  }
0x2c0: {  	[sflag:s22] =	ssyncset.done $0x0  }
0x2c1: {  	s29 =	simm.s32 $0x0;
	[sflag:s22] =	ssyncadd.s32 $0xFFFFF980  }
0x2c2: {  	v1 =	vld [tilespmem:s29+$0xD00];
	_ =	sdelay $0x7  }
0x2c3: {  	s31 =	simm.s32 $0x80;
	s30 =	simm.s32 $0x10;
	v1 =	vld.idx.msk [tilespmem:v1+s9+$0x0], $0xffff  }
.LBB2_56:
0x2c4: {  	p1 =	sne.s32 s31, $0x19C0;
	v2 =	vld [tilespmem:s30+$0xD00];
	_ =	sdelay $0x3  }
.Ltmp27:
0x2c5: {  	(pc) =	sbr.rel @p1 .LBB2_56-.Ltmp27, $2  }
0x2c6: {  	[tilespmem:s29+$0x3400] =	vst v1;
	s29 =	smov.u32 s30;
	_ =	sdelay $0x2  }
0x2c7: {  	s30 =	sshra.s32 s31, $0x2;
	s31 =	sadd.s32 $0x40, s31;
	v1 =	vld.idx.msk [tilespmem:v2+s9+$0x0], $0xffff  }
0x2c8: {  	v2 =	vld [tilespmem:s30+$0xD00];
	_ =	sdelay $0x6  }
0x2c9: {  	[tilespmem:s29+$0x3400] =	vst v1  }
0x2ca: {  	v1 =	vld.idx.msk [tilespmem:v2+s9+$0x0], $0xffff;
	_ =	sdelay $0x4  }
0x2cb: {  	[tilespmem:s30+$0x3400] =	vst v1  }
0x2cc: {  	_ =	swait.ge [sflag:s23], $0x680  }
0x2cd: {  	[sflag:s23] =	ssyncset.done $0x0  }
0x2ce: {  	[sflag:s23] =	ssyncadd.s32 $0xFFFFF980  }
0x2cf: {  	[spmem:s2] =	stream.indirect.scatter.add.f32 [tilespmem:s24], [sflag:$0x9], $0x1, s17, s11, $0xb8;
	[tilespmem:$0x1F3F0] =	vst v63  }
0x2d0: {  	_ =	swait.ge [sflag:s25], $0x680  }
0x2d1: {  	s0 =	sld [smem:$0x7F7]  }
0x2d2: {  	[sflag:s25] =	ssyncset.done $0x0  }
0x2d3: {  	s29 =	simm.s32 $0x0;
	[sflag:s25] =	ssyncadd.s32 $0xFFFFF980  }
0x2d4: {  	[tilespmem:s11], [sflag:$0x2] =	stream.linear.gather [hbm4b:s0+s29], $0x680, $0x38;
	[tilespmem:$0x1F3F0] =	vst v63  }
0x2d5: {  	s0 =	sld [smem:$0x7F8];
	_ =	sdelay $0x2  }
0x2d6: {  	[tilespmem:s12], [sflag:$0x5] =	stream.linear.gather [hbm4b:s0+s29], $0x680, $0x38;
	[tilespmem:$0x1F3F0] =	vst v63  }
0x2d7: {  	_ =	swait.ge [sflag:s13], $0x680  }
0x2d8: {  	[sflag:s13] =	ssyncset.done $0x0  }
0x2d9: {  	s29 =	simm.s32 $0x0;
	[sflag:s13] =	ssyncadd.s32 $0xFFFFF980  }
0x2da: {  	v1 =	vld [tilespmem:s29+$0x0];
	_ =	sdelay $0x7  }
0x2db: {  	s31 =	simm.s32 $0x80;
	s30 =	simm.s32 $0x10;
	v1 =	vld.idx.msk [tilespmem:v1+s9+$0x0], $0xffff  }
.LBB2_58:
0x2dc: {  	p1 =	sne.s32 s31, $0x19C0;
	v2 =	vld [tilespmem:s30+$0x0];
	_ =	sdelay $0x3  }
.Ltmp28:
0x2dd: {  	(pc) =	sbr.rel @p1 .LBB2_58-.Ltmp28, $2  }
0x2de: {  	[tilespmem:s29+$0x2700] =	vst v1;
	s29 =	smov.u32 s30;
	_ =	sdelay $0x2  }
0x2df: {  	s30 =	sshra.s32 s31, $0x2;
	s31 =	sadd.s32 $0x40, s31;
	v1 =	vld.idx.msk [tilespmem:v2+s9+$0x0], $0xffff  }
0x2e0: {  	v2 =	vld [tilespmem:s30+$0x0];
	_ =	sdelay $0x6  }
0x2e1: {  	[tilespmem:s29+$0x2700] =	vst v1  }
0x2e2: {  	v1 =	vld.idx.msk [tilespmem:v2+s9+$0x0], $0xffff;
	_ =	sdelay $0x4  }
0x2e3: {  	[tilespmem:s30+$0x2700] =	vst v1  }
0x2e4: {  	_ =	swait.ge [sflag:s14], $0x680  }
0x2e5: {  	[sflag:s14] =	ssyncset.done $0x0  }
0x2e6: {  	[sflag:s14] =	ssyncadd.s32 $0xFFFFF980  }
0x2e7: {  	[spmem:s2] =	stream.indirect.scatter.add.f32 [tilespmem:s15], [sflag:$0x7], $0x1, s10, s11, $0xb8;
	[tilespmem:$0x1F3F0] =	vst v63  }
0x2e8: {  	_ =	swait.ge [sflag:s26], $0x680  }
0x2e9: {  	s0 =	sld [smem:$0x7FB]  }
0x2ea: {  	[sflag:s26] =	ssyncset.done $0x0  }
0x2eb: {  	s29 =	simm.s32 $0x0;
	[sflag:s26] =	ssyncadd.s32 $0xFFFFF980  }
0x2ec: {  	[tilespmem:s16], [sflag:$0x3] =	stream.linear.gather [hbm4b:s0+s29], $0x680, $0x38;
	[tilespmem:$0x1F3F0] =	vst v63  }
0x2ed: {  	s0 =	sld [smem:$0x7FC];
	_ =	sdelay $0x2  }
0x2ee: {  	[tilespmem:s17], [sflag:$0x6] =	stream.linear.gather [hbm4b:s0+s29], $0x680, $0x38;
	[tilespmem:$0x1F3F0] =	vst v63  }
0x2ef: {  	_ =	swait.ge [sflag:s18], $0x680  }
0x2f0: {  	[sflag:s18] =	ssyncset.done $0x0  }
0x2f1: {  	s29 =	simm.s32 $0x0;
	[sflag:s18] =	ssyncadd.s32 $0xFFFFF980  }
0x2f2: {  	v1 =	vld [tilespmem:s29+$0x680];
	_ =	sdelay $0x7  }
0x2f3: {  	s31 =	simm.s32 $0x80;
	s30 =	simm.s32 $0x10;
	v1 =	vld.idx.msk [tilespmem:v1+s9+$0x0], $0xffff  }
.LBB2_60:
0x2f4: {  	p1 =	sne.s32 s31, $0x19C0;
	v2 =	vld [tilespmem:s30+$0x680];
	_ =	sdelay $0x3  }
.Ltmp29:
0x2f5: {  	(pc) =	sbr.rel @p1 .LBB2_60-.Ltmp29, $2  }
0x2f6: {  	[tilespmem:s29+$0x2D80] =	vst v1;
	s29 =	smov.u32 s30;
	_ =	sdelay $0x2  }
0x2f7: {  	s30 =	sshra.s32 s31, $0x2;
	s31 =	sadd.s32 $0x40, s31;
	v1 =	vld.idx.msk [tilespmem:v2+s9+$0x0], $0xffff  }
0x2f8: {  	v2 =	vld [tilespmem:s30+$0x680];
	_ =	sdelay $0x6  }
0x2f9: {  	[tilespmem:s29+$0x2D80] =	vst v1  }
0x2fa: {  	v1 =	vld.idx.msk [tilespmem:v2+s9+$0x0], $0xffff;
	_ =	sdelay $0x4  }
0x2fb: {  	[tilespmem:s30+$0x2D80] =	vst v1  }
0x2fc: {  	_ =	swait.ge [sflag:s19], $0x680  }
0x2fd: {  	[sflag:s19] =	ssyncset.done $0x0  }
0x2fe: {  	[sflag:s19] =	ssyncadd.s32 $0xFFFFF980  }
0x2ff: {  	[spmem:s2] =	stream.indirect.scatter.add.f32 [tilespmem:s20], [sflag:$0x8], $0x1, s12, s11, $0xb8;
	[tilespmem:$0x1F3F0] =	vst v63  }
0x300: {  	_ =	swait.ge [sflag:s21], $0x680  }
0x301: {  	[sflag:s21] =	ssyncset.done $0x0  }
0x302: {  	[sflag:s21] =	ssyncadd.s32 $0xFFFFF980  }
0x303: {  	_ =	swait.ge [sflag:s22], $0x680  }
0x304: {  	[sflag:s22] =	ssyncset.done $0x0  }
0x305: {  	s29 =	simm.s32 $0x0;
	[sflag:s22] =	ssyncadd.s32 $0xFFFFF980  }
0x306: {  	v1 =	vld [tilespmem:s29+$0xD00];
	_ =	sdelay $0x7  }
0x307: {  	s31 =	simm.s32 $0x80;
	s30 =	simm.s32 $0x10;
	v1 =	vld.idx.msk [tilespmem:v1+s9+$0x0], $0xffff  }
.LBB2_62:
0x308: {  	p1 =	sne.s32 s31, $0x19C0;
	v2 =	vld [tilespmem:s30+$0xD00];
	_ =	sdelay $0x3  }
.Ltmp30:
0x309: {  	(pc) =	sbr.rel @p1 .LBB2_62-.Ltmp30, $2  }
0x30a: {  	[tilespmem:s29+$0x3400] =	vst v1;
	s29 =	smov.u32 s30;
	_ =	sdelay $0x2  }
0x30b: {  	s30 =	sshra.s32 s31, $0x2;
	s31 =	sadd.s32 $0x40, s31;
	v1 =	vld.idx.msk [tilespmem:v2+s9+$0x0], $0xffff  }
0x30c: {  	v2 =	vld [tilespmem:s30+$0xD00];
	_ =	sdelay $0x6  }
0x30d: {  	[tilespmem:s29+$0x3400] =	vst v1  }
0x30e: {  	v1 =	vld.idx.msk [tilespmem:v2+s9+$0x0], $0xffff;
	_ =	sdelay $0x4  }
0x30f: {  	[tilespmem:s30+$0x3400] =	vst v1  }
0x310: {  	_ =	swait.ge [sflag:s23], $0x680  }
0x311: {  	[sflag:s23] =	ssyncset.done $0x0  }
0x312: {  	[sflag:s23] =	ssyncadd.s32 $0xFFFFF980  }
0x313: {  	[spmem:s2] =	stream.indirect.scatter.add.f32 [tilespmem:s24], [sflag:$0x9], $0x1, s17, s11, $0xb8;
	[tilespmem:$0x1F3F0] =	vst v63  }
0x314: {  	_ =	swait.ge [sflag:s25], $0x680  }
0x315: {  	[sflag:s25] =	ssyncset.done $0x0  }
0x316: {  	[sflag:s25] =	ssyncadd.s32 $0xFFFFF980  }
0x317: {  	_ =	swait.ge [sflag:s26], $0x680  }
0x318: {  	s0 =	sld [smem:$0x7FD]  }
0x319: {  	[sflag:s26] =	ssyncset.done $0x0  }
0x31a: {  	s29 =	simm.s32 @!p0 $0x0;
	s30 =	simm.s32 @!p0 $0x3A80;
	[sflag:s26] =	ssyncadd.s32 $0xFFFFF980  }
0x31b: {  	[tilespmem:s30], [sflag:$0xA] =	stream.linear.gather @!p0 [hbm4b:s0+s29], $0x80, $0x38;
	[tilespmem:$0x1F3F0] =	vst v63  }
0x31c: {  	s30 =	simm.s32 @!p0 $0xA  }
0x31d: {  	_ =	swait.ge @!p0 [sflag:s30], $0x80  }
0x31e: {  	[sflag:s30] =	ssyncset.done @!p0 $0x0  }
0x31f: {  	s31 =	simm.s32 @!p0 $0x3B00;
	[sflag:s30] =	ssyncadd.s32 @!p0 $0xFFFFFF80  }
0x320: {  	[tilespmem:s31], [sflag:$0xA] =	stream.linear.gather @!p0 [hbm4b:s1+s29], $0x80, $0x38;
	[tilespmem:$0x1F3F0] =	vst v63  }
0x321: {  	_ =	swait.ge @!p0 [sflag:s30], $0x80  }
0x322: {  	[sflag:s30] =	ssyncset.done @!p0 $0x0  }
0x323: {  	[sflag:s30] =	ssyncadd.s32 @!p0 $0xFFFFFF80  }
0x324: {  	v1 =	vld @!p0 [tilespmem:$0x3A80];
	_ =	sdelay $0x5  }
0x325: {  	v2 =	vld @!p0 [tilespmem:$0x3A90]  }
0x326: {  	s29 =	simm.s32 @!p0 $0x3C00  }
0x327: {  	v1 =	vld.idx.msk @!p0 [tilespmem:v1+s29+$0x0], $0xffff;
	_ =	sdelay $0x3  }
0x328: {  	v3 =	vld @!p0 [tilespmem:$0x3AA0]  }
0x329: {  	[tilespmem:$0x3B80] =	vst @!p0 v1  }
0x32a: {  	v1 =	vld.idx.msk @!p0 [tilespmem:v2+s29+$0x0], $0xffff;
	_ =	sdelay $0x3  }
0x32b: {  	v2 =	vld @!p0 [tilespmem:$0x3AB0]  }
0x32c: {  	[tilespmem:$0x3B90] =	vst @!p0 v1  }
0x32d: {  	v1 =	vld.idx.msk @!p0 [tilespmem:v3+s29+$0x0], $0xffff;
	_ =	sdelay $0x3  }
0x32e: {  	v3 =	vld @!p0 [tilespmem:$0x3AC0]  }
0x32f: {  	[tilespmem:$0x3BA0] =	vst @!p0 v1  }
0x330: {  	v1 =	vld.idx.msk @!p0 [tilespmem:v2+s29+$0x0], $0xffff;
	_ =	sdelay $0x3  }
0x331: {  	v2 =	vld @!p0 [tilespmem:$0x3AD0]  }
0x332: {  	[tilespmem:$0x3BB0] =	vst @!p0 v1  }
0x333: {  	v1 =	vld.idx.msk @!p0 [tilespmem:v3+s29+$0x0], $0xffff;
	_ =	sdelay $0x3  }
0x334: {  	v3 =	vld @!p0 [tilespmem:$0x3AE0]  }
0x335: {  	[tilespmem:$0x3BC0] =	vst @!p0 v1  }
0x336: {  	v1 =	vld.idx.msk @!p0 [tilespmem:v2+s29+$0x0], $0xffff;
	_ =	sdelay $0x3  }
0x337: {  	v2 =	vld @!p0 [tilespmem:$0x3AF0]  }
0x338: {  	[tilespmem:$0x3BD0] =	vst @!p0 v1  }
0x339: {  	v1 =	vld.idx.msk @!p0 [tilespmem:v3+s29+$0x0], $0xffff;
	_ =	sdelay $0x4  }
0x33a: {  	[tilespmem:$0x3BE0] =	vst @!p0 v1  }
0x33b: {  	v1 =	vld.idx.msk @!p0 [tilespmem:v2+s29+$0x0], $0xffff;
	_ =	sdelay $0x4  }
0x33c: {  	s0 =	simm.s32 @!p0 $0x3B80;
	s29 =	simm.s32 @!p0 $0x80;
	[tilespmem:$0x3BF0] =	vst @!p0 v1  }
0x33d: {  	[spmem:s2] =	stream.indirect.scatter.add.f32 @!p0 [tilespmem:s0], [sflag:$0xA], $0x1, s31, s29, $0xb8;
	[tilespmem:$0x1F3F0] =	vst v63  }
0x33e: {  	_ =	swait.ge @!p0 [sflag:s30], $0x80  }
0x33f: {  	[sflag:s30] =	ssyncset.done @!p0 $0x0  }
0x340: {  	[sflag:s30] =	ssyncadd.s32 @!p0 $0xFFFFFF80  }
0x341: {  	[bflag:$0x0] =	sbarrier.arrive $0xFFFF  }
0x342: {  	[tilespmem:s7], [sflag:$0xA] =	stream.linear.gather [spmem:s5], $0x1870, $0x38;
	[tilespmem:$0x1F3F0] =	vst v63  }
0x343: {  	s28 =	sadd.s32 $0x1, s28;
	_ =	swait.ge [sflag:s8], $0x1870  }
0x344: {  	p1 =	sne.s32 s28, s6;
	[sflag:s8] =	ssyncset.done $0x0  }
.Ltmp31:
0x345: {  	s31 =	simm.s32 $0x0;
	[sflag:s8] =	ssyncadd.s32 $0xFFFFE790;
	(pc) =	sbr.rel @p1 .LBB2_1-.Ltmp31, $4  }
0x346: {  	[hbm4b:s3+s31] =	stream.linear.scatter [tilespmem:s7], [sflag:$0xA], $0x1870, $0x38;
	[tilespmem:$0x1F3F0] =	vst v63  }
0x347: {  	_ =	swait.ge [sflag:s8], $0x1870  }
0x348: {  	[sflag:s8] =	ssyncset.done $0x0  }
0x349: {  	[sflag:s8] =	ssyncadd.s32 $0xFFFFE790  }
0x34a: {  	_ =	sfence.sel $0x180000  }
0x34b: {  	[bflag:$0x0] =	sbarrier.arrive $0xFFFF  }
0x34c: {  	_ =	strace $0x9000004A  }
0x34d: {  	s0 =	stileid.u32;
	[bflag:$0x2] =	sbarrier.arrive $0xFFFF  }
0x34e: {  	p0 =	sne.s32 s0, $0x0;
	s0 =	rddreg [dreg:$0x2]  }
0x34f: {  	s0 =	sadd.s32 @!p0 $0x100000, s0  }
0x350: {  	[sflag:s0] =	ssyncadd.tile.s32 @!p0 $0x1;
	_ =	shalt  }
.Lfunc_end2:
_tile_overlayer_lowered:
.L_overlay_start_2:
0x351: {  	(tag) =	ssettag $0x2  }
0x352: {  	s0 =	rddreg [dreg:$0x0];
	s2 =	stileid.u32  }
0x353: {  	s1 =	rddreg [dreg:$0x1];
	p0 =	sne.s32 s2, $0x0  }
0x354: {  	s3 =	rddreg [dreg:$0x2];
	[bflag:$0x3] =	sbarrier.arrive $0xFFFF;
	s2 =	simm.s32 @!p0 $0x1C0A  }
0x355: {  	[timem:s3], [sflag:s2] =	dma.local @!p0 [hbm:s0], s1  }
0x356: {  	s0 =	simm.s32 @!p0 $0xA  }
0x357: {  	_ =	swait.ge @!p0 [sflag:s0], s1  }
0x358: {  	s1 =	ssub.s32 @!p0 $0x0, s1;
	[sflag:s0] =	ssyncset.done @!p0 $0x0  }
0x359: {  	[sflag:s0] =	ssyncadd.s32 @!p0 s1  }
0x35a: {  	[bflag:$0x3] =	sbarrier.arrive $0xFFFF  }
0x35b: {  	_ =	shalt  }

// kernel: kernel.8.cloned.1.call-start
scs
__scs_entry_jumppad:
0x0: {  	(pc) =	sbr.rel $0x88, $3  }
0x1: {  	(tag) =	ssettag $0x0;
	lr =	simm.s32 $0x1  }
0x2: {  	[smem:$0x3F99] =	sst lr;
	_ =	strace $0xD0000000  }
0x3: {  	_ = 	snop  }
0x4: {  	_ = 	snop  }
0x5: {  	_ = 	snop  }
0x6: {  	_ = 	snop  }
0x7: {  	_ = 	snop  }
__scs_overlays_trampoline_lowered:
0x8: {  	[smem:$0x3FA8] =	sst s0  }
0x9: {  	[smem:$0x3FA9] =	sst s1  }
0xa: {  	[smem:$0x3FAA] =	sst s2  }
0xb: {  	[smem:$0x3FAB] =	sst s3  }
0xc: {  	[smem:$0x3FAC] =	sst s4  }
0xd: {  	[smem:$0x3FAD] =	sst s5  }
0xe: {  	[smem:$0x3FAE] =	sst s6  }
0xf: {  	[smem:$0x3FAF] =	sst s7  }
0x10: {  	[smem:$0x3FB0] =	sst s8  }
0x11: {  	[smem:$0x3FB1] =	sst s9;
	s0 =	simm.s32 @!p0 $0x0  }
0x12: {  	s1 =	sld [smem:$0x3F97];
	s0 =	simm.s32 @p0 $0x1  }
0x13: {  	[smem:$0x3FB2] =	sst s0;
	s0 =	simm.s32 @!p1 $0x0  }
0x14: {  	s2 =	sld [smem:$0x3F96];
	s0 =	simm.s32 @p1 $0x1  }
0x15: {  	[smem:$0x3FB3] =	sst s0;
	s0 =	simm.s32 @!p2 $0x0  }
0x16: {  	s3 =	sld [smem:$0x3FDB];
	s0 =	simm.s32 @p2 $0x1  }
0x17: {  	s4 =	simm.s32 $0x1BF5;
	[smem:$0x3FB5] =	sst s0  }
0x18: {  	s0 =	sld [smem:$0x3F98];
	_ =	swait.ge [sflag:s4], $0x0  }
0x19: {  	s7 =	sld [smem:$0x3F99]  }
0x1a: {  	s8 =	sadd.s32 $0xFFFFE003, lr  }
0x1b: {  	s9 =	sadd.s32 $0xFFFFFEF7, lr;
	s5 =	simm.s32 $0xFFFFFFFF;
	p2 =	slt.u32 s8, $0xFFFFF086  }
0x1c: {  	p1 =	slt.u32 s9, $0xF7A;
	s5 =	simm.s32 @!p2 $0x0  }
0x1d: {  	s5 =	simm.s32 @p1 $0x1;
	p0 =	seq.s32 s7, s2  }
0x1e: {  	s7 =	smul.u32 @!p0 $0xF7A, s2;
	p2 =	seq.s32 @!p0 s5, $0x0  }
0x1f: {  	s9 =	smul.u32 $0xF7A, s1;
	s8 =	simm.s32 @!p0 $0x1BF5;
	p2 =	por !p2, p0  }
0x20: {  	[sflag:s8] =	ssyncset.s32 @!p0 $0xFFFFF086;
	s6 =	sadd.s32 @!p0 s3, s7;
	s7 =	simm.s32 @!p0 $0x108  }
0x21: {  	s3 =	sadd.s32 s3, s9;
	s6 =	sadd.s32 @!p0 $0x88, s6;
	s7 =	simm.s32 @p2 $0x1082  }
0x22: {  	[simem:s7], [sflag:s8] =	dma.local @!p0 [hbm:s6], $0xF7A  }
0x23: {  	s9 =	sor.u32 $0xD0000000, s2;
	s6 =	simm.s32 $0x108;
	_ =	swait.ge @!p0 [sflag:s8], $0x0  }
0x24: {  	s3 =	sadd.s32 $0x88, s3;
	s6 =	simm.s32 @!p1 $0x1082;
	[sflag:s4] =	ssyncset.s32 $0xFFFFF086  }
0x25: {  	[simem:s6], [sflag:s4] =	dma.local [hbm:s3], $0xF7A  }
0x26: {  	[smem:$0x3F99] =	sst s1;
	(tag) =	ssettag s2;
	_ =	strace s9  }
0x27: {  	s1 =	sld [smem:$0x3FA9]  }
0x28: {  	s2 =	sld [smem:$0x3FAA]  }
0x29: {  	s4 =	sld [smem:$0x3FAC]  }
0x2a: {  	p0 =	seq.s32 s5, $0x0;
	s5 =	sld [smem:$0x3FAD]  }
0x2b: {  	s6 =	sld [smem:$0x3FAE]  }
0x2c: {  	s7 =	sld [smem:$0x3FAF]  }
0x2d: {  	s3 =	simm.s32 $0x108;
	s8 =	sld [smem:$0x3FB0]  }
0x2e: {  	s3 =	simm.s32 @!p0 $0x1082;
	s9 =	sld [smem:$0x3FB1]  }
0x2f: {  	lr =	sadd.s32 s0, s3;
	s0 =	sld [smem:$0x3FA8]  }
0x30: {  	s3 =	sld [smem:$0x3FAB]  }
0x31: {  	[smem:$0x3FB4] =	sst s10  }
0x32: {  	s10 =	sld [smem:$0x3FB2];
	_ =	sdelay $0x3  }
0x33: {  	p0 =	seq.s32 s10, $0x1;
	s10 =	sld [smem:$0x3FB4];
	_ =	sdelay $0x3  }
0x34: {  	[smem:$0x3FB4] =	sst s10  }
0x35: {  	s10 =	sld [smem:$0x3FB3];
	_ =	sdelay $0x3  }
0x36: {  	p1 =	seq.s32 s10, $0x1;
	s10 =	sld [smem:$0x3FB4];
	_ =	sdelay $0x3  }
0x37: {  	[smem:$0x3FB4] =	sst s10  }
0x38: {  	s10 =	sld [smem:$0x3FB5]  }
0x39: {  	_ = 	snop;
	(pc) =	sbr.ind lr, $3  }
0x3a: {  	_ = 	snop  }
0x3b: {  	_ = 	snop  }
0x3c: {  	p2 =	seq.s32 s10, $0x1;
	s10 =	sld [smem:$0x3FB4]  }
0x3d: {  	_ =	shalt  }
0x3e: {  	_ =	shalt  }
0x3f: {  	_ =	shalt  }
0x40: {  	_ =	shalt  }
0x41: {  	_ =	shalt  }
0x42: {  	_ =	shalt  }
0x43: {  	_ =	shalt  }
0x44: {  	_ =	shalt  }
0x45: {  	_ =	shalt  }
0x46: {  	_ =	shalt  }
0x47: {  	_ =	shalt  }
0x48: {  	_ =	shalt  }
0x49: {  	_ =	shalt  }
0x4a: {  	_ =	shalt  }
0x4b: {  	_ =	shalt  }
0x4c: {  	_ =	shalt  }
0x4d: {  	_ =	shalt  }
0x4e: {  	_ =	shalt  }
0x4f: {  	_ =	shalt  }
0x50: {  	_ =	shalt  }
0x51: {  	_ =	shalt  }
0x52: {  	_ =	shalt  }
0x53: {  	_ =	shalt  }
0x54: {  	_ =	shalt  }
0x55: {  	_ =	shalt  }
0x56: {  	_ =	shalt  }
0x57: {  	_ =	shalt  }
0x58: {  	_ =	shalt  }
0x59: {  	_ =	shalt  }
0x5a: {  	_ =	shalt  }
0x5b: {  	_ =	shalt  }
0x5c: {  	_ =	shalt  }
0x5d: {  	_ =	shalt  }
0x5e: {  	_ =	shalt  }
0x5f: {  	_ =	shalt  }
0x60: {  	_ =	shalt  }
0x61: {  	_ =	shalt  }
0x62: {  	_ =	shalt  }
0x63: {  	_ =	shalt  }
0x64: {  	_ =	shalt  }
0x65: {  	_ =	shalt  }
0x66: {  	_ =	shalt  }
0x67: {  	_ =	shalt  }
0x68: {  	_ =	shalt  }
0x69: {  	_ =	shalt  }
0x6a: {  	_ =	shalt  }
0x6b: {  	_ =	shalt  }
0x6c: {  	_ =	shalt  }
0x6d: {  	_ =	shalt  }
0x6e: {  	_ =	shalt  }
0x6f: {  	_ =	shalt  }
0x70: {  	_ =	shalt  }
0x71: {  	_ =	shalt  }
0x72: {  	_ =	shalt  }
0x73: {  	_ =	shalt  }
0x74: {  	_ =	shalt  }
0x75: {  	_ =	shalt  }
0x76: {  	_ =	shalt  }
0x77: {  	_ =	shalt  }
0x78: {  	_ =	shalt  }
0x79: {  	_ =	shalt  }
0x7a: {  	_ =	shalt  }
0x7b: {  	_ =	shalt  }
0x7c: {  	_ =	shalt  }
0x7d: {  	_ =	shalt  }
0x7e: {  	_ =	shalt  }
0x7f: {  	_ =	shalt  }
0x80: {  	_ =	shalt  }
0x81: {  	_ =	shalt  }
0x82: {  	_ =	shalt  }
0x83: {  	_ =	shalt  }
0x84: {  	_ =	shalt  }
0x85: {  	_ =	shalt  }
0x86: {  	_ =	shalt  }
0x87: {  	_ =	shalt  }
.Lfunc_end0:
.L_simem_size_0:
called_computation_lowered:
.L_overlay_start_0:
0x88: {  	s2 =	sld [smem:$0x3FD9]  }
0x89: {  	s3 =	sld [smem:$0x3FFE];
	_ =	sdelay $0x1  }
0x8a: {  	s1 =	srdreg.scid  }
0x8b: {  	s0 =	sand.u32 $0x1, s1  }
0x8c: {  	s16 =	sshll.u32 s0, $0xA;
	s2 =	sadd.s32 s3, s2  }
0x8d: {  	s2 =	sadd.s32 s2, s16  }
0x8e: {  	[smem:$0x3FC0] =	sst s2  }
0x8f: {  	_ = 	snop  }
0x90: {  	(tm) =	ssettm $0x1  }
0x91: {  	s17 =	sld [smem:$0x3FFB];
	_ =	sdelay $0x3  }
0x92: {  	_ =	strace s17  }
0x93: {  	s2 =	sld [smem:$0x3FFC];
	_ =	sdelay $0x3  }
0x94: {  	_ =	strace s2  }
0x95: {  	s2 =	sld [smem:$0x3FFD];
	_ =	sdelay $0x3  }
0x96: {  	_ =	strace s2  }
0x97: {  	_ =	strace $0x8FFFFFFF  }
0x98: {  	s18 =	sld [smem:$0x3FDB];
	_ =	sdelay $0x1  }
0x99: {  	s19 =	simm.s32 $_scs_section_size  }
0x9a: {  	s4 =	simm.s32 $_size__tile_overlayer_lowered;
	s5 =	simm.s32 $_tile_overlayer_lowered  }
0x9b: {  	s22 =	simm.s32 $0x1BFF;
	s21 =	sshll.u32 s5, $0x1;
	s2 =	sadd.s32 s19, s18  }
0x9c: {  	s6 =	simm.s32 $0x0;
	s20 =	sshll.u32 s4, $0x1;
	s4 =	sadd.s32 s21, s2  }
0x9d: {  	[timem:s6], [sflag:s22] =	dma.local [hbm:s4], s20  }
0x9e: {  	_ =	swait.ge [sflag:s22], s20  }
0x9f: {  	s3 =	ssub.s32 $0x0, s20;
	[sflag:s22] =	ssyncset.done $0x0  }
0xa0: {  	[sflag:s22] =	ssyncadd.s32 s3;
	_ =	sdelay $0x1  }
0xa1: {  	s23 =	simm.s32 $0x1B8B  }
0xa2: {  	_ =	swait.ge [sflag:s23], $0x1  }
0xa3: {  	[sflag:s23] =	ssyncset.done $0x0  }
0xa4: {  	s25 =	simm.s32 $0x1B8E;
	s24 =	sld [smem:$0x3FFE];
	[sflag:s23] =	ssyncadd.s32 $0xFFFFFFFF  }
0xa5: {  	s26 =	simm.s32 $execute0_lowered;
	[smem:$0x3FD2] =	sst s25  }
0xa6: {  	s4 =	sshll.u32 s26, $0x1;
	_ =	strace $0x80000046;
	[dreg:$0x1] =	wrdreg $0xFFFFFFFF  }
0xa7: {  	s28 =	simm.s32 $_size_execute0_lowered;
	s2 =	sadd.s32 s2, s4;
	[dreg:$0x0] =	wrdreg $0x0  }
0xa8: {  	s4 =	sshll.u32 s28, $0x1;
	[dreg:$0x2] =	wrdreg s2  }
0xa9: {  	[dreg:$0x3] =	wrdreg s4  }
0xaa: {  	[dreg:$0x4] =	wrdreg $0xC0  }
0xab: {  	_ =	task [dreg:s6], $0x5FFFF  }
0xac: {  	[dreg:$0x1] =	wrdreg $0xFFFFFFFF  }
0xad: {  	[dreg:$0x0] =	wrdreg $0x60  }
0xae: {  	[dreg:$0x2] =	wrdreg s24  }
0xaf: {  	[dreg:$0x3] =	wrdreg $0x2C800  }
0xb0: {  	[dreg:$0x4] =	wrdreg $0x9  }
0xb1: {  	_ =	task.clear_ibuf [dreg:s6], $0x5FFFF;
	_ =	strace $0x90000046  }
0xb2: {  	s29 =	simm.s32 $0x9;
	_ =	strace $0x80000048  }
0xb3: {  	_ =	swait.ge [sflag:s29], $0x1  }
0xb4: {  	[sflag:s29] =	ssyncadd.s32 $0xFFFFFFFF  }
0xb5: {  	_ =	strace $0x90000048  }
0xb6: {  	_ =	sfence  }
0xb7: {  	s30 =	sld [smem:$0x0];
	_ =	sdelay $0x2  }
0xb8: {  	s31 =	sshll.u32 s1, $0xD;
	s1 =	sshrl.u32 s1, $0x2  }
0xb9: {  	s3 =	sand.u32 $0x4000, s31;
	s1 =	sadd.s32 s1, s30  }
0xba: {  	s0 =	sor.u32 s3, s0;
	s1 =	sshll.u32 s1, $0x11  }
0xbb: {  	s0 =	sor.u32 s1, s0  }
0xbc: {  	s0 =	sadd.s32 $0x8F2B, s0  }
0xbd: {  	[sflag:s0] =	ssyncadd.remote.s32 $0x1  }
0xbe: {  	_ =	sfence.sel $0xFFFF  }
0xbf: {  	[dreg:$0x0] =	wrdreg $0xFFFFFFFF;
	(pc) =	sbr.abs _section_cstart, $3  }
0xc0: {  	[dreg:$0x1] =	wrdreg $0xFFFFFFFF  }
0xc1: {  	_ =	task.clear_ibuf [dreg:s6], $0x2FFFF;
	_ =	strace $0x9FFFFFFF  }
0xc2: {  	(tm) =	ssettm $0x7FFFFFFF  }
0xc3: {  	_ =	shalt  }
tec
execute0_lowered:
.L_overlay_start_1:
0x0: {  	(tag) =	ssettag $0x1  }
0x1: {  	s0 =	srdreg.scid;
	s10 =	stileid.u32  }
0x2: {  	s0 =	sand.u32 $0x1, s0;
	s3 =	sshll.u32 s10, $0x1  }
0x3: {  	s6 =	sor.u32 s0, s3  }
0x4: {  	s1 =	rddreg [dreg:$0x0];
	s4 =	smul.u32 $0xC300, s6  }
0x5: {  	s2 =	rddreg [dreg:$0x1];
	s7 =	sadd.s32 $0x32C00, s1;
	s9 =	smul.u32 $0x1870, s10  }
0x6: {  	s3 =	simm.s32 $0x0;
	s5 =	ssub.s32 $0x2, s0;
	s4 =	sshrl.u32 s4, $0x3  }
0x7: {  	p0 =	seq.s32 s0, $0x1;
	s0 =	simm.s32 $0x66C00;
	s4 =	sadd.s32 s7, s4  }
0x8: {  	[smem:$0x7FF] =	sst s3;
	s8 =	sshrl.u32 s5, $0x1;
	s11 =	sadd.s32 $0xD0, s4  }
0x9: {  	_ =	strace $0x80000047;
	s26 =	sadd.s32 $0x1A0, s4;
	[dreg:$0x3] =	wrdreg s11  }
0xa: {  	s6 =	sshll.u32 s6, $0x4;
	s12 =	sadd.s32 $0x270, s4;
	[dreg:$0x4] =	wrdreg s26  }
0xb: {  	s0 =	simm.s32 @!p0 $0x63A00;
	s13 =	sadd.s32 $0x340, s4;
	[dreg:$0x5] =	wrdreg s12  }
0xc: {  	p0 =	sgt.u32 s10, $0x9;
	s14 =	sadd.s32 $0x410, s4;
	[dreg:$0x6] =	wrdreg s13  }
0xd: {  	s8 =	ssub.s32 s5, s8;
	s15 =	sadd.s32 $0x4E0, s4;
	[dreg:$0x7] =	wrdreg s14  }
0xe: {  	s5 =	sadd.s32 s9, s2;
	s16 =	sadd.s32 $0x5B0, s4;
	[dreg:$0x8] =	wrdreg s15  }
0xf: {  	s6 =	sadd.s32 s6, s7;
	s17 =	sadd.s32 $0x680, s4;
	[dreg:$0x9] =	wrdreg s16  }
0x10: {  	s0 =	sadd.s32 s0, s1;
	s18 =	sadd.s32 $0x750, s4;
	[dreg:$0xa] =	wrdreg s17  }
0x11: {  	s19 =	sadd.s32 $0x820, s4;
	s20 =	sadd.s32 $0x8F0, s4;
	[dreg:$0xb] =	wrdreg s18  }
0x12: {  	s21 =	sadd.s32 $0x9C0, s4;
	s22 =	sadd.s32 $0xA90, s4;
	[dreg:$0xc] =	wrdreg s19  }
0x13: {  	s23 =	sadd.s32 $0xB60, s4;
	s24 =	sadd.s32 $0xC30, s4;
	[dreg:$0xd] =	wrdreg s20  }
0x14: {  	s25 =	sadd.s32 $0xD00, s4;
	s28 =	sadd.s32 $0xF70, s4;
	[dreg:$0xe] =	wrdreg s21  }
0x15: {  	s29 =	sadd.s32 $0x1040, s4;
	s30 =	sadd.s32 $0x1110, s4;
	[dreg:$0xf] =	wrdreg s22  }
0x16: {  	s31 =	sadd.s32 $0x11E0, s4;
	s1 =	sadd.s32 $0x12B0, s4;
	[dreg:$0x10] =	wrdreg s23  }
0x17: {  	s7 =	sadd.s32 $0x1520, s4;
	s10 =	sadd.s32 $0x1790, s4;
	[dreg:$0x11] =	wrdreg s24  }
0x18: {  	[dreg:$0x12] =	wrdreg s25;
	s26 =	sshrl.u32 s9, $0x3;
	s23 =	sadd.s32 $0xDD0, s4  }
0x19: {  	s24 =	sadd.s32 $0x30C00, s6;
	s25 =	smax.u32 s8, $0x1;
	s6 =	sadd.s32 $0x1450, s4  }
0x1a: {  	s8 =	sadd.s32 $0x15F0, s4;
	s9 =	sadd.s32 $0x16C0, s4;
	s11 =	simm.s32 $0x1400  }
0x1b: {  	s12 =	simm.s32 $0x3;
	s13 =	simm.s32 $0x680;
	s14 =	simm.s32 $0x1  }
0x1c: {  	s15 =	simm.s32 $0xD80;
	s16 =	simm.s32 $0x2;
	s17 =	simm.s32 $0x0  }
0x1d: {  	v0 =	vimm.f32 $1.000000000e+00;
	v1 =	vimm.f32 $0.0e+00;
	s22 =	sadd.s32 s0, s26;
	s26 =	sadd.s32 $0xEA0, s4;
	s0 =	sadd.s32 $0x1380, s4  }
.LBB2_1:
0x1e: {  	s18 =	simm.s32 $0x0  }
.LBB2_2:
0x1f: {  	p1 =	sne.s32 s18, $0x19C0  }
.Ltmp0:
0x20: {  	_ = 	snop;
	(pc) =	sbr.rel @p1 .LBB2_2-.Ltmp0, $3  }
0x21: {  	_ =	sdelay $0x1  }
0x22: {  	s19 =	sshra.s32 s18, $0x2  }
0x23: {  	s18 =	sadd.s32 $0x40, s18;
	[tilespmem:s19+$0xD80] =	vst v0  }
0x24: {  	s18 =	simm.s32 $0x40;
	s19 =	simm.s32 $0x0  }
.LBB2_4:
0x25: {  	p1 =	sne.s32 s18, $0x6180;
	[tilespmem:s19+$0x1400] =	vst v1;
	s19 =	smov.u32 s18;
	s18 =	sadd.s32 $0x40, s18  }
.Ltmp1:
0x26: {  	(pc) =	sbr.rel @p1 .LBB2_4-.Ltmp1, $2  }
0x27: {  	_ =	sdelay $0x2  }
0x28: {  	s19 =	sshra.s32 s19, $0x2  }
0x29: {  	[tilespmem:s19+$0x1400] =	vst v1  }
0x2a: {  	[spmem:s5] =	stream.linear.scatter [tilespmem:s11], [sflag:$0x3], $0x1870, $0x38;
	[tilespmem:$0x44F0] =	vst v63  }
0x2b: {  	_ =	swait.ge [sflag:s12], $0x1870  }
0x2c: {  	[sflag:s12] =	ssyncset.done $0x0  }
0x2d: {  	[sflag:s12] =	ssyncadd.s32 $0xFFFFE790  }
0x2e: {  	[bflag:$0x0] =	sbarrier.arrive $0xFFFF  }
0x2f: {  	[tilespmem:s3], [sflag:$0x1] =	stream.linear.gather [hbm4b:s4+s3], $0x680, $0x38;
	[tilespmem:$0x44F0] =	vst v63  }
0x30: {  	s18 =	rddreg [dreg:$0x3]  }
0x31: {  	[tilespmem:s13], [sflag:$0x2] =	stream.linear.gather [hbm4b:s18+s3], $0x680, $0x38;
	[tilespmem:$0x44F0] =	vst v63  }
0x32: {  	_ =	swait.ge [sflag:s14], $0x680  }
0x33: {  	[sflag:s14] =	ssyncset.done $0x0  }
0x34: {  	[sflag:s14] =	ssyncadd.s32 $0xFFFFF980  }
0x35: {  	[spmem:s2] =	stream.indirect.scatter.add.f32 [tilespmem:s15], [sflag:$0x3], $0x1, s3, s13, $0xb8;
	[tilespmem:$0x44F0] =	vst v63  }
0x36: {  	_ =	swait.ge [sflag:s12], $0x680  }
0x37: {  	[sflag:s12] =	ssyncset.done $0x0  }
0x38: {  	s19 =	rddreg [dreg:$0x4];
	[sflag:s12] =	ssyncadd.s32 $0xFFFFF980  }
0x39: {  	[tilespmem:s3], [sflag:$0x1] =	stream.linear.gather [hbm4b:s19+s3], $0x680, $0x38;
	[tilespmem:$0x44F0] =	vst v63  }
0x3a: {  	_ =	swait.ge [sflag:s16], $0x680  }
0x3b: {  	[sflag:s16] =	ssyncset.done $0x0  }
0x3c: {  	[sflag:s16] =	ssyncadd.s32 $0xFFFFF980  }
0x3d: {  	[spmem:s2] =	stream.indirect.scatter.add.f32 [tilespmem:s15], [sflag:$0x3], $0x1, s13, s13, $0xb8;
	[tilespmem:$0x44F0] =	vst v63  }
0x3e: {  	_ =	swait.ge [sflag:s12], $0x680  }
0x3f: {  	[sflag:s12] =	ssyncset.done $0x0  }
0x40: {  	s20 =	rddreg [dreg:$0x5];
	[sflag:s12] =	ssyncadd.s32 $0xFFFFF980  }
0x41: {  	[tilespmem:s13], [sflag:$0x2] =	stream.linear.gather [hbm4b:s20+s3], $0x680, $0x38;
	[tilespmem:$0x44F0] =	vst v63  }
0x42: {  	_ =	swait.ge [sflag:s14], $0x680  }
0x43: {  	[sflag:s14] =	ssyncset.done $0x0  }
0x44: {  	[sflag:s14] =	ssyncadd.s32 $0xFFFFF980  }
0x45: {  	[spmem:s2] =	stream.indirect.scatter.add.f32 [tilespmem:s15], [sflag:$0x3], $0x1, s3, s13, $0xb8;
	[tilespmem:$0x44F0] =	vst v63  }
0x46: {  	_ =	swait.ge [sflag:s12], $0x680  }
0x47: {  	[sflag:s12] =	ssyncset.done $0x0  }
0x48: {  	s21 =	rddreg [dreg:$0x6];
	[sflag:s12] =	ssyncadd.s32 $0xFFFFF980  }
0x49: {  	[tilespmem:s3], [sflag:$0x1] =	stream.linear.gather [hbm4b:s21+s3], $0x680, $0x38;
	[tilespmem:$0x44F0] =	vst v63  }
0x4a: {  	_ =	swait.ge [sflag:s16], $0x680  }
0x4b: {  	[sflag:s16] =	ssyncset.done $0x0  }
0x4c: {  	[sflag:s16] =	ssyncadd.s32 $0xFFFFF980  }
0x4d: {  	[spmem:s2] =	stream.indirect.scatter.add.f32 [tilespmem:s15], [sflag:$0x3], $0x1, s13, s13, $0xb8;
	[tilespmem:$0x44F0] =	vst v63  }
0x4e: {  	_ =	swait.ge [sflag:s12], $0x680  }
0x4f: {  	[sflag:s12] =	ssyncset.done $0x0  }
0x50: {  	s19 =	rddreg [dreg:$0x7];
	[sflag:s12] =	ssyncadd.s32 $0xFFFFF980  }
0x51: {  	[tilespmem:s13], [sflag:$0x2] =	stream.linear.gather [hbm4b:s19+s3], $0x680, $0x38;
	[tilespmem:$0x44F0] =	vst v63  }
0x52: {  	_ =	swait.ge [sflag:s14], $0x680  }
0x53: {  	[sflag:s14] =	ssyncset.done $0x0  }
0x54: {  	[sflag:s14] =	ssyncadd.s32 $0xFFFFF980  }
0x55: {  	[spmem:s2] =	stream.indirect.scatter.add.f32 [tilespmem:s15], [sflag:$0x3], $0x1, s3, s13, $0xb8;
	[tilespmem:$0x44F0] =	vst v63  }
0x56: {  	_ =	swait.ge [sflag:s12], $0x680  }
0x57: {  	[sflag:s12] =	ssyncset.done $0x0  }
0x58: {  	s20 =	rddreg [dreg:$0x8];
	[sflag:s12] =	ssyncadd.s32 $0xFFFFF980  }
0x59: {  	[tilespmem:s3], [sflag:$0x1] =	stream.linear.gather [hbm4b:s20+s3], $0x680, $0x38;
	[tilespmem:$0x44F0] =	vst v63  }
0x5a: {  	_ =	swait.ge [sflag:s16], $0x680  }
0x5b: {  	[sflag:s16] =	ssyncset.done $0x0  }
0x5c: {  	[sflag:s16] =	ssyncadd.s32 $0xFFFFF980  }
0x5d: {  	[spmem:s2] =	stream.indirect.scatter.add.f32 [tilespmem:s15], [sflag:$0x3], $0x1, s13, s13, $0xb8;
	[tilespmem:$0x44F0] =	vst v63  }
0x5e: {  	_ =	swait.ge [sflag:s12], $0x680  }
0x5f: {  	[sflag:s12] =	ssyncset.done $0x0  }
0x60: {  	s21 =	rddreg [dreg:$0x9];
	[sflag:s12] =	ssyncadd.s32 $0xFFFFF980  }
0x61: {  	[tilespmem:s13], [sflag:$0x2] =	stream.linear.gather [hbm4b:s21+s3], $0x680, $0x38;
	[tilespmem:$0x44F0] =	vst v63  }
0x62: {  	_ =	swait.ge [sflag:s14], $0x680  }
0x63: {  	[sflag:s14] =	ssyncset.done $0x0  }
0x64: {  	[sflag:s14] =	ssyncadd.s32 $0xFFFFF980  }
0x65: {  	[spmem:s2] =	stream.indirect.scatter.add.f32 [tilespmem:s15], [sflag:$0x3], $0x1, s3, s13, $0xb8;
	[tilespmem:$0x44F0] =	vst v63  }
0x66: {  	_ =	swait.ge [sflag:s12], $0x680  }
0x67: {  	[sflag:s12] =	ssyncset.done $0x0  }
0x68: {  	s19 =	rddreg [dreg:$0xa];
	[sflag:s12] =	ssyncadd.s32 $0xFFFFF980  }
0x69: {  	[tilespmem:s3], [sflag:$0x1] =	stream.linear.gather [hbm4b:s19+s3], $0x680, $0x38;
	[tilespmem:$0x44F0] =	vst v63  }
0x6a: {  	_ =	swait.ge [sflag:s16], $0x680  }
0x6b: {  	[sflag:s16] =	ssyncset.done $0x0  }
0x6c: {  	[sflag:s16] =	ssyncadd.s32 $0xFFFFF980  }
0x6d: {  	[spmem:s2] =	stream.indirect.scatter.add.f32 [tilespmem:s15], [sflag:$0x3], $0x1, s13, s13, $0xb8;
	[tilespmem:$0x44F0] =	vst v63  }
0x6e: {  	_ =	swait.ge [sflag:s12], $0x680  }
0x6f: {  	[sflag:s12] =	ssyncset.done $0x0  }
0x70: {  	s20 =	rddreg [dreg:$0xb];
	[sflag:s12] =	ssyncadd.s32 $0xFFFFF980  }
0x71: {  	[tilespmem:s13], [sflag:$0x2] =	stream.linear.gather [hbm4b:s20+s3], $0x680, $0x38;
	[tilespmem:$0x44F0] =	vst v63  }
0x72: {  	_ =	swait.ge [sflag:s14], $0x680  }
0x73: {  	[sflag:s14] =	ssyncset.done $0x0  }
0x74: {  	[sflag:s14] =	ssyncadd.s32 $0xFFFFF980  }
0x75: {  	[spmem:s2] =	stream.indirect.scatter.add.f32 [tilespmem:s15], [sflag:$0x3], $0x1, s3, s13, $0xb8;
	[tilespmem:$0x44F0] =	vst v63  }
0x76: {  	_ =	swait.ge [sflag:s12], $0x680  }
0x77: {  	[sflag:s12] =	ssyncset.done $0x0  }
0x78: {  	s21 =	rddreg [dreg:$0xc];
	[sflag:s12] =	ssyncadd.s32 $0xFFFFF980  }
0x79: {  	[tilespmem:s3], [sflag:$0x1] =	stream.linear.gather [hbm4b:s21+s3], $0x680, $0x38;
	[tilespmem:$0x44F0] =	vst v63  }
0x7a: {  	_ =	swait.ge [sflag:s16], $0x680  }
0x7b: {  	[sflag:s16] =	ssyncset.done $0x0  }
0x7c: {  	[sflag:s16] =	ssyncadd.s32 $0xFFFFF980  }
0x7d: {  	[spmem:s2] =	stream.indirect.scatter.add.f32 [tilespmem:s15], [sflag:$0x3], $0x1, s13, s13, $0xb8;
	[tilespmem:$0x44F0] =	vst v63  }
0x7e: {  	_ =	swait.ge [sflag:s12], $0x680  }
0x7f: {  	[sflag:s12] =	ssyncset.done $0x0  }
0x80: {  	s19 =	rddreg [dreg:$0xd];
	[sflag:s12] =	ssyncadd.s32 $0xFFFFF980  }
0x81: {  	[tilespmem:s13], [sflag:$0x2] =	stream.linear.gather [hbm4b:s19+s3], $0x680, $0x38;
	[tilespmem:$0x44F0] =	vst v63  }
0x82: {  	_ =	swait.ge [sflag:s14], $0x680  }
0x83: {  	[sflag:s14] =	ssyncset.done $0x0  }
0x84: {  	[sflag:s14] =	ssyncadd.s32 $0xFFFFF980  }
0x85: {  	[spmem:s2] =	stream.indirect.scatter.add.f32 [tilespmem:s15], [sflag:$0x3], $0x1, s3, s13, $0xb8;
	[tilespmem:$0x44F0] =	vst v63  }
0x86: {  	_ =	swait.ge [sflag:s12], $0x680  }
0x87: {  	[sflag:s12] =	ssyncset.done $0x0  }
0x88: {  	s20 =	rddreg [dreg:$0xe];
	[sflag:s12] =	ssyncadd.s32 $0xFFFFF980  }
0x89: {  	[tilespmem:s3], [sflag:$0x1] =	stream.linear.gather [hbm4b:s20+s3], $0x680, $0x38;
	[tilespmem:$0x44F0] =	vst v63  }
0x8a: {  	_ =	swait.ge [sflag:s16], $0x680  }
0x8b: {  	[sflag:s16] =	ssyncset.done $0x0  }
0x8c: {  	[sflag:s16] =	ssyncadd.s32 $0xFFFFF980  }
0x8d: {  	[spmem:s2] =	stream.indirect.scatter.add.f32 [tilespmem:s15], [sflag:$0x3], $0x1, s13, s13, $0xb8;
	[tilespmem:$0x44F0] =	vst v63  }
0x8e: {  	_ =	swait.ge [sflag:s12], $0x680  }
0x8f: {  	[sflag:s12] =	ssyncset.done $0x0  }
0x90: {  	s21 =	rddreg [dreg:$0xf];
	[sflag:s12] =	ssyncadd.s32 $0xFFFFF980  }
0x91: {  	[tilespmem:s13], [sflag:$0x2] =	stream.linear.gather [hbm4b:s21+s3], $0x680, $0x38;
	[tilespmem:$0x44F0] =	vst v63  }
0x92: {  	_ =	swait.ge [sflag:s14], $0x680  }
0x93: {  	[sflag:s14] =	ssyncset.done $0x0  }
0x94: {  	[sflag:s14] =	ssyncadd.s32 $0xFFFFF980  }
0x95: {  	[spmem:s2] =	stream.indirect.scatter.add.f32 [tilespmem:s15], [sflag:$0x3], $0x1, s3, s13, $0xb8;
	[tilespmem:$0x44F0] =	vst v63  }
0x96: {  	_ =	swait.ge [sflag:s12], $0x680  }
0x97: {  	[sflag:s12] =	ssyncset.done $0x0  }
0x98: {  	s19 =	rddreg [dreg:$0x10];
	[sflag:s12] =	ssyncadd.s32 $0xFFFFF980  }
0x99: {  	[tilespmem:s3], [sflag:$0x1] =	stream.linear.gather [hbm4b:s19+s3], $0x680, $0x38;
	[tilespmem:$0x44F0] =	vst v63  }
0x9a: {  	_ =	swait.ge [sflag:s16], $0x680  }
0x9b: {  	[sflag:s16] =	ssyncset.done $0x0  }
0x9c: {  	[sflag:s16] =	ssyncadd.s32 $0xFFFFF980  }
0x9d: {  	[spmem:s2] =	stream.indirect.scatter.add.f32 [tilespmem:s15], [sflag:$0x3], $0x1, s13, s13, $0xb8;
	[tilespmem:$0x44F0] =	vst v63  }
0x9e: {  	_ =	swait.ge [sflag:s12], $0x680  }
0x9f: {  	[sflag:s12] =	ssyncset.done $0x0  }
0xa0: {  	s20 =	rddreg [dreg:$0x11];
	[sflag:s12] =	ssyncadd.s32 $0xFFFFF980  }
0xa1: {  	[tilespmem:s13], [sflag:$0x2] =	stream.linear.gather [hbm4b:s20+s3], $0x680, $0x38;
	[tilespmem:$0x44F0] =	vst v63  }
0xa2: {  	_ =	swait.ge [sflag:s14], $0x680  }
0xa3: {  	[sflag:s14] =	ssyncset.done $0x0  }
0xa4: {  	[sflag:s14] =	ssyncadd.s32 $0xFFFFF980  }
0xa5: {  	[spmem:s2] =	stream.indirect.scatter.add.f32 [tilespmem:s15], [sflag:$0x3], $0x1, s3, s13, $0xb8;
	[tilespmem:$0x44F0] =	vst v63  }
0xa6: {  	_ =	swait.ge [sflag:s12], $0x680  }
0xa7: {  	[sflag:s12] =	ssyncset.done $0x0  }
0xa8: {  	s21 =	rddreg [dreg:$0x12];
	[sflag:s12] =	ssyncadd.s32 $0xFFFFF980  }
0xa9: {  	[tilespmem:s3], [sflag:$0x1] =	stream.linear.gather [hbm4b:s21+s3], $0x680, $0x38;
	[tilespmem:$0x44F0] =	vst v63  }
0xaa: {  	_ =	swait.ge [sflag:s16], $0x680  }
0xab: {  	[sflag:s16] =	ssyncset.done $0x0  }
0xac: {  	[sflag:s16] =	ssyncadd.s32 $0xFFFFF980  }
0xad: {  	[spmem:s2] =	stream.indirect.scatter.add.f32 [tilespmem:s15], [sflag:$0x3], $0x1, s13, s13, $0xb8;
	[tilespmem:$0x44F0] =	vst v63  }
0xae: {  	_ =	swait.ge [sflag:s12], $0x680  }
0xaf: {  	[sflag:s12] =	ssyncset.done $0x0  }
0xb0: {  	[sflag:s12] =	ssyncadd.s32 $0xFFFFF980  }
0xb1: {  	[tilespmem:s13], [sflag:$0x2] =	stream.linear.gather [hbm4b:s23+s3], $0x680, $0x38;
	[tilespmem:$0x44F0] =	vst v63  }
0xb2: {  	_ =	swait.ge [sflag:s14], $0x680  }
0xb3: {  	[sflag:s14] =	ssyncset.done $0x0  }
0xb4: {  	[sflag:s14] =	ssyncadd.s32 $0xFFFFF980  }
0xb5: {  	[spmem:s2] =	stream.indirect.scatter.add.f32 [tilespmem:s15], [sflag:$0x3], $0x1, s3, s13, $0xb8;
	[tilespmem:$0x44F0] =	vst v63  }
0xb6: {  	_ =	swait.ge [sflag:s12], $0x680  }
0xb7: {  	[sflag:s12] =	ssyncset.done $0x0  }
0xb8: {  	[sflag:s12] =	ssyncadd.s32 $0xFFFFF980  }
0xb9: {  	[tilespmem:s3], [sflag:$0x1] =	stream.linear.gather [hbm4b:s26+s3], $0x680, $0x38;
	[tilespmem:$0x44F0] =	vst v63  }
0xba: {  	_ =	swait.ge [sflag:s16], $0x680  }
0xbb: {  	[sflag:s16] =	ssyncset.done $0x0  }
0xbc: {  	[sflag:s16] =	ssyncadd.s32 $0xFFFFF980  }
0xbd: {  	[spmem:s2] =	stream.indirect.scatter.add.f32 [tilespmem:s15], [sflag:$0x3], $0x1, s13, s13, $0xb8;
	[tilespmem:$0x44F0] =	vst v63  }
0xbe: {  	_ =	swait.ge [sflag:s12], $0x680  }
0xbf: {  	[sflag:s12] =	ssyncset.done $0x0  }
0xc0: {  	[sflag:s12] =	ssyncadd.s32 $0xFFFFF980  }
0xc1: {  	[tilespmem:s13], [sflag:$0x2] =	stream.linear.gather [hbm4b:s28+s3], $0x680, $0x38;
	[tilespmem:$0x44F0] =	vst v63  }
0xc2: {  	_ =	swait.ge [sflag:s14], $0x680  }
0xc3: {  	[sflag:s14] =	ssyncset.done $0x0  }
0xc4: {  	[sflag:s14] =	ssyncadd.s32 $0xFFFFF980  }
0xc5: {  	[spmem:s2] =	stream.indirect.scatter.add.f32 [tilespmem:s15], [sflag:$0x3], $0x1, s3, s13, $0xb8;
	[tilespmem:$0x44F0] =	vst v63  }
0xc6: {  	_ =	swait.ge [sflag:s12], $0x680  }
0xc7: {  	[sflag:s12] =	ssyncset.done $0x0  }
0xc8: {  	[sflag:s12] =	ssyncadd.s32 $0xFFFFF980  }
0xc9: {  	[tilespmem:s3], [sflag:$0x1] =	stream.linear.gather [hbm4b:s29+s3], $0x680, $0x38;
	[tilespmem:$0x44F0] =	vst v63  }
0xca: {  	_ =	swait.ge [sflag:s16], $0x680  }
0xcb: {  	[sflag:s16] =	ssyncset.done $0x0  }
0xcc: {  	[sflag:s16] =	ssyncadd.s32 $0xFFFFF980  }
0xcd: {  	[spmem:s2] =	stream.indirect.scatter.add.f32 [tilespmem:s15], [sflag:$0x3], $0x1, s13, s13, $0xb8;
	[tilespmem:$0x44F0] =	vst v63  }
0xce: {  	_ =	swait.ge [sflag:s12], $0x680  }
0xcf: {  	[sflag:s12] =	ssyncset.done $0x0  }
0xd0: {  	[sflag:s12] =	ssyncadd.s32 $0xFFFFF980  }
0xd1: {  	[tilespmem:s13], [sflag:$0x2] =	stream.linear.gather [hbm4b:s30+s3], $0x680, $0x38;
	[tilespmem:$0x44F0] =	vst v63  }
0xd2: {  	_ =	swait.ge [sflag:s14], $0x680  }
0xd3: {  	[sflag:s14] =	ssyncset.done $0x0  }
0xd4: {  	[sflag:s14] =	ssyncadd.s32 $0xFFFFF980  }
0xd5: {  	[spmem:s2] =	stream.indirect.scatter.add.f32 [tilespmem:s15], [sflag:$0x3], $0x1, s3, s13, $0xb8;
	[tilespmem:$0x44F0] =	vst v63  }
0xd6: {  	_ =	swait.ge [sflag:s12], $0x680  }
0xd7: {  	[sflag:s12] =	ssyncset.done $0x0  }
0xd8: {  	[sflag:s12] =	ssyncadd.s32 $0xFFFFF980  }
0xd9: {  	[tilespmem:s3], [sflag:$0x1] =	stream.linear.gather [hbm4b:s31+s3], $0x680, $0x38;
	[tilespmem:$0x44F0] =	vst v63  }
0xda: {  	_ =	swait.ge [sflag:s16], $0x680  }
0xdb: {  	[sflag:s16] =	ssyncset.done $0x0  }
0xdc: {  	[sflag:s16] =	ssyncadd.s32 $0xFFFFF980  }
0xdd: {  	[spmem:s2] =	stream.indirect.scatter.add.f32 [tilespmem:s15], [sflag:$0x3], $0x1, s13, s13, $0xb8;
	[tilespmem:$0x44F0] =	vst v63  }
0xde: {  	_ =	swait.ge [sflag:s12], $0x680  }
0xdf: {  	[sflag:s12] =	ssyncset.done $0x0  }
0xe0: {  	[sflag:s12] =	ssyncadd.s32 $0xFFFFF980  }
0xe1: {  	[tilespmem:s13], [sflag:$0x2] =	stream.linear.gather [hbm4b:s1+s3], $0x680, $0x38;
	[tilespmem:$0x44F0] =	vst v63  }
0xe2: {  	_ =	swait.ge [sflag:s14], $0x680  }
0xe3: {  	[sflag:s14] =	ssyncset.done $0x0  }
0xe4: {  	[sflag:s14] =	ssyncadd.s32 $0xFFFFF980  }
0xe5: {  	[spmem:s2] =	stream.indirect.scatter.add.f32 [tilespmem:s15], [sflag:$0x3], $0x1, s3, s13, $0xb8;
	[tilespmem:$0x44F0] =	vst v63  }
0xe6: {  	_ =	swait.ge [sflag:s12], $0x680  }
0xe7: {  	[sflag:s12] =	ssyncset.done $0x0  }
0xe8: {  	[sflag:s12] =	ssyncadd.s32 $0xFFFFF980  }
0xe9: {  	[tilespmem:s3], [sflag:$0x1] =	stream.linear.gather [hbm4b:s0+s3], $0x680, $0x38;
	[tilespmem:$0x44F0] =	vst v63  }
0xea: {  	_ =	swait.ge [sflag:s16], $0x680  }
0xeb: {  	[sflag:s16] =	ssyncset.done $0x0  }
0xec: {  	[sflag:s16] =	ssyncadd.s32 $0xFFFFF980  }
0xed: {  	[spmem:s2] =	stream.indirect.scatter.add.f32 [tilespmem:s15], [sflag:$0x3], $0x1, s13, s13, $0xb8;
	[tilespmem:$0x44F0] =	vst v63  }
0xee: {  	_ =	swait.ge [sflag:s12], $0x680  }
0xef: {  	[sflag:s12] =	ssyncset.done $0x0  }
0xf0: {  	[sflag:s12] =	ssyncadd.s32 $0xFFFFF980  }
0xf1: {  	[tilespmem:s13], [sflag:$0x2] =	stream.linear.gather [hbm4b:s6+s3], $0x680, $0x38;
	[tilespmem:$0x44F0] =	vst v63  }
0xf2: {  	_ =	swait.ge [sflag:s14], $0x680  }
0xf3: {  	[sflag:s14] =	ssyncset.done $0x0  }
0xf4: {  	[sflag:s14] =	ssyncadd.s32 $0xFFFFF980  }
0xf5: {  	[spmem:s2] =	stream.indirect.scatter.add.f32 [tilespmem:s15], [sflag:$0x3], $0x1, s3, s13, $0xb8;
	[tilespmem:$0x44F0] =	vst v63  }
0xf6: {  	_ =	swait.ge [sflag:s12], $0x680  }
0xf7: {  	[sflag:s12] =	ssyncset.done $0x0  }
0xf8: {  	[sflag:s12] =	ssyncadd.s32 $0xFFFFF980  }
0xf9: {  	[tilespmem:s3], [sflag:$0x1] =	stream.linear.gather [hbm4b:s7+s3], $0x680, $0x38;
	[tilespmem:$0x44F0] =	vst v63  }
0xfa: {  	_ =	swait.ge [sflag:s16], $0x680  }
0xfb: {  	[sflag:s16] =	ssyncset.done $0x0  }
0xfc: {  	[sflag:s16] =	ssyncadd.s32 $0xFFFFF980  }
0xfd: {  	[spmem:s2] =	stream.indirect.scatter.add.f32 [tilespmem:s15], [sflag:$0x3], $0x1, s13, s13, $0xb8;
	[tilespmem:$0x44F0] =	vst v63  }
0xfe: {  	_ =	swait.ge [sflag:s12], $0x680  }
0xff: {  	[sflag:s12] =	ssyncset.done $0x0  }
0x100: {  	[sflag:s12] =	ssyncadd.s32 $0xFFFFF980  }
0x101: {  	[tilespmem:s13], [sflag:$0x2] =	stream.linear.gather [hbm4b:s8+s3], $0x680, $0x38;
	[tilespmem:$0x44F0] =	vst v63  }
0x102: {  	_ =	swait.ge [sflag:s14], $0x680  }
0x103: {  	[sflag:s14] =	ssyncset.done $0x0  }
0x104: {  	[sflag:s14] =	ssyncadd.s32 $0xFFFFF980  }
0x105: {  	[spmem:s2] =	stream.indirect.scatter.add.f32 [tilespmem:s15], [sflag:$0x3], $0x1, s3, s13, $0xb8;
	[tilespmem:$0x44F0] =	vst v63  }
0x106: {  	_ =	swait.ge [sflag:s12], $0x680  }
0x107: {  	[sflag:s12] =	ssyncset.done $0x0  }
0x108: {  	[sflag:s12] =	ssyncadd.s32 $0xFFFFF980  }
0x109: {  	[tilespmem:s3], [sflag:$0x1] =	stream.linear.gather [hbm4b:s9+s3], $0x680, $0x38;
	[tilespmem:$0x44F0] =	vst v63  }
0x10a: {  	_ =	swait.ge [sflag:s16], $0x680  }
0x10b: {  	[sflag:s16] =	ssyncset.done $0x0  }
0x10c: {  	[sflag:s16] =	ssyncadd.s32 $0xFFFFF980  }
0x10d: {  	[spmem:s2] =	stream.indirect.scatter.add.f32 [tilespmem:s15], [sflag:$0x3], $0x1, s13, s13, $0xb8;
	[tilespmem:$0x44F0] =	vst v63  }
0x10e: {  	_ =	swait.ge [sflag:s12], $0x680  }
0x10f: {  	[sflag:s12] =	ssyncset.done $0x0  }
0x110: {  	[sflag:s12] =	ssyncadd.s32 $0xFFFFF980  }
0x111: {  	[tilespmem:s13], [sflag:$0x2] =	stream.linear.gather [hbm4b:s10+s3], $0x680, $0x38;
	[tilespmem:$0x44F0] =	vst v63  }
0x112: {  	_ =	swait.ge [sflag:s14], $0x680  }
0x113: {  	[sflag:s14] =	ssyncset.done $0x0  }
0x114: {  	[sflag:s14] =	ssyncadd.s32 $0xFFFFF980  }
0x115: {  	[spmem:s2] =	stream.indirect.scatter.add.f32 [tilespmem:s15], [sflag:$0x3], $0x1, s3, s13, $0xb8;
	[tilespmem:$0x44F0] =	vst v63  }
0x116: {  	_ =	swait.ge [sflag:s12], $0x680  }
0x117: {  	[sflag:s12] =	ssyncset.done $0x0  }
0x118: {  	[sflag:s12] =	ssyncadd.s32 $0xFFFFF980  }
0x119: {  	_ =	swait.ge [sflag:s16], $0x680  }
0x11a: {  	[sflag:s16] =	ssyncset.done $0x0  }
0x11b: {  	[sflag:s16] =	ssyncadd.s32 $0xFFFFF980  }
0x11c: {  	[spmem:s2] =	stream.indirect.scatter.add.f32 [tilespmem:s15], [sflag:$0x3], $0x1, s13, s13, $0xb8;
	[tilespmem:$0x44F0] =	vst v63  }
0x11d: {  	_ =	swait.ge [sflag:s12], $0x680  }
0x11e: {  	[sflag:s12] =	ssyncset.done $0x0  }
0x11f: {  	s18 =	simm.s32 @!p0 $0x0;
	s19 =	simm.s32 @!p0 $0xD00;
	[sflag:s12] =	ssyncadd.s32 $0xFFFFF980  }
0x120: {  	[tilespmem:s19], [sflag:$0x3] =	stream.linear.gather @!p0 [hbm4b:s24+s18], $0x80, $0x38;
	[tilespmem:$0x44F0] =	vst v63  }
0x121: {  	s18 =	simm.s32 @!p0 $0x3  }
0x122: {  	_ =	swait.ge @!p0 [sflag:s18], $0x80  }
0x123: {  	[sflag:s18] =	ssyncset.done @!p0 $0x0  }
0x124: {  	s20 =	simm.s32 @!p0 $0x80;
	s21 =	simm.s32 @!p0 $0xD80;
	[sflag:s18] =	ssyncadd.s32 @!p0 $0xFFFFFF80  }
0x125: {  	[spmem:s2] =	stream.indirect.scatter.add.f32 @!p0 [tilespmem:s21], [sflag:$0x3], $0x1, s19, s20, $0xb8;
	[tilespmem:$0x44F0] =	vst v63  }
0x126: {  	_ =	swait.ge @!p0 [sflag:s18], $0x80  }
0x127: {  	[sflag:s18] =	ssyncset.done @!p0 $0x0  }
0x128: {  	[sflag:s18] =	ssyncadd.s32 @!p0 $0xFFFFFF80  }
0x129: {  	[bflag:$0x0] =	sbarrier.arrive $0xFFFF  }
0x12a: {  	[tilespmem:s11], [sflag:$0x3] =	stream.linear.gather [spmem:s5], $0x1870, $0x38;
	[tilespmem:$0x44F0] =	vst v63  }
0x12b: {  	s17 =	sadd.s32 $0x1, s17;
	_ =	swait.ge [sflag:s12], $0x1870  }
0x12c: {  	p1 =	sne.s32 s17, s25;
	[sflag:s12] =	ssyncset.done $0x0  }
.Ltmp2:
0x12d: {  	[sflag:s12] =	ssyncadd.s32 $0xFFFFE790;
	(pc) =	sbr.rel @p1 .LBB2_1-.Ltmp2, $4  }
0x12e: {  	[hbm4b:s22+s3] =	stream.linear.scatter [tilespmem:s11], [sflag:$0x3], $0x1870, $0x38;
	[tilespmem:$0x44F0] =	vst v63  }
0x12f: {  	_ =	swait.ge [sflag:s12], $0x1870  }
0x130: {  	[sflag:s12] =	ssyncset.done $0x0  }
0x131: {  	[sflag:s12] =	ssyncadd.s32 $0xFFFFE790  }
0x132: {  	_ =	sfence.sel $0x180000  }
0x133: {  	[bflag:$0x0] =	sbarrier.arrive $0xFFFF  }
0x134: {  	_ =	strace $0x90000047  }
0x135: {  	s0 =	stileid.u32;
	[bflag:$0x2] =	sbarrier.arrive $0xFFFF  }
0x136: {  	p0 =	sne.s32 s0, $0x0;
	s0 =	rddreg [dreg:$0x2]  }
0x137: {  	s0 =	sadd.s32 @!p0 $0x100000, s0  }
0x138: {  	[sflag:s0] =	ssyncadd.tile.s32 @!p0 $0x1;
	_ =	shalt  }
.Lfunc_end2:
_tile_overlayer_lowered:
.L_overlay_start_2:
0x139: {  	(tag) =	ssettag $0x2  }
0x13a: {  	s0 =	rddreg [dreg:$0x0];
	s2 =	stileid.u32  }
0x13b: {  	s1 =	rddreg [dreg:$0x1];
	p0 =	sne.s32 s2, $0x0  }
0x13c: {  	s3 =	rddreg [dreg:$0x2];
	[bflag:$0x3] =	sbarrier.arrive $0xFFFF;
	s2 =	simm.s32 @!p0 $0x1C03  }
0x13d: {  	[timem:s3], [sflag:s2] =	dma.local @!p0 [hbm:s0], s1  }
0x13e: {  	s0 =	simm.s32 @!p0 $0x3  }
0x13f: {  	_ =	swait.ge @!p0 [sflag:s0], s1  }
0x140: {  	s1 =	ssub.s32 @!p0 $0x0, s1;
	[sflag:s0] =	ssyncset.done @!p0 $0x0  }
0x141: {  	[sflag:s0] =	ssyncadd.s32 @!p0 s1  }
0x142: {  	[bflag:$0x3] =	sbarrier.arrive $0xFFFF  }
0x143: {  	_ =	shalt  }

</sc_bundles>
